<compile_context>
chip_gen: v7x
topology: tpu7x:2x2x1
jax: 0.10.2.dev20260603
libtpu: 0.0.44.dev20260713+nightly
codegen_flags: <defaults>
</compile_context>

<pallas_src>
import functools

import jax
import jax.numpy as jnp
from jax import lax
from jax.experimental import pallas as pl
from jax.experimental.pallas import tpu as pltpu
from jax.experimental.pallas import tpu_sc as plsc

B, N, F_IN = 8, 2048, 128
C, D, H, W_DIM = 128, 32, 32, 32
DHW = D * H * W_DIM

NB = 512
NUM_NB = N // NB

NW = 32
PTS = B * N
PW = PTS // NW
CHUNK = 16
NCH = PW // CHUNK
NBUF = 4

NUM_CORES = 2
NUM_SUBCORES = 16


def _pos_body(adj_ref, x_ref, w_ref, pos_ref, w8_ref, idx8_ref):
    b = pl.program_id(0)
    h = jnp.dot(adj_ref[0].astype(jnp.bfloat16),
                x_ref[0].astype(jnp.bfloat16),
                preferred_element_type=jnp.float32)
    pos = jnp.dot(h.astype(jnp.bfloat16),
                  w_ref[...].astype(jnp.bfloat16),
                  preferred_element_type=jnp.float32)
    pos_ref[0] = pos

    shape = (NB, 128)
    coords = []
    for a in range(3):
        p = jnp.broadcast_to(pos[:, a:a + 1], shape)
        pg = 2.0 * p - 1.0
        i = (pg + 1.0) * ((W_DIM - 1) / 2.0)
        i0 = jnp.floor(i)
        coords.append((i, i0))
    lane = lax.broadcasted_iota(jnp.int32, shape, 1)

    def corner_terms(k_of_lane):
        ws, inb, ci = [], None, []
        for a, (i, i0) in enumerate(coords):
            d = ((k_of_lane >> a) & 1).astype(jnp.float32)
            cc = i0 + d
            ws.append(1.0 - jnp.abs(i - cc))
            ok = (cc >= 0) & (cc <= W_DIM - 1)
            inb = ok if inb is None else (inb & ok)
            ci.append(jnp.clip(cc, 0, W_DIM - 1).astype(jnp.int32))
        return ws, inb, ci

    ws, inb, _ = corner_terms(lane >> 4)
    w8_ref[0] = ws[0] * ws[1] * ws[2] * inb.astype(jnp.float32)

    _, _, ci = corner_terms(lane)
    flat = ((b * D + ci[2]) * H + ci[1]) * W_DIM + ci[0]
    idx8_ref[0] = flat[:, 0:8]


def _pos_call(adj, x, W):
    return pl.pallas_call(
        _pos_body,
        grid=(B, NUM_NB),
        in_specs=[
            pl.BlockSpec((1, NB, N), lambda b, nb: (b, nb, 0)),
            pl.BlockSpec((1, N, F_IN), lambda b, nb: (b, 0, 0)),
            pl.BlockSpec((F_IN, 3), lambda b, nb: (0, 0)),
        ],
        out_specs=[
            pl.BlockSpec((1, NB, 3), lambda b, nb: (b, nb, 0)),
            pl.BlockSpec((1, NB, 128), lambda b, nb: (b, nb, 0)),
            pl.BlockSpec((1, NB, 8), lambda b, nb: (b, nb, 0)),
        ],
        out_shape=[
            jax.ShapeDtypeStruct((B, N, 3), jnp.float32),
            jax.ShapeDtypeStruct((B, N, 128), jnp.float32),
            jax.ShapeDtypeStruct((B, N, 8), jnp.int32),
        ],
    )(adj, x, W)


def _sc_body(table_hbm, idx_hbm, w_hbm, out_hbm, idx_v, w_v, rows_v,
             out_v, *sems):
    gsem = sems[0:NBUF]
    wsem = sems[NBUF:2 * NBUF]
    osem = sems[2 * NBUF:3 * NBUF]
    wid = lax.axis_index("s") * NUM_CORES + lax.axis_index("c")
    base = wid * PW
    pltpu.sync_copy(idx_hbm.at[wid], idx_v)

    def start_chunk(ch, b):
        pltpu.async_copy(table_hbm.at[idx_v.at[ch]], rows_v.at[b], gsem[b])
        pltpu.async_copy(w_hbm.at[pl.ds(base + ch * CHUNK, CHUNK)],
                         w_v.at[b], wsem[b])

    for b in range(NBUF):
        start_chunk(b, b)

    def group(g, carry):
        for b in range(NBUF):
            ch = g * NBUF + b
            pltpu.make_async_copy(table_hbm.at[idx_v.at[b]], rows_v.at[b],
                                  gsem[b]).wait()
            pltpu.make_async_copy(w_hbm.at[pl.ds(base, CHUNK)], w_v.at[b],
                                  wsem[b]).wait()

            @pl.when(g > 0)
            def _():
                pltpu.make_async_copy(out_v.at[b],
                                      out_hbm.at[pl.ds(base, CHUNK)],
                                      osem[b]).wait()

            def point_body(p, pcarry):
                wks = [w_v[b, p, pl.ds(k * 16, 16)] for k in range(8)]
                for v in range(8):
                    ts = [wks[k] * rows_v[b, p * 8 + k, pl.ds(v * 16, 16)]
                          for k in range(8)]
                    while len(ts) > 1:
                        ts = [ts[i] + ts[i + 1] for i in range(0, len(ts), 2)]
                    out_v[b, p, pl.ds(v * 16, 16)] = ts[0]
                return pcarry

            lax.fori_loop(0, CHUNK, point_body, 0)

            @pl.when(ch + NBUF < NCH)
            def _():
                start_chunk(ch + NBUF, b)

            pltpu.async_copy(out_v.at[b],
                             out_hbm.at[pl.ds(base + ch * CHUNK, CHUNK)],
                             osem[b])
        return carry

    lax.fori_loop(0, NCH // NBUF, group, 0)
    for b in range(NBUF):
        pltpu.make_async_copy(out_v.at[b], out_hbm.at[pl.ds(base, CHUNK)],
                              osem[b]).wait()


@functools.cache
def _sc_gather():
    mesh = plsc.VectorSubcoreMesh(
        core_axis_name="c", subcore_axis_name="s",
        num_cores=NUM_CORES, num_subcores=NUM_SUBCORES)
    return pl.kernel(
        _sc_body,
        mesh=mesh,
        out_type=jax.ShapeDtypeStruct((PTS, C), jnp.float32),
        scratch_types=[
            pltpu.VMEM((NCH, CHUNK * 8), jnp.int32),
            pltpu.VMEM((NBUF, CHUNK, 8 * 16), jnp.float32),
            pltpu.VMEM((NBUF, CHUNK * 8, C), jnp.float32),
            pltpu.VMEM((NBUF, CHUNK, C), jnp.float32),
        ] + [pltpu.SemaphoreType.DMA] * (3 * NBUF),
    )


def kernel(x, adj, conv_layer, W):
    pos, w8, idx8 = _pos_call(adj, x, W)
    table = jnp.transpose(conv_layer.reshape(B, C, DHW), (0, 2, 1))
    skip = _sc_gather()(table.reshape(B * DHW, C),
                        idx8.reshape(NW, NCH, CHUNK * 8),
                        w8.reshape(PTS, 8 * 16))
    x_out = jnp.concatenate([x, skip.reshape(B, N, C), pos], axis=2)
    return (x_out, pos)

# --- scband reference (transcript-rebuilt; emitter-appended) ---
"""Pipeline reference for scband-igsc-3-d-59700045415095 (READ-ONLY COPY).

The authoritative reference and input builder live on the scoring server;
editing this copy changes nothing except your own understanding.
"""

import jax, jax.numpy as jnp
import numpy as np

B, N, F_IN = 8, 2048, 128
C, D, H, W_DIM = 128, 32, 32, 32

def setup_inputs(seed: int = 0) -> dict:
    key = jax.random.key(seed)
    k1, k2, k3, k4 = jax.random.split(key, 4)
    x = jax.random.normal(k1, (B, N, F_IN), dtype=jnp.float32)
    adj = jax.random.uniform(k2, (B, N, N), dtype=jnp.float32)
    conv_layer = jax.random.normal(k3, (B, C, D, H, W_DIM), dtype=jnp.float32)
    # ChebConv (K=1) weight: in_filters -> 3 coordinates
    W = jax.random.normal(k4, (F_IN, 3), dtype=jnp.float32) * 0.001
    return {"x": x, "adj": adj, "conv_layer": conv_layer, "W": W}

def _grid_sample_3d(vol, pos):
    # vol: [B, C, D, H, W]; pos: [B, N, 3] in [-1, 1], order (x,y,z)->(W,H,D)
    # trilinear, padding_mode='zeros', align_corners=True (matches F.grid_sample)
    Bv, Cv, Dv, Hv, Wv = vol.shape
    ix = (pos[..., 0] + 1.0) * (Wv - 1) / 2.0
    iy = (pos[..., 1] + 1.0) * (Hv - 1) / 2.0
    iz = (pos[..., 2] + 1.0) * (Dv - 1) / 2.0
    x0 = jnp.floor(ix); y0 = jnp.floor(iy); z0 = jnp.floor(iz)
    bidx = jnp.broadcast_to(jnp.arange(Bv)[:, None], ix.shape)
    out = jnp.zeros(ix.shape + (Cv,), dtype=vol.dtype)
    for dz in (0, 1):
        for dy in (0, 1):
            for dx in (0, 1):
                xc = x0 + dx; yc = y0 + dy; zc = z0 + dz
                w = (1.0 - jnp.abs(ix - xc)) * (1.0 - jnp.abs(iy - yc)) * (1.0 - jnp.abs(iz - zc))
                inb = ((xc >= 0) & (xc <= Wv - 1) & (yc >= 0) & (yc <= Hv - 1) & (zc >= 0) & (zc <= Dv - 1))
                xi = jnp.clip(xc, 0, Wv - 1).astype(jnp.int32)
                yi = jnp.clip(yc, 0, Hv - 1).astype(jnp.int32)
                zi = jnp.clip(zc, 0, Dv - 1).astype(jnp.int32)
                val = vol[bidx, :, zi, yi, xi]  # [B, N, C] via gather
                out = out + val * (w * inb.astype(vol.dtype))[..., None]
    return out

def reference(x, adj, conv_layer, W):
    # ChebConv(in_filters, 3, K=1): one-hop dense propagation then linear projection
    positions = jnp.einsum('bnm,bmf->bnf', adj, x) @ W  # [B, N, 3]
    pos_g = 2.0 * positions - 1.0
    skip = _grid_sample_3d(conv_layer, pos_g)  # [B, N, C]  (== lookup().permute(0,2,1))
    x_out = jnp.concatenate([x, skip, positions], axis=2)  # [B, N, F_IN + C + 3]
    return (x_out, positions)

if __name__ == "__main__":
    import jax
    _d = setup_inputs()
    print(jax.jit(kernel)(*tuple(_d.values())))

</pallas_src>

<mosaic_0001>
#map = affine_map<(d0, d1) -> (0, 0)>
#map1 = affine_map<(d0, d1) -> (0, 0, 0)>
module attributes {stable_mosaic.version = 14 : i64} {
  func.func @_sc_body(%arg0: i32, %arg1: i32, %arg2: memref<262144x128xf32, #tpu.memory_space<hbm>>, %arg3: memref<32x32x128xi32, #tpu.memory_space<hbm>>, %arg4: memref<16384x128xf32, #tpu.memory_space<hbm>>, %arg5: memref<16384x128xf32, #tpu.memory_space<hbm>>, %arg6: memref<32x128xi32, #tpu.memory_space<vmem>>, %arg7: memref<4x16x128xf32, #tpu.memory_space<vmem>>, %arg8: memref<4x128x128xf32, #tpu.memory_space<vmem>>, %arg9: memref<4x16x128xf32, #tpu.memory_space<vmem>>, %arg10: memref<!tpu.dma_semaphore, #tpu.memory_space<semaphore_mem>>, %arg11: memref<!tpu.dma_semaphore, #tpu.memory_space<semaphore_mem>>, %arg12: memref<!tpu.dma_semaphore, #tpu.memory_space<semaphore_mem>>, %arg13: memref<!tpu.dma_semaphore, #tpu.memory_space<semaphore_mem>>, %arg14: memref<!tpu.dma_semaphore, #tpu.memory_space<semaphore_mem>>, %arg15: memref<!tpu.dma_semaphore, #tpu.memory_space<semaphore_mem>>, %arg16: memref<!tpu.dma_semaphore, #tpu.memory_space<semaphore_mem>>, %arg17: memref<!tpu.dma_semaphore, #tpu.memory_space<semaphore_mem>>, %arg18: memref<!tpu.dma_semaphore, #tpu.memory_space<semaphore_mem>>, %arg19: memref<!tpu.dma_semaphore, #tpu.memory_space<semaphore_mem>>, %arg20: memref<!tpu.dma_semaphore, #tpu.memory_space<semaphore_mem>>, %arg21: memref<!tpu.dma_semaphore, #tpu.memory_space<semaphore_mem>>) attributes {dimension_semantics = [#tpu.dimension_semantics<core_parallel>, #tpu.dimension_semantics<subcore_parallel>], iteration_bounds = array<i64: 2, 16>, scalar_prefetch = 0 : i64, scratch_operands = 16 : i64, tpu.core_type = #tpu.core_type<sc_vector_subcore>, window_params = [{transform_indices = #map}, {transform_indices = #map1}, {transform_indices = #map}, {transform_indices = #map}]} {
    %mul3A = arith.constant 2 : i32
    %mul3A_0 = arith.muli %arg1, %mul3A : i32
    %add3A = arith.addi %mul3A_0, %arg0 : i32
    %mul3A_1 = arith.constant 512 : i32
    %mul3A_2 = arith.muli %add3A, %mul3A_1 : i32
    "tpu.region"() ({
      %run_scoped3A = tpu.sem_alloc : memref<!tpu.dma_semaphore, #tpu.memory_space<semaphore_mem>>
      %dma_start3A_166 = arith.constant 0 : i32
      %dma_start3A_167 = arith.constant 0 : i32
      %dma_start3A_168 = tpu.memref_slice %arg3[%add3A, %dma_start3A_166, %dma_start3A_167] : memref<32x32x128xi32, #tpu.memory_space<hbm>> -> memref<1x32x128xi32, #tpu.memory_space<hbm>>
      %dma_start3A_169 = tpu.memref_squeeze %dma_start3A_168 : memref<1x32x128xi32, #tpu.memory_space<hbm>> -> memref<32x128xi32, #tpu.memory_space<hbm>>
      %dma_start3A_170 = arith.constant 0 : i32
      %dma_start3A_171 = arith.constant 0 : i32
      %dma_start3A_172 = tpu.memref_slice %arg3[%add3A, %dma_start3A_170, %dma_start3A_171] : memref<32x32x128xi32, #tpu.memory_space<hbm>> -> memref<1x32x128xi32, #tpu.memory_space<hbm>>
      %dma_start3A_173 = tpu.memref_squeeze %dma_start3A_172 : memref<1x32x128xi32, #tpu.memory_space<hbm>> -> memref<32x128xi32, #tpu.memory_space<hbm>>
      tpu.enqueue_dma source(%dma_start3A_173 : memref<32x128xi32, #tpu.memory_space<hbm>>) target(%arg6 : memref<32x128xi32, #tpu.memory_space<vmem>>) target_semaphore(%run_scoped3A : memref<!tpu.dma_semaphore, #tpu.memory_space<semaphore_mem>>)
      %dma_wait3A_174 = arith.constant 0 : i32
      %dma_wait3A_175 = arith.constant 0 : i32
      %dma_wait3A_176 = tpu.memref_slice %arg3[%add3A, %dma_wait3A_174, %dma_wait3A_175] : memref<32x32x128xi32, #tpu.memory_space<hbm>> -> memref<1x32x128xi32, #tpu.memory_space<hbm>>
      %dma_wait3A_177 = tpu.memref_squeeze %dma_wait3A_176 : memref<1x32x128xi32, #tpu.memory_space<hbm>> -> memref<32x128xi32, #tpu.memory_space<hbm>>
      %dma_wait3A_178 = arith.constant 0 : i32
      %dma_wait3A_179 = arith.constant 0 : i32
      %dma_wait3A_180 = tpu.memref_slice %arg3[%add3A, %dma_wait3A_178, %dma_wait3A_179] : memref<32x32x128xi32, #tpu.memory_space<hbm>> -> memref<1x32x128xi32, #tpu.memory_space<hbm>>
      %dma_wait3A_181 = tpu.memref_squeeze %dma_wait3A_180 : memref<1x32x128xi32, #tpu.memory_space<hbm>> -> memref<32x128xi32, #tpu.memory_space<hbm>>
      tpu.wait_dma2 semaphore(%run_scoped3A : memref<!tpu.dma_semaphore, #tpu.memory_space<semaphore_mem>>) src(%dma_wait3A_181 : memref<32x128xi32, #tpu.memory_space<hbm>>) dst(%arg6 : memref<32x128xi32, #tpu.memory_space<vmem>>)
      tpu.yield
    }) : () -> ()
    %dma_start3A = arith.constant 0 : i32
    %dma_start3A_3 = arith.constant 0 : i32
    %dma_start3A_4 = arith.constant 0 : i32
    %dma_start3A_5 = arith.constant 0 : i32
    %dma_start3A_6 = tpu.memref_slice %arg8[%dma_start3A_3, %dma_start3A_4, %dma_start3A_5] : memref<4x128x128xf32, #tpu.memory_space<vmem>> -> memref<1x128x128xf32, #tpu.memory_space<vmem>>
    %dma_start3A_7 = tpu.memref_squeeze %dma_start3A_6 : memref<1x128x128xf32, #tpu.memory_space<vmem>> -> memref<128x128xf32, #tpu.memory_space<vmem>>
    %dma_start3A_8 = arith.constant 0 : i32
    %dma_start3A_9 = tpu.memref_slice %arg6[%dma_start3A, %dma_start3A_8] : memref<32x128xi32, #tpu.memory_space<vmem>> -> memref<1x128xi32, #tpu.memory_space<vmem>>
    %dma_start3A_10 = tpu.memref_squeeze %dma_start3A_9 : memref<1x128xi32, #tpu.memory_space<vmem>> -> memref<128xi32, #tpu.memory_space<vmem>>
    %dma_start3A_11 = arith.constant 0 : i32
    %dma_start3A_12 = arith.constant 0 : i32
    %dma_start3A_13 = tpu.memref_slice %arg2[%dma_start3A_11, %dma_start3A_12] : memref<262144x128xf32, #tpu.memory_space<hbm>> -> memref<262144x128xf32, #tpu.memory_space<hbm>>
    tpu.enqueue_indirect_dma source(%dma_start3A_13 : memref<262144x128xf32, #tpu.memory_space<hbm>>) target(%dma_start3A_7 : memref<128x128xf32, #tpu.memory_space<vmem>>) offsets(%dma_start3A_10 : memref<128xi32, #tpu.memory_space<vmem>>) semaphore(%arg10 : memref<!tpu.dma_semaphore, #tpu.memory_space<semaphore_mem>>)
    %add3A_14 = arith.constant 0 : i32
    %add3A_15 = arith.addi %mul3A_2, %add3A_14 : i32
    %dma_start3A_16 = arith.constant 0 : i32
    %dma_start3A_17 = arith.constant 0 : i32
    %dma_start3A_18 = arith.constant 0 : i32
    %dma_start3A_19 = tpu.memref_slice %arg7[%dma_start3A_16, %dma_start3A_17, %dma_start3A_18] : memref<4x16x128xf32, #tpu.memory_space<vmem>> -> memref<1x16x128xf32, #tpu.memory_space<vmem>>
    %dma_start3A_20 = tpu.memref_squeeze %dma_start3A_19 : memref<1x16x128xf32, #tpu.memory_space<vmem>> -> memref<16x128xf32, #tpu.memory_space<vmem>>
    %dma_start3A_21 = arith.constant 0 : i32
    %dma_start3A_22 = tpu.memref_slice %arg4[%add3A_15, %dma_start3A_21] : memref<16384x128xf32, #tpu.memory_space<hbm>> -> memref<16x128xf32, #tpu.memory_space<hbm>>
    %dma_start3A_23 = arith.constant 0 : i32
    %dma_start3A_24 = arith.constant 0 : i32
    %dma_start3A_25 = tpu.memref_slice %arg7[%dma_start3A_16, %dma_start3A_23, %dma_start3A_24] : memref<4x16x128xf32, #tpu.memory_space<vmem>> -> memref<1x16x128xf32, #tpu.memory_space<vmem>>
    %dma_start3A_26 = tpu.memref_squeeze %dma_start3A_25 : memref<1x16x128xf32, #tpu.memory_space<vmem>> -> memref<16x128xf32, #tpu.memory_space<vmem>>
    %dma_start3A_27 = arith.constant 0 : i32
    %dma_start3A_28 = tpu.memref_slice %arg4[%add3A_15, %dma_start3A_27] : memref<16384x128xf32, #tpu.memory_space<hbm>> -> memref<16x128xf32, #tpu.memory_space<hbm>>
    tpu.enqueue_dma source(%dma_start3A_28 : memref<16x128xf32, #tpu.memory_space<hbm>>) target(%dma_start3A_26 : memref<16x128xf32, #tpu.memory_space<vmem>>) target_semaphore(%arg14 : memref<!tpu.dma_semaphore, #tpu.memory_space<semaphore_mem>>)
    %dma_start3A_29 = arith.constant 1 : i32
    %dma_start3A_30 = arith.constant 1 : i32
    %dma_start3A_31 = arith.constant 0 : i32
    %dma_start3A_32 = arith.constant 0 : i32
    %dma_start3A_33 = tpu.memref_slice %arg8[%dma_start3A_30, %dma_start3A_31, %dma_start3A_32] : memref<4x128x128xf32, #tpu.memory_space<vmem>> -> memref<1x128x128xf32, #tpu.memory_space<vmem>>
    %dma_start3A_34 = tpu.memref_squeeze %dma_start3A_33 : memref<1x128x128xf32, #tpu.memory_space<vmem>> -> memref<128x128xf32, #tpu.memory_space<vmem>>
    %dma_start3A_35 = arith.constant 0 : i32
    %dma_start3A_36 = tpu.memref_slice %arg6[%dma_start3A_29, %dma_start3A_35] : memref<32x128xi32, #tpu.memory_space<vmem>> -> memref<1x128xi32, #tpu.memory_space<vmem>>
    %dma_start3A_37 = tpu.memref_squeeze %dma_start3A_36 : memref<1x128xi32, #tpu.memory_space<vmem>> -> memref<128xi32, #tpu.memory_space<vmem>>
    %dma_start3A_38 = arith.constant 0 : i32
    %dma_start3A_39 = arith.constant 0 : i32
    %dma_start3A_40 = tpu.memref_slice %arg2[%dma_start3A_38, %dma_start3A_39] : memref<262144x128xf32, #tpu.memory_space<hbm>> -> memref<262144x128xf32, #tpu.memory_space<hbm>>
    tpu.enqueue_indirect_dma source(%dma_start3A_40 : memref<262144x128xf32, #tpu.memory_space<hbm>>) target(%dma_start3A_34 : memref<128x128xf32, #tpu.memory_space<vmem>>) offsets(%dma_start3A_37 : memref<128xi32, #tpu.memory_space<vmem>>) semaphore(%arg11 : memref<!tpu.dma_semaphore, #tpu.memory_space<semaphore_mem>>)
    %add3A_41 = arith.constant 16 : i32
    %add3A_42 = arith.addi %mul3A_2, %add3A_41 : i32
    %dma_start3A_43 = arith.constant 1 : i32
    %dma_start3A_44 = arith.constant 0 : i32
    %dma_start3A_45 = arith.constant 0 : i32
    %dma_start3A_46 = tpu.memref_slice %arg7[%dma_start3A_43, %dma_start3A_44, %dma_start3A_45] : memref<4x16x128xf32, #tpu.memory_space<vmem>> -> memref<1x16x128xf32, #tpu.memory_space<vmem>>
    %dma_start3A_47 = tpu.memref_squeeze %dma_start3A_46 : memref<1x16x128xf32, #tpu.memory_space<vmem>> -> memref<16x128xf32, #tpu.memory_space<vmem>>
    %dma_start3A_48 = arith.constant 0 : i32
    %dma_start3A_49 = tpu.memref_slice %arg4[%add3A_42, %dma_start3A_48] : memref<16384x128xf32, #tpu.memory_space<hbm>> -> memref<16x128xf32, #tpu.memory_space<hbm>>
    %dma_start3A_50 = arith.constant 0 : i32
    %dma_start3A_51 = arith.constant 0 : i32
    %dma_start3A_52 = tpu.memref_slice %arg7[%dma_start3A_43, %dma_start3A_50, %dma_start3A_51] : memref<4x16x128xf32, #tpu.memory_space<vmem>> -> memref<1x16x128xf32, #tpu.memory_space<vmem>>
    %dma_start3A_53 = tpu.memref_squeeze %dma_start3A_52 : memref<1x16x128xf32, #tpu.memory_space<vmem>> -> memref<16x128xf32, #tpu.memory_space<vmem>>
    %dma_start3A_54 = arith.constant 0 : i32
    %dma_start3A_55 = tpu.memref_slice %arg4[%add3A_42, %dma_start3A_54] : memref<16384x128xf32, #tpu.memory_space<hbm>> -> memref<16x128xf32, #tpu.memory_space<hbm>>
    tpu.enqueue_dma source(%dma_start3A_55 : memref<16x128xf32, #tpu.memory_space<hbm>>) target(%dma_start3A_53 : memref<16x128xf32, #tpu.memory_space<vmem>>) target_semaphore(%arg15 : memref<!tpu.dma_semaphore, #tpu.memory_space<semaphore_mem>>)
    %dma_start3A_56 = arith.constant 2 : i32
    %dma_start3A_57 = arith.constant 2 : i32
    %dma_start3A_58 = arith.constant 0 : i32
    %dma_start3A_59 = arith.constant 0 : i32
    %dma_start3A_60 = tpu.memref_slice %arg8[%dma_start3A_57, %dma_start3A_58, %dma_start3A_59] : memref<4x128x128xf32, #tpu.memory_space<vmem>> -> memref<1x128x128xf32, #tpu.memory_space<vmem>>
    %dma_start3A_61 = tpu.memref_squeeze %dma_start3A_60 : memref<1x128x128xf32, #tpu.memory_space<vmem>> -> memref<128x128xf32, #tpu.memory_space<vmem>>
    %dma_start3A_62 = arith.constant 0 : i32
    %dma_start3A_63 = tpu.memref_slice %arg6[%dma_start3A_56, %dma_start3A_62] : memref<32x128xi32, #tpu.memory_space<vmem>> -> memref<1x128xi32, #tpu.memory_space<vmem>>
    %dma_start3A_64 = tpu.memref_squeeze %dma_start3A_63 : memref<1x128xi32, #tpu.memory_space<vmem>> -> memref<128xi32, #tpu.memory_space<vmem>>
    %dma_start3A_65 = arith.constant 0 : i32
    %dma_start3A_66 = arith.constant 0 : i32
    %dma_start3A_67 = tpu.memref_slice %arg2[%dma_start3A_65, %dma_start3A_66] : memref<262144x128xf32, #tpu.memory_space<hbm>> -> memref<262144x128xf32, #tpu.memory_space<hbm>>
    tpu.enqueue_indirect_dma source(%dma_start3A_67 : memref<262144x128xf32, #tpu.memory_space<hbm>>) target(%dma_start3A_61 : memref<128x128xf32, #tpu.memory_space<vmem>>) offsets(%dma_start3A_64 : memref<128xi32, #tpu.memory_space<vmem>>) semaphore(%arg12 : memref<!tpu.dma_semaphore, #tpu.memory_space<semaphore_mem>>)
    %add3A_68 = arith.constant 32 : i32
    %add3A_69 = arith.addi %mul3A_2, %add3A_68 : i32
    %dma_start3A_70 = arith.constant 2 : i32
    %dma_start3A_71 = arith.constant 0 : i32
    %dma_start3A_72 = arith.constant 0 : i32
    %dma_start3A_73 = tpu.memref_slice %arg7[%dma_start3A_70, %dma_start3A_71, %dma_start3A_72] : memref<4x16x128xf32, #tpu.memory_space<vmem>> -> memref<1x16x128xf32, #tpu.memory_space<vmem>>
    %dma_start3A_74 = tpu.memref_squeeze %dma_start3A_73 : memref<1x16x128xf32, #tpu.memory_space<vmem>> -> memref<16x128xf32, #tpu.memory_space<vmem>>
    %dma_start3A_75 = arith.constant 0 : i32
    %dma_start3A_76 = tpu.memref_slice %arg4[%add3A_69, %dma_start3A_75] : memref<16384x128xf32, #tpu.memory_space<hbm>> -> memref<16x128xf32, #tpu.memory_space<hbm>>
    %dma_start3A_77 = arith.constant 0 : i32
    %dma_start3A_78 = arith.constant 0 : i32
    %dma_start3A_79 = tpu.memref_slice %arg7[%dma_start3A_70, %dma_start3A_77, %dma_start3A_78] : memref<4x16x128xf32, #tpu.memory_space<vmem>> -> memref<1x16x128xf32, #tpu.memory_space<vmem>>
    %dma_start3A_80 = tpu.memref_squeeze %dma_start3A_79 : memref<1x16x128xf32, #tpu.memory_space<vmem>> -> memref<16x128xf32, #tpu.memory_space<vmem>>
    %dma_start3A_81 = arith.constant 0 : i32
    %dma_start3A_82 = tpu.memref_slice %arg4[%add3A_69, %dma_start3A_81] : memref<16384x128xf32, #tpu.memory_space<hbm>> -> memref<16x128xf32, #tpu.memory_space<hbm>>
    tpu.enqueue_dma source(%dma_start3A_82 : memref<16x128xf32, #tpu.memory_space<hbm>>) target(%dma_start3A_80 : memref<16x128xf32, #tpu.memory_space<vmem>>) target_semaphore(%arg16 : memref<!tpu.dma_semaphore, #tpu.memory_space<semaphore_mem>>)
    %dma_start3A_83 = arith.constant 3 : i32
    %dma_start3A_84 = arith.constant 3 : i32
    %dma_start3A_85 = arith.constant 0 : i32
    %dma_start3A_86 = arith.constant 0 : i32
    %dma_start3A_87 = tpu.memref_slice %arg8[%dma_start3A_84, %dma_start3A_85, %dma_start3A_86] : memref<4x128x128xf32, #tpu.memory_space<vmem>> -> memref<1x128x128xf32, #tpu.memory_space<vmem>>
    %dma_start3A_88 = tpu.memref_squeeze %dma_start3A_87 : memref<1x128x128xf32, #tpu.memory_space<vmem>> -> memref<128x128xf32, #tpu.memory_space<vmem>>
    %dma_start3A_89 = arith.constant 0 : i32
    %dma_start3A_90 = tpu.memref_slice %arg6[%dma_start3A_83, %dma_start3A_89] : memref<32x128xi32, #tpu.memory_space<vmem>> -> memref<1x128xi32, #tpu.memory_space<vmem>>
    %dma_start3A_91 = tpu.memref_squeeze %dma_start3A_90 : memref<1x128xi32, #tpu.memory_space<vmem>> -> memref<128xi32, #tpu.memory_space<vmem>>
    %dma_start3A_92 = arith.constant 0 : i32
    %dma_start3A_93 = arith.constant 0 : i32
    %dma_start3A_94 = tpu.memref_slice %arg2[%dma_start3A_92, %dma_start3A_93] : memref<262144x128xf32, #tpu.memory_space<hbm>> -> memref<262144x128xf32, #tpu.memory_space<hbm>>
    tpu.enqueue_indirect_dma source(%dma_start3A_94 : memref<262144x128xf32, #tpu.memory_space<hbm>>) target(%dma_start3A_88 : memref<128x128xf32, #tpu.memory_space<vmem>>) offsets(%dma_start3A_91 : memref<128xi32, #tpu.memory_space<vmem>>) semaphore(%arg13 : memref<!tpu.dma_semaphore, #tpu.memory_space<semaphore_mem>>)
    %add3A_95 = arith.constant 48 : i32
    %add3A_96 = arith.addi %mul3A_2, %add3A_95 : i32
    %dma_start3A_97 = arith.constant 3 : i32
    %dma_start3A_98 = arith.constant 0 : i32
    %dma_start3A_99 = arith.constant 0 : i32
    %dma_start3A_100 = tpu.memref_slice %arg7[%dma_start3A_97, %dma_start3A_98, %dma_start3A_99] : memref<4x16x128xf32, #tpu.memory_space<vmem>> -> memref<1x16x128xf32, #tpu.memory_space<vmem>>
    %dma_start3A_101 = tpu.memref_squeeze %dma_start3A_100 : memref<1x16x128xf32, #tpu.memory_space<vmem>> -> memref<16x128xf32, #tpu.memory_space<vmem>>
    %dma_start3A_102 = arith.constant 0 : i32
    %dma_start3A_103 = tpu.memref_slice %arg4[%add3A_96, %dma_start3A_102] : memref<16384x128xf32, #tpu.memory_space<hbm>> -> memref<16x128xf32, #tpu.memory_space<hbm>>
    %dma_start3A_104 = arith.constant 0 : i32
    %dma_start3A_105 = arith.constant 0 : i32
    %dma_start3A_106 = tpu.memref_slice %arg7[%dma_start3A_97, %dma_start3A_104, %dma_start3A_105] : memref<4x16x128xf32, #tpu.memory_space<vmem>> -> memref<1x16x128xf32, #tpu.memory_space<vmem>>
    %dma_start3A_107 = tpu.memref_squeeze %dma_start3A_106 : memref<1x16x128xf32, #tpu.memory_space<vmem>> -> memref<16x128xf32, #tpu.memory_space<vmem>>
    %dma_start3A_108 = arith.constant 0 : i32
    %dma_start3A_109 = tpu.memref_slice %arg4[%add3A_96, %dma_start3A_108] : memref<16384x128xf32, #tpu.memory_space<hbm>> -> memref<16x128xf32, #tpu.memory_space<hbm>>
    tpu.enqueue_dma source(%dma_start3A_109 : memref<16x128xf32, #tpu.memory_space<hbm>>) target(%dma_start3A_107 : memref<16x128xf32, #tpu.memory_space<vmem>>) target_semaphore(%arg17 : memref<!tpu.dma_semaphore, #tpu.memory_space<semaphore_mem>>)
    %scan3A = arith.constant 0 : i32
    %scan3A_110 = arith.constant 0 : i32
    %scan3A_111 = arith.constant 8 : i32
    %scan3A_112 = arith.addi %scan3A_110, %scan3A_111 : i32
    %scan3A_113 = arith.constant 1 : i32
    scf.for %scan3A_166 = %scan3A_110 to %scan3A_112 step %scan3A_113  : i32 {
      %mul3A_167 = arith.constant 4 : i32
      %mul3A_168 = arith.muli %scan3A_166, %mul3A_167 : i32
      %add3A_169 = arith.constant 0 : i32
      %add3A_170 = arith.addi %mul3A_168, %add3A_169 : i32
      %dma_wait3A_171 = arith.constant 0 : i32
      %dma_wait3A_172 = arith.constant 0 : i32
      %dma_wait3A_173 = arith.constant 0 : i32
      %dma_wait3A_174 = arith.constant 0 : i32
      %dma_wait3A_175 = tpu.memref_slice %arg8[%dma_wait3A_172, %dma_wait3A_173, %dma_wait3A_174] : memref<4x128x128xf32, #tpu.memory_space<vmem>> -> memref<1x128x128xf32, #tpu.memory_space<vmem>>
      %dma_wait3A_176 = tpu.memref_squeeze %dma_wait3A_175 : memref<1x128x128xf32, #tpu.memory_space<vmem>> -> memref<128x128xf32, #tpu.memory_space<vmem>>
      %dma_wait3A_177 = arith.constant 0 : i32
      %dma_wait3A_178 = tpu.memref_slice %arg6[%dma_wait3A_171, %dma_wait3A_177] : memref<32x128xi32, #tpu.memory_space<vmem>> -> memref<1x128xi32, #tpu.memory_space<vmem>>
      %dma_wait3A_179 = tpu.memref_squeeze %dma_wait3A_178 : memref<1x128xi32, #tpu.memory_space<vmem>> -> memref<128xi32, #tpu.memory_space<vmem>>
      %dma_wait3A_180 = arith.constant 0 : i32
      %dma_wait3A_181 = arith.constant 0 : i32
      %dma_wait3A_182 = tpu.memref_slice %arg2[%dma_wait3A_180, %dma_wait3A_181] : memref<262144x128xf32, #tpu.memory_space<hbm>> -> memref<262144x128xf32, #tpu.memory_space<hbm>>
      tpu.wait_indirect_dma semaphore(%arg10 : memref<!tpu.dma_semaphore, #tpu.memory_space<semaphore_mem>>) src(%dma_wait3A_182 : memref<262144x128xf32, #tpu.memory_space<hbm>>) dst(%dma_wait3A_176 : memref<128x128xf32, #tpu.memory_space<vmem>>)
      %dma_wait3A_183 = arith.constant 0 : i32
      %dma_wait3A_184 = arith.constant 0 : i32
      %dma_wait3A_185 = arith.constant 0 : i32
      %dma_wait3A_186 = tpu.memref_slice %arg7[%dma_wait3A_183, %dma_wait3A_184, %dma_wait3A_185] : memref<4x16x128xf32, #tpu.memory_space<vmem>> -> memref<1x16x128xf32, #tpu.memory_space<vmem>>
      %dma_wait3A_187 = tpu.memref_squeeze %dma_wait3A_186 : memref<1x16x128xf32, #tpu.memory_space<vmem>> -> memref<16x128xf32, #tpu.memory_space<vmem>>
      %dma_wait3A_188 = arith.constant 0 : i32
      %dma_wait3A_189 = tpu.memref_slice %arg4[%mul3A_2, %dma_wait3A_188] : memref<16384x128xf32, #tpu.memory_space<hbm>> -> memref<16x128xf32, #tpu.memory_space<hbm>>
      %dma_wait3A_190 = arith.constant 0 : i32
      %dma_wait3A_191 = arith.constant 0 : i32
      %dma_wait3A_192 = tpu.memref_slice %arg7[%dma_wait3A_183, %dma_wait3A_190, %dma_wait3A_191] : memref<4x16x128xf32, #tpu.memory_space<vmem>> -> memref<1x16x128xf32, #tpu.memory_space<vmem>>
      %dma_wait3A_193 = tpu.memref_squeeze %dma_wait3A_192 : memref<1x16x128xf32, #tpu.memory_space<vmem>> -> memref<16x128xf32, #tpu.memory_space<vmem>>
      %dma_wait3A_194 = arith.constant 0 : i32
      %dma_wait3A_195 = tpu.memref_slice %arg4[%mul3A_2, %dma_wait3A_194] : memref<16384x128xf32, #tpu.memory_space<hbm>> -> memref<16x128xf32, #tpu.memory_space<hbm>>
      tpu.wait_dma2 semaphore(%arg14 : memref<!tpu.dma_semaphore, #tpu.memory_space<semaphore_mem>>) src(%dma_wait3A_195 : memref<16x128xf32, #tpu.memory_space<hbm>>) dst(%dma_wait3A_193 : memref<16x128xf32, #tpu.memory_space<vmem>>)
      %gt3A = arith.constant 0 : i32
      %gt3A_196 = arith.cmpi sgt, %scan3A_166, %gt3A : i32
      %convert_element_type3A = arith.extui %gt3A_196 : i1 to i32
      %cond3A = arith.constant 0 : i32
      %cond3A_197 = arith.cmpi ne, %convert_element_type3A, %cond3A : i32
      scf.if %cond3A_197 {
        %dma_wait3A_415 = arith.constant 0 : i32
        %dma_wait3A_416 = arith.constant 0 : i32
        %dma_wait3A_417 = arith.constant 0 : i32
        %dma_wait3A_418 = tpu.memref_slice %arg9[%dma_wait3A_415, %dma_wait3A_416, %dma_wait3A_417] : memref<4x16x128xf32, #tpu.memory_space<vmem>> -> memref<1x16x128xf32, #tpu.memory_space<vmem>>
        %dma_wait3A_419 = tpu.memref_squeeze %dma_wait3A_418 : memref<1x16x128xf32, #tpu.memory_space<vmem>> -> memref<16x128xf32, #tpu.memory_space<vmem>>
        %dma_wait3A_420 = arith.constant 0 : i32
        %dma_wait3A_421 = tpu.memref_slice %arg5[%mul3A_2, %dma_wait3A_420] : memref<16384x128xf32, #tpu.memory_space<hbm>> -> memref<16x128xf32, #tpu.memory_space<hbm>>
        %dma_wait3A_422 = arith.constant 0 : i32
        %dma_wait3A_423 = tpu.memref_slice %arg5[%mul3A_2, %dma_wait3A_422] : memref<16384x128xf32, #tpu.memory_space<hbm>> -> memref<16x128xf32, #tpu.memory_space<hbm>>
        %dma_wait3A_424 = arith.constant 0 : i32
        %dma_wait3A_425 = arith.constant 0 : i32
        %dma_wait3A_426 = tpu.memref_slice %arg9[%dma_wait3A_415, %dma_wait3A_424, %dma_wait3A_425] : memref<4x16x128xf32, #tpu.memory_space<vmem>> -> memref<1x16x128xf32, #tpu.memory_space<vmem>>
        %dma_wait3A_427 = tpu.memref_squeeze %dma_wait3A_426 : memref<1x16x128xf32, #tpu.memory_space<vmem>> -> memref<16x128xf32, #tpu.memory_space<vmem>>
        tpu.wait_dma2 semaphore(%arg18 : memref<!tpu.dma_semaphore, #tpu.memory_space<semaphore_mem>>) src(%dma_wait3A_427 : memref<16x128xf32, #tpu.memory_space<vmem>>) dst(%dma_wait3A_423 : memref<16x128xf32, #tpu.memory_space<hbm>>)
      } else {
      }
      %scan3A_198 = arith.constant 0 : i32
      %scan3A_199 = arith.constant 0 : i32
      %scan3A_200 = arith.constant 16 : i32
      %scan3A_201 = arith.addi %scan3A_199, %scan3A_200 : i32
      %scan3A_202 = arith.constant 1 : i32
      scf.for %scan3A_415 = %scan3A_199 to %scan3A_201 step %scan3A_202  : i32 {
        %get3A = arith.constant 0 : i32
        %get3A_416 = arith.index_cast %get3A : i32 to index
        %get3A_417 = arith.index_cast %scan3A_415 : i32 to index
        %get3A_418 = arith.constant 0 : index
        %get3A_419 = tpu.vector_load %arg7[%get3A_416, %get3A_417, %get3A_418] {strides = array<i32>} : memref<4x16x128xf32, #tpu.memory_space<vmem>>, vector<1x1x16xf32>,
        %get3A_420 = vector.shape_cast %get3A_419 : vector<1x1x16xf32> to vector<16xf32>
        %get3A_421 = arith.constant 0 : i32
        %get3A_422 = arith.index_cast %get3A_421 : i32 to index
        %get3A_423 = arith.index_cast %scan3A_415 : i32 to index
        %get3A_424 = arith.constant 16 : index
        %get3A_425 = tpu.vector_load %arg7[%get3A_422, %get3A_423, %get3A_424] {strides = array<i32>} : memref<4x16x128xf32, #tpu.memory_space<vmem>>, vector<1x1x16xf32>,
        %get3A_426 = vector.shape_cast %get3A_425 : vector<1x1x16xf32> to vector<16xf32>
        %get3A_427 = arith.constant 0 : i32
        %get3A_428 = arith.index_cast %get3A_427 : i32 to index
        %get3A_429 = arith.index_cast %scan3A_415 : i32 to index
        %get3A_430 = arith.constant 32 : index
        %get3A_431 = tpu.vector_load %arg7[%get3A_428, %get3A_429, %get3A_430] {strides = array<i32>} : memref<4x16x128xf32, #tpu.memory_space<vmem>>, vector<1x1x16xf32>,
        %get3A_432 = vector.shape_cast %get3A_431 : vector<1x1x16xf32> to vector<16xf32>
        %get3A_433 = arith.constant 0 : i32
        %get3A_434 = arith.index_cast %get3A_433 : i32 to index
        %get3A_435 = arith.index_cast %scan3A_415 : i32 to index
        %get3A_436 = arith.constant 48 : index
        %get3A_437 = tpu.vector_load %arg7[%get3A_434, %get3A_435, %get3A_436] {strides = array<i32>} : memref<4x16x128xf32, #tpu.memory_space<vmem>>, vector<1x1x16xf32>,
        %get3A_438 = vector.shape_cast %get3A_437 : vector<1x1x16xf32> to vector<16xf32>
        %get3A_439 = arith.constant 0 : i32
        %get3A_440 = arith.index_cast %get3A_439 : i32 to index
        %get3A_441 = arith.index_cast %scan3A_415 : i32 to index
        %get3A_442 = arith.constant 64 : index
        %get3A_443 = tpu.vector_load %arg7[%get3A_440, %get3A_441, %get3A_442] {strides = array<i32>} : memref<4x16x128xf32, #tpu.memory_space<vmem>>, vector<1x1x16xf32>,
        %get3A_444 = vector.shape_cast %get3A_443 : vector<1x1x16xf32> to vector<16xf32>
        %get3A_445 = arith.constant 0 : i32
        %get3A_446 = arith.index_cast %get3A_445 : i32 to index
        %get3A_447 = arith.index_cast %scan3A_415 : i32 to index
        %get3A_448 = arith.constant 80 : index
        %get3A_449 = tpu.vector_load %arg7[%get3A_446, %get3A_447, %get3A_448] {strides = array<i32>} : memref<4x16x128xf32, #tpu.memory_space<vmem>>, vector<1x1x16xf32>,
        %get3A_450 = vector.shape_cast %get3A_449 : vector<1x1x16xf32> to vector<16xf32>
        %get3A_451 = arith.constant 0 : i32
        %get3A_452 = arith.index_cast %get3A_451 : i32 to index
        %get3A_453 = arith.index_cast %scan3A_415 : i32 to index
        %get3A_454 = arith.constant 96 : index
        %get3A_455 = tpu.vector_load %arg7[%get3A_452, %get3A_453, %get3A_454] {strides = array<i32>} : memref<4x16x128xf32, #tpu.memory_space<vmem>>, vector<1x1x16xf32>,
        %get3A_456 = vector.shape_cast %get3A_455 : vector<1x1x16xf32> to vector<16xf32>
        %get3A_457 = arith.constant 0 : i32
        %get3A_458 = arith.index_cast %get3A_457 : i32 to index
        %get3A_459 = arith.index_cast %scan3A_415 : i32 to index
        %get3A_460 = arith.constant 112 : index
        %get3A_461 = tpu.vector_load %arg7[%get3A_458, %get3A_459, %get3A_460] {strides = array<i32>} : memref<4x16x128xf32, #tpu.memory_space<vmem>>, vector<1x1x16xf32>,
        %get3A_462 = vector.shape_cast %get3A_461 : vector<1x1x16xf32> to vector<16xf32>
        %mul3A_463 = arith.constant 8 : i32
        %mul3A_464 = arith.muli %scan3A_415, %mul3A_463 : i32
        %add3A_465 = arith.constant 0 : i32
        %add3A_466 = arith.addi %mul3A_464, %add3A_465 : i32
        %get3A_467 = arith.constant 0 : i32
        %get3A_468 = arith.index_cast %get3A_467 : i32 to index
        %get3A_469 = arith.index_cast %add3A_466 : i32 to index
        %get3A_470 = arith.constant 0 : index
        %get3A_471 = tpu.vector_load %arg8[%get3A_468, %get3A_469, %get3A_470] {strides = array<i32>} : memref<4x128x128xf32, #tpu.memory_space<vmem>>, vector<1x1x16xf32>,
        %get3A_472 = vector.shape_cast %get3A_471 : vector<1x1x16xf32> to vector<16xf32>
        %mul3A_473 = arith.mulf %get3A_420, %get3A_472 : vector<16xf32>
        %mul3A_474 = arith.constant 8 : i32
        %mul3A_475 = arith.muli %scan3A_415, %mul3A_474 : i32
        %add3A_476 = arith.constant 1 : i32
        %add3A_477 = arith.addi %mul3A_475, %add3A_476 : i32
        %get3A_478 = arith.constant 0 : i32
        %get3A_479 = arith.index_cast %get3A_478 : i32 to index
        %get3A_480 = arith.index_cast %add3A_477 : i32 to index
        %get3A_481 = arith.constant 0 : index
        %get3A_482 = tpu.vector_load %arg8[%get3A_479, %get3A_480, %get3A_481] {strides = array<i32>} : memref<4x128x128xf32, #tpu.memory_space<vmem>>, vector<1x1x16xf32>,
        %get3A_483 = vector.shape_cast %get3A_482 : vector<1x1x16xf32> to vector<16xf32>
        %mul3A_484 = arith.mulf %get3A_426, %get3A_483 : vector<16xf32>
        %mul3A_485 = arith.constant 8 : i32
        %mul3A_486 = arith.muli %scan3A_415, %mul3A_485 : i32
        %add3A_487 = arith.constant 2 : i32
        %add3A_488 = arith.addi %mul3A_486, %add3A_487 : i32
        %get3A_489 = arith.constant 0 : i32
        %get3A_490 = arith.index_cast %get3A_489 : i32 to index
        %get3A_491 = arith.index_cast %add3A_488 : i32 to index
        %get3A_492 = arith.constant 0 : index
        %get3A_493 = tpu.vector_load %arg8[%get3A_490, %get3A_491, %get3A_492] {strides = array<i32>} : memref<4x128x128xf32, #tpu.memory_space<vmem>>, vector<1x1x16xf32>,
        %get3A_494 = vector.shape_cast %get3A_493 : vector<1x1x16xf32> to vector<16xf32>
        %mul3A_495 = arith.mulf %get3A_432, %get3A_494 : vector<16xf32>
        %mul3A_496 = arith.constant 8 : i32
        %mul3A_497 = arith.muli %scan3A_415, %mul3A_496 : i32
        %add3A_498 = arith.constant 3 : i32
        %add3A_499 = arith.addi %mul3A_497, %add3A_498 : i32
        %get3A_500 = arith.constant 0 : i32
        %get3A_501 = arith.index_cast %get3A_500 : i32 to index
        %get3A_502 = arith.index_cast %add3A_499 : i32 to index
        %get3A_503 = arith.constant 0 : index
        %get3A_504 = tpu.vector_load %arg8[%get3A_501, %get3A_502, %get3A_503] {strides = array<i32>} : memref<4x128x128xf32, #tpu.memory_space<vmem>>, vector<1x1x16xf32>,
        %get3A_505 = vector.shape_cast %get3A_504 : vector<1x1x16xf32> to vector<16xf32>
        %mul3A_506 = arith.mulf %get3A_438, %get3A_505 : vector<16xf32>
        %mul3A_507 = arith.constant 8 : i32
        %mul3A_508 = arith.muli %scan3A_415, %mul3A_507 : i32
        %add3A_509 = arith.constant 4 : i32
        %add3A_510 = arith.addi %mul3A_508, %add3A_509 : i32
        %get3A_511 = arith.constant 0 : i32
        %get3A_512 = arith.index_cast %get3A_511 : i32 to index
        %get3A_513 = arith.index_cast %add3A_510 : i32 to index
        %get3A_514 = arith.constant 0 : index
        %get3A_515 = tpu.vector_load %arg8[%get3A_512, %get3A_513, %get3A_514] {strides = array<i32>} : memref<4x128x128xf32, #tpu.memory_space<vmem>>, vector<1x1x16xf32>,
        %get3A_516 = vector.shape_cast %get3A_515 : vector<1x1x16xf32> to vector<16xf32>
        %mul3A_517 = arith.mulf %get3A_444, %get3A_516 : vector<16xf32>
        %mul3A_518 = arith.constant 8 : i32
        %mul3A_519 = arith.muli %scan3A_415, %mul3A_518 : i32
        %add3A_520 = arith.constant 5 : i32
        %add3A_521 = arith.addi %mul3A_519, %add3A_520 : i32
        %get3A_522 = arith.constant 0 : i32
        %get3A_523 = arith.index_cast %get3A_522 : i32 to index
        %get3A_524 = arith.index_cast %add3A_521 : i32 to index
        %get3A_525 = arith.constant 0 : index
        %get3A_526 = tpu.vector_load %arg8[%get3A_523, %get3A_524, %get3A_525] {strides = array<i32>} : memref<4x128x128xf32, #tpu.memory_space<vmem>>, vector<1x1x16xf32>,
        %get3A_527 = vector.shape_cast %get3A_526 : vector<1x1x16xf32> to vector<16xf32>
        %mul3A_528 = arith.mulf %get3A_450, %get3A_527 : vector<16xf32>
        %mul3A_529 = arith.constant 8 : i32
        %mul3A_530 = arith.muli %scan3A_415, %mul3A_529 : i32
        %add3A_531 = arith.constant 6 : i32
        %add3A_532 = arith.addi %mul3A_530, %add3A_531 : i32
        %get3A_533 = arith.constant 0 : i32
        %get3A_534 = arith.index_cast %get3A_533 : i32 to index
        %get3A_535 = arith.index_cast %add3A_532 : i32 to index
        %get3A_536 = arith.constant 0 : index
        %get3A_537 = tpu.vector_load %arg8[%get3A_534, %get3A_535, %get3A_536] {strides = array<i32>} : memref<4x128x128xf32, #tpu.memory_space<vmem>>, vector<1x1x16xf32>,
        %get3A_538 = vector.shape_cast %get3A_537 : vector<1x1x16xf32> to vector<16xf32>
        %mul3A_539 = arith.mulf %get3A_456, %get3A_538 : vector<16xf32>
        %mul3A_540 = arith.constant 8 : i32
        %mul3A_541 = arith.muli %scan3A_415, %mul3A_540 : i32
        %add3A_542 = arith.constant 7 : i32
        %add3A_543 = arith.addi %mul3A_541, %add3A_542 : i32
        %get3A_544 = arith.constant 0 : i32
        %get3A_545 = arith.index_cast %get3A_544 : i32 to index
        %get3A_546 = arith.index_cast %add3A_543 : i32 to index
        %get3A_547 = arith.constant 0 : index
        %get3A_548 = tpu.vector_load %arg8[%get3A_545, %get3A_546, %get3A_547] {strides = array<i32>} : memref<4x128x128xf32, #tpu.memory_space<vmem>>, vector<1x1x16xf32>,
        %get3A_549 = vector.shape_cast %get3A_548 : vector<1x1x16xf32> to vector<16xf32>
        %mul3A_550 = arith.mulf %get3A_462, %get3A_549 : vector<16xf32>
        %add3A_551 = arith.addf %mul3A_473, %mul3A_484 : vector<16xf32>
        %add3A_552 = arith.addf %mul3A_495, %mul3A_506 : vector<16xf32>
        %add3A_553 = arith.addf %mul3A_517, %mul3A_528 : vector<16xf32>
        %add3A_554 = arith.addf %mul3A_539, %mul3A_550 : vector<16xf32>
        %add3A_555 = arith.addf %add3A_551, %add3A_552 : vector<16xf32>
        %add3A_556 = arith.addf %add3A_553, %add3A_554 : vector<16xf32>
        %add3A_557 = arith.addf %add3A_555, %add3A_556 : vector<16xf32>
        %swap3A = arith.constant 0 : i32
        %swap3A_558 = arith.index_cast %swap3A : i32 to index
        %swap3A_559 = arith.index_cast %scan3A_415 : i32 to index
        %swap3A_560 = arith.constant 0 : index
        %swap3A_561 = tpu.vector_load %arg9[%swap3A_558, %swap3A_559, %swap3A_560] {strides = array<i32>} : memref<4x16x128xf32, #tpu.memory_space<vmem>>, vector<1x1x16xf32>,
        %swap3A_562 = vector.shape_cast %swap3A_561 : vector<1x1x16xf32> to vector<16xf32>
        %swap3A_563 = vector.shape_cast %add3A_557 : vector<16xf32> to vector<1x1x16xf32>
        tpu.vector_store %arg9[%swap3A_558, %swap3A_559, %swap3A_560], %swap3A_563 {strides = array<i32>} : memref<4x16x128xf32, #tpu.memory_space<vmem>>, vector<1x1x16xf32>,
        %mul3A_564 = arith.constant 8 : i32
        %mul3A_565 = arith.muli %scan3A_415, %mul3A_564 : i32
        %add3A_566 = arith.constant 0 : i32
        %add3A_567 = arith.addi %mul3A_565, %add3A_566 : i32
        %get3A_568 = arith.constant 0 : i32
        %get3A_569 = arith.index_cast %get3A_568 : i32 to index
        %get3A_570 = arith.index_cast %add3A_567 : i32 to index
        %get3A_571 = arith.constant 16 : index
        %get3A_572 = tpu.vector_load %arg8[%get3A_569, %get3A_570, %get3A_571] {strides = array<i32>} : memref<4x128x128xf32, #tpu.memory_space<vmem>>, vector<1x1x16xf32>,
        %get3A_573 = vector.shape_cast %get3A_572 : vector<1x1x16xf32> to vector<16xf32>
        %mul3A_574 = arith.mulf %get3A_420, %get3A_573 : vector<16xf32>
        %mul3A_575 = arith.constant 8 : i32
        %mul3A_576 = arith.muli %scan3A_415, %mul3A_575 : i32
        %add3A_577 = arith.constant 1 : i32
        %add3A_578 = arith.addi %mul3A_576, %add3A_577 : i32
        %get3A_579 = arith.constant 0 : i32
        %get3A_580 = arith.index_cast %get3A_579 : i32 to index
        %get3A_581 = arith.index_cast %add3A_578 : i32 to index
        %get3A_582 = arith.constant 16 : index
        %get3A_583 = tpu.vector_load %arg8[%get3A_580, %get3A_581, %get3A_582] {strides = array<i32>} : memref<4x128x128xf32, #tpu.memory_space<vmem>>, vector<1x1x16xf32>,
        %get3A_584 = vector.shape_cast %get3A_583 : vector<1x1x16xf32> to vector<16xf32>
        %mul3A_585 = arith.mulf %get3A_426, %get3A_584 : vector<16xf32>
        %mul3A_586 = arith.constant 8 : i32
        %mul3A_587 = arith.muli %scan3A_415, %mul3A_586 : i32
        %add3A_588 = arith.constant 2 : i32
        %add3A_589 = arith.addi %mul3A_587, %add3A_588 : i32
        %get3A_590 = arith.constant 0 : i32
        %get3A_591 = arith.index_cast %get3A_590 : i32 to index
        %get3A_592 = arith.index_cast %add3A_589 : i32 to index
        %get3A_593 = arith.constant 16 : index
        %get3A_594 = tpu.vector_load %arg8[%get3A_591, %get3A_592, %get3A_593] {strides = array<i32>} : memref<4x128x128xf32, #tpu.memory_space<vmem>>, vector<1x1x16xf32>,
        %get3A_595 = vector.shape_cast %get3A_594 : vector<1x1x16xf32> to vector<16xf32>
        %mul3A_596 = arith.mulf %get3A_432, %get3A_595 : vector<16xf32>
        %mul3A_597 = arith.constant 8 : i32
        %mul3A_598 = arith.muli %scan3A_415, %mul3A_597 : i32
        %add3A_599 = arith.constant 3 : i32
        %add3A_600 = arith.addi %mul3A_598, %add3A_599 : i32
        %get3A_601 = arith.constant 0 : i32
        %get3A_602 = arith.index_cast %get3A_601 : i32 to index
        %get3A_603 = arith.index_cast %add3A_600 : i32 to index
        %get3A_604 = arith.constant 16 : index
        %get3A_605 = tpu.vector_load %arg8[%get3A_602, %get3A_603, %get3A_604] {strides = array<i32>} : memref<4x128x128xf32, #tpu.memory_space<vmem>>, vector<1x1x16xf32>,
        %get3A_606 = vector.shape_cast %get3A_605 : vector<1x1x16xf32> to vector<16xf32>
        %mul3A_607 = arith.mulf %get3A_438, %get3A_606 : vector<16xf32>
        %mul3A_608 = arith.constant 8 : i32
        %mul3A_609 = arith.muli %scan3A_415, %mul3A_608 : i32
        %add3A_610 = arith.constant 4 : i32
        %add3A_611 = arith.addi %mul3A_609, %add3A_610 : i32
        %get3A_612 = arith.constant 0 : i32
        %get3A_613 = arith.index_cast %get3A_612 : i32 to index
        %get3A_614 = arith.index_cast %add3A_611 : i32 to index
        %get3A_615 = arith.constant 16 : index
        %get3A_616 = tpu.vector_load %arg8[%get3A_613, %get3A_614, %get3A_615] {strides = array<i32>} : memref<4x128x128xf32, #tpu.memory_space<vmem>>, vector<1x1x16xf32>,
        %get3A_617 = vector.shape_cast %get3A_616 : vector<1x1x16xf32> to vector<16xf32>
        %mul3A_618 = arith.mulf %get3A_444, %get3A_617 : vector<16xf32>
        %mul3A_619 = arith.constant 8 : i32
        %mul3A_620 = arith.muli %scan3A_415, %mul3A_619 : i32
        %add3A_621 = arith.constant 5 : i32
        %add3A_622 = arith.addi %mul3A_620, %add3A_621 : i32
        %get3A_623 = arith.constant 0 : i32
        %get3A_624 = arith.index_cast %get3A_623 : i32 to index
        %get3A_625 = arith.index_cast %add3A_622 : i32 to index
        %get3A_626 = arith.constant 16 : index
        %get3A_627 = tpu.vector_load %arg8[%get3A_624, %get3A_625, %get3A_626] {strides = array<i32>} : memref<4x128x128xf32, #tpu.memory_space<vmem>>, vector<1x1x16xf32>,
        %get3A_628 = vector.shape_cast %get3A_627 : vector<1x1x16xf32> to vector<16xf32>
        %mul3A_629 = arith.mulf %get3A_450, %get3A_628 : vector<16xf32>
        %mul3A_630 = arith.constant 8 : i32
        %mul3A_631 = arith.muli %scan3A_415, %mul3A_630 : i32
        %add3A_632 = arith.constant 6 : i32
        %add3A_633 = arith.addi %mul3A_631, %add3A_632 : i32
        %get3A_634 = arith.constant 0 : i32
        %get3A_635 = arith.index_cast %get3A_634 : i32 to index
        %get3A_636 = arith.index_cast %add3A_633 : i32 to index
        %get3A_637 = arith.constant 16 : index
        %get3A_638 = tpu.vector_load %arg8[%get3A_635, %get3A_636, %get3A_637] {strides = array<i32>} : memref<4x128x128xf32, #tpu.memory_space<vmem>>, vector<1x1x16xf32>,
        %get3A_639 = vector.shape_cast %get3A_638 : vector<1x1x16xf32> to vector<16xf32>
        %mul3A_640 = arith.mulf %get3A_456, %get3A_639 : vector<16xf32>
        %mul3A_641 = arith.constant 8 : i32
        %mul3A_642 = arith.muli %scan3A_415, %mul3A_641 : i32
        %add3A_643 = arith.constant 7 : i32
        %add3A_644 = arith.addi %mul3A_642, %add3A_643 : i32
        %get3A_645 = arith.constant 0 : i32
        %get3A_646 = arith.index_cast %get3A_645 : i32 to index
        %get3A_647 = arith.index_cast %add3A_644 : i32 to index
        %get3A_648 = arith.constant 16 : index
        %get3A_649 = tpu.vector_load %arg8[%get3A_646, %get3A_647, %get3A_648] {strides = array<i32>} : memref<4x128x128xf32, #tpu.memory_space<vmem>>, vector<1x1x16xf32>,
        %get3A_650 = vector.shape_cast %get3A_649 : vector<1x1x16xf32> to vector<16xf32>
        %mul3A_651 = arith.mulf %get3A_462, %get3A_650 : vector<16xf32>
        %add3A_652 = arith.addf %mul3A_574, %mul3A_585 : vector<16xf32>
        %add3A_653 = arith.addf %mul3A_596, %mul3A_607 : vector<16xf32>
        %add3A_654 = arith.addf %mul3A_618, %mul3A_629 : vector<16xf32>
        %add3A_655 = arith.addf %mul3A_640, %mul3A_651 : vector<16xf32>
        %add3A_656 = arith.addf %add3A_652, %add3A_653 : vector<16xf32>
        %add3A_657 = arith.addf %add3A_654, %add3A_655 : vector<16xf32>
        %add3A_658 = arith.addf %add3A_656, %add3A_657 : vector<16xf32>
        %swap3A_659 = arith.constant 0 : i32
        %swap3A_660 = arith.index_cast %swap3A_659 : i32 to index
        %swap3A_661 = arith.index_cast %scan3A_415 : i32 to index
        %swap3A_662 = arith.constant 16 : index
        %swap3A_663 = tpu.vector_load %arg9[%swap3A_660, %swap3A_661, %swap3A_662] {strides = array<i32>} : memref<4x16x128xf32, #tpu.memory_space<vmem>>, vector<1x1x16xf32>,
        %swap3A_664 = vector.shape_cast %swap3A_663 : vector<1x1x16xf32> to vector<16xf32>
        %swap3A_665 = vector.shape_cast %add3A_658 : vector<16xf32> to vector<1x1x16xf32>
        tpu.vector_store %arg9[%swap3A_660, %swap3A_661, %swap3A_662], %swap3A_665 {strides = array<i32>} : memref<4x16x128xf32, #tpu.memory_space<vmem>>, vector<1x1x16xf32>,
        %mul3A_666 = arith.constant 8 : i32
        %mul3A_667 = arith.muli %scan3A_415, %mul3A_666 : i32
        %add3A_668 = arith.constant 0 : i32
        %add3A_669 = arith.addi %mul3A_667, %add3A_668 : i32
        %get3A_670 = arith.constant 0 : i32
        %get3A_671 = arith.index_cast %get3A_670 : i32 to index
        %get3A_672 = arith.index_cast %add3A_669 : i32 to index
        %get3A_673 = arith.constant 32 : index
        %get3A_674 = tpu.vector_load %arg8[%get3A_671, %get3A_672, %get3A_673] {strides = array<i32>} : memref<4x128x128xf32, #tpu.memory_space<vmem>>, vector<1x1x16xf32>,
        %get3A_675 = vector.shape_cast %get3A_674 : vector<1x1x16xf32> to vector<16xf32>
        %mul3A_676 = arith.mulf %get3A_420, %get3A_675 : vector<16xf32>
        %mul3A_677 = arith.constant 8 : i32
        %mul3A_678 = arith.muli %scan3A_415, %mul3A_677 : i32
        %add3A_679 = arith.constant 1 : i32
        %add3A_680 = arith.addi %mul3A_678, %add3A_679 : i32
        %get3A_681 = arith.constant 0 : i32
        %get3A_682 = arith.index_cast %get3A_681 : i32 to index
        %get3A_683 = arith.index_cast %add3A_680 : i32 to index
        %get3A_684 = arith.constant 32 : index
        %get3A_685 = tpu.vector_load %arg8[%get3A_682, %get3A_683, %get3A_684] {strides = array<i32>} : memref<4x128x128xf32, #tpu.memory_space<vmem>>, vector<1x1x16xf32>,
        %get3A_686 = vector.shape_cast %get3A_685 : vector<1x1x16xf32> to vector<16xf32>
        %mul3A_687 = arith.mulf %get3A_426, %get3A_686 : vector<16xf32>
        %mul3A_688 = arith.constant 8 : i32
        %mul3A_689 = arith.muli %scan3A_415, %mul3A_688 : i32
        %add3A_690 = arith.constant 2 : i32
        %add3A_691 = arith.addi %mul3A_689, %add3A_690 : i32
        %get3A_692 = arith.constant 0 : i32
        %get3A_693 = arith.index_cast %get3A_692 : i32 to index
        %get3A_694 = arith.index_cast %add3A_691 : i32 to index
        %get3A_695 = arith.constant 32 : index
        %get3A_696 = tpu.vector_load %arg8[%get3A_693, %get3A_694, %get3A_695] {strides = array<i32>} : memref<4x128x128xf32, #tpu.memory_space<vmem>>, vector<1x1x16xf32>,
        %get3A_697 = vector.shape_cast %get3A_696 : vector<1x1x16xf32> to vector<16xf32>
        %mul3A_698 = arith.mulf %get3A_432, %get3A_697 : vector<16xf32>
        %mul3A_699 = arith.constant 8 : i32
        %mul3A_700 = arith.muli %scan3A_415, %mul3A_699 : i32
        %add3A_701 = arith.constant 3 : i32
        %add3A_702 = arith.addi %mul3A_700, %add3A_701 : i32
        %get3A_703 = arith.constant 0 : i32
        %get3A_704 = arith.index_cast %get3A_703 : i32 to index
        %get3A_705 = arith.index_cast %add3A_702 : i32 to index
        %get3A_706 = arith.constant 32 : index
        %get3A_707 = tpu.vector_load %arg8[%get3A_704, %get3A_705, %get3A_706] {strides = array<i32>} : memref<4x128x128xf32, #tpu.memory_space<vmem>>, vector<1x1x16xf32>,
        %get3A_708 = vector.shape_cast %get3A_707 : vector<1x1x16xf32> to vector<16xf32>
        %mul3A_709 = arith.mulf %get3A_438, %get3A_708 : vector<16xf32>
        %mul3A_710 = arith.constant 8 : i32
        %mul3A_711 = arith.muli %scan3A_415, %mul3A_710 : i32
        %add3A_712 = arith.constant 4 : i32
        %add3A_713 = arith.addi %mul3A_711, %add3A_712 : i32
        %get3A_714 = arith.constant 0 : i32
        %get3A_715 = arith.index_cast %get3A_714 : i32 to index
        %get3A_716 = arith.index_cast %add3A_713 : i32 to index
        %get3A_717 = arith.constant 32 : index
        %get3A_718 = tpu.vector_load %arg8[%get3A_715, %get3A_716, %get3A_717] {strides = array<i32>} : memref<4x128x128xf32, #tpu.memory_space<vmem>>, vector<1x1x16xf32>,
        %get3A_719 = vector.shape_cast %get3A_718 : vector<1x1x16xf32> to vector<16xf32>
        %mul3A_720 = arith.mulf %get3A_444, %get3A_719 : vector<16xf32>
        %mul3A_721 = arith.constant 8 : i32
        %mul3A_722 = arith.muli %scan3A_415, %mul3A_721 : i32
        %add3A_723 = arith.constant 5 : i32
        %add3A_724 = arith.addi %mul3A_722, %add3A_723 : i32
        %get3A_725 = arith.constant 0 : i32
        %get3A_726 = arith.index_cast %get3A_725 : i32 to index
        %get3A_727 = arith.index_cast %add3A_724 : i32 to index
        %get3A_728 = arith.constant 32 : index
        %get3A_729 = tpu.vector_load %arg8[%get3A_726, %get3A_727, %get3A_728] {strides = array<i32>} : memref<4x128x128xf32, #tpu.memory_space<vmem>>, vector<1x1x16xf32>,
        %get3A_730 = vector.shape_cast %get3A_729 : vector<1x1x16xf32> to vector<16xf32>
        %mul3A_731 = arith.mulf %get3A_450, %get3A_730 : vector<16xf32>
        %mul3A_732 = arith.constant 8 : i32
        %mul3A_733 = arith.muli %scan3A_415, %mul3A_732 : i32
        %add3A_734 = arith.constant 6 : i32
        %add3A_735 = arith.addi %mul3A_733, %add3A_734 : i32
        %get3A_736 = arith.constant 0 : i32
        %get3A_737 = arith.index_cast %get3A_736 : i32 to index
        %get3A_738 = arith.index_cast %add3A_735 : i32 to index
        %get3A_739 = arith.constant 32 : index
        %get3A_740 = tpu.vector_load %arg8[%get3A_737, %get3A_738, %get3A_739] {strides = array<i32>} : memref<4x128x128xf32, #tpu.memory_space<vmem>>, vector<1x1x16xf32>,
        %get3A_741 = vector.shape_cast %get3A_740 : vector<1x1x16xf32> to vector<16xf32>
        %mul3A_742 = arith.mulf %get3A_456, %get3A_741 : vector<16xf32>
        %mul3A_743 = arith.constant 8 : i32
        %mul3A_744 = arith.muli %scan3A_415, %mul3A_743 : i32
        %add3A_745 = arith.constant 7 : i32
        %add3A_746 = arith.addi %mul3A_744, %add3A_745 : i32
        %get3A_747 = arith.constant 0 : i32
        %get3A_748 = arith.index_cast %get3A_747 : i32 to index
        %get3A_749 = arith.index_cast %add3A_746 : i32 to index
        %get3A_750 = arith.constant 32 : index
        %get3A_751 = tpu.vector_load %arg8[%get3A_748, %get3A_749, %get3A_750] {strides = array<i32>} : memref<4x128x128xf32, #tpu.memory_space<vmem>>, vector<1x1x16xf32>,
        %get3A_752 = vector.shape_cast %get3A_751 : vector<1x1x16xf32> to vector<16xf32>
        %mul3A_753 = arith.mulf %get3A_462, %get3A_752 : vector<16xf32>
        %add3A_754 = arith.addf %mul3A_676, %mul3A_687 : vector<16xf32>
        %add3A_755 = arith.addf %mul3A_698, %mul3A_709 : vector<16xf32>
        %add3A_756 = arith.addf %mul3A_720, %mul3A_731 : vector<16xf32>
        %add3A_757 = arith.addf %mul3A_742, %mul3A_753 : vector<16xf32>
        %add3A_758 = arith.addf %add3A_754, %add3A_755 : vector<16xf32>
        %add3A_759 = arith.addf %add3A_756, %add3A_757 : vector<16xf32>
        %add3A_760 = arith.addf %add3A_758, %add3A_759 : vector<16xf32>
        %swap3A_761 = arith.constant 0 : i32
        %swap3A_762 = arith.index_cast %swap3A_761 : i32 to index
        %swap3A_763 = arith.index_cast %scan3A_415 : i32 to index
        %swap3A_764 = arith.constant 32 : index
        %swap3A_765 = tpu.vector_load %arg9[%swap3A_762, %swap3A_763, %swap3A_764] {strides = array<i32>} : memref<4x16x128xf32, #tpu.memory_space<vmem>>, vector<1x1x16xf32>,
        %swap3A_766 = vector.shape_cast %swap3A_765 : vector<1x1x16xf32> to vector<16xf32>
        %swap3A_767 = vector.shape_cast %add3A_760 : vector<16xf32> to vector<1x1x16xf32>
        tpu.vector_store %arg9[%swap3A_762, %swap3A_763, %swap3A_764], %swap3A_767 {strides = array<i32>} : memref<4x16x128xf32, #tpu.memory_space<vmem>>, vector<1x1x16xf32>,
        %mul3A_768 = arith.constant 8 : i32
        %mul3A_769 = arith.muli %scan3A_415, %mul3A_768 : i32
        %add3A_770 = arith.constant 0 : i32
        %add3A_771 = arith.addi %mul3A_769, %add3A_770 : i32
        %get3A_772 = arith.constant 0 : i32
        %get3A_773 = arith.index_cast %get3A_772 : i32 to index
        %get3A_774 = arith.index_cast %add3A_771 : i32 to index
        %get3A_775 = arith.constant 48 : index
        %get3A_776 = tpu.vector_load %arg8[%get3A_773, %get3A_774, %get3A_775] {strides = array<i32>} : memref<4x128x128xf32, #tpu.memory_space<vmem>>, vector<1x1x16xf32>,
        %get3A_777 = vector.shape_cast %get3A_776 : vector<1x1x16xf32> to vector<16xf32>
        %mul3A_778 = arith.mulf %get3A_420, %get3A_777 : vector<16xf32>
        %mul3A_779 = arith.constant 8 : i32
        %mul3A_780 = arith.muli %scan3A_415, %mul3A_779 : i32
        %add3A_781 = arith.constant 1 : i32
        %add3A_782 = arith.addi %mul3A_780, %add3A_781 : i32
        %get3A_783 = arith.constant 0 : i32
        %get3A_784 = arith.index_cast %get3A_783 : i32 to index
        %get3A_785 = arith.index_cast %add3A_782 : i32 to index
        %get3A_786 = arith.constant 48 : index
        %get3A_787 = tpu.vector_load %arg8[%get3A_784, %get3A_785, %get3A_786] {strides = array<i32>} : memref<4x128x128xf32, #tpu.memory_space<vmem>>, vector<1x1x16xf32>,
        %get3A_788 = vector.shape_cast %get3A_787 : vector<1x1x16xf32> to vector<16xf32>
        %mul3A_789 = arith.mulf %get3A_426, %get3A_788 : vector<16xf32>
        %mul3A_790 = arith.constant 8 : i32
        %mul3A_791 = arith.muli %scan3A_415, %mul3A_790 : i32
        %add3A_792 = arith.constant 2 : i32
        %add3A_793 = arith.addi %mul3A_791, %add3A_792 : i32
        %get3A_794 = arith.constant 0 : i32
        %get3A_795 = arith.index_cast %get3A_794 : i32 to index
        %get3A_796 = arith.index_cast %add3A_793 : i32 to index
        %get3A_797 = arith.constant 48 : index
        %get3A_798 = tpu.vector_load %arg8[%get3A_795, %get3A_796, %get3A_797] {strides = array<i32>} : memref<4x128x128xf32, #tpu.memory_space<vmem>>, vector<1x1x16xf32>,
        %get3A_799 = vector.shape_cast %get3A_798 : vector<1x1x16xf32> to vector<16xf32>
        %mul3A_800 = arith.mulf %get3A_432, %get3A_799 : vector<16xf32>
        %mul3A_801 = arith.constant 8 : i32
        %mul3A_802 = arith.muli %scan3A_415, %mul3A_801 : i32
        %add3A_803 = arith.constant 3 : i32
        %add3A_804 = arith.addi %mul3A_802, %add3A_803 : i32
        %get3A_805 = arith.constant 0 : i32
        %get3A_806 = arith.index_cast %get3A_805 : i32 to index
        %get3A_807 = arith.index_cast %add3A_804 : i32 to index
        %get3A_808 = arith.constant 48 : index
        %get3A_809 = tpu.vector_load %arg8[%get3A_806, %get3A_807, %get3A_808] {strides = array<i32>} : memref<4x128x128xf32, #tpu.memory_space<vmem>>, vector<1x1x16xf32>,
        %get3A_810 = vector.shape_cast %get3A_809 : vector<1x1x16xf32> to vector<16xf32>
        %mul3A_811 = arith.mulf %get3A_438, %get3A_810 : vector<16xf32>
        %mul3A_812 = arith.constant 8 : i32
        %mul3A_813 = arith.muli %scan3A_415, %mul3A_812 : i32
        %add3A_814 = arith.constant 4 : i32
        %add3A_815 = arith.addi %mul3A_813, %add3A_814 : i32
        %get3A_816 = arith.constant 0 : i32
        %get3A_817 = arith.index_cast %get3A_816 : i32 to index
        %get3A_818 = arith.index_cast %add3A_815 : i32 to index
        %get3A_819 = arith.constant 48 : index
        %get3A_820 = tpu.vector_load %arg8[%get3A_817, %get3A_818, %get3A_819] {strides = array<i32>} : memref<4x128x128xf32, #tpu.memory_space<vmem>>, vector<1x1x16xf32>,
        %get3A_821 = vector.shape_cast %get3A_820 : vector<1x1x16xf32> to vector<16xf32>
        %mul3A_822 = arith.mulf %get3A_444, %get3A_821 : vector<16xf32>
        %mul3A_823 = arith.constant 8 : i32
        %mul3A_824 = arith.muli %scan3A_415, %mul3A_823 : i32
        %add3A_825 = arith.constant 5 : i32
        %add3A_826 = arith.addi %mul3A_824, %add3A_825 : i32
        %get3A_827 = arith.constant 0 : i32
        %get3A_828 = arith.index_cast %get3A_827 : i32 to index
        %get3A_829 = arith.index_cast %add3A_826 : i32 to index
        %get3A_830 = arith.constant 48 : index
        %get3A_831 = tpu.vector_load %arg8[%get3A_828, %get3A_829, %get3A_830] {strides = array<i32>} : memref<4x128x128xf32, #tpu.memory_space<vmem>>, vector<1x1x16xf32>,
        %get3A_832 = vector.shape_cast %get3A_831 : vector<1x1x16xf32> to vector<16xf32>
        %mul3A_833 = arith.mulf %get3A_450, %get3A_832 : vector<16xf32>
        %mul3A_834 = arith.constant 8 : i32
        %mul3A_835 = arith.muli %scan3A_415, %mul3A_834 : i32
        %add3A_836 = arith.constant 6 : i32
        %add3A_837 = arith.addi %mul3A_835, %add3A_836 : i32
        %get3A_838 = arith.constant 0 : i32
        %get3A_839 = arith.index_cast %get3A_838 : i32 to index
        %get3A_840 = arith.index_cast %add3A_837 : i32 to index
        %get3A_841 = arith.constant 48 : index
        %get3A_842 = tpu.vector_load %arg8[%get3A_839, %get3A_840, %get3A_841] {strides = array<i32>} : memref<4x128x128xf32, #tpu.memory_space<vmem>>, vector<1x1x16xf32>,
        %get3A_843 = vector.shape_cast %get3A_842 : vector<1x1x16xf32> to vector<16xf32>
        %mul3A_844 = arith.mulf %get3A_456, %get3A_843 : vector<16xf32>
        %mul3A_845 = arith.constant 8 : i32
        %mul3A_846 = arith.muli %scan3A_415, %mul3A_845 : i32
        %add3A_847 = arith.constant 7 : i32
        %add3A_848 = arith.addi %mul3A_846, %add3A_847 : i32
        %get3A_849 = arith.constant 0 : i32
        %get3A_850 = arith.index_cast %get3A_849 : i32 to index
        %get3A_851 = arith.index_cast %add3A_848 : i32 to index
        %get3A_852 = arith.constant 48 : index
        %get3A_853 = tpu.vector_load %arg8[%get3A_850, %get3A_851, %get3A_852] {strides = array<i32>} : memref<4x128x128xf32, #tpu.memory_space<vmem>>, vector<1x1x16xf32>,
        %get3A_854 = vector.shape_cast %get3A_853 : vector<1x1x16xf32> to vector<16xf32>
        %mul3A_855 = arith.mulf %get3A_462, %get3A_854 : vector<16xf32>
        %add3A_856 = arith.addf %mul3A_778, %mul3A_789 : vector<16xf32>
        %add3A_857 = arith.addf %mul3A_800, %mul3A_811 : vector<16xf32>
        %add3A_858 = arith.addf %mul3A_822, %mul3A_833 : vector<16xf32>
        %add3A_859 = arith.addf %mul3A_844, %mul3A_855 : vector<16xf32>
        %add3A_860 = arith.addf %add3A_856, %add3A_857 : vector<16xf32>
        %add3A_861 = arith.addf %add3A_858, %add3A_859 : vector<16xf32>
        %add3A_862 = arith.addf %add3A_860, %add3A_861 : vector<16xf32>
        %swap3A_863 = arith.constant 0 : i32
        %swap3A_864 = arith.index_cast %swap3A_863 : i32 to index
        %swap3A_865 = arith.index_cast %scan3A_415 : i32 to index
        %swap3A_866 = arith.constant 48 : index
        %swap3A_867 = tpu.vector_load %arg9[%swap3A_864, %swap3A_865, %swap3A_866] {strides = array<i32>} : memref<4x16x128xf32, #tpu.memory_space<vmem>>, vector<1x1x16xf32>,
        %swap3A_868 = vector.shape_cast %swap3A_867 : vector<1x1x16xf32> to vector<16xf32>
        %swap3A_869 = vector.shape_cast %add3A_862 : vector<16xf32> to vector<1x1x16xf32>
        tpu.vector_store %arg9[%swap3A_864, %swap3A_865, %swap3A_866], %swap3A_869 {strides = array<i32>} : memref<4x16x128xf32, #tpu.memory_space<vmem>>, vector<1x1x16xf32>,
        %mul3A_870 = arith.constant 8 : i32
        %mul3A_871 = arith.muli %scan3A_415, %mul3A_870 : i32
        %add3A_872 = arith.constant 0 : i32
        %add3A_873 = arith.addi %mul3A_871, %add3A_872 : i32
        %get3A_874 = arith.constant 0 : i32
        %get3A_875 = arith.index_cast %get3A_874 : i32 to index
        %get3A_876 = arith.index_cast %add3A_873 : i32 to index
        %get3A_877 = arith.constant 64 : index
        %get3A_878 = tpu.vector_load %arg8[%get3A_875, %get3A_876, %get3A_877] {strides = array<i32>} : memref<4x128x128xf32, #tpu.memory_space<vmem>>, vector<1x1x16xf32>,
        %get3A_879 = vector.shape_cast %get3A_878 : vector<1x1x16xf32> to vector<16xf32>
        %mul3A_880 = arith.mulf %get3A_420, %get3A_879 : vector<16xf32>
        %mul3A_881 = arith.constant 8 : i32
        %mul3A_882 = arith.muli %scan3A_415, %mul3A_881 : i32
        %add3A_883 = arith.constant 1 : i32
        %add3A_884 = arith.addi %mul3A_882, %add3A_883 : i32
        %get3A_885 = arith.constant 0 : i32
        %get3A_886 = arith.index_cast %get3A_885 : i32 to index
        %get3A_887 = arith.index_cast %add3A_884 : i32 to index
        %get3A_888 = arith.constant 64 : index
        %get3A_889 = tpu.vector_load %arg8[%get3A_886, %get3A_887, %get3A_888] {strides = array<i32>} : memref<4x128x128xf32, #tpu.memory_space<vmem>>, vector<1x1x16xf32>,
        %get3A_890 = vector.shape_cast %get3A_889 : vector<1x1x16xf32> to vector<16xf32>
        %mul3A_891 = arith.mulf %get3A_426, %get3A_890 : vector<16xf32>
        %mul3A_892 = arith.constant 8 : i32
        %mul3A_893 = arith.muli %scan3A_415, %mul3A_892 : i32
        %add3A_894 = arith.constant 2 : i32
        %add3A_895 = arith.addi %mul3A_893, %add3A_894 : i32
        %get3A_896 = arith.constant 0 : i32
        %get3A_897 = arith.index_cast %get3A_896 : i32 to index
        %get3A_898 = arith.index_cast %add3A_895 : i32 to index
        %get3A_899 = arith.constant 64 : index
        %get3A_900 = tpu.vector_load %arg8[%get3A_897, %get3A_898, %get3A_899] {strides = array<i32>} : memref<4x128x128xf32, #tpu.memory_space<vmem>>, vector<1x1x16xf32>,
        %get3A_901 = vector.shape_cast %get3A_900 : vector<1x1x16xf32> to vector<16xf32>
        %mul3A_902 = arith.mulf %get3A_432, %get3A_901 : vector<16xf32>
        %mul3A_903 = arith.constant 8 : i32
        %mul3A_904 = arith.muli %scan3A_415, %mul3A_903 : i32
        %add3A_905 = arith.constant 3 : i32
        %add3A_906 = arith.addi %mul3A_904, %add3A_905 : i32
        %get3A_907 = arith.constant 0 : i32
        %get3A_908 = arith.index_cast %get3A_907 : i32 to index
        %get3A_909 = arith.index_cast %add3A_906 : i32 to index
        %get3A_910 = arith.constant 64 : index
        %get3A_911 = tpu.vector_load %arg8[%get3A_908, %get3A_909, %get3A_910] {strides = array<i32>} : memref<4x128x128xf32, #tpu.memory_space<vmem>>, vector<1x1x16xf32>,
        %get3A_912 = vector.shape_cast %get3A_911 : vector<1x1x16xf32> to vector<16xf32>
        %mul3A_913 = arith.mulf %get3A_438, %get3A_912 : vector<16xf32>
        %mul3A_914 = arith.constant 8 : i32
        %mul3A_915 = arith.muli %scan3A_415, %mul3A_914 : i32
        %add3A_916 = arith.constant 4 : i32
        %add3A_917 = arith.addi %mul3A_915, %add3A_916 : i32
        %get3A_918 = arith.constant 0 : i32
        %get3A_919 = arith.index_cast %get3A_918 : i32 to index
        %get3A_920 = arith.index_cast %add3A_917 : i32 to index
        %get3A_921 = arith.constant 64 : index
        %get3A_922 = tpu.vector_load %arg8[%get3A_919, %get3A_920, %get3A_921] {strides = array<i32>} : memref<4x128x128xf32, #tpu.memory_space<vmem>>, vector<1x1x16xf32>,
        %get3A_923 = vector.shape_cast %get3A_922 : vector<1x1x16xf32> to vector<16xf32>
        %mul3A_924 = arith.mulf %get3A_444, %get3A_923 : vector<16xf32>
        %mul3A_925 = arith.constant 8 : i32
        %mul3A_926 = arith.muli %scan3A_415, %mul3A_925 : i32
        %add3A_927 = arith.constant 5 : i32
        %add3A_928 = arith.addi %mul3A_926, %add3A_927 : i32
        %get3A_929 = arith.constant 0 : i32
        %get3A_930 = arith.index_cast %get3A_929 : i32 to index
        %get3A_931 = arith.index_cast %add3A_928 : i32 to index
        %get3A_932 = arith.constant 64 : index
        %get3A_933 = tpu.vector_load %arg8[%get3A_930, %get3A_931, %get3A_932] {strides = array<i32>} : memref<4x128x128xf32, #tpu.memory_space<vmem>>, vector<1x1x16xf32>,
        %get3A_934 = vector.shape_cast %get3A_933 : vector<1x1x16xf32> to vector<16xf32>
        %mul3A_935 = arith.mulf %get3A_450, %get3A_934 : vector<16xf32>
        %mul3A_936 = arith.constant 8 : i32
        %mul3A_937 = arith.muli %scan3A_415, %mul3A_936 : i32
        %add3A_938 = arith.constant 6 : i32
        %add3A_939 = arith.addi %mul3A_937, %add3A_938 : i32
        %get3A_940 = arith.constant 0 : i32
        %get3A_941 = arith.index_cast %get3A_940 : i32 to index
        %get3A_942 = arith.index_cast %add3A_939 : i32 to index
        %get3A_943 = arith.constant 64 : index
        %get3A_944 = tpu.vector_load %arg8[%get3A_941, %get3A_942, %get3A_943] {strides = array<i32>} : memref<4x128x128xf32, #tpu.memory_space<vmem>>, vector<1x1x16xf32>,
        %get3A_945 = vector.shape_cast %get3A_944 : vector<1x1x16xf32> to vector<16xf32>
        %mul3A_946 = arith.mulf %get3A_456, %get3A_945 : vector<16xf32>
        %mul3A_947 = arith.constant 8 : i32
        %mul3A_948 = arith.muli %scan3A_415, %mul3A_947 : i32
        %add3A_949 = arith.constant 7 : i32
        %add3A_950 = arith.addi %mul3A_948, %add3A_949 : i32
        %get3A_951 = arith.constant 0 : i32
        %get3A_952 = arith.index_cast %get3A_951 : i32 to index
        %get3A_953 = arith.index_cast %add3A_950 : i32 to index
        %get3A_954 = arith.constant 64 : index
        %get3A_955 = tpu.vector_load %arg8[%get3A_952, %get3A_953, %get3A_954] {strides = array<i32>} : memref<4x128x128xf32, #tpu.memory_space<vmem>>, vector<1x1x16xf32>,
        %get3A_956 = vector.shape_cast %get3A_955 : vector<1x1x16xf32> to vector<16xf32>
        %mul3A_957 = arith.mulf %get3A_462, %get3A_956 : vector<16xf32>
        %add3A_958 = arith.addf %mul3A_880, %mul3A_891 : vector<16xf32>
        %add3A_959 = arith.addf %mul3A_902, %mul3A_913 : vector<16xf32>
        %add3A_960 = arith.addf %mul3A_924, %mul3A_935 : vector<16xf32>
        %add3A_961 = arith.addf %mul3A_946, %mul3A_957 : vector<16xf32>
        %add3A_962 = arith.addf %add3A_958, %add3A_959 : vector<16xf32>
        %add3A_963 = arith.addf %add3A_960, %add3A_961 : vector<16xf32>
        %add3A_964 = arith.addf %add3A_962, %add3A_963 : vector<16xf32>
        %swap3A_965 = arith.constant 0 : i32
        %swap3A_966 = arith.index_cast %swap3A_965 : i32 to index
        %swap3A_967 = arith.index_cast %scan3A_415 : i32 to index
        %swap3A_968 = arith.constant 64 : index
        %swap3A_969 = tpu.vector_load %arg9[%swap3A_966, %swap3A_967, %swap3A_968] {strides = array<i32>} : memref<4x16x128xf32, #tpu.memory_space<vmem>>, vector<1x1x16xf32>,
        %swap3A_970 = vector.shape_cast %swap3A_969 : vector<1x1x16xf32> to vector<16xf32>
        %swap3A_971 = vector.shape_cast %add3A_964 : vector<16xf32> to vector<1x1x16xf32>
        tpu.vector_store %arg9[%swap3A_966, %swap3A_967, %swap3A_968], %swap3A_971 {strides = array<i32>} : memref<4x16x128xf32, #tpu.memory_space<vmem>>, vector<1x1x16xf32>,
        %mul3A_972 = arith.constant 8 : i32
        %mul3A_973 = arith.muli %scan3A_415, %mul3A_972 : i32
        %add3A_974 = arith.constant 0 : i32
        %add3A_975 = arith.addi %mul3A_973, %add3A_974 : i32
        %get3A_976 = arith.constant 0 : i32
        %get3A_977 = arith.index_cast %get3A_976 : i32 to index
        %get3A_978 = arith.index_cast %add3A_975 : i32 to index
        %get3A_979 = arith.constant 80 : index
        %get3A_980 = tpu.vector_load %arg8[%get3A_977, %get3A_978, %get3A_979] {strides = array<i32>} : memref<4x128x128xf32, #tpu.memory_space<vmem>>, vector<1x1x16xf32>,
        %get3A_981 = vector.shape_cast %get3A_980 : vector<1x1x16xf32> to vector<16xf32>
        %mul3A_982 = arith.mulf %get3A_420, %get3A_981 : vector<16xf32>
        %mul3A_983 = arith.constant 8 : i32
        %mul3A_984 = arith.muli %scan3A_415, %mul3A_983 : i32
        %add3A_985 = arith.constant 1 : i32
        %add3A_986 = arith.addi %mul3A_984, %add3A_985 : i32
        %get3A_987 = arith.constant 0 : i32
        %get3A_988 = arith.index_cast %get3A_987 : i32 to index
        %get3A_989 = arith.index_cast %add3A_986 : i32 to index
        %get3A_990 = arith.constant 80 : index
        %get3A_991 = tpu.vector_load %arg8[%get3A_988, %get3A_989, %get3A_990] {strides = array<i32>} : memref<4x128x128xf32, #tpu.memory_space<vmem>>, vector<1x1x16xf32>,
        %get3A_992 = vector.shape_cast %get3A_991 : vector<1x1x16xf32> to vector<16xf32>
        %mul3A_993 = arith.mulf %get3A_426, %get3A_992 : vector<16xf32>
        %mul3A_994 = arith.constant 8 : i32
        %mul3A_995 = arith.muli %scan3A_415, %mul3A_994 : i32
        %add3A_996 = arith.constant 2 : i32
        %add3A_997 = arith.addi %mul3A_995, %add3A_996 : i32
        %get3A_998 = arith.constant 0 : i32
        %get3A_999 = arith.index_cast %get3A_998 : i32 to index
        %get3A_1000 = arith.index_cast %add3A_997 : i32 to index
        %get3A_1001 = arith.constant 80 : index
        %get3A_1002 = tpu.vector_load %arg8[%get3A_999, %get3A_1000, %get3A_1001] {strides = array<i32>} : memref<4x128x128xf32, #tpu.memory_space<vmem>>, vector<1x1x16xf32>,
        %get3A_1003 = vector.shape_cast %get3A_1002 : vector<1x1x16xf32> to vector<16xf32>
        %mul3A_1004 = arith.mulf %get3A_432, %get3A_1003 : vector<16xf32>
        %mul3A_1005 = arith.constant 8 : i32
        %mul3A_1006 = arith.muli %scan3A_415, %mul3A_1005 : i32
        %add3A_1007 = arith.constant 3 : i32
        %add3A_1008 = arith.addi %mul3A_1006, %add3A_1007 : i32
        %get3A_1009 = arith.constant 0 : i32
        %get3A_1010 = arith.index_cast %get3A_1009 : i32 to index
        %get3A_1011 = arith.index_cast %add3A_1008 : i32 to index
        %get3A_1012 = arith.constant 80 : index
        %get3A_1013 = tpu.vector_load %arg8[%get3A_1010, %get3A_1011, %get3A_1012] {strides = array<i32>} : memref<4x128x128xf32, #tpu.memory_space<vmem>>, vector<1x1x16xf32>,
        %get3A_1014 = vector.shape_cast %get3A_1013 : vector<1x1x16xf32> to vector<16xf32>
        %mul3A_1015 = arith.mulf %get3A_438, %get3A_1014 : vector<16xf32>
        %mul3A_1016 = arith.constant 8 : i32
        %mul3A_1017 = arith.muli %scan3A_415, %mul3A_1016 : i32
        %add3A_1018 = arith.constant 4 : i32
        %add3A_1019 = arith.addi %mul3A_1017, %add3A_1018 : i32
        %get3A_1020 = arith.constant 0 : i32
        %get3A_1021 = arith.index_cast %get3A_1020 : i32 to index
        %get3A_1022 = arith.index_cast %add3A_1019 : i32 to index
        %get3A_1023 = arith.constant 80 : index
        %get3A_1024 = tpu.vector_load %arg8[%get3A_1021, %get3A_1022, %get3A_1023] {strides = array<i32>} : memref<4x128x128xf32, #tpu.memory_space<vmem>>, vector<1x1x16xf32>,
        %get3A_1025 = vector.shape_cast %get3A_1024 : vector<1x1x16xf32> to vector<16xf32>
        %mul3A_1026 = arith.mulf %get3A_444, %get3A_1025 : vector<16xf32>
        %mul3A_1027 = arith.constant 8 : i32
        %mul3A_1028 = arith.muli %scan3A_415, %mul3A_1027 : i32
        %add3A_1029 = arith.constant 5 : i32
        %add3A_1030 = arith.addi %mul3A_1028, %add3A_1029 : i32
        %get3A_1031 = arith.constant 0 : i32
        %get3A_1032 = arith.index_cast %get3A_1031 : i32 to index
        %get3A_1033 = arith.index_cast %add3A_1030 : i32 to index
        %get3A_1034 = arith.constant 80 : index
        %get3A_1035 = tpu.vector_load %arg8[%get3A_1032, %get3A_1033, %get3A_1034] {strides = array<i32>} : memref<4x128x128xf32, #tpu.memory_space<vmem>>, vector<1x1x16xf32>,
        %get3A_1036 = vector.shape_cast %get3A_1035 : vector<1x1x16xf32> to vector<16xf32>
        %mul3A_1037 = arith.mulf %get3A_450, %get3A_1036 : vector<16xf32>
        %mul3A_1038 = arith.constant 8 : i32
        %mul3A_1039 = arith.muli %scan3A_415, %mul3A_1038 : i32
        %add3A_1040 = arith.constant 6 : i32
        %add3A_1041 = arith.addi %mul3A_1039, %add3A_1040 : i32
        %get3A_1042 = arith.constant 0 : i32
        %get3A_1043 = arith.index_cast %get3A_1042 : i32 to index
        %get3A_1044 = arith.index_cast %add3A_1041 : i32 to index
        %get3A_1045 = arith.constant 80 : index
        %get3A_1046 = tpu.vector_load %arg8[%get3A_1043, %get3A_1044, %get3A_1045] {strides = array<i32>} : memref<4x128x128xf32, #tpu.memory_space<vmem>>, vector<1x1x16xf32>,
        %get3A_1047 = vector.shape_cast %get3A_1046 : vector<1x1x16xf32> to vector<16xf32>
        %mul3A_1048 = arith.mulf %get3A_456, %get3A_1047 : vector<16xf32>
        %mul3A_1049 = arith.constant 8 : i32
        %mul3A_1050 = arith.muli %scan3A_415, %mul3A_1049 : i32
        %add3A_1051 = arith.constant 7 : i32
        %add3A_1052 = arith.addi %mul3A_1050, %add3A_1051 : i32
        %get3A_1053 = arith.constant 0 : i32
        %get3A_1054 = arith.index_cast %get3A_1053 : i32 to index
        %get3A_1055 = arith.index_cast %add3A_1052 : i32 to index
        %get3A_1056 = arith.constant 80 : index
        %get3A_1057 = tpu.vector_load %arg8[%get3A_1054, %get3A_1055, %get3A_1056] {strides = array<i32>} : memref<4x128x128xf32, #tpu.memory_space<vmem>>, vector<1x1x16xf32>,
        %get3A_1058 = vector.shape_cast %get3A_1057 : vector<1x1x16xf32> to vector<16xf32>
        %mul3A_1059 = arith.mulf %get3A_462, %get3A_1058 : vector<16xf32>
        %add3A_1060 = arith.addf %mul3A_982, %mul3A_993 : vector<16xf32>
        %add3A_1061 = arith.addf %mul3A_1004, %mul3A_1015 : vector<16xf32>
        %add3A_1062 = arith.addf %mul3A_1026, %mul3A_1037 : vector<16xf32>
        %add3A_1063 = arith.addf %mul3A_1048, %mul3A_1059 : vector<16xf32>
        %add3A_1064 = arith.addf %add3A_1060, %add3A_1061 : vector<16xf32>
        %add3A_1065 = arith.addf %add3A_1062, %add3A_1063 : vector<16xf32>
        %add3A_1066 = arith.addf %add3A_1064, %add3A_1065 : vector<16xf32>
        %swap3A_1067 = arith.constant 0 : i32
        %swap3A_1068 = arith.index_cast %swap3A_1067 : i32 to index
        %swap3A_1069 = arith.index_cast %scan3A_415 : i32 to index
        %swap3A_1070 = arith.constant 80 : index
        %swap3A_1071 = tpu.vector_load %arg9[%swap3A_1068, %swap3A_1069, %swap3A_1070] {strides = array<i32>} : memref<4x16x128xf32, #tpu.memory_space<vmem>>, vector<1x1x16xf32>,
        %swap3A_1072 = vector.shape_cast %swap3A_1071 : vector<1x1x16xf32> to vector<16xf32>
        %swap3A_1073 = vector.shape_cast %add3A_1066 : vector<16xf32> to vector<1x1x16xf32>
        tpu.vector_store %arg9[%swap3A_1068, %swap3A_1069, %swap3A_1070], %swap3A_1073 {strides = array<i32>} : memref<4x16x128xf32, #tpu.memory_space<vmem>>, vector<1x1x16xf32>,
        %mul3A_1074 = arith.constant 8 : i32
        %mul3A_1075 = arith.muli %scan3A_415, %mul3A_1074 : i32
        %add3A_1076 = arith.constant 0 : i32
        %add3A_1077 = arith.addi %mul3A_1075, %add3A_1076 : i32
        %get3A_1078 = arith.constant 0 : i32
        %get3A_1079 = arith.index_cast %get3A_1078 : i32 to index
        %get3A_1080 = arith.index_cast %add3A_1077 : i32 to index
        %get3A_1081 = arith.constant 96 : index
        %get3A_1082 = tpu.vector_load %arg8[%get3A_1079, %get3A_1080, %get3A_1081] {strides = array<i32>} : memref<4x128x128xf32, #tpu.memory_space<vmem>>, vector<1x1x16xf32>,
        %get3A_1083 = vector.shape_cast %get3A_1082 : vector<1x1x16xf32> to vector<16xf32>
        %mul3A_1084 = arith.mulf %get3A_420, %get3A_1083 : vector<16xf32>
        %mul3A_1085 = arith.constant 8 : i32
        %mul3A_1086 = arith.muli %scan3A_415, %mul3A_1085 : i32
        %add3A_1087 = arith.constant 1 : i32
        %add3A_1088 = arith.addi %mul3A_1086, %add3A_1087 : i32
        %get3A_1089 = arith.constant 0 : i32
        %get3A_1090 = arith.index_cast %get3A_1089 : i32 to index
        %get3A_1091 = arith.index_cast %add3A_1088 : i32 to index
        %get3A_1092 = arith.constant 96 : index
        %get3A_1093 = tpu.vector_load %arg8[%get3A_1090, %get3A_1091, %get3A_1092] {strides = array<i32>} : memref<4x128x128xf32, #tpu.memory_space<vmem>>, vector<1x1x16xf32>,
        %get3A_1094 = vector.shape_cast %get3A_1093 : vector<1x1x16xf32> to vector<16xf32>
        %mul3A_1095 = arith.mulf %get3A_426, %get3A_1094 : vector<16xf32>
        %mul3A_1096 = arith.constant 8 : i32
        %mul3A_1097 = arith.muli %scan3A_415, %mul3A_1096 : i32
        %add3A_1098 = arith.constant 2 : i32
        %add3A_1099 = arith.addi %mul3A_1097, %add3A_1098 : i32
        %get3A_1100 = arith.constant 0 : i32
        %get3A_1101 = arith.index_cast %get3A_1100 : i32 to index
        %get3A_1102 = arith.index_cast %add3A_1099 : i32 to index
        %get3A_1103 = arith.constant 96 : index
        %get3A_1104 = tpu.vector_load %arg8[%get3A_1101, %get3A_1102, %get3A_1103] {strides = array<i32>} : memref<4x128x128xf32, #tpu.memory_space<vmem>>, vector<1x1x16xf32>,
        %get3A_1105 = vector.shape_cast %get3A_1104 : vector<1x1x16xf32> to vector<16xf32>
        %mul3A_1106 = arith.mulf %get3A_432, %get3A_1105 : vector<16xf32>
        %mul3A_1107 = arith.constant 8 : i32
        %mul3A_1108 = arith.muli %scan3A_415, %mul3A_1107 : i32
        %add3A_1109 = arith.constant 3 : i32
        %add3A_1110 = arith.addi %mul3A_1108, %add3A_1109 : i32
        %get3A_1111 = arith.constant 0 : i32
        %get3A_1112 = arith.index_cast %get3A_1111 : i32 to index
        %get3A_1113 = arith.index_cast %add3A_1110 : i32 to index
        %get3A_1114 = arith.constant 96 : index
        %get3A_1115 = tpu.vector_load %arg8[%get3A_1112, %get3A_1113, %get3A_1114] {strides = array<i32>} : memref<4x128x128xf32, #tpu.memory_space<vmem>>, vector<1x1x16xf32>,
        %get3A_1116 = vector.shape_cast %get3A_1115 : vector<1x1x16xf32> to vector<16xf32>
        %mul3A_1117 = arith.mulf %get3A_438, %get3A_1116 : vector<16xf32>
        %mul3A_1118 = arith.constant 8 : i32
        %mul3A_1119 = arith.muli %scan3A_415, %mul3A_1118 : i32
        %add3A_1120 = arith.constant 4 : i32
        %add3A_1121 = arith.addi %mul3A_1119, %add3A_1120 : i32
        %get3A_1122 = arith.constant 0 : i32
        %get3A_1123 = arith.index_cast %get3A_1122 : i32 to index
        %get3A_1124 = arith.index_cast %add3A_1121 : i32 to index
        %get3A_1125 = arith.constant 96 : index
        %get3A_1126 = tpu.vector_load %arg8[%get3A_1123, %get3A_1124, %get3A_1125] {strides = array<i32>} : memref<4x128x128xf32, #tpu.memory_space<vmem>>, vector<1x1x16xf32>,
        %get3A_1127 = vector.shape_cast %get3A_1126 : vector<1x1x16xf32> to vector<16xf32>
        %mul3A_1128 = arith.mulf %get3A_444, %get3A_1127 : vector<16xf32>
        %mul3A_1129 = arith.constant 8 : i32
        %mul3A_1130 = arith.muli %scan3A_415, %mul3A_1129 : i32
        %add3A_1131 = arith.constant 5 : i32
        %add3A_1132 = arith.addi %mul3A_1130, %add3A_1131 : i32
        %get3A_1133 = arith.constant 0 : i32
        %get3A_1134 = arith.index_cast %get3A_1133 : i32 to index
        %get3A_1135 = arith.index_cast %add3A_1132 : i32 to index
        %get3A_1136 = arith.constant 96 : index
        %get3A_1137 = tpu.vector_load %arg8[%get3A_1134, %get3A_1135, %get3A_1136] {strides = array<i32>} : memref<4x128x128xf32, #tpu.memory_space<vmem>>, vector<1x1x16xf32>,
        %get3A_1138 = vector.shape_cast %get3A_1137 : vector<1x1x16xf32> to vector<16xf32>
        %mul3A_1139 = arith.mulf %get3A_450, %get3A_1138 : vector<16xf32>
        %mul3A_1140 = arith.constant 8 : i32
        %mul3A_1141 = arith.muli %scan3A_415, %mul3A_1140 : i32
        %add3A_1142 = arith.constant 6 : i32
        %add3A_1143 = arith.addi %mul3A_1141, %add3A_1142 : i32
        %get3A_1144 = arith.constant 0 : i32
        %get3A_1145 = arith.index_cast %get3A_1144 : i32 to index
        %get3A_1146 = arith.index_cast %add3A_1143 : i32 to index
        %get3A_1147 = arith.constant 96 : index
        %get3A_1148 = tpu.vector_load %arg8[%get3A_1145, %get3A_1146, %get3A_1147] {strides = array<i32>} : memref<4x128x128xf32, #tpu.memory_space<vmem>>, vector<1x1x16xf32>,
        %get3A_1149 = vector.shape_cast %get3A_1148 : vector<1x1x16xf32> to vector<16xf32>
        %mul3A_1150 = arith.mulf %get3A_456, %get3A_1149 : vector<16xf32>
        %mul3A_1151 = arith.constant 8 : i32
        %mul3A_1152 = arith.muli %scan3A_415, %mul3A_1151 : i32
        %add3A_1153 = arith.constant 7 : i32
        %add3A_1154 = arith.addi %mul3A_1152, %add3A_1153 : i32
        %get3A_1155 = arith.constant 0 : i32
        %get3A_1156 = arith.index_cast %get3A_1155 : i32 to index
        %get3A_1157 = arith.index_cast %add3A_1154 : i32 to index
        %get3A_1158 = arith.constant 96 : index
        %get3A_1159 = tpu.vector_load %arg8[%get3A_1156, %get3A_1157, %get3A_1158] {strides = array<i32>} : memref<4x128x128xf32, #tpu.memory_space<vmem>>, vector<1x1x16xf32>,
        %get3A_1160 = vector.shape_cast %get3A_1159 : vector<1x1x16xf32> to vector<16xf32>
        %mul3A_1161 = arith.mulf %get3A_462, %get3A_1160 : vector<16xf32>
        %add3A_1162 = arith.addf %mul3A_1084, %mul3A_1095 : vector<16xf32>
        %add3A_1163 = arith.addf %mul3A_1106, %mul3A_1117 : vector<16xf32>
        %add3A_1164 = arith.addf %mul3A_1128, %mul3A_1139 : vector<16xf32>
        %add3A_1165 = arith.addf %mul3A_1150, %mul3A_1161 : vector<16xf32>
        %add3A_1166 = arith.addf %add3A_1162, %add3A_1163 : vector<16xf32>
        %add3A_1167 = arith.addf %add3A_1164, %add3A_1165 : vector<16xf32>
        %add3A_1168 = arith.addf %add3A_1166, %add3A_1167 : vector<16xf32>
        %swap3A_1169 = arith.constant 0 : i32
        %swap3A_1170 = arith.index_cast %swap3A_1169 : i32 to index
        %swap3A_1171 = arith.index_cast %scan3A_415 : i32 to index
        %swap3A_1172 = arith.constant 96 : index
        %swap3A_1173 = tpu.vector_load %arg9[%swap3A_1170, %swap3A_1171, %swap3A_1172] {strides = array<i32>} : memref<4x16x128xf32, #tpu.memory_space<vmem>>, vector<1x1x16xf32>,
        %swap3A_1174 = vector.shape_cast %swap3A_1173 : vector<1x1x16xf32> to vector<16xf32>
        %swap3A_1175 = vector.shape_cast %add3A_1168 : vector<16xf32> to vector<1x1x16xf32>
        tpu.vector_store %arg9[%swap3A_1170, %swap3A_1171, %swap3A_1172], %swap3A_1175 {strides = array<i32>} : memref<4x16x128xf32, #tpu.memory_space<vmem>>, vector<1x1x16xf32>,
        %mul3A_1176 = arith.constant 8 : i32
        %mul3A_1177 = arith.muli %scan3A_415, %mul3A_1176 : i32
        %add3A_1178 = arith.constant 0 : i32
        %add3A_1179 = arith.addi %mul3A_1177, %add3A_1178 : i32
        %get3A_1180 = arith.constant 0 : i32
        %get3A_1181 = arith.index_cast %get3A_1180 : i32 to index
        %get3A_1182 = arith.index_cast %add3A_1179 : i32 to index
        %get3A_1183 = arith.constant 112 : index
        %get3A_1184 = tpu.vector_load %arg8[%get3A_1181, %get3A_1182, %get3A_1183] {strides = array<i32>} : memref<4x128x128xf32, #tpu.memory_space<vmem>>, vector<1x1x16xf32>,
        %get3A_1185 = vector.shape_cast %get3A_1184 : vector<1x1x16xf32> to vector<16xf32>
        %mul3A_1186 = arith.mulf %get3A_420, %get3A_1185 : vector<16xf32>
        %mul3A_1187 = arith.constant 8 : i32
        %mul3A_1188 = arith.muli %scan3A_415, %mul3A_1187 : i32
        %add3A_1189 = arith.constant 1 : i32
        %add3A_1190 = arith.addi %mul3A_1188, %add3A_1189 : i32
        %get3A_1191 = arith.constant 0 : i32
        %get3A_1192 = arith.index_cast %get3A_1191 : i32 to index
        %get3A_1193 = arith.index_cast %add3A_1190 : i32 to index
        %get3A_1194 = arith.constant 112 : index
        %get3A_1195 = tpu.vector_load %arg8[%get3A_1192, %get3A_1193, %get3A_1194] {strides = array<i32>} : memref<4x128x128xf32, #tpu.memory_space<vmem>>, vector<1x1x16xf32>,
        %get3A_1196 = vector.shape_cast %get3A_1195 : vector<1x1x16xf32> to vector<16xf32>
        %mul3A_1197 = arith.mulf %get3A_426, %get3A_1196 : vector<16xf32>
        %mul3A_1198 = arith.constant 8 : i32
        %mul3A_1199 = arith.muli %scan3A_415, %mul3A_1198 : i32
        %add3A_1200 = arith.constant 2 : i32
        %add3A_1201 = arith.addi %mul3A_1199, %add3A_1200 : i32
        %get3A_1202 = arith.constant 0 : i32
        %get3A_1203 = arith.index_cast %get3A_1202 : i32 to index
        %get3A_1204 = arith.index_cast %add3A_1201 : i32 to index
        %get3A_1205 = arith.constant 112 : index
        %get3A_1206 = tpu.vector_load %arg8[%get3A_1203, %get3A_1204, %get3A_1205] {strides = array<i32>} : memref<4x128x128xf32, #tpu.memory_space<vmem>>, vector<1x1x16xf32>,
        %get3A_1207 = vector.shape_cast %get3A_1206 : vector<1x1x16xf32> to vector<16xf32>
        %mul3A_1208 = arith.mulf %get3A_432, %get3A_1207 : vector<16xf32>
        %mul3A_1209 = arith.constant 8 : i32
        %mul3A_1210 = arith.muli %scan3A_415, %mul3A_1209 : i32
        %add3A_1211 = arith.constant 3 : i32
        %add3A_1212 = arith.addi %mul3A_1210, %add3A_1211 : i32
        %get3A_1213 = arith.constant 0 : i32
        %get3A_1214 = arith.index_cast %get3A_1213 : i32 to index
        %get3A_1215 = arith.index_cast %add3A_1212 : i32 to index
        %get3A_1216 = arith.constant 112 : index
        %get3A_1217 = tpu.vector_load %arg8[%get3A_1214, %get3A_1215, %get3A_1216] {strides = array<i32>} : memref<4x128x128xf32, #tpu.memory_space<vmem>>, vector<1x1x16xf32>,
        %get3A_1218 = vector.shape_cast %get3A_1217 : vector<1x1x16xf32> to vector<16xf32>
        %mul3A_1219 = arith.mulf %get3A_438, %get3A_1218 : vector<16xf32>
        %mul3A_1220 = arith.constant 8 : i32
        %mul3A_1221 = arith.muli %scan3A_415, %mul3A_1220 : i32
        %add3A_1222 = arith.constant 4 : i32
        %add3A_1223 = arith.addi %mul3A_1221, %add3A_1222 : i32
        %get3A_1224 = arith.constant 0 : i32
        %get3A_1225 = arith.index_cast %get3A_1224 : i32 to index
        %get3A_1226 = arith.index_cast %add3A_1223 : i32 to index
        %get3A_1227 = arith.constant 112 : index
        %get3A_1228 = tpu.vector_load %arg8[%get3A_1225, %get3A_1226, %get3A_1227] {strides = array<i32>} : memref<4x128x128xf32, #tpu.memory_space<vmem>>, vector<1x1x16xf32>,
        %get3A_1229 = vector.shape_cast %get3A_1228 : vector<1x1x16xf32> to vector<16xf32>
        %mul3A_1230 = arith.mulf %get3A_444, %get3A_1229 : vector<16xf32>
        %mul3A_1231 = arith.constant 8 : i32
        %mul3A_1232 = arith.muli %scan3A_415, %mul3A_1231 : i32
        %add3A_1233 = arith.constant 5 : i32
        %add3A_1234 = arith.addi %mul3A_1232, %add3A_1233 : i32
        %get3A_1235 = arith.constant 0 : i32
        %get3A_1236 = arith.index_cast %get3A_1235 : i32 to index
        %get3A_1237 = arith.index_cast %add3A_1234 : i32 to index
        %get3A_1238 = arith.constant 112 : index
        %get3A_1239 = tpu.vector_load %arg8[%get3A_1236, %get3A_1237, %get3A_1238] {strides = array<i32>} : memref<4x128x128xf32, #tpu.memory_space<vmem>>, vector<1x1x16xf32>,
        %get3A_1240 = vector.shape_cast %get3A_1239 : vector<1x1x16xf32> to vector<16xf32>
        %mul3A_1241 = arith.mulf %get3A_450, %get3A_1240 : vector<16xf32>
        %mul3A_1242 = arith.constant 8 : i32
        %mul3A_1243 = arith.muli %scan3A_415, %mul3A_1242 : i32
        %add3A_1244 = arith.constant 6 : i32
        %add3A_1245 = arith.addi %mul3A_1243, %add3A_1244 : i32
        %get3A_1246 = arith.constant 0 : i32
        %get3A_1247 = arith.index_cast %get3A_1246 : i32 to index
        %get3A_1248 = arith.index_cast %add3A_1245 : i32 to index
        %get3A_1249 = arith.constant 112 : index
        %get3A_1250 = tpu.vector_load %arg8[%get3A_1247, %get3A_1248, %get3A_1249] {strides = array<i32>} : memref<4x128x128xf32, #tpu.memory_space<vmem>>, vector<1x1x16xf32>,
        %get3A_1251 = vector.shape_cast %get3A_1250 : vector<1x1x16xf32> to vector<16xf32>
        %mul3A_1252 = arith.mulf %get3A_456, %get3A_1251 : vector<16xf32>
        %mul3A_1253 = arith.constant 8 : i32
        %mul3A_1254 = arith.muli %scan3A_415, %mul3A_1253 : i32
        %add3A_1255 = arith.constant 7 : i32
        %add3A_1256 = arith.addi %mul3A_1254, %add3A_1255 : i32
        %get3A_1257 = arith.constant 0 : i32
        %get3A_1258 = arith.index_cast %get3A_1257 : i32 to index
        %get3A_1259 = arith.index_cast %add3A_1256 : i32 to index
        %get3A_1260 = arith.constant 112 : index
        %get3A_1261 = tpu.vector_load %arg8[%get3A_1258, %get3A_1259, %get3A_1260] {strides = array<i32>} : memref<4x128x128xf32, #tpu.memory_space<vmem>>, vector<1x1x16xf32>,
        %get3A_1262 = vector.shape_cast %get3A_1261 : vector<1x1x16xf32> to vector<16xf32>
        %mul3A_1263 = arith.mulf %get3A_462, %get3A_1262 : vector<16xf32>
        %add3A_1264 = arith.addf %mul3A_1186, %mul3A_1197 : vector<16xf32>
        %add3A_1265 = arith.addf %mul3A_1208, %mul3A_1219 : vector<16xf32>
        %add3A_1266 = arith.addf %mul3A_1230, %mul3A_1241 : vector<16xf32>
        %add3A_1267 = arith.addf %mul3A_1252, %mul3A_1263 : vector<16xf32>
        %add3A_1268 = arith.addf %add3A_1264, %add3A_1265 : vector<16xf32>
        %add3A_1269 = arith.addf %add3A_1266, %add3A_1267 : vector<16xf32>
        %add3A_1270 = arith.addf %add3A_1268, %add3A_1269 : vector<16xf32>
        %swap3A_1271 = arith.constant 0 : i32
        %swap3A_1272 = arith.index_cast %swap3A_1271 : i32 to index
        %swap3A_1273 = arith.index_cast %scan3A_415 : i32 to index
        %swap3A_1274 = arith.constant 112 : index
        %swap3A_1275 = tpu.vector_load %arg9[%swap3A_1272, %swap3A_1273, %swap3A_1274] {strides = array<i32>} : memref<4x16x128xf32, #tpu.memory_space<vmem>>, vector<1x1x16xf32>,
        %swap3A_1276 = vector.shape_cast %swap3A_1275 : vector<1x1x16xf32> to vector<16xf32>
        %swap3A_1277 = vector.shape_cast %add3A_1270 : vector<16xf32> to vector<1x1x16xf32>
        tpu.vector_store %arg9[%swap3A_1272, %swap3A_1273, %swap3A_1274], %swap3A_1277 {strides = array<i32>} : memref<4x16x128xf32, #tpu.memory_space<vmem>>, vector<1x1x16xf32>,
      }
      %scan3A_203 = arith.constant 16 : i32
      %add3A_204 = arith.constant 4 : i32
      %add3A_205 = arith.addi %add3A_170, %add3A_204 : i32
      %lt3A = arith.constant 32 : i32
      %lt3A_206 = arith.cmpi slt, %add3A_205, %lt3A : i32
      %convert_element_type3A_207 = arith.extui %lt3A_206 : i1 to i32
      %cond3A_208 = arith.constant 0 : i32
      %cond3A_209 = arith.cmpi ne, %convert_element_type3A_207, %cond3A_208 : i32
      scf.if %cond3A_209 {
        %add3A_415 = arith.constant 4 : i32
        %add3A_416 = arith.addi %add3A_170, %add3A_415 : i32
        %dma_start3A_417 = arith.constant 0 : i32
        %dma_start3A_418 = arith.constant 0 : i32
        %dma_start3A_419 = arith.constant 0 : i32
        %dma_start3A_420 = tpu.memref_slice %arg8[%dma_start3A_417, %dma_start3A_418, %dma_start3A_419] : memref<4x128x128xf32, #tpu.memory_space<vmem>> -> memref<1x128x128xf32, #tpu.memory_space<vmem>>
        %dma_start3A_421 = tpu.memref_squeeze %dma_start3A_420 : memref<1x128x128xf32, #tpu.memory_space<vmem>> -> memref<128x128xf32, #tpu.memory_space<vmem>>
        %dma_start3A_422 = arith.constant 0 : i32
        %dma_start3A_423 = tpu.memref_slice %arg6[%add3A_416, %dma_start3A_422] : memref<32x128xi32, #tpu.memory_space<vmem>> -> memref<1x128xi32, #tpu.memory_space<vmem>>
        %dma_start3A_424 = tpu.memref_squeeze %dma_start3A_423 : memref<1x128xi32, #tpu.memory_space<vmem>> -> memref<128xi32, #tpu.memory_space<vmem>>
        %dma_start3A_425 = arith.constant 0 : i32
        %dma_start3A_426 = arith.constant 0 : i32
        %dma_start3A_427 = tpu.memref_slice %arg2[%dma_start3A_425, %dma_start3A_426] : memref<262144x128xf32, #tpu.memory_space<hbm>> -> memref<262144x128xf32, #tpu.memory_space<hbm>>
        tpu.enqueue_indirect_dma source(%dma_start3A_427 : memref<262144x128xf32, #tpu.memory_space<hbm>>) target(%dma_start3A_421 : memref<128x128xf32, #tpu.memory_space<vmem>>) offsets(%dma_start3A_424 : memref<128xi32, #tpu.memory_space<vmem>>) semaphore(%arg10 : memref<!tpu.dma_semaphore, #tpu.memory_space<semaphore_mem>>)
        %mul3A_428 = arith.constant 16 : i32
        %mul3A_429 = arith.muli %add3A_416, %mul3A_428 : i32
        %add3A_430 = arith.addi %mul3A_2, %mul3A_429 : i32
        %dma_start3A_431 = arith.constant 0 : i32
        %dma_start3A_432 = arith.constant 0 : i32
        %dma_start3A_433 = arith.constant 0 : i32
        %dma_start3A_434 = tpu.memref_slice %arg7[%dma_start3A_431, %dma_start3A_432, %dma_start3A_433] : memref<4x16x128xf32, #tpu.memory_space<vmem>> -> memref<1x16x128xf32, #tpu.memory_space<vmem>>
        %dma_start3A_435 = tpu.memref_squeeze %dma_start3A_434 : memref<1x16x128xf32, #tpu.memory_space<vmem>> -> memref<16x128xf32, #tpu.memory_space<vmem>>
        %dma_start3A_436 = arith.constant 0 : i32
        %dma_start3A_437 = tpu.memref_slice %arg4[%add3A_430, %dma_start3A_436] : memref<16384x128xf32, #tpu.memory_space<hbm>> -> memref<16x128xf32, #tpu.memory_space<hbm>>
        %dma_start3A_438 = arith.constant 0 : i32
        %dma_start3A_439 = arith.constant 0 : i32
        %dma_start3A_440 = tpu.memref_slice %arg7[%dma_start3A_431, %dma_start3A_438, %dma_start3A_439] : memref<4x16x128xf32, #tpu.memory_space<vmem>> -> memref<1x16x128xf32, #tpu.memory_space<vmem>>
        %dma_start3A_441 = tpu.memref_squeeze %dma_start3A_440 : memref<1x16x128xf32, #tpu.memory_space<vmem>> -> memref<16x128xf32, #tpu.memory_space<vmem>>
        %dma_start3A_442 = arith.constant 0 : i32
        %dma_start3A_443 = tpu.memref_slice %arg4[%add3A_430, %dma_start3A_442] : memref<16384x128xf32, #tpu.memory_space<hbm>> -> memref<16x128xf32, #tpu.memory_space<hbm>>
        tpu.enqueue_dma source(%dma_start3A_443 : memref<16x128xf32, #tpu.memory_space<hbm>>) target(%dma_start3A_441 : memref<16x128xf32, #tpu.memory_space<vmem>>) target_semaphore(%arg14 : memref<!tpu.dma_semaphore, #tpu.memory_space<semaphore_mem>>)
      } else {
      }
      %mul3A_210 = arith.constant 16 : i32
      %mul3A_211 = arith.muli %add3A_170, %mul3A_210 : i32
      %add3A_212 = arith.addi %mul3A_2, %mul3A_211 : i32
      %dma_start3A_213 = arith.constant 0 : i32
      %dma_start3A_214 = arith.constant 0 : i32
      %dma_start3A_215 = arith.constant 0 : i32
      %dma_start3A_216 = tpu.memref_slice %arg9[%dma_start3A_213, %dma_start3A_214, %dma_start3A_215] : memref<4x16x128xf32, #tpu.memory_space<vmem>> -> memref<1x16x128xf32, #tpu.memory_space<vmem>>
      %dma_start3A_217 = tpu.memref_squeeze %dma_start3A_216 : memref<1x16x128xf32, #tpu.memory_space<vmem>> -> memref<16x128xf32, #tpu.memory_space<vmem>>
      %dma_start3A_218 = arith.constant 0 : i32
      %dma_start3A_219 = tpu.memref_slice %arg5[%add3A_212, %dma_start3A_218] : memref<16384x128xf32, #tpu.memory_space<hbm>> -> memref<16x128xf32, #tpu.memory_space<hbm>>
      %dma_start3A_220 = arith.constant 0 : i32
      %dma_start3A_221 = tpu.memref_slice %arg5[%add3A_212, %dma_start3A_220] : memref<16384x128xf32, #tpu.memory_space<hbm>> -> memref<16x128xf32, #tpu.memory_space<hbm>>
      %dma_start3A_222 = arith.constant 0 : i32
      %dma_start3A_223 = arith.constant 0 : i32
      %dma_start3A_224 = tpu.memref_slice %arg9[%dma_start3A_213, %dma_start3A_222, %dma_start3A_223] : memref<4x16x128xf32, #tpu.memory_space<vmem>> -> memref<1x16x128xf32, #tpu.memory_space<vmem>>
      %dma_start3A_225 = tpu.memref_squeeze %dma_start3A_224 : memref<1x16x128xf32, #tpu.memory_space<vmem>> -> memref<16x128xf32, #tpu.memory_space<vmem>>
      tpu.enqueue_dma source(%dma_start3A_225 : memref<16x128xf32, #tpu.memory_space<vmem>>) target(%dma_start3A_221 : memref<16x128xf32, #tpu.memory_space<hbm>>) target_semaphore(%arg18 : memref<!tpu.dma_semaphore, #tpu.memory_space<semaphore_mem>>)
      %mul3A_226 = arith.constant 4 : i32
      %mul3A_227 = arith.muli %scan3A_166, %mul3A_226 : i32
      %add3A_228 = arith.constant 1 : i32
      %add3A_229 = arith.addi %mul3A_227, %add3A_228 : i32
      %dma_wait3A_230 = arith.constant 1 : i32
      %dma_wait3A_231 = arith.constant 1 : i32
      %dma_wait3A_232 = arith.constant 0 : i32
      %dma_wait3A_233 = arith.constant 0 : i32
      %dma_wait3A_234 = tpu.memref_slice %arg8[%dma_wait3A_231, %dma_wait3A_232, %dma_wait3A_233] : memref<4x128x128xf32, #tpu.memory_space<vmem>> -> memref<1x128x128xf32, #tpu.memory_space<vmem>>
      %dma_wait3A_235 = tpu.memref_squeeze %dma_wait3A_234 : memref<1x128x128xf32, #tpu.memory_space<vmem>> -> memref<128x128xf32, #tpu.memory_space<vmem>>
      %dma_wait3A_236 = arith.constant 0 : i32
      %dma_wait3A_237 = tpu.memref_slice %arg6[%dma_wait3A_230, %dma_wait3A_236] : memref<32x128xi32, #tpu.memory_space<vmem>> -> memref<1x128xi32, #tpu.memory_space<vmem>>
      %dma_wait3A_238 = tpu.memref_squeeze %dma_wait3A_237 : memref<1x128xi32, #tpu.memory_space<vmem>> -> memref<128xi32, #tpu.memory_space<vmem>>
      %dma_wait3A_239 = arith.constant 0 : i32
      %dma_wait3A_240 = arith.constant 0 : i32
      %dma_wait3A_241 = tpu.memref_slice %arg2[%dma_wait3A_239, %dma_wait3A_240] : memref<262144x128xf32, #tpu.memory_space<hbm>> -> memref<262144x128xf32, #tpu.memory_space<hbm>>
      tpu.wait_indirect_dma semaphore(%arg11 : memref<!tpu.dma_semaphore, #tpu.memory_space<semaphore_mem>>) src(%dma_wait3A_241 : memref<262144x128xf32, #tpu.memory_space<hbm>>) dst(%dma_wait3A_235 : memref<128x128xf32, #tpu.memory_space<vmem>>)
      %dma_wait3A_242 = arith.constant 1 : i32
      %dma_wait3A_243 = arith.constant 0 : i32
      %dma_wait3A_244 = arith.constant 0 : i32
      %dma_wait3A_245 = tpu.memref_slice %arg7[%dma_wait3A_242, %dma_wait3A_243, %dma_wait3A_244] : memref<4x16x128xf32, #tpu.memory_space<vmem>> -> memref<1x16x128xf32, #tpu.memory_space<vmem>>
      %dma_wait3A_246 = tpu.memref_squeeze %dma_wait3A_245 : memref<1x16x128xf32, #tpu.memory_space<vmem>> -> memref<16x128xf32, #tpu.memory_space<vmem>>
      %dma_wait3A_247 = arith.constant 0 : i32
      %dma_wait3A_248 = tpu.memref_slice %arg4[%mul3A_2, %dma_wait3A_247] : memref<16384x128xf32, #tpu.memory_space<hbm>> -> memref<16x128xf32, #tpu.memory_space<hbm>>
      %dma_wait3A_249 = arith.constant 0 : i32
      %dma_wait3A_250 = arith.constant 0 : i32
      %dma_wait3A_251 = tpu.memref_slice %arg7[%dma_wait3A_242, %dma_wait3A_249, %dma_wait3A_250] : memref<4x16x128xf32, #tpu.memory_space<vmem>> -> memref<1x16x128xf32, #tpu.memory_space<vmem>>
      %dma_wait3A_252 = tpu.memref_squeeze %dma_wait3A_251 : memref<1x16x128xf32, #tpu.memory_space<vmem>> -> memref<16x128xf32, #tpu.memory_space<vmem>>
      %dma_wait3A_253 = arith.constant 0 : i32
      %dma_wait3A_254 = tpu.memref_slice %arg4[%mul3A_2, %dma_wait3A_253] : memref<16384x128xf32, #tpu.memory_space<hbm>> -> memref<16x128xf32, #tpu.memory_space<hbm>>
      tpu.wait_dma2 semaphore(%arg15 : memref<!tpu.dma_semaphore, #tpu.memory_space<semaphore_mem>>) src(%dma_wait3A_254 : memref<16x128xf32, #tpu.memory_space<hbm>>) dst(%dma_wait3A_252 : memref<16x128xf32, #tpu.memory_space<vmem>>)
      %gt3A_255 = arith.constant 0 : i32
      %gt3A_256 = arith.cmpi sgt, %scan3A_166, %gt3A_255 : i32
      %convert_element_type3A_257 = arith.extui %gt3A_256 : i1 to i32
      %cond3A_258 = arith.constant 0 : i32
      %cond3A_259 = arith.cmpi ne, %convert_element_type3A_257, %cond3A_258 : i32
      scf.if %cond3A_259 {
        %dma_wait3A_415 = arith.constant 1 : i32
        %dma_wait3A_416 = arith.constant 0 : i32
        %dma_wait3A_417 = arith.constant 0 : i32
        %dma_wait3A_418 = tpu.memref_slice %arg9[%dma_wait3A_415, %dma_wait3A_416, %dma_wait3A_417] : memref<4x16x128xf32, #tpu.memory_space<vmem>> -> memref<1x16x128xf32, #tpu.memory_space<vmem>>
        %dma_wait3A_419 = tpu.memref_squeeze %dma_wait3A_418 : memref<1x16x128xf32, #tpu.memory_space<vmem>> -> memref<16x128xf32, #tpu.memory_space<vmem>>
        %dma_wait3A_420 = arith.constant 0 : i32
        %dma_wait3A_421 = tpu.memref_slice %arg5[%mul3A_2, %dma_wait3A_420] : memref<16384x128xf32, #tpu.memory_space<hbm>> -> memref<16x128xf32, #tpu.memory_space<hbm>>
        %dma_wait3A_422 = arith.constant 0 : i32
        %dma_wait3A_423 = tpu.memref_slice %arg5[%mul3A_2, %dma_wait3A_422] : memref<16384x128xf32, #tpu.memory_space<hbm>> -> memref<16x128xf32, #tpu.memory_space<hbm>>
        %dma_wait3A_424 = arith.constant 0 : i32
        %dma_wait3A_425 = arith.constant 0 : i32
        %dma_wait3A_426 = tpu.memref_slice %arg9[%dma_wait3A_415, %dma_wait3A_424, %dma_wait3A_425] : memref<4x16x128xf32, #tpu.memory_space<vmem>> -> memref<1x16x128xf32, #tpu.memory_space<vmem>>
        %dma_wait3A_427 = tpu.memref_squeeze %dma_wait3A_426 : memref<1x16x128xf32, #tpu.memory_space<vmem>> -> memref<16x128xf32, #tpu.memory_space<vmem>>
        tpu.wait_dma2 semaphore(%arg19 : memref<!tpu.dma_semaphore, #tpu.memory_space<semaphore_mem>>) src(%dma_wait3A_427 : memref<16x128xf32, #tpu.memory_space<vmem>>) dst(%dma_wait3A_423 : memref<16x128xf32, #tpu.memory_space<hbm>>)
      } else {
      }
      %scan3A_260 = arith.constant 0 : i32
      %scan3A_261 = arith.constant 0 : i32
      %scan3A_262 = arith.constant 16 : i32
      %scan3A_263 = arith.addi %scan3A_261, %scan3A_262 : i32
      %scan3A_264 = arith.constant 1 : i32
      scf.for %scan3A_415 = %scan3A_261 to %scan3A_263 step %scan3A_264  : i32 {
        %get3A = arith.constant 1 : i32
        %get3A_416 = arith.index_cast %get3A : i32 to index
        %get3A_417 = arith.index_cast %scan3A_415 : i32 to index
        %get3A_418 = arith.constant 0 : index
        %get3A_419 = tpu.vector_load %arg7[%get3A_416, %get3A_417, %get3A_418] {strides = array<i32>} : memref<4x16x128xf32, #tpu.memory_space<vmem>>, vector<1x1x16xf32>,
        %get3A_420 = vector.shape_cast %get3A_419 : vector<1x1x16xf32> to vector<16xf32>
        %get3A_421 = arith.constant 1 : i32
        %get3A_422 = arith.index_cast %get3A_421 : i32 to index
        %get3A_423 = arith.index_cast %scan3A_415 : i32 to index
        %get3A_424 = arith.constant 16 : index
        %get3A_425 = tpu.vector_load %arg7[%get3A_422, %get3A_423, %get3A_424] {strides = array<i32>} : memref<4x16x128xf32, #tpu.memory_space<vmem>>, vector<1x1x16xf32>,
        %get3A_426 = vector.shape_cast %get3A_425 : vector<1x1x16xf32> to vector<16xf32>
        %get3A_427 = arith.constant 1 : i32
        %get3A_428 = arith.index_cast %get3A_427 : i32 to index
        %get3A_429 = arith.index_cast %scan3A_415 : i32 to index
        %get3A_430 = arith.constant 32 : index
        %get3A_431 = tpu.vector_load %arg7[%get3A_428, %get3A_429, %get3A_430] {strides = array<i32>} : memref<4x16x128xf32, #tpu.memory_space<vmem>>, vector<1x1x16xf32>,
        %get3A_432 = vector.shape_cast %get3A_431 : vector<1x1x16xf32> to vector<16xf32>
        %get3A_433 = arith.constant 1 : i32
        %get3A_434 = arith.index_cast %get3A_433 : i32 to index
        %get3A_435 = arith.index_cast %scan3A_415 : i32 to index
        %get3A_436 = arith.constant 48 : index
        %get3A_437 = tpu.vector_load %arg7[%get3A_434, %get3A_435, %get3A_436] {strides = array<i32>} : memref<4x16x128xf32, #tpu.memory_space<vmem>>, vector<1x1x16xf32>,
        %get3A_438 = vector.shape_cast %get3A_437 : vector<1x1x16xf32> to vector<16xf32>
        %get3A_439 = arith.constant 1 : i32
        %get3A_440 = arith.index_cast %get3A_439 : i32 to index
        %get3A_441 = arith.index_cast %scan3A_415 : i32 to index
        %get3A_442 = arith.constant 64 : index
        %get3A_443 = tpu.vector_load %arg7[%get3A_440, %get3A_441, %get3A_442] {strides = array<i32>} : memref<4x16x128xf32, #tpu.memory_space<vmem>>, vector<1x1x16xf32>,
        %get3A_444 = vector.shape_cast %get3A_443 : vector<1x1x16xf32> to vector<16xf32>
        %get3A_445 = arith.constant 1 : i32
        %get3A_446 = arith.index_cast %get3A_445 : i32 to index
        %get3A_447 = arith.index_cast %scan3A_415 : i32 to index
        %get3A_448 = arith.constant 80 : index
        %get3A_449 = tpu.vector_load %arg7[%get3A_446, %get3A_447, %get3A_448] {strides = array<i32>} : memref<4x16x128xf32, #tpu.memory_space<vmem>>, vector<1x1x16xf32>,
        %get3A_450 = vector.shape_cast %get3A_449 : vector<1x1x16xf32> to vector<16xf32>
        %get3A_451 = arith.constant 1 : i32
        %get3A_452 = arith.index_cast %get3A_451 : i32 to index
        %get3A_453 = arith.index_cast %scan3A_415 : i32 to index
        %get3A_454 = arith.constant 96 : index
        %get3A_455 = tpu.vector_load %arg7[%get3A_452, %get3A_453, %get3A_454] {strides = array<i32>} : memref<4x16x128xf32, #tpu.memory_space<vmem>>, vector<1x1x16xf32>,
        %get3A_456 = vector.shape_cast %get3A_455 : vector<1x1x16xf32> to vector<16xf32>
        %get3A_457 = arith.constant 1 : i32
        %get3A_458 = arith.index_cast %get3A_457 : i32 to index
        %get3A_459 = arith.index_cast %scan3A_415 : i32 to index
        %get3A_460 = arith.constant 112 : index
        %get3A_461 = tpu.vector_load %arg7[%get3A_458, %get3A_459, %get3A_460] {strides = array<i32>} : memref<4x16x128xf32, #tpu.memory_space<vmem>>, vector<1x1x16xf32>,
        %get3A_462 = vector.shape_cast %get3A_461 : vector<1x1x16xf32> to vector<16xf32>
        %mul3A_463 = arith.constant 8 : i32
        %mul3A_464 = arith.muli %scan3A_415, %mul3A_463 : i32
        %add3A_465 = arith.constant 0 : i32
        %add3A_466 = arith.addi %mul3A_464, %add3A_465 : i32
        %get3A_467 = arith.constant 1 : i32
        %get3A_468 = arith.index_cast %get3A_467 : i32 to index
        %get3A_469 = arith.index_cast %add3A_466 : i32 to index
        %get3A_470 = arith.constant 0 : index
        %get3A_471 = tpu.vector_load %arg8[%get3A_468, %get3A_469, %get3A_470] {strides = array<i32>} : memref<4x128x128xf32, #tpu.memory_space<vmem>>, vector<1x1x16xf32>,
        %get3A_472 = vector.shape_cast %get3A_471 : vector<1x1x16xf32> to vector<16xf32>
        %mul3A_473 = arith.mulf %get3A_420, %get3A_472 : vector<16xf32>
        %mul3A_474 = arith.constant 8 : i32
        %mul3A_475 = arith.muli %scan3A_415, %mul3A_474 : i32
        %add3A_476 = arith.constant 1 : i32
        %add3A_477 = arith.addi %mul3A_475, %add3A_476 : i32
        %get3A_478 = arith.constant 1 : i32
        %get3A_479 = arith.index_cast %get3A_478 : i32 to index
        %get3A_480 = arith.index_cast %add3A_477 : i32 to index
        %get3A_481 = arith.constant 0 : index
        %get3A_482 = tpu.vector_load %arg8[%get3A_479, %get3A_480, %get3A_481] {strides = array<i32>} : memref<4x128x128xf32, #tpu.memory_space<vmem>>, vector<1x1x16xf32>,
        %get3A_483 = vector.shape_cast %get3A_482 : vector<1x1x16xf32> to vector<16xf32>
        %mul3A_484 = arith.mulf %get3A_426, %get3A_483 : vector<16xf32>
        %mul3A_485 = arith.constant 8 : i32
        %mul3A_486 = arith.muli %scan3A_415, %mul3A_485 : i32
        %add3A_487 = arith.constant 2 : i32
        %add3A_488 = arith.addi %mul3A_486, %add3A_487 : i32
        %get3A_489 = arith.constant 1 : i32
        %get3A_490 = arith.index_cast %get3A_489 : i32 to index
        %get3A_491 = arith.index_cast %add3A_488 : i32 to index
        %get3A_492 = arith.constant 0 : index
        %get3A_493 = tpu.vector_load %arg8[%get3A_490, %get3A_491, %get3A_492] {strides = array<i32>} : memref<4x128x128xf32, #tpu.memory_space<vmem>>, vector<1x1x16xf32>,
        %get3A_494 = vector.shape_cast %get3A_493 : vector<1x1x16xf32> to vector<16xf32>
        %mul3A_495 = arith.mulf %get3A_432, %get3A_494 : vector<16xf32>
        %mul3A_496 = arith.constant 8 : i32
        %mul3A_497 = arith.muli %scan3A_415, %mul3A_496 : i32
        %add3A_498 = arith.constant 3 : i32
        %add3A_499 = arith.addi %mul3A_497, %add3A_498 : i32
        %get3A_500 = arith.constant 1 : i32
        %get3A_501 = arith.index_cast %get3A_500 : i32 to index
        %get3A_502 = arith.index_cast %add3A_499 : i32 to index
        %get3A_503 = arith.constant 0 : index
        %get3A_504 = tpu.vector_load %arg8[%get3A_501, %get3A_502, %get3A_503] {strides = array<i32>} : memref<4x128x128xf32, #tpu.memory_space<vmem>>, vector<1x1x16xf32>,
        %get3A_505 = vector.shape_cast %get3A_504 : vector<1x1x16xf32> to vector<16xf32>
        %mul3A_506 = arith.mulf %get3A_438, %get3A_505 : vector<16xf32>
        %mul3A_507 = arith.constant 8 : i32
        %mul3A_508 = arith.muli %scan3A_415, %mul3A_507 : i32
        %add3A_509 = arith.constant 4 : i32
        %add3A_510 = arith.addi %mul3A_508, %add3A_509 : i32
        %get3A_511 = arith.constant 1 : i32
        %get3A_512 = arith.index_cast %get3A_511 : i32 to index
        %get3A_513 = arith.index_cast %add3A_510 : i32 to index
        %get3A_514 = arith.constant 0 : index
        %get3A_515 = tpu.vector_load %arg8[%get3A_512, %get3A_513, %get3A_514] {strides = array<i32>} : memref<4x128x128xf32, #tpu.memory_space<vmem>>, vector<1x1x16xf32>,
        %get3A_516 = vector.shape_cast %get3A_515 : vector<1x1x16xf32> to vector<16xf32>
        %mul3A_517 = arith.mulf %get3A_444, %get3A_516 : vector<16xf32>
        %mul3A_518 = arith.constant 8 : i32
        %mul3A_519 = arith.muli %scan3A_415, %mul3A_518 : i32
        %add3A_520 = arith.constant 5 : i32
        %add3A_521 = arith.addi %mul3A_519, %add3A_520 : i32
        %get3A_522 = arith.constant 1 : i32
        %get3A_523 = arith.index_cast %get3A_522 : i32 to index
        %get3A_524 = arith.index_cast %add3A_521 : i32 to index
        %get3A_525 = arith.constant 0 : index
        %get3A_526 = tpu.vector_load %arg8[%get3A_523, %get3A_524, %get3A_525] {strides = array<i32>} : memref<4x128x128xf32, #tpu.memory_space<vmem>>, vector<1x1x16xf32>,
        %get3A_527 = vector.shape_cast %get3A_526 : vector<1x1x16xf32> to vector<16xf32>
        %mul3A_528 = arith.mulf %get3A_450, %get3A_527 : vector<16xf32>
        %mul3A_529 = arith.constant 8 : i32
        %mul3A_530 = arith.muli %scan3A_415, %mul3A_529 : i32
        %add3A_531 = arith.constant 6 : i32
        %add3A_532 = arith.addi %mul3A_530, %add3A_531 : i32
        %get3A_533 = arith.constant 1 : i32
        %get3A_534 = arith.index_cast %get3A_533 : i32 to index
        %get3A_535 = arith.index_cast %add3A_532 : i32 to index
        %get3A_536 = arith.constant 0 : index
        %get3A_537 = tpu.vector_load %arg8[%get3A_534, %get3A_535, %get3A_536] {strides = array<i32>} : memref<4x128x128xf32, #tpu.memory_space<vmem>>, vector<1x1x16xf32>,
        %get3A_538 = vector.shape_cast %get3A_537 : vector<1x1x16xf32> to vector<16xf32>
        %mul3A_539 = arith.mulf %get3A_456, %get3A_538 : vector<16xf32>
        %mul3A_540 = arith.constant 8 : i32
        %mul3A_541 = arith.muli %scan3A_415, %mul3A_540 : i32
        %add3A_542 = arith.constant 7 : i32
        %add3A_543 = arith.addi %mul3A_541, %add3A_542 : i32
        %get3A_544 = arith.constant 1 : i32
        %get3A_545 = arith.index_cast %get3A_544 : i32 to index
        %get3A_546 = arith.index_cast %add3A_543 : i32 to index
        %get3A_547 = arith.constant 0 : index
        %get3A_548 = tpu.vector_load %arg8[%get3A_545, %get3A_546, %get3A_547] {strides = array<i32>} : memref<4x128x128xf32, #tpu.memory_space<vmem>>, vector<1x1x16xf32>,
        %get3A_549 = vector.shape_cast %get3A_548 : vector<1x1x16xf32> to vector<16xf32>
        %mul3A_550 = arith.mulf %get3A_462, %get3A_549 : vector<16xf32>
        %add3A_551 = arith.addf %mul3A_473, %mul3A_484 : vector<16xf32>
        %add3A_552 = arith.addf %mul3A_495, %mul3A_506 : vector<16xf32>
        %add3A_553 = arith.addf %mul3A_517, %mul3A_528 : vector<16xf32>
        %add3A_554 = arith.addf %mul3A_539, %mul3A_550 : vector<16xf32>
        %add3A_555 = arith.addf %add3A_551, %add3A_552 : vector<16xf32>
        %add3A_556 = arith.addf %add3A_553, %add3A_554 : vector<16xf32>
        %add3A_557 = arith.addf %add3A_555, %add3A_556 : vector<16xf32>
        %swap3A = arith.constant 1 : i32
        %swap3A_558 = arith.index_cast %swap3A : i32 to index
        %swap3A_559 = arith.index_cast %scan3A_415 : i32 to index
        %swap3A_560 = arith.constant 0 : index
        %swap3A_561 = tpu.vector_load %arg9[%swap3A_558, %swap3A_559, %swap3A_560] {strides = array<i32>} : memref<4x16x128xf32, #tpu.memory_space<vmem>>, vector<1x1x16xf32>,
        %swap3A_562 = vector.shape_cast %swap3A_561 : vector<1x1x16xf32> to vector<16xf32>
        %swap3A_563 = vector.shape_cast %add3A_557 : vector<16xf32> to vector<1x1x16xf32>
        tpu.vector_store %arg9[%swap3A_558, %swap3A_559, %swap3A_560], %swap3A_563 {strides = array<i32>} : memref<4x16x128xf32, #tpu.memory_space<vmem>>, vector<1x1x16xf32>,
        %mul3A_564 = arith.constant 8 : i32
        %mul3A_565 = arith.muli %scan3A_415, %mul3A_564 : i32
        %add3A_566 = arith.constant 0 : i32
        %add3A_567 = arith.addi %mul3A_565, %add3A_566 : i32
        %get3A_568 = arith.constant 1 : i32
        %get3A_569 = arith.index_cast %get3A_568 : i32 to index
        %get3A_570 = arith.index_cast %add3A_567 : i32 to index
        %get3A_571 = arith.constant 16 : index
        %get3A_572 = tpu.vector_load %arg8[%get3A_569, %get3A_570, %get3A_571] {strides = array<i32>} : memref<4x128x128xf32, #tpu.memory_space<vmem>>, vector<1x1x16xf32>,
        %get3A_573 = vector.shape_cast %get3A_572 : vector<1x1x16xf32> to vector<16xf32>
        %mul3A_574 = arith.mulf %get3A_420, %get3A_573 : vector<16xf32>
        %mul3A_575 = arith.constant 8 : i32
        %mul3A_576 = arith.muli %scan3A_415, %mul3A_575 : i32
        %add3A_577 = arith.constant 1 : i32
        %add3A_578 = arith.addi %mul3A_576, %add3A_577 : i32
        %get3A_579 = arith.constant 1 : i32
        %get3A_580 = arith.index_cast %get3A_579 : i32 to index
        %get3A_581 = arith.index_cast %add3A_578 : i32 to index
        %get3A_582 = arith.constant 16 : index
        %get3A_583 = tpu.vector_load %arg8[%get3A_580, %get3A_581, %get3A_582] {strides = array<i32>} : memref<4x128x128xf32, #tpu.memory_space<vmem>>, vector<1x1x16xf32>,
        %get3A_584 = vector.shape_cast %get3A_583 : vector<1x1x16xf32> to vector<16xf32>
        %mul3A_585 = arith.mulf %get3A_426, %get3A_584 : vector<16xf32>
        %mul3A_586 = arith.constant 8 : i32
        %mul3A_587 = arith.muli %scan3A_415, %mul3A_586 : i32
        %add3A_588 = arith.constant 2 : i32
        %add3A_589 = arith.addi %mul3A_587, %add3A_588 : i32
        %get3A_590 = arith.constant 1 : i32
        %get3A_591 = arith.index_cast %get3A_590 : i32 to index
        %get3A_592 = arith.index_cast %add3A_589 : i32 to index
        %get3A_593 = arith.constant 16 : index
        %get3A_594 = tpu.vector_load %arg8[%get3A_591, %get3A_592, %get3A_593] {strides = array<i32>} : memref<4x128x128xf32, #tpu.memory_space<vmem>>, vector<1x1x16xf32>,
        %get3A_595 = vector.shape_cast %get3A_594 : vector<1x1x16xf32> to vector<16xf32>
        %mul3A_596 = arith.mulf %get3A_432, %get3A_595 : vector<16xf32>
        %mul3A_597 = arith.constant 8 : i32
        %mul3A_598 = arith.muli %scan3A_415, %mul3A_597 : i32
        %add3A_599 = arith.constant 3 : i32
        %add3A_600 = arith.addi %mul3A_598, %add3A_599 : i32
        %get3A_601 = arith.constant 1 : i32
        %get3A_602 = arith.index_cast %get3A_601 : i32 to index
        %get3A_603 = arith.index_cast %add3A_600 : i32 to index
        %get3A_604 = arith.constant 16 : index
        %get3A_605 = tpu.vector_load %arg8[%get3A_602, %get3A_603, %get3A_604] {strides = array<i32>} : memref<4x128x128xf32, #tpu.memory_space<vmem>>, vector<1x1x16xf32>,
        %get3A_606 = vector.shape_cast %get3A_605 : vector<1x1x16xf32> to vector<16xf32>
        %mul3A_607 = arith.mulf %get3A_438, %get3A_606 : vector<16xf32>
        %mul3A_608 = arith.constant 8 : i32
        %mul3A_609 = arith.muli %scan3A_415, %mul3A_608 : i32
        %add3A_610 = arith.constant 4 : i32
        %add3A_611 = arith.addi %mul3A_609, %add3A_610 : i32
        %get3A_612 = arith.constant 1 : i32
        %get3A_613 = arith.index_cast %get3A_612 : i32 to index
        %get3A_614 = arith.index_cast %add3A_611 : i32 to index
        %get3A_615 = arith.constant 16 : index
        %get3A_616 = tpu.vector_load %arg8[%get3A_613, %get3A_614, %get3A_615] {strides = array<i32>} : memref<4x128x128xf32, #tpu.memory_space<vmem>>, vector<1x1x16xf32>,
        %get3A_617 = vector.shape_cast %get3A_616 : vector<1x1x16xf32> to vector<16xf32>
        %mul3A_618 = arith.mulf %get3A_444, %get3A_617 : vector<16xf32>
        %mul3A_619 = arith.constant 8 : i32
        %mul3A_620 = arith.muli %scan3A_415, %mul3A_619 : i32
        %add3A_621 = arith.constant 5 : i32
        %add3A_622 = arith.addi %mul3A_620, %add3A_621 : i32
        %get3A_623 = arith.constant 1 : i32
        %get3A_624 = arith.index_cast %get3A_623 : i32 to index
        %get3A_625 = arith.index_cast %add3A_622 : i32 to index
        %get3A_626 = arith.constant 16 : index
        %get3A_627 = tpu.vector_load %arg8[%get3A_624, %get3A_625, %get3A_626] {strides = array<i32>} : memref<4x128x128xf32, #tpu.memory_space<vmem>>, vector<1x1x16xf32>,
        %get3A_628 = vector.shape_cast %get3A_627 : vector<1x1x16xf32> to vector<16xf32>
        %mul3A_629 = arith.mulf %get3A_450, %get3A_628 : vector<16xf32>
        %mul3A_630 = arith.constant 8 : i32
        %mul3A_631 = arith.muli %scan3A_415, %mul3A_630 : i32
        %add3A_632 = arith.constant 6 : i32
        %add3A_633 = arith.addi %mul3A_631, %add3A_632 : i32
        %get3A_634 = arith.constant 1 : i32
        %get3A_635 = arith.index_cast %get3A_634 : i32 to index
        %get3A_636 = arith.index_cast %add3A_633 : i32 to index
        %get3A_637 = arith.constant 16 : index
        %get3A_638 = tpu.vector_load %arg8[%get3A_635, %get3A_636, %get3A_637] {strides = array<i32>} : memref<4x128x128xf32, #tpu.memory_space<vmem>>, vector<1x1x16xf32>,
        %get3A_639 = vector.shape_cast %get3A_638 : vector<1x1x16xf32> to vector<16xf32>
        %mul3A_640 = arith.mulf %get3A_456, %get3A_639 : vector<16xf32>
        %mul3A_641 = arith.constant 8 : i32
        %mul3A_642 = arith.muli %scan3A_415, %mul3A_641 : i32
        %add3A_643 = arith.constant 7 : i32
        %add3A_644 = arith.addi %mul3A_642, %add3A_643 : i32
        %get3A_645 = arith.constant 1 : i32
        %get3A_646 = arith.index_cast %get3A_645 : i32 to index
        %get3A_647 = arith.index_cast %add3A_644 : i32 to index
        %get3A_648 = arith.constant 16 : index
        %get3A_649 = tpu.vector_load %arg8[%get3A_646, %get3A_647, %get3A_648] {strides = array<i32>} : memref<4x128x128xf32, #tpu.memory_space<vmem>>, vector<1x1x16xf32>,
        %get3A_650 = vector.shape_cast %get3A_649 : vector<1x1x16xf32> to vector<16xf32>
        %mul3A_651 = arith.mulf %get3A_462, %get3A_650 : vector<16xf32>
        %add3A_652 = arith.addf %mul3A_574, %mul3A_585 : vector<16xf32>
        %add3A_653 = arith.addf %mul3A_596, %mul3A_607 : vector<16xf32>
        %add3A_654 = arith.addf %mul3A_618, %mul3A_629 : vector<16xf32>
        %add3A_655 = arith.addf %mul3A_640, %mul3A_651 : vector<16xf32>
        %add3A_656 = arith.addf %add3A_652, %add3A_653 : vector<16xf32>
        %add3A_657 = arith.addf %add3A_654, %add3A_655 : vector<16xf32>
        %add3A_658 = arith.addf %add3A_656, %add3A_657 : vector<16xf32>
        %swap3A_659 = arith.constant 1 : i32
        %swap3A_660 = arith.index_cast %swap3A_659 : i32 to index
        %swap3A_661 = arith.index_cast %scan3A_415 : i32 to index
        %swap3A_662 = arith.constant 16 : index
        %swap3A_663 = tpu.vector_load %arg9[%swap3A_660, %swap3A_661, %swap3A_662] {strides = array<i32>} : memref<4x16x128xf32, #tpu.memory_space<vmem>>, vector<1x1x16xf32>,
        %swap3A_664 = vector.shape_cast %swap3A_663 : vector<1x1x16xf32> to vector<16xf32>
        %swap3A_665 = vector.shape_cast %add3A_658 : vector<16xf32> to vector<1x1x16xf32>
        tpu.vector_store %arg9[%swap3A_660, %swap3A_661, %swap3A_662], %swap3A_665 {strides = array<i32>} : memref<4x16x128xf32, #tpu.memory_space<vmem>>, vector<1x1x16xf32>,
        %mul3A_666 = arith.constant 8 : i32
        %mul3A_667 = arith.muli %scan3A_415, %mul3A_666 : i32
        %add3A_668 = arith.constant 0 : i32
        %add3A_669 = arith.addi %mul3A_667, %add3A_668 : i32
        %get3A_670 = arith.constant 1 : i32
        %get3A_671 = arith.index_cast %get3A_670 : i32 to index
        %get3A_672 = arith.index_cast %add3A_669 : i32 to index
        %get3A_673 = arith.constant 32 : index
        %get3A_674 = tpu.vector_load %arg8[%get3A_671, %get3A_672, %get3A_673] {strides = array<i32>} : memref<4x128x128xf32, #tpu.memory_space<vmem>>, vector<1x1x16xf32>,
        %get3A_675 = vector.shape_cast %get3A_674 : vector<1x1x16xf32> to vector<16xf32>
        %mul3A_676 = arith.mulf %get3A_420, %get3A_675 : vector<16xf32>
        %mul3A_677 = arith.constant 8 : i32
        %mul3A_678 = arith.muli %scan3A_415, %mul3A_677 : i32
        %add3A_679 = arith.constant 1 : i32
        %add3A_680 = arith.addi %mul3A_678, %add3A_679 : i32
        %get3A_681 = arith.constant 1 : i32
        %get3A_682 = arith.index_cast %get3A_681 : i32 to index
        %get3A_683 = arith.index_cast %add3A_680 : i32 to index
        %get3A_684 = arith.constant 32 : index
        %get3A_685 = tpu.vector_load %arg8[%get3A_682, %get3A_683, %get3A_684] {strides = array<i32>} : memref<4x128x128xf32, #tpu.memory_space<vmem>>, vector<1x1x16xf32>,
        %get3A_686 = vector.shape_cast %get3A_685 : vector<1x1x16xf32> to vector<16xf32>
        %mul3A_687 = arith.mulf %get3A_426, %get3A_686 : vector<16xf32>
        %mul3A_688 = arith.constant 8 : i32
        %mul3A_689 = arith.muli %scan3A_415, %mul3A_688 : i32
        %add3A_690 = arith.constant 2 : i32
        %add3A_691 = arith.addi %mul3A_689, %add3A_690 : i32
        %get3A_692 = arith.constant 1 : i32
        %get3A_693 = arith.index_cast %get3A_692 : i32 to index
        %get3A_694 = arith.index_cast %add3A_691 : i32 to index
        %get3A_695 = arith.constant 32 : index
        %get3A_696 = tpu.vector_load %arg8[%get3A_693, %get3A_694, %get3A_695] {strides = array<i32>} : memref<4x128x128xf32, #tpu.memory_space<vmem>>, vector<1x1x16xf32>,
        %get3A_697 = vector.shape_cast %get3A_696 : vector<1x1x16xf32> to vector<16xf32>
        %mul3A_698 = arith.mulf %get3A_432, %get3A_697 : vector<16xf32>
        %mul3A_699 = arith.constant 8 : i32
        %mul3A_700 = arith.muli %scan3A_415, %mul3A_699 : i32
        %add3A_701 = arith.constant 3 : i32
        %add3A_702 = arith.addi %mul3A_700, %add3A_701 : i32
        %get3A_703 = arith.constant 1 : i32
        %get3A_704 = arith.index_cast %get3A_703 : i32 to index
        %get3A_705 = arith.index_cast %add3A_702 : i32 to index
        %get3A_706 = arith.constant 32 : index
        %get3A_707 = tpu.vector_load %arg8[%get3A_704, %get3A_705, %get3A_706] {strides = array<i32>} : memref<4x128x128xf32, #tpu.memory_space<vmem>>, vector<1x1x16xf32>,
        %get3A_708 = vector.shape_cast %get3A_707 : vector<1x1x16xf32> to vector<16xf32>
        %mul3A_709 = arith.mulf %get3A_438, %get3A_708 : vector<16xf32>
        %mul3A_710 = arith.constant 8 : i32
        %mul3A_711 = arith.muli %scan3A_415, %mul3A_710 : i32
        %add3A_712 = arith.constant 4 : i32
        %add3A_713 = arith.addi %mul3A_711, %add3A_712 : i32
        %get3A_714 = arith.constant 1 : i32
        %get3A_715 = arith.index_cast %get3A_714 : i32 to index
        %get3A_716 = arith.index_cast %add3A_713 : i32 to index
        %get3A_717 = arith.constant 32 : index
        %get3A_718 = tpu.vector_load %arg8[%get3A_715, %get3A_716, %get3A_717] {strides = array<i32>} : memref<4x128x128xf32, #tpu.memory_space<vmem>>, vector<1x1x16xf32>,
        %get3A_719 = vector.shape_cast %get3A_718 : vector<1x1x16xf32> to vector<16xf32>
        %mul3A_720 = arith.mulf %get3A_444, %get3A_719 : vector<16xf32>
        %mul3A_721 = arith.constant 8 : i32
        %mul3A_722 = arith.muli %scan3A_415, %mul3A_721 : i32
        %add3A_723 = arith.constant 5 : i32
        %add3A_724 = arith.addi %mul3A_722, %add3A_723 : i32
        %get3A_725 = arith.constant 1 : i32
        %get3A_726 = arith.index_cast %get3A_725 : i32 to index
        %get3A_727 = arith.index_cast %add3A_724 : i32 to index
        %get3A_728 = arith.constant 32 : index
        %get3A_729 = tpu.vector_load %arg8[%get3A_726, %get3A_727, %get3A_728] {strides = array<i32>} : memref<4x128x128xf32, #tpu.memory_space<vmem>>, vector<1x1x16xf32>,
        %get3A_730 = vector.shape_cast %get3A_729 : vector<1x1x16xf32> to vector<16xf32>
        %mul3A_731 = arith.mulf %get3A_450, %get3A_730 : vector<16xf32>
        %mul3A_732 = arith.constant 8 : i32
        %mul3A_733 = arith.muli %scan3A_415, %mul3A_732 : i32
        %add3A_734 = arith.constant 6 : i32
        %add3A_735 = arith.addi %mul3A_733, %add3A_734 : i32
        %get3A_736 = arith.constant 1 : i32
        %get3A_737 = arith.index_cast %get3A_736 : i32 to index
        %get3A_738 = arith.index_cast %add3A_735 : i32 to index
        %get3A_739 = arith.constant 32 : index
        %get3A_740 = tpu.vector_load %arg8[%get3A_737, %get3A_738, %get3A_739] {strides = array<i32>} : memref<4x128x128xf32, #tpu.memory_space<vmem>>, vector<1x1x16xf32>,
        %get3A_741 = vector.shape_cast %get3A_740 : vector<1x1x16xf32> to vector<16xf32>
        %mul3A_742 = arith.mulf %get3A_456, %get3A_741 : vector<16xf32>
        %mul3A_743 = arith.constant 8 : i32
        %mul3A_744 = arith.muli %scan3A_415, %mul3A_743 : i32
        %add3A_745 = arith.constant 7 : i32
        %add3A_746 = arith.addi %mul3A_744, %add3A_745 : i32
        %get3A_747 = arith.constant 1 : i32
        %get3A_748 = arith.index_cast %get3A_747 : i32 to index
        %get3A_749 = arith.index_cast %add3A_746 : i32 to index
        %get3A_750 = arith.constant 32 : index
        %get3A_751 = tpu.vector_load %arg8[%get3A_748, %get3A_749, %get3A_750] {strides = array<i32>} : memref<4x128x128xf32, #tpu.memory_space<vmem>>, vector<1x1x16xf32>,
        %get3A_752 = vector.shape_cast %get3A_751 : vector<1x1x16xf32> to vector<16xf32>
        %mul3A_753 = arith.mulf %get3A_462, %get3A_752 : vector<16xf32>
        %add3A_754 = arith.addf %mul3A_676, %mul3A_687 : vector<16xf32>
        %add3A_755 = arith.addf %mul3A_698, %mul3A_709 : vector<16xf32>
        %add3A_756 = arith.addf %mul3A_720, %mul3A_731 : vector<16xf32>
        %add3A_757 = arith.addf %mul3A_742, %mul3A_753 : vector<16xf32>
        %add3A_758 = arith.addf %add3A_754, %add3A_755 : vector<16xf32>
        %add3A_759 = arith.addf %add3A_756, %add3A_757 : vector<16xf32>
        %add3A_760 = arith.addf %add3A_758, %add3A_759 : vector<16xf32>
        %swap3A_761 = arith.constant 1 : i32
        %swap3A_762 = arith.index_cast %swap3A_761 : i32 to index
        %swap3A_763 = arith.index_cast %scan3A_415 : i32 to index
        %swap3A_764 = arith.constant 32 : index
        %swap3A_765 = tpu.vector_load %arg9[%swap3A_762, %swap3A_763, %swap3A_764] {strides = array<i32>} : memref<4x16x128xf32, #tpu.memory_space<vmem>>, vector<1x1x16xf32>,
        %swap3A_766 = vector.shape_cast %swap3A_765 : vector<1x1x16xf32> to vector<16xf32>
        %swap3A_767 = vector.shape_cast %add3A_760 : vector<16xf32> to vector<1x1x16xf32>
        tpu.vector_store %arg9[%swap3A_762, %swap3A_763, %swap3A_764], %swap3A_767 {strides = array<i32>} : memref<4x16x128xf32, #tpu.memory_space<vmem>>, vector<1x1x16xf32>,
        %mul3A_768 = arith.constant 8 : i32
        %mul3A_769 = arith.muli %scan3A_415, %mul3A_768 : i32
        %add3A_770 = arith.constant 0 : i32
        %add3A_771 = arith.addi %mul3A_769, %add3A_770 : i32
        %get3A_772 = arith.constant 1 : i32
        %get3A_773 = arith.index_cast %get3A_772 : i32 to index
        %get3A_774 = arith.index_cast %add3A_771 : i32 to index
        %get3A_775 = arith.constant 48 : index
        %get3A_776 = tpu.vector_load %arg8[%get3A_773, %get3A_774, %get3A_775] {strides = array<i32>} : memref<4x128x128xf32, #tpu.memory_space<vmem>>, vector<1x1x16xf32>,
        %get3A_777 = vector.shape_cast %get3A_776 : vector<1x1x16xf32> to vector<16xf32>
        %mul3A_778 = arith.mulf %get3A_420, %get3A_777 : vector<16xf32>
        %mul3A_779 = arith.constant 8 : i32
        %mul3A_780 = arith.muli %scan3A_415, %mul3A_779 : i32
        %add3A_781 = arith.constant 1 : i32
        %add3A_782 = arith.addi %mul3A_780, %add3A_781 : i32
        %get3A_783 = arith.constant 1 : i32
        %get3A_784 = arith.index_cast %get3A_783 : i32 to index
        %get3A_785 = arith.index_cast %add3A_782 : i32 to index
        %get3A_786 = arith.constant 48 : index
        %get3A_787 = tpu.vector_load %arg8[%get3A_784, %get3A_785, %get3A_786] {strides = array<i32>} : memref<4x128x128xf32, #tpu.memory_space<vmem>>, vector<1x1x16xf32>,
        %get3A_788 = vector.shape_cast %get3A_787 : vector<1x1x16xf32> to vector<16xf32>
        %mul3A_789 = arith.mulf %get3A_426, %get3A_788 : vector<16xf32>
        %mul3A_790 = arith.constant 8 : i32
        %mul3A_791 = arith.muli %scan3A_415, %mul3A_790 : i32
        %add3A_792 = arith.constant 2 : i32
        %add3A_793 = arith.addi %mul3A_791, %add3A_792 : i32
        %get3A_794 = arith.constant 1 : i32
        %get3A_795 = arith.index_cast %get3A_794 : i32 to index
        %get3A_796 = arith.index_cast %add3A_793 : i32 to index
        %get3A_797 = arith.constant 48 : index
        %get3A_798 = tpu.vector_load %arg8[%get3A_795, %get3A_796, %get3A_797] {strides = array<i32>} : memref<4x128x128xf32, #tpu.memory_space<vmem>>, vector<1x1x16xf32>,
        %get3A_799 = vector.shape_cast %get3A_798 : vector<1x1x16xf32> to vector<16xf32>
        %mul3A_800 = arith.mulf %get3A_432, %get3A_799 : vector<16xf32>
        %mul3A_801 = arith.constant 8 : i32
        %mul3A_802 = arith.muli %scan3A_415, %mul3A_801 : i32
        %add3A_803 = arith.constant 3 : i32
        %add3A_804 = arith.addi %mul3A_802, %add3A_803 : i32
        %get3A_805 = arith.constant 1 : i32
        %get3A_806 = arith.index_cast %get3A_805 : i32 to index
        %get3A_807 = arith.index_cast %add3A_804 : i32 to index
        %get3A_808 = arith.constant 48 : index
        %get3A_809 = tpu.vector_load %arg8[%get3A_806, %get3A_807, %get3A_808] {strides = array<i32>} : memref<4x128x128xf32, #tpu.memory_space<vmem>>, vector<1x1x16xf32>,
        %get3A_810 = vector.shape_cast %get3A_809 : vector<1x1x16xf32> to vector<16xf32>
        %mul3A_811 = arith.mulf %get3A_438, %get3A_810 : vector<16xf32>
        %mul3A_812 = arith.constant 8 : i32
        %mul3A_813 = arith.muli %scan3A_415, %mul3A_812 : i32
        %add3A_814 = arith.constant 4 : i32
        %add3A_815 = arith.addi %mul3A_813, %add3A_814 : i32
        %get3A_816 = arith.constant 1 : i32
        %get3A_817 = arith.index_cast %get3A_816 : i32 to index
        %get3A_818 = arith.index_cast %add3A_815 : i32 to index
        %get3A_819 = arith.constant 48 : index
        %get3A_820 = tpu.vector_load %arg8[%get3A_817, %get3A_818, %get3A_819] {strides = array<i32>} : memref<4x128x128xf32, #tpu.memory_space<vmem>>, vector<1x1x16xf32>,
        %get3A_821 = vector.shape_cast %get3A_820 : vector<1x1x16xf32> to vector<16xf32>
        %mul3A_822 = arith.mulf %get3A_444, %get3A_821 : vector<16xf32>
        %mul3A_823 = arith.constant 8 : i32
        %mul3A_824 = arith.muli %scan3A_415, %mul3A_823 : i32
        %add3A_825 = arith.constant 5 : i32
        %add3A_826 = arith.addi %mul3A_824, %add3A_825 : i32
        %get3A_827 = arith.constant 1 : i32
        %get3A_828 = arith.index_cast %get3A_827 : i32 to index
        %get3A_829 = arith.index_cast %add3A_826 : i32 to index
        %get3A_830 = arith.constant 48 : index
        %get3A_831 = tpu.vector_load %arg8[%get3A_828, %get3A_829, %get3A_830] {strides = array<i32>} : memref<4x128x128xf32, #tpu.memory_space<vmem>>, vector<1x1x16xf32>,
        %get3A_832 = vector.shape_cast %get3A_831 : vector<1x1x16xf32> to vector<16xf32>
        %mul3A_833 = arith.mulf %get3A_450, %get3A_832 : vector<16xf32>
        %mul3A_834 = arith.constant 8 : i32
        %mul3A_835 = arith.muli %scan3A_415, %mul3A_834 : i32
        %add3A_836 = arith.constant 6 : i32
        %add3A_837 = arith.addi %mul3A_835, %add3A_836 : i32
        %get3A_838 = arith.constant 1 : i32
        %get3A_839 = arith.index_cast %get3A_838 : i32 to index
        %get3A_840 = arith.index_cast %add3A_837 : i32 to index
        %get3A_841 = arith.constant 48 : index
        %get3A_842 = tpu.vector_load %arg8[%get3A_839, %get3A_840, %get3A_841] {strides = array<i32>} : memref<4x128x128xf32, #tpu.memory_space<vmem>>, vector<1x1x16xf32>,
        %get3A_843 = vector.shape_cast %get3A_842 : vector<1x1x16xf32> to vector<16xf32>
        %mul3A_844 = arith.mulf %get3A_456, %get3A_843 : vector<16xf32>
        %mul3A_845 = arith.constant 8 : i32
        %mul3A_846 = arith.muli %scan3A_415, %mul3A_845 : i32
        %add3A_847 = arith.constant 7 : i32
        %add3A_848 = arith.addi %mul3A_846, %add3A_847 : i32
        %get3A_849 = arith.constant 1 : i32
        %get3A_850 = arith.index_cast %get3A_849 : i32 to index
        %get3A_851 = arith.index_cast %add3A_848 : i32 to index
        %get3A_852 = arith.constant 48 : index
        %get3A_853 = tpu.vector_load %arg8[%get3A_850, %get3A_851, %get3A_852] {strides = array<i32>} : memref<4x128x128xf32, #tpu.memory_space<vmem>>, vector<1x1x16xf32>,
        %get3A_854 = vector.shape_cast %get3A_853 : vector<1x1x16xf32> to vector<16xf32>
        %mul3A_855 = arith.mulf %get3A_462, %get3A_854 : vector<16xf32>
        %add3A_856 = arith.addf %mul3A_778, %mul3A_789 : vector<16xf32>
        %add3A_857 = arith.addf %mul3A_800, %mul3A_811 : vector<16xf32>
        %add3A_858 = arith.addf %mul3A_822, %mul3A_833 : vector<16xf32>
        %add3A_859 = arith.addf %mul3A_844, %mul3A_855 : vector<16xf32>
        %add3A_860 = arith.addf %add3A_856, %add3A_857 : vector<16xf32>
        %add3A_861 = arith.addf %add3A_858, %add3A_859 : vector<16xf32>
        %add3A_862 = arith.addf %add3A_860, %add3A_861 : vector<16xf32>
        %swap3A_863 = arith.constant 1 : i32
        %swap3A_864 = arith.index_cast %swap3A_863 : i32 to index
        %swap3A_865 = arith.index_cast %scan3A_415 : i32 to index
        %swap3A_866 = arith.constant 48 : index
        %swap3A_867 = tpu.vector_load %arg9[%swap3A_864, %swap3A_865, %swap3A_866] {strides = array<i32>} : memref<4x16x128xf32, #tpu.memory_space<vmem>>, vector<1x1x16xf32>,
        %swap3A_868 = vector.shape_cast %swap3A_867 : vector<1x1x16xf32> to vector<16xf32>
        %swap3A_869 = vector.shape_cast %add3A_862 : vector<16xf32> to vector<1x1x16xf32>
        tpu.vector_store %arg9[%swap3A_864, %swap3A_865, %swap3A_866], %swap3A_869 {strides = array<i32>} : memref<4x16x128xf32, #tpu.memory_space<vmem>>, vector<1x1x16xf32>,
        %mul3A_870 = arith.constant 8 : i32
        %mul3A_871 = arith.muli %scan3A_415, %mul3A_870 : i32
        %add3A_872 = arith.constant 0 : i32
        %add3A_873 = arith.addi %mul3A_871, %add3A_872 : i32
        %get3A_874 = arith.constant 1 : i32
        %get3A_875 = arith.index_cast %get3A_874 : i32 to index
        %get3A_876 = arith.index_cast %add3A_873 : i32 to index
        %get3A_877 = arith.constant 64 : index
        %get3A_878 = tpu.vector_load %arg8[%get3A_875, %get3A_876, %get3A_877] {strides = array<i32>} : memref<4x128x128xf32, #tpu.memory_space<vmem>>, vector<1x1x16xf32>,
        %get3A_879 = vector.shape_cast %get3A_878 : vector<1x1x16xf32> to vector<16xf32>
        %mul3A_880 = arith.mulf %get3A_420, %get3A_879 : vector<16xf32>
        %mul3A_881 = arith.constant 8 : i32
        %mul3A_882 = arith.muli %scan3A_415, %mul3A_881 : i32
        %add3A_883 = arith.constant 1 : i32
        %add3A_884 = arith.addi %mul3A_882, %add3A_883 : i32
        %get3A_885 = arith.constant 1 : i32
        %get3A_886 = arith.index_cast %get3A_885 : i32 to index
        %get3A_887 = arith.index_cast %add3A_884 : i32 to index
        %get3A_888 = arith.constant 64 : index
        %get3A_889 = tpu.vector_load %arg8[%get3A_886, %get3A_887, %get3A_888] {strides = array<i32>} : memref<4x128x128xf32, #tpu.memory_space<vmem>>, vector<1x1x16xf32>,
        %get3A_890 = vector.shape_cast %get3A_889 : vector<1x1x16xf32> to vector<16xf32>
        %mul3A_891 = arith.mulf %get3A_426, %get3A_890 : vector<16xf32>
        %mul3A_892 = arith.constant 8 : i32
        %mul3A_893 = arith.muli %scan3A_415, %mul3A_892 : i32
        %add3A_894 = arith.constant 2 : i32
        %add3A_895 = arith.addi %mul3A_893, %add3A_894 : i32
        %get3A_896 = arith.constant 1 : i32
        %get3A_897 = arith.index_cast %get3A_896 : i32 to index
        %get3A_898 = arith.index_cast %add3A_895 : i32 to index
        %get3A_899 = arith.constant 64 : index
        %get3A_900 = tpu.vector_load %arg8[%get3A_897, %get3A_898, %get3A_899] {strides = array<i32>} : memref<4x128x128xf32, #tpu.memory_space<vmem>>, vector<1x1x16xf32>,
        %get3A_901 = vector.shape_cast %get3A_900 : vector<1x1x16xf32> to vector<16xf32>
        %mul3A_902 = arith.mulf %get3A_432, %get3A_901 : vector<16xf32>
        %mul3A_903 = arith.constant 8 : i32
        %mul3A_904 = arith.muli %scan3A_415, %mul3A_903 : i32
        %add3A_905 = arith.constant 3 : i32
        %add3A_906 = arith.addi %mul3A_904, %add3A_905 : i32
        %get3A_907 = arith.constant 1 : i32
        %get3A_908 = arith.index_cast %get3A_907 : i32 to index
        %get3A_909 = arith.index_cast %add3A_906 : i32 to index
        %get3A_910 = arith.constant 64 : index
        %get3A_911 = tpu.vector_load %arg8[%get3A_908, %get3A_909, %get3A_910] {strides = array<i32>} : memref<4x128x128xf32, #tpu.memory_space<vmem>>, vector<1x1x16xf32>,
        %get3A_912 = vector.shape_cast %get3A_911 : vector<1x1x16xf32> to vector<16xf32>
        %mul3A_913 = arith.mulf %get3A_438, %get3A_912 : vector<16xf32>
        %mul3A_914 = arith.constant 8 : i32
        %mul3A_915 = arith.muli %scan3A_415, %mul3A_914 : i32
        %add3A_916 = arith.constant 4 : i32
        %add3A_917 = arith.addi %mul3A_915, %add3A_916 : i32
        %get3A_918 = arith.constant 1 : i32
        %get3A_919 = arith.index_cast %get3A_918 : i32 to index
        %get3A_920 = arith.index_cast %add3A_917 : i32 to index
        %get3A_921 = arith.constant 64 : index
        %get3A_922 = tpu.vector_load %arg8[%get3A_919, %get3A_920, %get3A_921] {strides = array<i32>} : memref<4x128x128xf32, #tpu.memory_space<vmem>>, vector<1x1x16xf32>,
        %get3A_923 = vector.shape_cast %get3A_922 : vector<1x1x16xf32> to vector<16xf32>
        %mul3A_924 = arith.mulf %get3A_444, %get3A_923 : vector<16xf32>
        %mul3A_925 = arith.constant 8 : i32
        %mul3A_926 = arith.muli %scan3A_415, %mul3A_925 : i32
        %add3A_927 = arith.constant 5 : i32
        %add3A_928 = arith.addi %mul3A_926, %add3A_927 : i32
        %get3A_929 = arith.constant 1 : i32
        %get3A_930 = arith.index_cast %get3A_929 : i32 to index
        %get3A_931 = arith.index_cast %add3A_928 : i32 to index
        %get3A_932 = arith.constant 64 : index
        %get3A_933 = tpu.vector_load %arg8[%get3A_930, %get3A_931, %get3A_932] {strides = array<i32>} : memref<4x128x128xf32, #tpu.memory_space<vmem>>, vector<1x1x16xf32>,
        %get3A_934 = vector.shape_cast %get3A_933 : vector<1x1x16xf32> to vector<16xf32>
        %mul3A_935 = arith.mulf %get3A_450, %get3A_934 : vector<16xf32>
        %mul3A_936 = arith.constant 8 : i32
        %mul3A_937 = arith.muli %scan3A_415, %mul3A_936 : i32
        %add3A_938 = arith.constant 6 : i32
        %add3A_939 = arith.addi %mul3A_937, %add3A_938 : i32
        %get3A_940 = arith.constant 1 : i32
        %get3A_941 = arith.index_cast %get3A_940 : i32 to index
        %get3A_942 = arith.index_cast %add3A_939 : i32 to index
        %get3A_943 = arith.constant 64 : index
        %get3A_944 = tpu.vector_load %arg8[%get3A_941, %get3A_942, %get3A_943] {strides = array<i32>} : memref<4x128x128xf32, #tpu.memory_space<vmem>>, vector<1x1x16xf32>,
        %get3A_945 = vector.shape_cast %get3A_944 : vector<1x1x16xf32> to vector<16xf32>
        %mul3A_946 = arith.mulf %get3A_456, %get3A_945 : vector<16xf32>
        %mul3A_947 = arith.constant 8 : i32
        %mul3A_948 = arith.muli %scan3A_415, %mul3A_947 : i32
        %add3A_949 = arith.constant 7 : i32
        %add3A_950 = arith.addi %mul3A_948, %add3A_949 : i32
        %get3A_951 = arith.constant 1 : i32
        %get3A_952 = arith.index_cast %get3A_951 : i32 to index
        %get3A_953 = arith.index_cast %add3A_950 : i32 to index
        %get3A_954 = arith.constant 64 : index
        %get3A_955 = tpu.vector_load %arg8[%get3A_952, %get3A_953, %get3A_954] {strides = array<i32>} : memref<4x128x128xf32, #tpu.memory_space<vmem>>, vector<1x1x16xf32>,
        %get3A_956 = vector.shape_cast %get3A_955 : vector<1x1x16xf32> to vector<16xf32>
        %mul3A_957 = arith.mulf %get3A_462, %get3A_956 : vector<16xf32>
        %add3A_958 = arith.addf %mul3A_880, %mul3A_891 : vector<16xf32>
        %add3A_959 = arith.addf %mul3A_902, %mul3A_913 : vector<16xf32>
        %add3A_960 = arith.addf %mul3A_924, %mul3A_935 : vector<16xf32>
        %add3A_961 = arith.addf %mul3A_946, %mul3A_957 : vector<16xf32>
        %add3A_962 = arith.addf %add3A_958, %add3A_959 : vector<16xf32>
        %add3A_963 = arith.addf %add3A_960, %add3A_961 : vector<16xf32>
        %add3A_964 = arith.addf %add3A_962, %add3A_963 : vector<16xf32>
        %swap3A_965 = arith.constant 1 : i32
        %swap3A_966 = arith.index_cast %swap3A_965 : i32 to index
        %swap3A_967 = arith.index_cast %scan3A_415 : i32 to index
        %swap3A_968 = arith.constant 64 : index
        %swap3A_969 = tpu.vector_load %arg9[%swap3A_966, %swap3A_967, %swap3A_968] {strides = array<i32>} : memref<4x16x128xf32, #tpu.memory_space<vmem>>, vector<1x1x16xf32>,
        %swap3A_970 = vector.shape_cast %swap3A_969 : vector<1x1x16xf32> to vector<16xf32>
        %swap3A_971 = vector.shape_cast %add3A_964 : vector<16xf32> to vector<1x1x16xf32>
        tpu.vector_store %arg9[%swap3A_966, %swap3A_967, %swap3A_968], %swap3A_971 {strides = array<i32>} : memref<4x16x128xf32, #tpu.memory_space<vmem>>, vector<1x1x16xf32>,
        %mul3A_972 = arith.constant 8 : i32
        %mul3A_973 = arith.muli %scan3A_415, %mul3A_972 : i32
        %add3A_974 = arith.constant 0 : i32
        %add3A_975 = arith.addi %mul3A_973, %add3A_974 : i32
        %get3A_976 = arith.constant 1 : i32
        %get3A_977 = arith.index_cast %get3A_976 : i32 to index
        %get3A_978 = arith.index_cast %add3A_975 : i32 to index
        %get3A_979 = arith.constant 80 : index
        %get3A_980 = tpu.vector_load %arg8[%get3A_977, %get3A_978, %get3A_979] {strides = array<i32>} : memref<4x128x128xf32, #tpu.memory_space<vmem>>, vector<1x1x16xf32>,
        %get3A_981 = vector.shape_cast %get3A_980 : vector<1x1x16xf32> to vector<16xf32>
        %mul3A_982 = arith.mulf %get3A_420, %get3A_981 : vector<16xf32>
        %mul3A_983 = arith.constant 8 : i32
        %mul3A_984 = arith.muli %scan3A_415, %mul3A_983 : i32
        %add3A_985 = arith.constant 1 : i32
        %add3A_986 = arith.addi %mul3A_984, %add3A_985 : i32
        %get3A_987 = arith.constant 1 : i32
        %get3A_988 = arith.index_cast %get3A_987 : i32 to index
        %get3A_989 = arith.index_cast %add3A_986 : i32 to index
        %get3A_990 = arith.constant 80 : index
        %get3A_991 = tpu.vector_load %arg8[%get3A_988, %get3A_989, %get3A_990] {strides = array<i32>} : memref<4x128x128xf32, #tpu.memory_space<vmem>>, vector<1x1x16xf32>,
        %get3A_992 = vector.shape_cast %get3A_991 : vector<1x1x16xf32> to vector<16xf32>
        %mul3A_993 = arith.mulf %get3A_426, %get3A_992 : vector<16xf32>
        %mul3A_994 = arith.constant 8 : i32
        %mul3A_995 = arith.muli %scan3A_415, %mul3A_994 : i32
        %add3A_996 = arith.constant 2 : i32
        %add3A_997 = arith.addi %mul3A_995, %add3A_996 : i32
        %get3A_998 = arith.constant 1 : i32
        %get3A_999 = arith.index_cast %get3A_998 : i32 to index
        %get3A_1000 = arith.index_cast %add3A_997 : i32 to index
        %get3A_1001 = arith.constant 80 : index
        %get3A_1002 = tpu.vector_load %arg8[%get3A_999, %get3A_1000, %get3A_1001] {strides = array<i32>} : memref<4x128x128xf32, #tpu.memory_space<vmem>>, vector<1x1x16xf32>,
        %get3A_1003 = vector.shape_cast %get3A_1002 : vector<1x1x16xf32> to vector<16xf32>
        %mul3A_1004 = arith.mulf %get3A_432, %get3A_1003 : vector<16xf32>
        %mul3A_1005 = arith.constant 8 : i32
        %mul3A_1006 = arith.muli %scan3A_415, %mul3A_1005 : i32
        %add3A_1007 = arith.constant 3 : i32
        %add3A_1008 = arith.addi %mul3A_1006, %add3A_1007 : i32
        %get3A_1009 = arith.constant 1 : i32
        %get3A_1010 = arith.index_cast %get3A_1009 : i32 to index
        %get3A_1011 = arith.index_cast %add3A_1008 : i32 to index
        %get3A_1012 = arith.constant 80 : index
        %get3A_1013 = tpu.vector_load %arg8[%get3A_1010, %get3A_1011, %get3A_1012] {strides = array<i32>} : memref<4x128x128xf32, #tpu.memory_space<vmem>>, vector<1x1x16xf32>,
        %get3A_1014 = vector.shape_cast %get3A_1013 : vector<1x1x16xf32> to vector<16xf32>
        %mul3A_1015 = arith.mulf %get3A_438, %get3A_1014 : vector<16xf32>
        %mul3A_1016 = arith.constant 8 : i32
        %mul3A_1017 = arith.muli %scan3A_415, %mul3A_1016 : i32
        %add3A_1018 = arith.constant 4 : i32
        %add3A_1019 = arith.addi %mul3A_1017, %add3A_1018 : i32
        %get3A_1020 = arith.constant 1 : i32
        %get3A_1021 = arith.index_cast %get3A_1020 : i32 to index
        %get3A_1022 = arith.index_cast %add3A_1019 : i32 to index
        %get3A_1023 = arith.constant 80 : index
        %get3A_1024 = tpu.vector_load %arg8[%get3A_1021, %get3A_1022, %get3A_1023] {strides = array<i32>} : memref<4x128x128xf32, #tpu.memory_space<vmem>>, vector<1x1x16xf32>,
        %get3A_1025 = vector.shape_cast %get3A_1024 : vector<1x1x16xf32> to vector<16xf32>
        %mul3A_1026 = arith.mulf %get3A_444, %get3A_1025 : vector<16xf32>
        %mul3A_1027 = arith.constant 8 : i32
        %mul3A_1028 = arith.muli %scan3A_415, %mul3A_1027 : i32
        %add3A_1029 = arith.constant 5 : i32
        %add3A_1030 = arith.addi %mul3A_1028, %add3A_1029 : i32
        %get3A_1031 = arith.constant 1 : i32
        %get3A_1032 = arith.index_cast %get3A_1031 : i32 to index
        %get3A_1033 = arith.index_cast %add3A_1030 : i32 to index
        %get3A_1034 = arith.constant 80 : index
        %get3A_1035 = tpu.vector_load %arg8[%get3A_1032, %get3A_1033, %get3A_1034] {strides = array<i32>} : memref<4x128x128xf32, #tpu.memory_space<vmem>>, vector<1x1x16xf32>,
        %get3A_1036 = vector.shape_cast %get3A_1035 : vector<1x1x16xf32> to vector<16xf32>
        %mul3A_1037 = arith.mulf %get3A_450, %get3A_1036 : vector<16xf32>
        %mul3A_1038 = arith.constant 8 : i32
        %mul3A_1039 = arith.muli %scan3A_415, %mul3A_1038 : i32
        %add3A_1040 = arith.constant 6 : i32
        %add3A_1041 = arith.addi %mul3A_1039, %add3A_1040 : i32
        %get3A_1042 = arith.constant 1 : i32
        %get3A_1043 = arith.index_cast %get3A_1042 : i32 to index
        %get3A_1044 = arith.index_cast %add3A_1041 : i32 to index
        %get3A_1045 = arith.constant 80 : index
        %get3A_1046 = tpu.vector_load %arg8[%get3A_1043, %get3A_1044, %get3A_1045] {strides = array<i32>} : memref<4x128x128xf32, #tpu.memory_space<vmem>>, vector<1x1x16xf32>,
        %get3A_1047 = vector.shape_cast %get3A_1046 : vector<1x1x16xf32> to vector<16xf32>
        %mul3A_1048 = arith.mulf %get3A_456, %get3A_1047 : vector<16xf32>
        %mul3A_1049 = arith.constant 8 : i32
        %mul3A_1050 = arith.muli %scan3A_415, %mul3A_1049 : i32
        %add3A_1051 = arith.constant 7 : i32
        %add3A_1052 = arith.addi %mul3A_1050, %add3A_1051 : i32
        %get3A_1053 = arith.constant 1 : i32
        %get3A_1054 = arith.index_cast %get3A_1053 : i32 to index
        %get3A_1055 = arith.index_cast %add3A_1052 : i32 to index
        %get3A_1056 = arith.constant 80 : index
        %get3A_1057 = tpu.vector_load %arg8[%get3A_1054, %get3A_1055, %get3A_1056] {strides = array<i32>} : memref<4x128x128xf32, #tpu.memory_space<vmem>>, vector<1x1x16xf32>,
        %get3A_1058 = vector.shape_cast %get3A_1057 : vector<1x1x16xf32> to vector<16xf32>
        %mul3A_1059 = arith.mulf %get3A_462, %get3A_1058 : vector<16xf32>
        %add3A_1060 = arith.addf %mul3A_982, %mul3A_993 : vector<16xf32>
        %add3A_1061 = arith.addf %mul3A_1004, %mul3A_1015 : vector<16xf32>
        %add3A_1062 = arith.addf %mul3A_1026, %mul3A_1037 : vector<16xf32>
        %add3A_1063 = arith.addf %mul3A_1048, %mul3A_1059 : vector<16xf32>
        %add3A_1064 = arith.addf %add3A_1060, %add3A_1061 : vector<16xf32>
        %add3A_1065 = arith.addf %add3A_1062, %add3A_1063 : vector<16xf32>
        %add3A_1066 = arith.addf %add3A_1064, %add3A_1065 : vector<16xf32>
        %swap3A_1067 = arith.constant 1 : i32
        %swap3A_1068 = arith.index_cast %swap3A_1067 : i32 to index
        %swap3A_1069 = arith.index_cast %scan3A_415 : i32 to index
        %swap3A_1070 = arith.constant 80 : index
        %swap3A_1071 = tpu.vector_load %arg9[%swap3A_1068, %swap3A_1069, %swap3A_1070] {strides = array<i32>} : memref<4x16x128xf32, #tpu.memory_space<vmem>>, vector<1x1x16xf32>,
        %swap3A_1072 = vector.shape_cast %swap3A_1071 : vector<1x1x16xf32> to vector<16xf32>
        %swap3A_1073 = vector.shape_cast %add3A_1066 : vector<16xf32> to vector<1x1x16xf32>
        tpu.vector_store %arg9[%swap3A_1068, %swap3A_1069, %swap3A_1070], %swap3A_1073 {strides = array<i32>} : memref<4x16x128xf32, #tpu.memory_space<vmem>>, vector<1x1x16xf32>,
        %mul3A_1074 = arith.constant 8 : i32
        %mul3A_1075 = arith.muli %scan3A_415, %mul3A_1074 : i32
        %add3A_1076 = arith.constant 0 : i32
        %add3A_1077 = arith.addi %mul3A_1075, %add3A_1076 : i32
        %get3A_1078 = arith.constant 1 : i32
        %get3A_1079 = arith.index_cast %get3A_1078 : i32 to index
        %get3A_1080 = arith.index_cast %add3A_1077 : i32 to index
        %get3A_1081 = arith.constant 96 : index
        %get3A_1082 = tpu.vector_load %arg8[%get3A_1079, %get3A_1080, %get3A_1081] {strides = array<i32>} : memref<4x128x128xf32, #tpu.memory_space<vmem>>, vector<1x1x16xf32>,
        %get3A_1083 = vector.shape_cast %get3A_1082 : vector<1x1x16xf32> to vector<16xf32>
        %mul3A_1084 = arith.mulf %get3A_420, %get3A_1083 : vector<16xf32>
        %mul3A_1085 = arith.constant 8 : i32
        %mul3A_1086 = arith.muli %scan3A_415, %mul3A_1085 : i32
        %add3A_1087 = arith.constant 1 : i32
        %add3A_1088 = arith.addi %mul3A_1086, %add3A_1087 : i32
        %get3A_1089 = arith.constant 1 : i32
        %get3A_1090 = arith.index_cast %get3A_1089 : i32 to index
        %get3A_1091 = arith.index_cast %add3A_1088 : i32 to index
        %get3A_1092 = arith.constant 96 : index
        %get3A_1093 = tpu.vector_load %arg8[%get3A_1090, %get3A_1091, %get3A_1092] {strides = array<i32>} : memref<4x128x128xf32, #tpu.memory_space<vmem>>, vector<1x1x16xf32>,
        %get3A_1094 = vector.shape_cast %get3A_1093 : vector<1x1x16xf32> to vector<16xf32>
        %mul3A_1095 = arith.mulf %get3A_426, %get3A_1094 : vector<16xf32>
        %mul3A_1096 = arith.constant 8 : i32
        %mul3A_1097 = arith.muli %scan3A_415, %mul3A_1096 : i32
        %add3A_1098 = arith.constant 2 : i32
        %add3A_1099 = arith.addi %mul3A_1097, %add3A_1098 : i32
        %get3A_1100 = arith.constant 1 : i32
        %get3A_1101 = arith.index_cast %get3A_1100 : i32 to index
        %get3A_1102 = arith.index_cast %add3A_1099 : i32 to index
        %get3A_1103 = arith.constant 96 : index
        %get3A_1104 = tpu.vector_load %arg8[%get3A_1101, %get3A_1102, %get3A_1103] {strides = array<i32>} : memref<4x128x128xf32, #tpu.memory_space<vmem>>, vector<1x1x16xf32>,
        %get3A_1105 = vector.shape_cast %get3A_1104 : vector<1x1x16xf32> to vector<16xf32>
        %mul3A_1106 = arith.mulf %get3A_432, %get3A_1105 : vector<16xf32>
        %mul3A_1107 = arith.constant 8 : i32
        %mul3A_1108 = arith.muli %scan3A_415, %mul3A_1107 : i32
        %add3A_1109 = arith.constant 3 : i32
        %add3A_1110 = arith.addi %mul3A_1108, %add3A_1109 : i32
        %get3A_1111 = arith.constant 1 : i32
        %get3A_1112 = arith.index_cast %get3A_1111 : i32 to index
        %get3A_1113 = arith.index_cast %add3A_1110 : i32 to index
        %get3A_1114 = arith.constant 96 : index
        %get3A_1115 = tpu.vector_load %arg8[%get3A_1112, %get3A_1113, %get3A_1114] {strides = array<i32>} : memref<4x128x128xf32, #tpu.memory_space<vmem>>, vector<1x1x16xf32>,
        %get3A_1116 = vector.shape_cast %get3A_1115 : vector<1x1x16xf32> to vector<16xf32>
        %mul3A_1117 = arith.mulf %get3A_438, %get3A_1116 : vector<16xf32>
        %mul3A_1118 = arith.constant 8 : i32
        %mul3A_1119 = arith.muli %scan3A_415, %mul3A_1118 : i32
        %add3A_1120 = arith.constant 4 : i32
        %add3A_1121 = arith.addi %mul3A_1119, %add3A_1120 : i32
        %get3A_1122 = arith.constant 1 : i32
        %get3A_1123 = arith.index_cast %get3A_1122 : i32 to index
        %get3A_1124 = arith.index_cast %add3A_1121 : i32 to index
        %get3A_1125 = arith.constant 96 : index
        %get3A_1126 = tpu.vector_load %arg8[%get3A_1123, %get3A_1124, %get3A_1125] {strides = array<i32>} : memref<4x128x128xf32, #tpu.memory_space<vmem>>, vector<1x1x16xf32>,
        %get3A_1127 = vector.shape_cast %get3A_1126 : vector<1x1x16xf32> to vector<16xf32>
        %mul3A_1128 = arith.mulf %get3A_444, %get3A_1127 : vector<16xf32>
        %mul3A_1129 = arith.constant 8 : i32
        %mul3A_1130 = arith.muli %scan3A_415, %mul3A_1129 : i32
        %add3A_1131 = arith.constant 5 : i32
        %add3A_1132 = arith.addi %mul3A_1130, %add3A_1131 : i32
        %get3A_1133 = arith.constant 1 : i32
        %get3A_1134 = arith.index_cast %get3A_1133 : i32 to index
        %get3A_1135 = arith.index_cast %add3A_1132 : i32 to index
        %get3A_1136 = arith.constant 96 : index
        %get3A_1137 = tpu.vector_load %arg8[%get3A_1134, %get3A_1135, %get3A_1136] {strides = array<i32>} : memref<4x128x128xf32, #tpu.memory_space<vmem>>, vector<1x1x16xf32>,
        %get3A_1138 = vector.shape_cast %get3A_1137 : vector<1x1x16xf32> to vector<16xf32>
        %mul3A_1139 = arith.mulf %get3A_450, %get3A_1138 : vector<16xf32>
        %mul3A_1140 = arith.constant 8 : i32
        %mul3A_1141 = arith.muli %scan3A_415, %mul3A_1140 : i32
        %add3A_1142 = arith.constant 6 : i32
        %add3A_1143 = arith.addi %mul3A_1141, %add3A_1142 : i32
        %get3A_1144 = arith.constant 1 : i32
        %get3A_1145 = arith.index_cast %get3A_1144 : i32 to index
        %get3A_1146 = arith.index_cast %add3A_1143 : i32 to index
        %get3A_1147 = arith.constant 96 : index
        %get3A_1148 = tpu.vector_load %arg8[%get3A_1145, %get3A_1146, %get3A_1147] {strides = array<i32>} : memref<4x128x128xf32, #tpu.memory_space<vmem>>, vector<1x1x16xf32>,
        %get3A_1149 = vector.shape_cast %get3A_1148 : vector<1x1x16xf32> to vector<16xf32>
        %mul3A_1150 = arith.mulf %get3A_456, %get3A_1149 : vector<16xf32>
        %mul3A_1151 = arith.constant 8 : i32
        %mul3A_1152 = arith.muli %scan3A_415, %mul3A_1151 : i32
        %add3A_1153 = arith.constant 7 : i32
        %add3A_1154 = arith.addi %mul3A_1152, %add3A_1153 : i32
        %get3A_1155 = arith.constant 1 : i32
        %get3A_1156 = arith.index_cast %get3A_1155 : i32 to index
        %get3A_1157 = arith.index_cast %add3A_1154 : i32 to index
        %get3A_1158 = arith.constant 96 : index
        %get3A_1159 = tpu.vector_load %arg8[%get3A_1156, %get3A_1157, %get3A_1158] {strides = array<i32>} : memref<4x128x128xf32, #tpu.memory_space<vmem>>, vector<1x1x16xf32>,
        %get3A_1160 = vector.shape_cast %get3A_1159 : vector<1x1x16xf32> to vector<16xf32>
        %mul3A_1161 = arith.mulf %get3A_462, %get3A_1160 : vector<16xf32>
        %add3A_1162 = arith.addf %mul3A_1084, %mul3A_1095 : vector<16xf32>
        %add3A_1163 = arith.addf %mul3A_1106, %mul3A_1117 : vector<16xf32>
        %add3A_1164 = arith.addf %mul3A_1128, %mul3A_1139 : vector<16xf32>
        %add3A_1165 = arith.addf %mul3A_1150, %mul3A_1161 : vector<16xf32>
        %add3A_1166 = arith.addf %add3A_1162, %add3A_1163 : vector<16xf32>
        %add3A_1167 = arith.addf %add3A_1164, %add3A_1165 : vector<16xf32>
        %add3A_1168 = arith.addf %add3A_1166, %add3A_1167 : vector<16xf32>
        %swap3A_1169 = arith.constant 1 : i32
        %swap3A_1170 = arith.index_cast %swap3A_1169 : i32 to index
        %swap3A_1171 = arith.index_cast %scan3A_415 : i32 to index
        %swap3A_1172 = arith.constant 96 : index
        %swap3A_1173 = tpu.vector_load %arg9[%swap3A_1170, %swap3A_1171, %swap3A_1172] {strides = array<i32>} : memref<4x16x128xf32, #tpu.memory_space<vmem>>, vector<1x1x16xf32>,
        %swap3A_1174 = vector.shape_cast %swap3A_1173 : vector<1x1x16xf32> to vector<16xf32>
        %swap3A_1175 = vector.shape_cast %add3A_1168 : vector<16xf32> to vector<1x1x16xf32>
        tpu.vector_store %arg9[%swap3A_1170, %swap3A_1171, %swap3A_1172], %swap3A_1175 {strides = array<i32>} : memref<4x16x128xf32, #tpu.memory_space<vmem>>, vector<1x1x16xf32>,
        %mul3A_1176 = arith.constant 8 : i32
        %mul3A_1177 = arith.muli %scan3A_415, %mul3A_1176 : i32
        %add3A_1178 = arith.constant 0 : i32
        %add3A_1179 = arith.addi %mul3A_1177, %add3A_1178 : i32
        %get3A_1180 = arith.constant 1 : i32
        %get3A_1181 = arith.index_cast %get3A_1180 : i32 to index
        %get3A_1182 = arith.index_cast %add3A_1179 : i32 to index
        %get3A_1183 = arith.constant 112 : index
        %get3A_1184 = tpu.vector_load %arg8[%get3A_1181, %get3A_1182, %get3A_1183] {strides = array<i32>} : memref<4x128x128xf32, #tpu.memory_space<vmem>>, vector<1x1x16xf32>,
        %get3A_1185 = vector.shape_cast %get3A_1184 : vector<1x1x16xf32> to vector<16xf32>
        %mul3A_1186 = arith.mulf %get3A_420, %get3A_1185 : vector<16xf32>
        %mul3A_1187 = arith.constant 8 : i32
        %mul3A_1188 = arith.muli %scan3A_415, %mul3A_1187 : i32
        %add3A_1189 = arith.constant 1 : i32
        %add3A_1190 = arith.addi %mul3A_1188, %add3A_1189 : i32
        %get3A_1191 = arith.constant 1 : i32
        %get3A_1192 = arith.index_cast %get3A_1191 : i32 to index
        %get3A_1193 = arith.index_cast %add3A_1190 : i32 to index
        %get3A_1194 = arith.constant 112 : index
        %get3A_1195 = tpu.vector_load %arg8[%get3A_1192, %get3A_1193, %get3A_1194] {strides = array<i32>} : memref<4x128x128xf32, #tpu.memory_space<vmem>>, vector<1x1x16xf32>,
        %get3A_1196 = vector.shape_cast %get3A_1195 : vector<1x1x16xf32> to vector<16xf32>
        %mul3A_1197 = arith.mulf %get3A_426, %get3A_1196 : vector<16xf32>
        %mul3A_1198 = arith.constant 8 : i32
        %mul3A_1199 = arith.muli %scan3A_415, %mul3A_1198 : i32
        %add3A_1200 = arith.constant 2 : i32
        %add3A_1201 = arith.addi %mul3A_1199, %add3A_1200 : i32
        %get3A_1202 = arith.constant 1 : i32
        %get3A_1203 = arith.index_cast %get3A_1202 : i32 to index
        %get3A_1204 = arith.index_cast %add3A_1201 : i32 to index
        %get3A_1205 = arith.constant 112 : index
        %get3A_1206 = tpu.vector_load %arg8[%get3A_1203, %get3A_1204, %get3A_1205] {strides = array<i32>} : memref<4x128x128xf32, #tpu.memory_space<vmem>>, vector<1x1x16xf32>,
        %get3A_1207 = vector.shape_cast %get3A_1206 : vector<1x1x16xf32> to vector<16xf32>
        %mul3A_1208 = arith.mulf %get3A_432, %get3A_1207 : vector<16xf32>
        %mul3A_1209 = arith.constant 8 : i32
        %mul3A_1210 = arith.muli %scan3A_415, %mul3A_1209 : i32
        %add3A_1211 = arith.constant 3 : i32
        %add3A_1212 = arith.addi %mul3A_1210, %add3A_1211 : i32
        %get3A_1213 = arith.constant 1 : i32
        %get3A_1214 = arith.index_cast %get3A_1213 : i32 to index
        %get3A_1215 = arith.index_cast %add3A_1212 : i32 to index
        %get3A_1216 = arith.constant 112 : index
        %get3A_1217 = tpu.vector_load %arg8[%get3A_1214, %get3A_1215, %get3A_1216] {strides = array<i32>} : memref<4x128x128xf32, #tpu.memory_space<vmem>>, vector<1x1x16xf32>,
        %get3A_1218 = vector.shape_cast %get3A_1217 : vector<1x1x16xf32> to vector<16xf32>
        %mul3A_1219 = arith.mulf %get3A_438, %get3A_1218 : vector<16xf32>
        %mul3A_1220 = arith.constant 8 : i32
        %mul3A_1221 = arith.muli %scan3A_415, %mul3A_1220 : i32
        %add3A_1222 = arith.constant 4 : i32
        %add3A_1223 = arith.addi %mul3A_1221, %add3A_1222 : i32
        %get3A_1224 = arith.constant 1 : i32
        %get3A_1225 = arith.index_cast %get3A_1224 : i32 to index
        %get3A_1226 = arith.index_cast %add3A_1223 : i32 to index
        %get3A_1227 = arith.constant 112 : index
        %get3A_1228 = tpu.vector_load %arg8[%get3A_1225, %get3A_1226, %get3A_1227] {strides = array<i32>} : memref<4x128x128xf32, #tpu.memory_space<vmem>>, vector<1x1x16xf32>,
        %get3A_1229 = vector.shape_cast %get3A_1228 : vector<1x1x16xf32> to vector<16xf32>
        %mul3A_1230 = arith.mulf %get3A_444, %get3A_1229 : vector<16xf32>
        %mul3A_1231 = arith.constant 8 : i32
        %mul3A_1232 = arith.muli %scan3A_415, %mul3A_1231 : i32
        %add3A_1233 = arith.constant 5 : i32
        %add3A_1234 = arith.addi %mul3A_1232, %add3A_1233 : i32
        %get3A_1235 = arith.constant 1 : i32
        %get3A_1236 = arith.index_cast %get3A_1235 : i32 to index
        %get3A_1237 = arith.index_cast %add3A_1234 : i32 to index
        %get3A_1238 = arith.constant 112 : index
        %get3A_1239 = tpu.vector_load %arg8[%get3A_1236, %get3A_1237, %get3A_1238] {strides = array<i32>} : memref<4x128x128xf32, #tpu.memory_space<vmem>>, vector<1x1x16xf32>,
        %get3A_1240 = vector.shape_cast %get3A_1239 : vector<1x1x16xf32> to vector<16xf32>
        %mul3A_1241 = arith.mulf %get3A_450, %get3A_1240 : vector<16xf32>
        %mul3A_1242 = arith.constant 8 : i32
        %mul3A_1243 = arith.muli %scan3A_415, %mul3A_1242 : i32
        %add3A_1244 = arith.constant 6 : i32
        %add3A_1245 = arith.addi %mul3A_1243, %add3A_1244 : i32
        %get3A_1246 = arith.constant 1 : i32
        %get3A_1247 = arith.index_cast %get3A_1246 : i32 to index
        %get3A_1248 = arith.index_cast %add3A_1245 : i32 to index
        %get3A_1249 = arith.constant 112 : index
        %get3A_1250 = tpu.vector_load %arg8[%get3A_1247, %get3A_1248, %get3A_1249] {strides = array<i32>} : memref<4x128x128xf32, #tpu.memory_space<vmem>>, vector<1x1x16xf32>,
        %get3A_1251 = vector.shape_cast %get3A_1250 : vector<1x1x16xf32> to vector<16xf32>
        %mul3A_1252 = arith.mulf %get3A_456, %get3A_1251 : vector<16xf32>
        %mul3A_1253 = arith.constant 8 : i32
        %mul3A_1254 = arith.muli %scan3A_415, %mul3A_1253 : i32
        %add3A_1255 = arith.constant 7 : i32
        %add3A_1256 = arith.addi %mul3A_1254, %add3A_1255 : i32
        %get3A_1257 = arith.constant 1 : i32
        %get3A_1258 = arith.index_cast %get3A_1257 : i32 to index
        %get3A_1259 = arith.index_cast %add3A_1256 : i32 to index
        %get3A_1260 = arith.constant 112 : index
        %get3A_1261 = tpu.vector_load %arg8[%get3A_1258, %get3A_1259, %get3A_1260] {strides = array<i32>} : memref<4x128x128xf32, #tpu.memory_space<vmem>>, vector<1x1x16xf32>,
        %get3A_1262 = vector.shape_cast %get3A_1261 : vector<1x1x16xf32> to vector<16xf32>
        %mul3A_1263 = arith.mulf %get3A_462, %get3A_1262 : vector<16xf32>
        %add3A_1264 = arith.addf %mul3A_1186, %mul3A_1197 : vector<16xf32>
        %add3A_1265 = arith.addf %mul3A_1208, %mul3A_1219 : vector<16xf32>
        %add3A_1266 = arith.addf %mul3A_1230, %mul3A_1241 : vector<16xf32>
        %add3A_1267 = arith.addf %mul3A_1252, %mul3A_1263 : vector<16xf32>
        %add3A_1268 = arith.addf %add3A_1264, %add3A_1265 : vector<16xf32>
        %add3A_1269 = arith.addf %add3A_1266, %add3A_1267 : vector<16xf32>
        %add3A_1270 = arith.addf %add3A_1268, %add3A_1269 : vector<16xf32>
        %swap3A_1271 = arith.constant 1 : i32
        %swap3A_1272 = arith.index_cast %swap3A_1271 : i32 to index
        %swap3A_1273 = arith.index_cast %scan3A_415 : i32 to index
        %swap3A_1274 = arith.constant 112 : index
        %swap3A_1275 = tpu.vector_load %arg9[%swap3A_1272, %swap3A_1273, %swap3A_1274] {strides = array<i32>} : memref<4x16x128xf32, #tpu.memory_space<vmem>>, vector<1x1x16xf32>,
        %swap3A_1276 = vector.shape_cast %swap3A_1275 : vector<1x1x16xf32> to vector<16xf32>
        %swap3A_1277 = vector.shape_cast %add3A_1270 : vector<16xf32> to vector<1x1x16xf32>
        tpu.vector_store %arg9[%swap3A_1272, %swap3A_1273, %swap3A_1274], %swap3A_1277 {strides = array<i32>} : memref<4x16x128xf32, #tpu.memory_space<vmem>>, vector<1x1x16xf32>,
      }
      %scan3A_265 = arith.constant 16 : i32
      %add3A_266 = arith.constant 4 : i32
      %add3A_267 = arith.addi %add3A_229, %add3A_266 : i32
      %lt3A_268 = arith.constant 32 : i32
      %lt3A_269 = arith.cmpi slt, %add3A_267, %lt3A_268 : i32
      %convert_element_type3A_270 = arith.extui %lt3A_269 : i1 to i32
      %cond3A_271 = arith.constant 0 : i32
      %cond3A_272 = arith.cmpi ne, %convert_element_type3A_270, %cond3A_271 : i32
      scf.if %cond3A_272 {
        %add3A_415 = arith.constant 4 : i32
        %add3A_416 = arith.addi %add3A_229, %add3A_415 : i32
        %dma_start3A_417 = arith.constant 1 : i32
        %dma_start3A_418 = arith.constant 0 : i32
        %dma_start3A_419 = arith.constant 0 : i32
        %dma_start3A_420 = tpu.memref_slice %arg8[%dma_start3A_417, %dma_start3A_418, %dma_start3A_419] : memref<4x128x128xf32, #tpu.memory_space<vmem>> -> memref<1x128x128xf32, #tpu.memory_space<vmem>>
        %dma_start3A_421 = tpu.memref_squeeze %dma_start3A_420 : memref<1x128x128xf32, #tpu.memory_space<vmem>> -> memref<128x128xf32, #tpu.memory_space<vmem>>
        %dma_start3A_422 = arith.constant 0 : i32
        %dma_start3A_423 = tpu.memref_slice %arg6[%add3A_416, %dma_start3A_422] : memref<32x128xi32, #tpu.memory_space<vmem>> -> memref<1x128xi32, #tpu.memory_space<vmem>>
        %dma_start3A_424 = tpu.memref_squeeze %dma_start3A_423 : memref<1x128xi32, #tpu.memory_space<vmem>> -> memref<128xi32, #tpu.memory_space<vmem>>
        %dma_start3A_425 = arith.constant 0 : i32
        %dma_start3A_426 = arith.constant 0 : i32
        %dma_start3A_427 = tpu.memref_slice %arg2[%dma_start3A_425, %dma_start3A_426] : memref<262144x128xf32, #tpu.memory_space<hbm>> -> memref<262144x128xf32, #tpu.memory_space<hbm>>
        tpu.enqueue_indirect_dma source(%dma_start3A_427 : memref<262144x128xf32, #tpu.memory_space<hbm>>) target(%dma_start3A_421 : memref<128x128xf32, #tpu.memory_space<vmem>>) offsets(%dma_start3A_424 : memref<128xi32, #tpu.memory_space<vmem>>) semaphore(%arg11 : memref<!tpu.dma_semaphore, #tpu.memory_space<semaphore_mem>>)
        %mul3A_428 = arith.constant 16 : i32
        %mul3A_429 = arith.muli %add3A_416, %mul3A_428 : i32
        %add3A_430 = arith.addi %mul3A_2, %mul3A_429 : i32
        %dma_start3A_431 = arith.constant 1 : i32
        %dma_start3A_432 = arith.constant 0 : i32
        %dma_start3A_433 = arith.constant 0 : i32
        %dma_start3A_434 = tpu.memref_slice %arg7[%dma_start3A_431, %dma_start3A_432, %dma_start3A_433] : memref<4x16x128xf32, #tpu.memory_space<vmem>> -> memref<1x16x128xf32, #tpu.memory_space<vmem>>
        %dma_start3A_435 = tpu.memref_squeeze %dma_start3A_434 : memref<1x16x128xf32, #tpu.memory_space<vmem>> -> memref<16x128xf32, #tpu.memory_space<vmem>>
        %dma_start3A_436 = arith.constant 0 : i32
        %dma_start3A_437 = tpu.memref_slice %arg4[%add3A_430, %dma_start3A_436] : memref<16384x128xf32, #tpu.memory_space<hbm>> -> memref<16x128xf32, #tpu.memory_space<hbm>>
        %dma_start3A_438 = arith.constant 0 : i32
        %dma_start3A_439 = arith.constant 0 : i32
        %dma_start3A_440 = tpu.memref_slice %arg7[%dma_start3A_431, %dma_start3A_438, %dma_start3A_439] : memref<4x16x128xf32, #tpu.memory_space<vmem>> -> memref<1x16x128xf32, #tpu.memory_space<vmem>>
        %dma_start3A_441 = tpu.memref_squeeze %dma_start3A_440 : memref<1x16x128xf32, #tpu.memory_space<vmem>> -> memref<16x128xf32, #tpu.memory_space<vmem>>
        %dma_start3A_442 = arith.constant 0 : i32
        %dma_start3A_443 = tpu.memref_slice %arg4[%add3A_430, %dma_start3A_442] : memref<16384x128xf32, #tpu.memory_space<hbm>> -> memref<16x128xf32, #tpu.memory_space<hbm>>
        tpu.enqueue_dma source(%dma_start3A_443 : memref<16x128xf32, #tpu.memory_space<hbm>>) target(%dma_start3A_441 : memref<16x128xf32, #tpu.memory_space<vmem>>) target_semaphore(%arg15 : memref<!tpu.dma_semaphore, #tpu.memory_space<semaphore_mem>>)
      } else {
      }
      %mul3A_273 = arith.constant 16 : i32
      %mul3A_274 = arith.muli %add3A_229, %mul3A_273 : i32
      %add3A_275 = arith.addi %mul3A_2, %mul3A_274 : i32
      %dma_start3A_276 = arith.constant 1 : i32
      %dma_start3A_277 = arith.constant 0 : i32
      %dma_start3A_278 = arith.constant 0 : i32
      %dma_start3A_279 = tpu.memref_slice %arg9[%dma_start3A_276, %dma_start3A_277, %dma_start3A_278] : memref<4x16x128xf32, #tpu.memory_space<vmem>> -> memref<1x16x128xf32, #tpu.memory_space<vmem>>
      %dma_start3A_280 = tpu.memref_squeeze %dma_start3A_279 : memref<1x16x128xf32, #tpu.memory_space<vmem>> -> memref<16x128xf32, #tpu.memory_space<vmem>>
      %dma_start3A_281 = arith.constant 0 : i32
      %dma_start3A_282 = tpu.memref_slice %arg5[%add3A_275, %dma_start3A_281] : memref<16384x128xf32, #tpu.memory_space<hbm>> -> memref<16x128xf32, #tpu.memory_space<hbm>>
      %dma_start3A_283 = arith.constant 0 : i32
      %dma_start3A_284 = tpu.memref_slice %arg5[%add3A_275, %dma_start3A_283] : memref<16384x128xf32, #tpu.memory_space<hbm>> -> memref<16x128xf32, #tpu.memory_space<hbm>>
      %dma_start3A_285 = arith.constant 0 : i32
      %dma_start3A_286 = arith.constant 0 : i32
      %dma_start3A_287 = tpu.memref_slice %arg9[%dma_start3A_276, %dma_start3A_285, %dma_start3A_286] : memref<4x16x128xf32, #tpu.memory_space<vmem>> -> memref<1x16x128xf32, #tpu.memory_space<vmem>>
      %dma_start3A_288 = tpu.memref_squeeze %dma_start3A_287 : memref<1x16x128xf32, #tpu.memory_space<vmem>> -> memref<16x128xf32, #tpu.memory_space<vmem>>
      tpu.enqueue_dma source(%dma_start3A_288 : memref<16x128xf32, #tpu.memory_space<vmem>>) target(%dma_start3A_284 : memref<16x128xf32, #tpu.memory_space<hbm>>) target_semaphore(%arg19 : memref<!tpu.dma_semaphore, #tpu.memory_space<semaphore_mem>>)
      %mul3A_289 = arith.constant 4 : i32
      %mul3A_290 = arith.muli %scan3A_166, %mul3A_289 : i32
      %add3A_291 = arith.constant 2 : i32
      %add3A_292 = arith.addi %mul3A_290, %add3A_291 : i32
      %dma_wait3A_293 = arith.constant 2 : i32
      %dma_wait3A_294 = arith.constant 2 : i32
      %dma_wait3A_295 = arith.constant 0 : i32
      %dma_wait3A_296 = arith.constant 0 : i32
      %dma_wait3A_297 = tpu.memref_slice %arg8[%dma_wait3A_294, %dma_wait3A_295, %dma_wait3A_296] : memref<4x128x128xf32, #tpu.memory_space<vmem>> -> memref<1x128x128xf32, #tpu.memory_space<vmem>>
      %dma_wait3A_298 = tpu.memref_squeeze %dma_wait3A_297 : memref<1x128x128xf32, #tpu.memory_space<vmem>> -> memref<128x128xf32, #tpu.memory_space<vmem>>
      %dma_wait3A_299 = arith.constant 0 : i32
      %dma_wait3A_300 = tpu.memref_slice %arg6[%dma_wait3A_293, %dma_wait3A_299] : memref<32x128xi32, #tpu.memory_space<vmem>> -> memref<1x128xi32, #tpu.memory_space<vmem>>
      %dma_wait3A_301 = tpu.memref_squeeze %dma_wait3A_300 : memref<1x128xi32, #tpu.memory_space<vmem>> -> memref<128xi32, #tpu.memory_space<vmem>>
      %dma_wait3A_302 = arith.constant 0 : i32
      %dma_wait3A_303 = arith.constant 0 : i32
      %dma_wait3A_304 = tpu.memref_slice %arg2[%dma_wait3A_302, %dma_wait3A_303] : memref<262144x128xf32, #tpu.memory_space<hbm>> -> memref<262144x128xf32, #tpu.memory_space<hbm>>
      tpu.wait_indirect_dma semaphore(%arg12 : memref<!tpu.dma_semaphore, #tpu.memory_space<semaphore_mem>>) src(%dma_wait3A_304 : memref<262144x128xf32, #tpu.memory_space<hbm>>) dst(%dma_wait3A_298 : memref<128x128xf32, #tpu.memory_space<vmem>>)
      %dma_wait3A_305 = arith.constant 2 : i32
      %dma_wait3A_306 = arith.constant 0 : i32
      %dma_wait3A_307 = arith.constant 0 : i32
      %dma_wait3A_308 = tpu.memref_slice %arg7[%dma_wait3A_305, %dma_wait3A_306, %dma_wait3A_307] : memref<4x16x128xf32, #tpu.memory_space<vmem>> -> memref<1x16x128xf32, #tpu.memory_space<vmem>>
      %dma_wait3A_309 = tpu.memref_squeeze %dma_wait3A_308 : memref<1x16x128xf32, #tpu.memory_space<vmem>> -> memref<16x128xf32, #tpu.memory_space<vmem>>
      %dma_wait3A_310 = arith.constant 0 : i32
      %dma_wait3A_311 = tpu.memref_slice %arg4[%mul3A_2, %dma_wait3A_310] : memref<16384x128xf32, #tpu.memory_space<hbm>> -> memref<16x128xf32, #tpu.memory_space<hbm>>
      %dma_wait3A_312 = arith.constant 0 : i32
      %dma_wait3A_313 = arith.constant 0 : i32
      %dma_wait3A_314 = tpu.memref_slice %arg7[%dma_wait3A_305, %dma_wait3A_312, %dma_wait3A_313] : memref<4x16x128xf32, #tpu.memory_space<vmem>> -> memref<1x16x128xf32, #tpu.memory_space<vmem>>
      %dma_wait3A_315 = tpu.memref_squeeze %dma_wait3A_314 : memref<1x16x128xf32, #tpu.memory_space<vmem>> -> memref<16x128xf32, #tpu.memory_space<vmem>>
      %dma_wait3A_316 = arith.constant 0 : i32
      %dma_wait3A_317 = tpu.memref_slice %arg4[%mul3A_2, %dma_wait3A_316] : memref<16384x128xf32, #tpu.memory_space<hbm>> -> memref<16x128xf32, #tpu.memory_space<hbm>>
      tpu.wait_dma2 semaphore(%arg16 : memref<!tpu.dma_semaphore, #tpu.memory_space<semaphore_mem>>) src(%dma_wait3A_317 : memref<16x128xf32, #tpu.memory_space<hbm>>) dst(%dma_wait3A_315 : memref<16x128xf32, #tpu.memory_space<vmem>>)
      %gt3A_318 = arith.constant 0 : i32
      %gt3A_319 = arith.cmpi sgt, %scan3A_166, %gt3A_318 : i32
      %convert_element_type3A_320 = arith.extui %gt3A_319 : i1 to i32
      %cond3A_321 = arith.constant 0 : i32
      %cond3A_322 = arith.cmpi ne, %convert_element_type3A_320, %cond3A_321 : i32
      scf.if %cond3A_322 {
        %dma_wait3A_415 = arith.constant 2 : i32
        %dma_wait3A_416 = arith.constant 0 : i32
        %dma_wait3A_417 = arith.constant 0 : i32
        %dma_wait3A_418 = tpu.memref_slice %arg9[%dma_wait3A_415, %dma_wait3A_416, %dma_wait3A_417] : memref<4x16x128xf32, #tpu.memory_space<vmem>> -> memref<1x16x128xf32, #tpu.memory_space<vmem>>
        %dma_wait3A_419 = tpu.memref_squeeze %dma_wait3A_418 : memref<1x16x128xf32, #tpu.memory_space<vmem>> -> memref<16x128xf32, #tpu.memory_space<vmem>>
        %dma_wait3A_420 = arith.constant 0 : i32
        %dma_wait3A_421 = tpu.memref_slice %arg5[%mul3A_2, %dma_wait3A_420] : memref<16384x128xf32, #tpu.memory_space<hbm>> -> memref<16x128xf32, #tpu.memory_space<hbm>>
        %dma_wait3A_422 = arith.constant 0 : i32
        %dma_wait3A_423 = tpu.memref_slice %arg5[%mul3A_2, %dma_wait3A_422] : memref<16384x128xf32, #tpu.memory_space<hbm>> -> memref<16x128xf32, #tpu.memory_space<hbm>>
        %dma_wait3A_424 = arith.constant 0 : i32
        %dma_wait3A_425 = arith.constant 0 : i32
        %dma_wait3A_426 = tpu.memref_slice %arg9[%dma_wait3A_415, %dma_wait3A_424, %dma_wait3A_425] : memref<4x16x128xf32, #tpu.memory_space<vmem>> -> memref<1x16x128xf32, #tpu.memory_space<vmem>>
        %dma_wait3A_427 = tpu.memref_squeeze %dma_wait3A_426 : memref<1x16x128xf32, #tpu.memory_space<vmem>> -> memref<16x128xf32, #tpu.memory_space<vmem>>
        tpu.wait_dma2 semaphore(%arg20 : memref<!tpu.dma_semaphore, #tpu.memory_space<semaphore_mem>>) src(%dma_wait3A_427 : memref<16x128xf32, #tpu.memory_space<vmem>>) dst(%dma_wait3A_423 : memref<16x128xf32, #tpu.memory_space<hbm>>)
      } else {
      }
      %scan3A_323 = arith.constant 0 : i32
      %scan3A_324 = arith.constant 0 : i32
      %scan3A_325 = arith.constant 16 : i32
      %scan3A_326 = arith.addi %scan3A_324, %scan3A_325 : i32
      %scan3A_327 = arith.constant 1 : i32
      scf.for %scan3A_415 = %scan3A_324 to %scan3A_326 step %scan3A_327  : i32 {
        %get3A = arith.constant 2 : i32
        %get3A_416 = arith.index_cast %get3A : i32 to index
        %get3A_417 = arith.index_cast %scan3A_415 : i32 to index
        %get3A_418 = arith.constant 0 : index
        %get3A_419 = tpu.vector_load %arg7[%get3A_416, %get3A_417, %get3A_418] {strides = array<i32>} : memref<4x16x128xf32, #tpu.memory_space<vmem>>, vector<1x1x16xf32>,
        %get3A_420 = vector.shape_cast %get3A_419 : vector<1x1x16xf32> to vector<16xf32>
        %get3A_421 = arith.constant 2 : i32
        %get3A_422 = arith.index_cast %get3A_421 : i32 to index
        %get3A_423 = arith.index_cast %scan3A_415 : i32 to index
        %get3A_424 = arith.constant 16 : index
        %get3A_425 = tpu.vector_load %arg7[%get3A_422, %get3A_423, %get3A_424] {strides = array<i32>} : memref<4x16x128xf32, #tpu.memory_space<vmem>>, vector<1x1x16xf32>,
        %get3A_426 = vector.shape_cast %get3A_425 : vector<1x1x16xf32> to vector<16xf32>
        %get3A_427 = arith.constant 2 : i32
        %get3A_428 = arith.index_cast %get3A_427 : i32 to index
        %get3A_429 = arith.index_cast %scan3A_415 : i32 to index
        %get3A_430 = arith.constant 32 : index
        %get3A_431 = tpu.vector_load %arg7[%get3A_428, %get3A_429, %get3A_430] {strides = array<i32>} : memref<4x16x128xf32, #tpu.memory_space<vmem>>, vector<1x1x16xf32>,
        %get3A_432 = vector.shape_cast %get3A_431 : vector<1x1x16xf32> to vector<16xf32>
        %get3A_433 = arith.constant 2 : i32
        %get3A_434 = arith.index_cast %get3A_433 : i32 to index
        %get3A_435 = arith.index_cast %scan3A_415 : i32 to index
        %get3A_436 = arith.constant 48 : index
        %get3A_437 = tpu.vector_load %arg7[%get3A_434, %get3A_435, %get3A_436] {strides = array<i32>} : memref<4x16x128xf32, #tpu.memory_space<vmem>>, vector<1x1x16xf32>,
        %get3A_438 = vector.shape_cast %get3A_437 : vector<1x1x16xf32> to vector<16xf32>
        %get3A_439 = arith.constant 2 : i32
        %get3A_440 = arith.index_cast %get3A_439 : i32 to index
        %get3A_441 = arith.index_cast %scan3A_415 : i32 to index
        %get3A_442 = arith.constant 64 : index
        %get3A_443 = tpu.vector_load %arg7[%get3A_440, %get3A_441, %get3A_442] {strides = array<i32>} : memref<4x16x128xf32, #tpu.memory_space<vmem>>, vector<1x1x16xf32>,
        %get3A_444 = vector.shape_cast %get3A_443 : vector<1x1x16xf32> to vector<16xf32>
        %get3A_445 = arith.constant 2 : i32
        %get3A_446 = arith.index_cast %get3A_445 : i32 to index
        %get3A_447 = arith.index_cast %scan3A_415 : i32 to index
        %get3A_448 = arith.constant 80 : index
        %get3A_449 = tpu.vector_load %arg7[%get3A_446, %get3A_447, %get3A_448] {strides = array<i32>} : memref<4x16x128xf32, #tpu.memory_space<vmem>>, vector<1x1x16xf32>,
        %get3A_450 = vector.shape_cast %get3A_449 : vector<1x1x16xf32> to vector<16xf32>
        %get3A_451 = arith.constant 2 : i32
        %get3A_452 = arith.index_cast %get3A_451 : i32 to index
        %get3A_453 = arith.index_cast %scan3A_415 : i32 to index
        %get3A_454 = arith.constant 96 : index
        %get3A_455 = tpu.vector_load %arg7[%get3A_452, %get3A_453, %get3A_454] {strides = array<i32>} : memref<4x16x128xf32, #tpu.memory_space<vmem>>, vector<1x1x16xf32>,
        %get3A_456 = vector.shape_cast %get3A_455 : vector<1x1x16xf32> to vector<16xf32>
        %get3A_457 = arith.constant 2 : i32
        %get3A_458 = arith.index_cast %get3A_457 : i32 to index
        %get3A_459 = arith.index_cast %scan3A_415 : i32 to index
        %get3A_460 = arith.constant 112 : index
        %get3A_461 = tpu.vector_load %arg7[%get3A_458, %get3A_459, %get3A_460] {strides = array<i32>} : memref<4x16x128xf32, #tpu.memory_space<vmem>>, vector<1x1x16xf32>,
        %get3A_462 = vector.shape_cast %get3A_461 : vector<1x1x16xf32> to vector<16xf32>
        %mul3A_463 = arith.constant 8 : i32
        %mul3A_464 = arith.muli %scan3A_415, %mul3A_463 : i32
        %add3A_465 = arith.constant 0 : i32
        %add3A_466 = arith.addi %mul3A_464, %add3A_465 : i32
        %get3A_467 = arith.constant 2 : i32
        %get3A_468 = arith.index_cast %get3A_467 : i32 to index
        %get3A_469 = arith.index_cast %add3A_466 : i32 to index
        %get3A_470 = arith.constant 0 : index
        %get3A_471 = tpu.vector_load %arg8[%get3A_468, %get3A_469, %get3A_470] {strides = array<i32>} : memref<4x128x128xf32, #tpu.memory_space<vmem>>, vector<1x1x16xf32>,
        %get3A_472 = vector.shape_cast %get3A_471 : vector<1x1x16xf32> to vector<16xf32>
        %mul3A_473 = arith.mulf %get3A_420, %get3A_472 : vector<16xf32>
        %mul3A_474 = arith.constant 8 : i32
        %mul3A_475 = arith.muli %scan3A_415, %mul3A_474 : i32
        %add3A_476 = arith.constant 1 : i32
        %add3A_477 = arith.addi %mul3A_475, %add3A_476 : i32
        %get3A_478 = arith.constant 2 : i32
        %get3A_479 = arith.index_cast %get3A_478 : i32 to index
        %get3A_480 = arith.index_cast %add3A_477 : i32 to index
        %get3A_481 = arith.constant 0 : index
        %get3A_482 = tpu.vector_load %arg8[%get3A_479, %get3A_480, %get3A_481] {strides = array<i32>} : memref<4x128x128xf32, #tpu.memory_space<vmem>>, vector<1x1x16xf32>,
        %get3A_483 = vector.shape_cast %get3A_482 : vector<1x1x16xf32> to vector<16xf32>
        %mul3A_484 = arith.mulf %get3A_426, %get3A_483 : vector<16xf32>
        %mul3A_485 = arith.constant 8 : i32
        %mul3A_486 = arith.muli %scan3A_415, %mul3A_485 : i32
        %add3A_487 = arith.constant 2 : i32
        %add3A_488 = arith.addi %mul3A_486, %add3A_487 : i32
        %get3A_489 = arith.constant 2 : i32
        %get3A_490 = arith.index_cast %get3A_489 : i32 to index
        %get3A_491 = arith.index_cast %add3A_488 : i32 to index
        %get3A_492 = arith.constant 0 : index
        %get3A_493 = tpu.vector_load %arg8[%get3A_490, %get3A_491, %get3A_492] {strides = array<i32>} : memref<4x128x128xf32, #tpu.memory_space<vmem>>, vector<1x1x16xf32>,
        %get3A_494 = vector.shape_cast %get3A_493 : vector<1x1x16xf32> to vector<16xf32>
        %mul3A_495 = arith.mulf %get3A_432, %get3A_494 : vector<16xf32>
        %mul3A_496 = arith.constant 8 : i32
        %mul3A_497 = arith.muli %scan3A_415, %mul3A_496 : i32
        %add3A_498 = arith.constant 3 : i32
        %add3A_499 = arith.addi %mul3A_497, %add3A_498 : i32
        %get3A_500 = arith.constant 2 : i32
        %get3A_501 = arith.index_cast %get3A_500 : i32 to index
        %get3A_502 = arith.index_cast %add3A_499 : i32 to index
        %get3A_503 = arith.constant 0 : index
        %get3A_504 = tpu.vector_load %arg8[%get3A_501, %get3A_502, %get3A_503] {strides = array<i32>} : memref<4x128x128xf32, #tpu.memory_space<vmem>>, vector<1x1x16xf32>,
        %get3A_505 = vector.shape_cast %get3A_504 : vector<1x1x16xf32> to vector<16xf32>
        %mul3A_506 = arith.mulf %get3A_438, %get3A_505 : vector<16xf32>
        %mul3A_507 = arith.constant 8 : i32
        %mul3A_508 = arith.muli %scan3A_415, %mul3A_507 : i32
        %add3A_509 = arith.constant 4 : i32
        %add3A_510 = arith.addi %mul3A_508, %add3A_509 : i32
        %get3A_511 = arith.constant 2 : i32
        %get3A_512 = arith.index_cast %get3A_511 : i32 to index
        %get3A_513 = arith.index_cast %add3A_510 : i32 to index
        %get3A_514 = arith.constant 0 : index
        %get3A_515 = tpu.vector_load %arg8[%get3A_512, %get3A_513, %get3A_514] {strides = array<i32>} : memref<4x128x128xf32, #tpu.memory_space<vmem>>, vector<1x1x16xf32>,
        %get3A_516 = vector.shape_cast %get3A_515 : vector<1x1x16xf32> to vector<16xf32>
        %mul3A_517 = arith.mulf %get3A_444, %get3A_516 : vector<16xf32>
        %mul3A_518 = arith.constant 8 : i32
        %mul3A_519 = arith.muli %scan3A_415, %mul3A_518 : i32
        %add3A_520 = arith.constant 5 : i32
        %add3A_521 = arith.addi %mul3A_519, %add3A_520 : i32
        %get3A_522 = arith.constant 2 : i32
        %get3A_523 = arith.index_cast %get3A_522 : i32 to index
        %get3A_524 = arith.index_cast %add3A_521 : i32 to index
        %get3A_525 = arith.constant 0 : index
        %get3A_526 = tpu.vector_load %arg8[%get3A_523, %get3A_524, %get3A_525] {strides = array<i32>} : memref<4x128x128xf32, #tpu.memory_space<vmem>>, vector<1x1x16xf32>,
        %get3A_527 = vector.shape_cast %get3A_526 : vector<1x1x16xf32> to vector<16xf32>
        %mul3A_528 = arith.mulf %get3A_450, %get3A_527 : vector<16xf32>
        %mul3A_529 = arith.constant 8 : i32
        %mul3A_530 = arith.muli %scan3A_415, %mul3A_529 : i32
        %add3A_531 = arith.constant 6 : i32
        %add3A_532 = arith.addi %mul3A_530, %add3A_531 : i32
        %get3A_533 = arith.constant 2 : i32
        %get3A_534 = arith.index_cast %get3A_533 : i32 to index
        %get3A_535 = arith.index_cast %add3A_532 : i32 to index
        %get3A_536 = arith.constant 0 : index
        %get3A_537 = tpu.vector_load %arg8[%get3A_534, %get3A_535, %get3A_536] {strides = array<i32>} : memref<4x128x128xf32, #tpu.memory_space<vmem>>, vector<1x1x16xf32>,
        %get3A_538 = vector.shape_cast %get3A_537 : vector<1x1x16xf32> to vector<16xf32>
        %mul3A_539 = arith.mulf %get3A_456, %get3A_538 : vector<16xf32>
        %mul3A_540 = arith.constant 8 : i32
        %mul3A_541 = arith.muli %scan3A_415, %mul3A_540 : i32
        %add3A_542 = arith.constant 7 : i32
        %add3A_543 = arith.addi %mul3A_541, %add3A_542 : i32
        %get3A_544 = arith.constant 2 : i32
        %get3A_545 = arith.index_cast %get3A_544 : i32 to index
        %get3A_546 = arith.index_cast %add3A_543 : i32 to index
        %get3A_547 = arith.constant 0 : index
        %get3A_548 = tpu.vector_load %arg8[%get3A_545, %get3A_546, %get3A_547] {strides = array<i32>} : memref<4x128x128xf32, #tpu.memory_space<vmem>>, vector<1x1x16xf32>,
        %get3A_549 = vector.shape_cast %get3A_548 : vector<1x1x16xf32> to vector<16xf32>
        %mul3A_550 = arith.mulf %get3A_462, %get3A_549 : vector<16xf32>
        %add3A_551 = arith.addf %mul3A_473, %mul3A_484 : vector<16xf32>
        %add3A_552 = arith.addf %mul3A_495, %mul3A_506 : vector<16xf32>
        %add3A_553 = arith.addf %mul3A_517, %mul3A_528 : vector<16xf32>
        %add3A_554 = arith.addf %mul3A_539, %mul3A_550 : vector<16xf32>
        %add3A_555 = arith.addf %add3A_551, %add3A_552 : vector<16xf32>
        %add3A_556 = arith.addf %add3A_553, %add3A_554 : vector<16xf32>
        %add3A_557 = arith.addf %add3A_555, %add3A_556 : vector<16xf32>
        %swap3A = arith.constant 2 : i32
        %swap3A_558 = arith.index_cast %swap3A : i32 to index
        %swap3A_559 = arith.index_cast %scan3A_415 : i32 to index
        %swap3A_560 = arith.constant 0 : index
        %swap3A_561 = tpu.vector_load %arg9[%swap3A_558, %swap3A_559, %swap3A_560] {strides = array<i32>} : memref<4x16x128xf32, #tpu.memory_space<vmem>>, vector<1x1x16xf32>,
        %swap3A_562 = vector.shape_cast %swap3A_561 : vector<1x1x16xf32> to vector<16xf32>
        %swap3A_563 = vector.shape_cast %add3A_557 : vector<16xf32> to vector<1x1x16xf32>
        tpu.vector_store %arg9[%swap3A_558, %swap3A_559, %swap3A_560], %swap3A_563 {strides = array<i32>} : memref<4x16x128xf32, #tpu.memory_space<vmem>>, vector<1x1x16xf32>,
        %mul3A_564 = arith.constant 8 : i32
        %mul3A_565 = arith.muli %scan3A_415, %mul3A_564 : i32
        %add3A_566 = arith.constant 0 : i32
        %add3A_567 = arith.addi %mul3A_565, %add3A_566 : i32
        %get3A_568 = arith.constant 2 : i32
        %get3A_569 = arith.index_cast %get3A_568 : i32 to index
        %get3A_570 = arith.index_cast %add3A_567 : i32 to index
        %get3A_571 = arith.constant 16 : index
        %get3A_572 = tpu.vector_load %arg8[%get3A_569, %get3A_570, %get3A_571] {strides = array<i32>} : memref<4x128x128xf32, #tpu.memory_space<vmem>>, vector<1x1x16xf32>,
        %get3A_573 = vector.shape_cast %get3A_572 : vector<1x1x16xf32> to vector<16xf32>
        %mul3A_574 = arith.mulf %get3A_420, %get3A_573 : vector<16xf32>
        %mul3A_575 = arith.constant 8 : i32
        %mul3A_576 = arith.muli %scan3A_415, %mul3A_575 : i32
        %add3A_577 = arith.constant 1 : i32
        %add3A_578 = arith.addi %mul3A_576, %add3A_577 : i32
        %get3A_579 = arith.constant 2 : i32
        %get3A_580 = arith.index_cast %get3A_579 : i32 to index
        %get3A_581 = arith.index_cast %add3A_578 : i32 to index
        %get3A_582 = arith.constant 16 : index
        %get3A_583 = tpu.vector_load %arg8[%get3A_580, %get3A_581, %get3A_582] {strides = array<i32>} : memref<4x128x128xf32, #tpu.memory_space<vmem>>, vector<1x1x16xf32>,
        %get3A_584 = vector.shape_cast %get3A_583 : vector<1x1x16xf32> to vector<16xf32>
        %mul3A_585 = arith.mulf %get3A_426, %get3A_584 : vector<16xf32>
        %mul3A_586 = arith.constant 8 : i32
        %mul3A_587 = arith.muli %scan3A_415, %mul3A_586 : i32
        %add3A_588 = arith.constant 2 : i32
        %add3A_589 = arith.addi %mul3A_587, %add3A_588 : i32
        %get3A_590 = arith.constant 2 : i32
        %get3A_591 = arith.index_cast %get3A_590 : i32 to index
        %get3A_592 = arith.index_cast %add3A_589 : i32 to index
        %get3A_593 = arith.constant 16 : index
        %get3A_594 = tpu.vector_load %arg8[%get3A_591, %get3A_592, %get3A_593] {strides = array<i32>} : memref<4x128x128xf32, #tpu.memory_space<vmem>>, vector<1x1x16xf32>,
        %get3A_595 = vector.shape_cast %get3A_594 : vector<1x1x16xf32> to vector<16xf32>
        %mul3A_596 = arith.mulf %get3A_432, %get3A_595 : vector<16xf32>
        %mul3A_597 = arith.constant 8 : i32
        %mul3A_598 = arith.muli %scan3A_415, %mul3A_597 : i32
        %add3A_599 = arith.constant 3 : i32
        %add3A_600 = arith.addi %mul3A_598, %add3A_599 : i32
        %get3A_601 = arith.constant 2 : i32
        %get3A_602 = arith.index_cast %get3A_601 : i32 to index
        %get3A_603 = arith.index_cast %add3A_600 : i32 to index
        %get3A_604 = arith.constant 16 : index
        %get3A_605 = tpu.vector_load %arg8[%get3A_602, %get3A_603, %get3A_604] {strides = array<i32>} : memref<4x128x128xf32, #tpu.memory_space<vmem>>, vector<1x1x16xf32>,
        %get3A_606 = vector.shape_cast %get3A_605 : vector<1x1x16xf32> to vector<16xf32>
        %mul3A_607 = arith.mulf %get3A_438, %get3A_606 : vector<16xf32>
        %mul3A_608 = arith.constant 8 : i32
        %mul3A_609 = arith.muli %scan3A_415, %mul3A_608 : i32
        %add3A_610 = arith.constant 4 : i32
        %add3A_611 = arith.addi %mul3A_609, %add3A_610 : i32
        %get3A_612 = arith.constant 2 : i32
        %get3A_613 = arith.index_cast %get3A_612 : i32 to index
        %get3A_614 = arith.index_cast %add3A_611 : i32 to index
        %get3A_615 = arith.constant 16 : index
        %get3A_616 = tpu.vector_load %arg8[%get3A_613, %get3A_614, %get3A_615] {strides = array<i32>} : memref<4x128x128xf32, #tpu.memory_space<vmem>>, vector<1x1x16xf32>,
        %get3A_617 = vector.shape_cast %get3A_616 : vector<1x1x16xf32> to vector<16xf32>
        %mul3A_618 = arith.mulf %get3A_444, %get3A_617 : vector<16xf32>
        %mul3A_619 = arith.constant 8 : i32
        %mul3A_620 = arith.muli %scan3A_415, %mul3A_619 : i32
        %add3A_621 = arith.constant 5 : i32
        %add3A_622 = arith.addi %mul3A_620, %add3A_621 : i32
        %get3A_623 = arith.constant 2 : i32
        %get3A_624 = arith.index_cast %get3A_623 : i32 to index
        %get3A_625 = arith.index_cast %add3A_622 : i32 to index
        %get3A_626 = arith.constant 16 : index
        %get3A_627 = tpu.vector_load %arg8[%get3A_624, %get3A_625, %get3A_626] {strides = array<i32>} : memref<4x128x128xf32, #tpu.memory_space<vmem>>, vector<1x1x16xf32>,
        %get3A_628 = vector.shape_cast %get3A_627 : vector<1x1x16xf32> to vector<16xf32>
        %mul3A_629 = arith.mulf %get3A_450, %get3A_628 : vector<16xf32>
        %mul3A_630 = arith.constant 8 : i32
        %mul3A_631 = arith.muli %scan3A_415, %mul3A_630 : i32
        %add3A_632 = arith.constant 6 : i32
        %add3A_633 = arith.addi %mul3A_631, %add3A_632 : i32
        %get3A_634 = arith.constant 2 : i32
        %get3A_635 = arith.index_cast %get3A_634 : i32 to index
        %get3A_636 = arith.index_cast %add3A_633 : i32 to index
        %get3A_637 = arith.constant 16 : index
        %get3A_638 = tpu.vector_load %arg8[%get3A_635, %get3A_636, %get3A_637] {strides = array<i32>} : memref<4x128x128xf32, #tpu.memory_space<vmem>>, vector<1x1x16xf32>,
        %get3A_639 = vector.shape_cast %get3A_638 : vector<1x1x16xf32> to vector<16xf32>
        %mul3A_640 = arith.mulf %get3A_456, %get3A_639 : vector<16xf32>
        %mul3A_641 = arith.constant 8 : i32
        %mul3A_642 = arith.muli %scan3A_415, %mul3A_641 : i32
        %add3A_643 = arith.constant 7 : i32
        %add3A_644 = arith.addi %mul3A_642, %add3A_643 : i32
        %get3A_645 = arith.constant 2 : i32
        %get3A_646 = arith.index_cast %get3A_645 : i32 to index
        %get3A_647 = arith.index_cast %add3A_644 : i32 to index
        %get3A_648 = arith.constant 16 : index
        %get3A_649 = tpu.vector_load %arg8[%get3A_646, %get3A_647, %get3A_648] {strides = array<i32>} : memref<4x128x128xf32, #tpu.memory_space<vmem>>, vector<1x1x16xf32>,
        %get3A_650 = vector.shape_cast %get3A_649 : vector<1x1x16xf32> to vector<16xf32>
        %mul3A_651 = arith.mulf %get3A_462, %get3A_650 : vector<16xf32>
        %add3A_652 = arith.addf %mul3A_574, %mul3A_585 : vector<16xf32>
        %add3A_653 = arith.addf %mul3A_596, %mul3A_607 : vector<16xf32>
        %add3A_654 = arith.addf %mul3A_618, %mul3A_629 : vector<16xf32>
        %add3A_655 = arith.addf %mul3A_640, %mul3A_651 : vector<16xf32>
        %add3A_656 = arith.addf %add3A_652, %add3A_653 : vector<16xf32>
        %add3A_657 = arith.addf %add3A_654, %add3A_655 : vector<16xf32>
        %add3A_658 = arith.addf %add3A_656, %add3A_657 : vector<16xf32>
        %swap3A_659 = arith.constant 2 : i32
        %swap3A_660 = arith.index_cast %swap3A_659 : i32 to index
        %swap3A_661 = arith.index_cast %scan3A_415 : i32 to index
        %swap3A_662 = arith.constant 16 : index
        %swap3A_663 = tpu.vector_load %arg9[%swap3A_660, %swap3A_661, %swap3A_662] {strides = array<i32>} : memref<4x16x128xf32, #tpu.memory_space<vmem>>, vector<1x1x16xf32>,
        %swap3A_664 = vector.shape_cast %swap3A_663 : vector<1x1x16xf32> to vector<16xf32>
        %swap3A_665 = vector.shape_cast %add3A_658 : vector<16xf32> to vector<1x1x16xf32>
        tpu.vector_store %arg9[%swap3A_660, %swap3A_661, %swap3A_662], %swap3A_665 {strides = array<i32>} : memref<4x16x128xf32, #tpu.memory_space<vmem>>, vector<1x1x16xf32>,
        %mul3A_666 = arith.constant 8 : i32
        %mul3A_667 = arith.muli %scan3A_415, %mul3A_666 : i32
        %add3A_668 = arith.constant 0 : i32
        %add3A_669 = arith.addi %mul3A_667, %add3A_668 : i32
        %get3A_670 = arith.constant 2 : i32
        %get3A_671 = arith.index_cast %get3A_670 : i32 to index
        %get3A_672 = arith.index_cast %add3A_669 : i32 to index
        %get3A_673 = arith.constant 32 : index
        %get3A_674 = tpu.vector_load %arg8[%get3A_671, %get3A_672, %get3A_673] {strides = array<i32>} : memref<4x128x128xf32, #tpu.memory_space<vmem>>, vector<1x1x16xf32>,
        %get3A_675 = vector.shape_cast %get3A_674 : vector<1x1x16xf32> to vector<16xf32>
        %mul3A_676 = arith.mulf %get3A_420, %get3A_675 : vector<16xf32>
        %mul3A_677 = arith.constant 8 : i32
        %mul3A_678 = arith.muli %scan3A_415, %mul3A_677 : i32
        %add3A_679 = arith.constant 1 : i32
        %add3A_680 = arith.addi %mul3A_678, %add3A_679 : i32
        %get3A_681 = arith.constant 2 : i32
        %get3A_682 = arith.index_cast %get3A_681 : i32 to index
        %get3A_683 = arith.index_cast %add3A_680 : i32 to index
        %get3A_684 = arith.constant 32 : index
        %get3A_685 = tpu.vector_load %arg8[%get3A_682, %get3A_683, %get3A_684] {strides = array<i32>} : memref<4x128x128xf32, #tpu.memory_space<vmem>>, vector<1x1x16xf32>,
        %get3A_686 = vector.shape_cast %get3A_685 : vector<1x1x16xf32> to vector<16xf32>
        %mul3A_687 = arith.mulf %get3A_426, %get3A_686 : vector<16xf32>
        %mul3A_688 = arith.constant 8 : i32
        %mul3A_689 = arith.muli %scan3A_415, %mul3A_688 : i32
        %add3A_690 = arith.constant 2 : i32
        %add3A_691 = arith.addi %mul3A_689, %add3A_690 : i32
        %get3A_692 = arith.constant 2 : i32
        %get3A_693 = arith.index_cast %get3A_692 : i32 to index
        %get3A_694 = arith.index_cast %add3A_691 : i32 to index
        %get3A_695 = arith.constant 32 : index
        %get3A_696 = tpu.vector_load %arg8[%get3A_693, %get3A_694, %get3A_695] {strides = array<i32>} : memref<4x128x128xf32, #tpu.memory_space<vmem>>, vector<1x1x16xf32>,
        %get3A_697 = vector.shape_cast %get3A_696 : vector<1x1x16xf32> to vector<16xf32>
        %mul3A_698 = arith.mulf %get3A_432, %get3A_697 : vector<16xf32>
        %mul3A_699 = arith.constant 8 : i32
        %mul3A_700 = arith.muli %scan3A_415, %mul3A_699 : i32
        %add3A_701 = arith.constant 3 : i32
        %add3A_702 = arith.addi %mul3A_700, %add3A_701 : i32
        %get3A_703 = arith.constant 2 : i32
        %get3A_704 = arith.index_cast %get3A_703 : i32 to index
        %get3A_705 = arith.index_cast %add3A_702 : i32 to index
        %get3A_706 = arith.constant 32 : index
        %get3A_707 = tpu.vector_load %arg8[%get3A_704, %get3A_705, %get3A_706] {strides = array<i32>} : memref<4x128x128xf32, #tpu.memory_space<vmem>>, vector<1x1x16xf32>,
        %get3A_708 = vector.shape_cast %get3A_707 : vector<1x1x16xf32> to vector<16xf32>
        %mul3A_709 = arith.mulf %get3A_438, %get3A_708 : vector<16xf32>
        %mul3A_710 = arith.constant 8 : i32
        %mul3A_711 = arith.muli %scan3A_415, %mul3A_710 : i32
        %add3A_712 = arith.constant 4 : i32
        %add3A_713 = arith.addi %mul3A_711, %add3A_712 : i32
        %get3A_714 = arith.constant 2 : i32
        %get3A_715 = arith.index_cast %get3A_714 : i32 to index
        %get3A_716 = arith.index_cast %add3A_713 : i32 to index
        %get3A_717 = arith.constant 32 : index
        %get3A_718 = tpu.vector_load %arg8[%get3A_715, %get3A_716, %get3A_717] {strides = array<i32>} : memref<4x128x128xf32, #tpu.memory_space<vmem>>, vector<1x1x16xf32>,
        %get3A_719 = vector.shape_cast %get3A_718 : vector<1x1x16xf32> to vector<16xf32>
        %mul3A_720 = arith.mulf %get3A_444, %get3A_719 : vector<16xf32>
        %mul3A_721 = arith.constant 8 : i32
        %mul3A_722 = arith.muli %scan3A_415, %mul3A_721 : i32
        %add3A_723 = arith.constant 5 : i32
        %add3A_724 = arith.addi %mul3A_722, %add3A_723 : i32
        %get3A_725 = arith.constant 2 : i32
        %get3A_726 = arith.index_cast %get3A_725 : i32 to index
        %get3A_727 = arith.index_cast %add3A_724 : i32 to index
        %get3A_728 = arith.constant 32 : index
        %get3A_729 = tpu.vector_load %arg8[%get3A_726, %get3A_727, %get3A_728] {strides = array<i32>} : memref<4x128x128xf32, #tpu.memory_space<vmem>>, vector<1x1x16xf32>,
        %get3A_730 = vector.shape_cast %get3A_729 : vector<1x1x16xf32> to vector<16xf32>
        %mul3A_731 = arith.mulf %get3A_450, %get3A_730 : vector<16xf32>
        %mul3A_732 = arith.constant 8 : i32
        %mul3A_733 = arith.muli %scan3A_415, %mul3A_732 : i32
        %add3A_734 = arith.constant 6 : i32
        %add3A_735 = arith.addi %mul3A_733, %add3A_734 : i32
        %get3A_736 = arith.constant 2 : i32
        %get3A_737 = arith.index_cast %get3A_736 : i32 to index
        %get3A_738 = arith.index_cast %add3A_735 : i32 to index
        %get3A_739 = arith.constant 32 : index
        %get3A_740 = tpu.vector_load %arg8[%get3A_737, %get3A_738, %get3A_739] {strides = array<i32>} : memref<4x128x128xf32, #tpu.memory_space<vmem>>, vector<1x1x16xf32>,
        %get3A_741 = vector.shape_cast %get3A_740 : vector<1x1x16xf32> to vector<16xf32>
        %mul3A_742 = arith.mulf %get3A_456, %get3A_741 : vector<16xf32>
        %mul3A_743 = arith.constant 8 : i32
        %mul3A_744 = arith.muli %scan3A_415, %mul3A_743 : i32
        %add3A_745 = arith.constant 7 : i32
        %add3A_746 = arith.addi %mul3A_744, %add3A_745 : i32
        %get3A_747 = arith.constant 2 : i32
        %get3A_748 = arith.index_cast %get3A_747 : i32 to index
        %get3A_749 = arith.index_cast %add3A_746 : i32 to index
        %get3A_750 = arith.constant 32 : index
        %get3A_751 = tpu.vector_load %arg8[%get3A_748, %get3A_749, %get3A_750] {strides = array<i32>} : memref<4x128x128xf32, #tpu.memory_space<vmem>>, vector<1x1x16xf32>,
        %get3A_752 = vector.shape_cast %get3A_751 : vector<1x1x16xf32> to vector<16xf32>
        %mul3A_753 = arith.mulf %get3A_462, %get3A_752 : vector<16xf32>
        %add3A_754 = arith.addf %mul3A_676, %mul3A_687 : vector<16xf32>
        %add3A_755 = arith.addf %mul3A_698, %mul3A_709 : vector<16xf32>
        %add3A_756 = arith.addf %mul3A_720, %mul3A_731 : vector<16xf32>
        %add3A_757 = arith.addf %mul3A_742, %mul3A_753 : vector<16xf32>
        %add3A_758 = arith.addf %add3A_754, %add3A_755 : vector<16xf32>
        %add3A_759 = arith.addf %add3A_756, %add3A_757 : vector<16xf32>
        %add3A_760 = arith.addf %add3A_758, %add3A_759 : vector<16xf32>
        %swap3A_761 = arith.constant 2 : i32
        %swap3A_762 = arith.index_cast %swap3A_761 : i32 to index
        %swap3A_763 = arith.index_cast %scan3A_415 : i32 to index
        %swap3A_764 = arith.constant 32 : index
        %swap3A_765 = tpu.vector_load %arg9[%swap3A_762, %swap3A_763, %swap3A_764] {strides = array<i32>} : memref<4x16x128xf32, #tpu.memory_space<vmem>>, vector<1x1x16xf32>,
        %swap3A_766 = vector.shape_cast %swap3A_765 : vector<1x1x16xf32> to vector<16xf32>
        %swap3A_767 = vector.shape_cast %add3A_760 : vector<16xf32> to vector<1x1x16xf32>
        tpu.vector_store %arg9[%swap3A_762, %swap3A_763, %swap3A_764], %swap3A_767 {strides = array<i32>} : memref<4x16x128xf32, #tpu.memory_space<vmem>>, vector<1x1x16xf32>,
        %mul3A_768 = arith.constant 8 : i32
        %mul3A_769 = arith.muli %scan3A_415, %mul3A_768 : i32
        %add3A_770 = arith.constant 0 : i32
        %add3A_771 = arith.addi %mul3A_769, %add3A_770 : i32
        %get3A_772 = arith.constant 2 : i32
        %get3A_773 = arith.index_cast %get3A_772 : i32 to index
        %get3A_774 = arith.index_cast %add3A_771 : i32 to index
        %get3A_775 = arith.constant 48 : index
        %get3A_776 = tpu.vector_load %arg8[%get3A_773, %get3A_774, %get3A_775] {strides = array<i32>} : memref<4x128x128xf32, #tpu.memory_space<vmem>>, vector<1x1x16xf32>,
        %get3A_777 = vector.shape_cast %get3A_776 : vector<1x1x16xf32> to vector<16xf32>
        %mul3A_778 = arith.mulf %get3A_420, %get3A_777 : vector<16xf32>
        %mul3A_779 = arith.constant 8 : i32
        %mul3A_780 = arith.muli %scan3A_415, %mul3A_779 : i32
        %add3A_781 = arith.constant 1 : i32
        %add3A_782 = arith.addi %mul3A_780, %add3A_781 : i32
        %get3A_783 = arith.constant 2 : i32
        %get3A_784 = arith.index_cast %get3A_783 : i32 to index
        %get3A_785 = arith.index_cast %add3A_782 : i32 to index
        %get3A_786 = arith.constant 48 : index
        %get3A_787 = tpu.vector_load %arg8[%get3A_784, %get3A_785, %get3A_786] {strides = array<i32>} : memref<4x128x128xf32, #tpu.memory_space<vmem>>, vector<1x1x16xf32>,
        %get3A_788 = vector.shape_cast %get3A_787 : vector<1x1x16xf32> to vector<16xf32>
        %mul3A_789 = arith.mulf %get3A_426, %get3A_788 : vector<16xf32>
        %mul3A_790 = arith.constant 8 : i32
        %mul3A_791 = arith.muli %scan3A_415, %mul3A_790 : i32
        %add3A_792 = arith.constant 2 : i32
        %add3A_793 = arith.addi %mul3A_791, %add3A_792 : i32
        %get3A_794 = arith.constant 2 : i32
        %get3A_795 = arith.index_cast %get3A_794 : i32 to index
        %get3A_796 = arith.index_cast %add3A_793 : i32 to index
        %get3A_797 = arith.constant 48 : index
        %get3A_798 = tpu.vector_load %arg8[%get3A_795, %get3A_796, %get3A_797] {strides = array<i32>} : memref<4x128x128xf32, #tpu.memory_space<vmem>>, vector<1x1x16xf32>,
        %get3A_799 = vector.shape_cast %get3A_798 : vector<1x1x16xf32> to vector<16xf32>
        %mul3A_800 = arith.mulf %get3A_432, %get3A_799 : vector<16xf32>
        %mul3A_801 = arith.constant 8 : i32
        %mul3A_802 = arith.muli %scan3A_415, %mul3A_801 : i32
        %add3A_803 = arith.constant 3 : i32
        %add3A_804 = arith.addi %mul3A_802, %add3A_803 : i32
        %get3A_805 = arith.constant 2 : i32
        %get3A_806 = arith.index_cast %get3A_805 : i32 to index
        %get3A_807 = arith.index_cast %add3A_804 : i32 to index
        %get3A_808 = arith.constant 48 : index
        %get3A_809 = tpu.vector_load %arg8[%get3A_806, %get3A_807, %get3A_808] {strides = array<i32>} : memref<4x128x128xf32, #tpu.memory_space<vmem>>, vector<1x1x16xf32>,
        %get3A_810 = vector.shape_cast %get3A_809 : vector<1x1x16xf32> to vector<16xf32>
        %mul3A_811 = arith.mulf %get3A_438, %get3A_810 : vector<16xf32>
        %mul3A_812 = arith.constant 8 : i32
        %mul3A_813 = arith.muli %scan3A_415, %mul3A_812 : i32
        %add3A_814 = arith.constant 4 : i32
        %add3A_815 = arith.addi %mul3A_813, %add3A_814 : i32
        %get3A_816 = arith.constant 2 : i32
        %get3A_817 = arith.index_cast %get3A_816 : i32 to index
        %get3A_818 = arith.index_cast %add3A_815 : i32 to index
        %get3A_819 = arith.constant 48 : index
        %get3A_820 = tpu.vector_load %arg8[%get3A_817, %get3A_818, %get3A_819] {strides = array<i32>} : memref<4x128x128xf32, #tpu.memory_space<vmem>>, vector<1x1x16xf32>,
        %get3A_821 = vector.shape_cast %get3A_820 : vector<1x1x16xf32> to vector<16xf32>
        %mul3A_822 = arith.mulf %get3A_444, %get3A_821 : vector<16xf32>
        %mul3A_823 = arith.constant 8 : i32
        %mul3A_824 = arith.muli %scan3A_415, %mul3A_823 : i32
        %add3A_825 = arith.constant 5 : i32
        %add3A_826 = arith.addi %mul3A_824, %add3A_825 : i32
        %get3A_827 = arith.constant 2 : i32
        %get3A_828 = arith.index_cast %get3A_827 : i32 to index
        %get3A_829 = arith.index_cast %add3A_826 : i32 to index
        %get3A_830 = arith.constant 48 : index
        %get3A_831 = tpu.vector_load %arg8[%get3A_828, %get3A_829, %get3A_830] {strides = array<i32>} : memref<4x128x128xf32, #tpu.memory_space<vmem>>, vector<1x1x16xf32>,
        %get3A_832 = vector.shape_cast %get3A_831 : vector<1x1x16xf32> to vector<16xf32>
        %mul3A_833 = arith.mulf %get3A_450, %get3A_832 : vector<16xf32>
        %mul3A_834 = arith.constant 8 : i32
        %mul3A_835 = arith.muli %scan3A_415, %mul3A_834 : i32
        %add3A_836 = arith.constant 6 : i32
        %add3A_837 = arith.addi %mul3A_835, %add3A_836 : i32
        %get3A_838 = arith.constant 2 : i32
        %get3A_839 = arith.index_cast %get3A_838 : i32 to index
        %get3A_840 = arith.index_cast %add3A_837 : i32 to index
        %get3A_841 = arith.constant 48 : index
        %get3A_842 = tpu.vector_load %arg8[%get3A_839, %get3A_840, %get3A_841] {strides = array<i32>} : memref<4x128x128xf32, #tpu.memory_space<vmem>>, vector<1x1x16xf32>,
        %get3A_843 = vector.shape_cast %get3A_842 : vector<1x1x16xf32> to vector<16xf32>
        %mul3A_844 = arith.mulf %get3A_456, %get3A_843 : vector<16xf32>
        %mul3A_845 = arith.constant 8 : i32
        %mul3A_846 = arith.muli %scan3A_415, %mul3A_845 : i32
        %add3A_847 = arith.constant 7 : i32
        %add3A_848 = arith.addi %mul3A_846, %add3A_847 : i32
        %get3A_849 = arith.constant 2 : i32
        %get3A_850 = arith.index_cast %get3A_849 : i32 to index
        %get3A_851 = arith.index_cast %add3A_848 : i32 to index
        %get3A_852 = arith.constant 48 : index
        %get3A_853 = tpu.vector_load %arg8[%get3A_850, %get3A_851, %get3A_852] {strides = array<i32>} : memref<4x128x128xf32, #tpu.memory_space<vmem>>, vector<1x1x16xf32>,
        %get3A_854 = vector.shape_cast %get3A_853 : vector<1x1x16xf32> to vector<16xf32>
        %mul3A_855 = arith.mulf %get3A_462, %get3A_854 : vector<16xf32>
        %add3A_856 = arith.addf %mul3A_778, %mul3A_789 : vector<16xf32>
        %add3A_857 = arith.addf %mul3A_800, %mul3A_811 : vector<16xf32>
        %add3A_858 = arith.addf %mul3A_822, %mul3A_833 : vector<16xf32>
        %add3A_859 = arith.addf %mul3A_844, %mul3A_855 : vector<16xf32>
        %add3A_860 = arith.addf %add3A_856, %add3A_857 : vector<16xf32>
        %add3A_861 = arith.addf %add3A_858, %add3A_859 : vector<16xf32>
        %add3A_862 = arith.addf %add3A_860, %add3A_861 : vector<16xf32>
        %swap3A_863 = arith.constant 2 : i32
        %swap3A_864 = arith.index_cast %swap3A_863 : i32 to index
        %swap3A_865 = arith.index_cast %scan3A_415 : i32 to index
        %swap3A_866 = arith.constant 48 : index
        %swap3A_867 = tpu.vector_load %arg9[%swap3A_864, %swap3A_865, %swap3A_866] {strides = array<i32>} : memref<4x16x128xf32, #tpu.memory_space<vmem>>, vector<1x1x16xf32>,
        %swap3A_868 = vector.shape_cast %swap3A_867 : vector<1x1x16xf32> to vector<16xf32>
        %swap3A_869 = vector.shape_cast %add3A_862 : vector<16xf32> to vector<1x1x16xf32>
        tpu.vector_store %arg9[%swap3A_864, %swap3A_865, %swap3A_866], %swap3A_869 {strides = array<i32>} : memref<4x16x128xf32, #tpu.memory_space<vmem>>, vector<1x1x16xf32>,
        %mul3A_870 = arith.constant 8 : i32
        %mul3A_871 = arith.muli %scan3A_415, %mul3A_870 : i32
        %add3A_872 = arith.constant 0 : i32
        %add3A_873 = arith.addi %mul3A_871, %add3A_872 : i32
        %get3A_874 = arith.constant 2 : i32
        %get3A_875 = arith.index_cast %get3A_874 : i32 to index
        %get3A_876 = arith.index_cast %add3A_873 : i32 to index
        %get3A_877 = arith.constant 64 : index
        %get3A_878 = tpu.vector_load %arg8[%get3A_875, %get3A_876, %get3A_877] {strides = array<i32>} : memref<4x128x128xf32, #tpu.memory_space<vmem>>, vector<1x1x16xf32>,
        %get3A_879 = vector.shape_cast %get3A_878 : vector<1x1x16xf32> to vector<16xf32>
        %mul3A_880 = arith.mulf %get3A_420, %get3A_879 : vector<16xf32>
        %mul3A_881 = arith.constant 8 : i32
        %mul3A_882 = arith.muli %scan3A_415, %mul3A_881 : i32
        %add3A_883 = arith.constant 1 : i32
        %add3A_884 = arith.addi %mul3A_882, %add3A_883 : i32
        %get3A_885 = arith.constant 2 : i32
        %get3A_886 = arith.index_cast %get3A_885 : i32 to index
        %get3A_887 = arith.index_cast %add3A_884 : i32 to index
        %get3A_888 = arith.constant 64 : index
        %get3A_889 = tpu.vector_load %arg8[%get3A_886, %get3A_887, %get3A_888] {strides = array<i32>} : memref<4x128x128xf32, #tpu.memory_space<vmem>>, vector<1x1x16xf32>,
        %get3A_890 = vector.shape_cast %get3A_889 : vector<1x1x16xf32> to vector<16xf32>
        %mul3A_891 = arith.mulf %get3A_426, %get3A_890 : vector<16xf32>
        %mul3A_892 = arith.constant 8 : i32
        %mul3A_893 = arith.muli %scan3A_415, %mul3A_892 : i32
        %add3A_894 = arith.constant 2 : i32
        %add3A_895 = arith.addi %mul3A_893, %add3A_894 : i32
        %get3A_896 = arith.constant 2 : i32
        %get3A_897 = arith.index_cast %get3A_896 : i32 to index
        %get3A_898 = arith.index_cast %add3A_895 : i32 to index
        %get3A_899 = arith.constant 64 : index
        %get3A_900 = tpu.vector_load %arg8[%get3A_897, %get3A_898, %get3A_899] {strides = array<i32>} : memref<4x128x128xf32, #tpu.memory_space<vmem>>, vector<1x1x16xf32>,
        %get3A_901 = vector.shape_cast %get3A_900 : vector<1x1x16xf32> to vector<16xf32>
        %mul3A_902 = arith.mulf %get3A_432, %get3A_901 : vector<16xf32>
        %mul3A_903 = arith.constant 8 : i32
        %mul3A_904 = arith.muli %scan3A_415, %mul3A_903 : i32
        %add3A_905 = arith.constant 3 : i32
        %add3A_906 = arith.addi %mul3A_904, %add3A_905 : i32
        %get3A_907 = arith.constant 2 : i32
        %get3A_908 = arith.index_cast %get3A_907 : i32 to index
        %get3A_909 = arith.index_cast %add3A_906 : i32 to index
        %get3A_910 = arith.constant 64 : index
        %get3A_911 = tpu.vector_load %arg8[%get3A_908, %get3A_909, %get3A_910] {strides = array<i32>} : memref<4x128x128xf32, #tpu.memory_space<vmem>>, vector<1x1x16xf32>,
        %get3A_912 = vector.shape_cast %get3A_911 : vector<1x1x16xf32> to vector<16xf32>
        %mul3A_913 = arith.mulf %get3A_438, %get3A_912 : vector<16xf32>
        %mul3A_914 = arith.constant 8 : i32
        %mul3A_915 = arith.muli %scan3A_415, %mul3A_914 : i32
        %add3A_916 = arith.constant 4 : i32
        %add3A_917 = arith.addi %mul3A_915, %add3A_916 : i32
        %get3A_918 = arith.constant 2 : i32
        %get3A_919 = arith.index_cast %get3A_918 : i32 to index
        %get3A_920 = arith.index_cast %add3A_917 : i32 to index
        %get3A_921 = arith.constant 64 : index
        %get3A_922 = tpu.vector_load %arg8[%get3A_919, %get3A_920, %get3A_921] {strides = array<i32>} : memref<4x128x128xf32, #tpu.memory_space<vmem>>, vector<1x1x16xf32>,
        %get3A_923 = vector.shape_cast %get3A_922 : vector<1x1x16xf32> to vector<16xf32>
        %mul3A_924 = arith.mulf %get3A_444, %get3A_923 : vector<16xf32>
        %mul3A_925 = arith.constant 8 : i32
        %mul3A_926 = arith.muli %scan3A_415, %mul3A_925 : i32
        %add3A_927 = arith.constant 5 : i32
        %add3A_928 = arith.addi %mul3A_926, %add3A_927 : i32
        %get3A_929 = arith.constant 2 : i32
        %get3A_930 = arith.index_cast %get3A_929 : i32 to index
        %get3A_931 = arith.index_cast %add3A_928 : i32 to index
        %get3A_932 = arith.constant 64 : index
        %get3A_933 = tpu.vector_load %arg8[%get3A_930, %get3A_931, %get3A_932] {strides = array<i32>} : memref<4x128x128xf32, #tpu.memory_space<vmem>>, vector<1x1x16xf32>,
        %get3A_934 = vector.shape_cast %get3A_933 : vector<1x1x16xf32> to vector<16xf32>
        %mul3A_935 = arith.mulf %get3A_450, %get3A_934 : vector<16xf32>
        %mul3A_936 = arith.constant 8 : i32
        %mul3A_937 = arith.muli %scan3A_415, %mul3A_936 : i32
        %add3A_938 = arith.constant 6 : i32
        %add3A_939 = arith.addi %mul3A_937, %add3A_938 : i32
        %get3A_940 = arith.constant 2 : i32
        %get3A_941 = arith.index_cast %get3A_940 : i32 to index
        %get3A_942 = arith.index_cast %add3A_939 : i32 to index
        %get3A_943 = arith.constant 64 : index
        %get3A_944 = tpu.vector_load %arg8[%get3A_941, %get3A_942, %get3A_943] {strides = array<i32>} : memref<4x128x128xf32, #tpu.memory_space<vmem>>, vector<1x1x16xf32>,
        %get3A_945 = vector.shape_cast %get3A_944 : vector<1x1x16xf32> to vector<16xf32>
        %mul3A_946 = arith.mulf %get3A_456, %get3A_945 : vector<16xf32>
        %mul3A_947 = arith.constant 8 : i32
        %mul3A_948 = arith.muli %scan3A_415, %mul3A_947 : i32
        %add3A_949 = arith.constant 7 : i32
        %add3A_950 = arith.addi %mul3A_948, %add3A_949 : i32
        %get3A_951 = arith.constant 2 : i32
        %get3A_952 = arith.index_cast %get3A_951 : i32 to index
        %get3A_953 = arith.index_cast %add3A_950 : i32 to index
        %get3A_954 = arith.constant 64 : index
        %get3A_955 = tpu.vector_load %arg8[%get3A_952, %get3A_953, %get3A_954] {strides = array<i32>} : memref<4x128x128xf32, #tpu.memory_space<vmem>>, vector<1x1x16xf32>,
        %get3A_956 = vector.shape_cast %get3A_955 : vector<1x1x16xf32> to vector<16xf32>
        %mul3A_957 = arith.mulf %get3A_462, %get3A_956 : vector<16xf32>
        %add3A_958 = arith.addf %mul3A_880, %mul3A_891 : vector<16xf32>
        %add3A_959 = arith.addf %mul3A_902, %mul3A_913 : vector<16xf32>
        %add3A_960 = arith.addf %mul3A_924, %mul3A_935 : vector<16xf32>
        %add3A_961 = arith.addf %mul3A_946, %mul3A_957 : vector<16xf32>
        %add3A_962 = arith.addf %add3A_958, %add3A_959 : vector<16xf32>
        %add3A_963 = arith.addf %add3A_960, %add3A_961 : vector<16xf32>
        %add3A_964 = arith.addf %add3A_962, %add3A_963 : vector<16xf32>
        %swap3A_965 = arith.constant 2 : i32
        %swap3A_966 = arith.index_cast %swap3A_965 : i32 to index
        %swap3A_967 = arith.index_cast %scan3A_415 : i32 to index
        %swap3A_968 = arith.constant 64 : index
        %swap3A_969 = tpu.vector_load %arg9[%swap3A_966, %swap3A_967, %swap3A_968] {strides = array<i32>} : memref<4x16x128xf32, #tpu.memory_space<vmem>>, vector<1x1x16xf32>,
        %swap3A_970 = vector.shape_cast %swap3A_969 : vector<1x1x16xf32> to vector<16xf32>
        %swap3A_971 = vector.shape_cast %add3A_964 : vector<16xf32> to vector<1x1x16xf32>
        tpu.vector_store %arg9[%swap3A_966, %swap3A_967, %swap3A_968], %swap3A_971 {strides = array<i32>} : memref<4x16x128xf32, #tpu.memory_space<vmem>>, vector<1x1x16xf32>,
        %mul3A_972 = arith.constant 8 : i32
        %mul3A_973 = arith.muli %scan3A_415, %mul3A_972 : i32
        %add3A_974 = arith.constant 0 : i32
        %add3A_975 = arith.addi %mul3A_973, %add3A_974 : i32
        %get3A_976 = arith.constant 2 : i32
        %get3A_977 = arith.index_cast %get3A_976 : i32 to index
        %get3A_978 = arith.index_cast %add3A_975 : i32 to index
        %get3A_979 = arith.constant 80 : index
        %get3A_980 = tpu.vector_load %arg8[%get3A_977, %get3A_978, %get3A_979] {strides = array<i32>} : memref<4x128x128xf32, #tpu.memory_space<vmem>>, vector<1x1x16xf32>,
        %get3A_981 = vector.shape_cast %get3A_980 : vector<1x1x16xf32> to vector<16xf32>
        %mul3A_982 = arith.mulf %get3A_420, %get3A_981 : vector<16xf32>
        %mul3A_983 = arith.constant 8 : i32
        %mul3A_984 = arith.muli %scan3A_415, %mul3A_983 : i32
        %add3A_985 = arith.constant 1 : i32
        %add3A_986 = arith.addi %mul3A_984, %add3A_985 : i32
        %get3A_987 = arith.constant 2 : i32
        %get3A_988 = arith.index_cast %get3A_987 : i32 to index
        %get3A_989 = arith.index_cast %add3A_986 : i32 to index
        %get3A_990 = arith.constant 80 : index
        %get3A_991 = tpu.vector_load %arg8[%get3A_988, %get3A_989, %get3A_990] {strides = array<i32>} : memref<4x128x128xf32, #tpu.memory_space<vmem>>, vector<1x1x16xf32>,
        %get3A_992 = vector.shape_cast %get3A_991 : vector<1x1x16xf32> to vector<16xf32>
        %mul3A_993 = arith.mulf %get3A_426, %get3A_992 : vector<16xf32>
        %mul3A_994 = arith.constant 8 : i32
        %mul3A_995 = arith.muli %scan3A_415, %mul3A_994 : i32
        %add3A_996 = arith.constant 2 : i32
        %add3A_997 = arith.addi %mul3A_995, %add3A_996 : i32
        %get3A_998 = arith.constant 2 : i32
        %get3A_999 = arith.index_cast %get3A_998 : i32 to index
        %get3A_1000 = arith.index_cast %add3A_997 : i32 to index
        %get3A_1001 = arith.constant 80 : index
        %get3A_1002 = tpu.vector_load %arg8[%get3A_999, %get3A_1000, %get3A_1001] {strides = array<i32>} : memref<4x128x128xf32, #tpu.memory_space<vmem>>, vector<1x1x16xf32>,
        %get3A_1003 = vector.shape_cast %get3A_1002 : vector<1x1x16xf32> to vector<16xf32>
        %mul3A_1004 = arith.mulf %get3A_432, %get3A_1003 : vector<16xf32>
        %mul3A_1005 = arith.constant 8 : i32
        %mul3A_1006 = arith.muli %scan3A_415, %mul3A_1005 : i32
        %add3A_1007 = arith.constant 3 : i32
        %add3A_1008 = arith.addi %mul3A_1006, %add3A_1007 : i32
        %get3A_1009 = arith.constant 2 : i32
        %get3A_1010 = arith.index_cast %get3A_1009 : i32 to index
        %get3A_1011 = arith.index_cast %add3A_1008 : i32 to index
        %get3A_1012 = arith.constant 80 : index
        %get3A_1013 = tpu.vector_load %arg8[%get3A_1010, %get3A_1011, %get3A_1012] {strides = array<i32>} : memref<4x128x128xf32, #tpu.memory_space<vmem>>, vector<1x1x16xf32>,
        %get3A_1014 = vector.shape_cast %get3A_1013 : vector<1x1x16xf32> to vector<16xf32>
        %mul3A_1015 = arith.mulf %get3A_438, %get3A_1014 : vector<16xf32>
        %mul3A_1016 = arith.constant 8 : i32
        %mul3A_1017 = arith.muli %scan3A_415, %mul3A_1016 : i32
        %add3A_1018 = arith.constant 4 : i32
        %add3A_1019 = arith.addi %mul3A_1017, %add3A_1018 : i32
        %get3A_1020 = arith.constant 2 : i32
        %get3A_1021 = arith.index_cast %get3A_1020 : i32 to index
        %get3A_1022 = arith.index_cast %add3A_1019 : i32 to index
        %get3A_1023 = arith.constant 80 : index
        %get3A_1024 = tpu.vector_load %arg8[%get3A_1021, %get3A_1022, %get3A_1023] {strides = array<i32>} : memref<4x128x128xf32, #tpu.memory_space<vmem>>, vector<1x1x16xf32>,
        %get3A_1025 = vector.shape_cast %get3A_1024 : vector<1x1x16xf32> to vector<16xf32>
        %mul3A_1026 = arith.mulf %get3A_444, %get3A_1025 : vector<16xf32>
        %mul3A_1027 = arith.constant 8 : i32
        %mul3A_1028 = arith.muli %scan3A_415, %mul3A_1027 : i32
        %add3A_1029 = arith.constant 5 : i32
        %add3A_1030 = arith.addi %mul3A_1028, %add3A_1029 : i32
        %get3A_1031 = arith.constant 2 : i32
        %get3A_1032 = arith.index_cast %get3A_1031 : i32 to index
        %get3A_1033 = arith.index_cast %add3A_1030 : i32 to index
        %get3A_1034 = arith.constant 80 : index
        %get3A_1035 = tpu.vector_load %arg8[%get3A_1032, %get3A_1033, %get3A_1034] {strides = array<i32>} : memref<4x128x128xf32, #tpu.memory_space<vmem>>, vector<1x1x16xf32>,
        %get3A_1036 = vector.shape_cast %get3A_1035 : vector<1x1x16xf32> to vector<16xf32>
        %mul3A_1037 = arith.mulf %get3A_450, %get3A_1036 : vector<16xf32>
        %mul3A_1038 = arith.constant 8 : i32
        %mul3A_1039 = arith.muli %scan3A_415, %mul3A_1038 : i32
        %add3A_1040 = arith.constant 6 : i32
        %add3A_1041 = arith.addi %mul3A_1039, %add3A_1040 : i32
        %get3A_1042 = arith.constant 2 : i32
        %get3A_1043 = arith.index_cast %get3A_1042 : i32 to index
        %get3A_1044 = arith.index_cast %add3A_1041 : i32 to index
        %get3A_1045 = arith.constant 80 : index
        %get3A_1046 = tpu.vector_load %arg8[%get3A_1043, %get3A_1044, %get3A_1045] {strides = array<i32>} : memref<4x128x128xf32, #tpu.memory_space<vmem>>, vector<1x1x16xf32>,
        %get3A_1047 = vector.shape_cast %get3A_1046 : vector<1x1x16xf32> to vector<16xf32>
        %mul3A_1048 = arith.mulf %get3A_456, %get3A_1047 : vector<16xf32>
        %mul3A_1049 = arith.constant 8 : i32
        %mul3A_1050 = arith.muli %scan3A_415, %mul3A_1049 : i32
        %add3A_1051 = arith.constant 7 : i32
        %add3A_1052 = arith.addi %mul3A_1050, %add3A_1051 : i32
        %get3A_1053 = arith.constant 2 : i32
        %get3A_1054 = arith.index_cast %get3A_1053 : i32 to index
        %get3A_1055 = arith.index_cast %add3A_1052 : i32 to index
        %get3A_1056 = arith.constant 80 : index
        %get3A_1057 = tpu.vector_load %arg8[%get3A_1054, %get3A_1055, %get3A_1056] {strides = array<i32>} : memref<4x128x128xf32, #tpu.memory_space<vmem>>, vector<1x1x16xf32>,
        %get3A_1058 = vector.shape_cast %get3A_1057 : vector<1x1x16xf32> to vector<16xf32>
        %mul3A_1059 = arith.mulf %get3A_462, %get3A_1058 : vector<16xf32>
        %add3A_1060 = arith.addf %mul3A_982, %mul3A_993 : vector<16xf32>
        %add3A_1061 = arith.addf %mul3A_1004, %mul3A_1015 : vector<16xf32>
        %add3A_1062 = arith.addf %mul3A_1026, %mul3A_1037 : vector<16xf32>
        %add3A_1063 = arith.addf %mul3A_1048, %mul3A_1059 : vector<16xf32>
        %add3A_1064 = arith.addf %add3A_1060, %add3A_1061 : vector<16xf32>
        %add3A_1065 = arith.addf %add3A_1062, %add3A_1063 : vector<16xf32>
        %add3A_1066 = arith.addf %add3A_1064, %add3A_1065 : vector<16xf32>
        %swap3A_1067 = arith.constant 2 : i32
        %swap3A_1068 = arith.index_cast %swap3A_1067 : i32 to index
        %swap3A_1069 = arith.index_cast %scan3A_415 : i32 to index
        %swap3A_1070 = arith.constant 80 : index
        %swap3A_1071 = tpu.vector_load %arg9[%swap3A_1068, %swap3A_1069, %swap3A_1070] {strides = array<i32>} : memref<4x16x128xf32, #tpu.memory_space<vmem>>, vector<1x1x16xf32>,
        %swap3A_1072 = vector.shape_cast %swap3A_1071 : vector<1x1x16xf32> to vector<16xf32>
        %swap3A_1073 = vector.shape_cast %add3A_1066 : vector<16xf32> to vector<1x1x16xf32>
        tpu.vector_store %arg9[%swap3A_1068, %swap3A_1069, %swap3A_1070], %swap3A_1073 {strides = array<i32>} : memref<4x16x128xf32, #tpu.memory_space<vmem>>, vector<1x1x16xf32>,
        %mul3A_1074 = arith.constant 8 : i32
        %mul3A_1075 = arith.muli %scan3A_415, %mul3A_1074 : i32
        %add3A_1076 = arith.constant 0 : i32
        %add3A_1077 = arith.addi %mul3A_1075, %add3A_1076 : i32
        %get3A_1078 = arith.constant 2 : i32
        %get3A_1079 = arith.index_cast %get3A_1078 : i32 to index
        %get3A_1080 = arith.index_cast %add3A_1077 : i32 to index
        %get3A_1081 = arith.constant 96 : index
        %get3A_1082 = tpu.vector_load %arg8[%get3A_1079, %get3A_1080, %get3A_1081] {strides = array<i32>} : memref<4x128x128xf32, #tpu.memory_space<vmem>>, vector<1x1x16xf32>,
        %get3A_1083 = vector.shape_cast %get3A_1082 : vector<1x1x16xf32> to vector<16xf32>
        %mul3A_1084 = arith.mulf %get3A_420, %get3A_1083 : vector<16xf32>
        %mul3A_1085 = arith.constant 8 : i32
        %mul3A_1086 = arith.muli %scan3A_415, %mul3A_1085 : i32
        %add3A_1087 = arith.constant 1 : i32
        %add3A_1088 = arith.addi %mul3A_1086, %add3A_1087 : i32
        %get3A_1089 = arith.constant 2 : i32
        %get3A_1090 = arith.index_cast %get3A_1089 : i32 to index
        %get3A_1091 = arith.index_cast %add3A_1088 : i32 to index
        %get3A_1092 = arith.constant 96 : index
        %get3A_1093 = tpu.vector_load %arg8[%get3A_1090, %get3A_1091, %get3A_1092] {strides = array<i32>} : memref<4x128x128xf32, #tpu.memory_space<vmem>>, vector<1x1x16xf32>,
        %get3A_1094 = vector.shape_cast %get3A_1093 : vector<1x1x16xf32> to vector<16xf32>
        %mul3A_1095 = arith.mulf %get3A_426, %get3A_1094 : vector<16xf32>
        %mul3A_1096 = arith.constant 8 : i32
        %mul3A_1097 = arith.muli %scan3A_415, %mul3A_1096 : i32
        %add3A_1098 = arith.constant 2 : i32
        %add3A_1099 = arith.addi %mul3A_1097, %add3A_1098 : i32
        %get3A_1100 = arith.constant 2 : i32
        %get3A_1101 = arith.index_cast %get3A_1100 : i32 to index
        %get3A_1102 = arith.index_cast %add3A_1099 : i32 to index
        %get3A_1103 = arith.constant 96 : index
        %get3A_1104 = tpu.vector_load %arg8[%get3A_1101, %get3A_1102, %get3A_1103] {strides = array<i32>} : memref<4x128x128xf32, #tpu.memory_space<vmem>>, vector<1x1x16xf32>,
        %get3A_1105 = vector.shape_cast %get3A_1104 : vector<1x1x16xf32> to vector<16xf32>
        %mul3A_1106 = arith.mulf %get3A_432, %get3A_1105 : vector<16xf32>
        %mul3A_1107 = arith.constant 8 : i32
        %mul3A_1108 = arith.muli %scan3A_415, %mul3A_1107 : i32
        %add3A_1109 = arith.constant 3 : i32
        %add3A_1110 = arith.addi %mul3A_1108, %add3A_1109 : i32
        %get3A_1111 = arith.constant 2 : i32
        %get3A_1112 = arith.index_cast %get3A_1111 : i32 to index
        %get3A_1113 = arith.index_cast %add3A_1110 : i32 to index
        %get3A_1114 = arith.constant 96 : index
        %get3A_1115 = tpu.vector_load %arg8[%get3A_1112, %get3A_1113, %get3A_1114] {strides = array<i32>} : memref<4x128x128xf32, #tpu.memory_space<vmem>>, vector<1x1x16xf32>,
        %get3A_1116 = vector.shape_cast %get3A_1115 : vector<1x1x16xf32> to vector<16xf32>
        %mul3A_1117 = arith.mulf %get3A_438, %get3A_1116 : vector<16xf32>
        %mul3A_1118 = arith.constant 8 : i32
        %mul3A_1119 = arith.muli %scan3A_415, %mul3A_1118 : i32
        %add3A_1120 = arith.constant 4 : i32
        %add3A_1121 = arith.addi %mul3A_1119, %add3A_1120 : i32
        %get3A_1122 = arith.constant 2 : i32
        %get3A_1123 = arith.index_cast %get3A_1122 : i32 to index
        %get3A_1124 = arith.index_cast %add3A_1121 : i32 to index
        %get3A_1125 = arith.constant 96 : index
        %get3A_1126 = tpu.vector_load %arg8[%get3A_1123, %get3A_1124, %get3A_1125] {strides = array<i32>} : memref<4x128x128xf32, #tpu.memory_space<vmem>>, vector<1x1x16xf32>,
        %get3A_1127 = vector.shape_cast %get3A_1126 : vector<1x1x16xf32> to vector<16xf32>
        %mul3A_1128 = arith.mulf %get3A_444, %get3A_1127 : vector<16xf32>
        %mul3A_1129 = arith.constant 8 : i32
        %mul3A_1130 = arith.muli %scan3A_415, %mul3A_1129 : i32
        %add3A_1131 = arith.constant 5 : i32
        %add3A_1132 = arith.addi %mul3A_1130, %add3A_1131 : i32
        %get3A_1133 = arith.constant 2 : i32
        %get3A_1134 = arith.index_cast %get3A_1133 : i32 to index
        %get3A_1135 = arith.index_cast %add3A_1132 : i32 to index
        %get3A_1136 = arith.constant 96 : index
        %get3A_1137 = tpu.vector_load %arg8[%get3A_1134, %get3A_1135, %get3A_1136] {strides = array<i32>} : memref<4x128x128xf32, #tpu.memory_space<vmem>>, vector<1x1x16xf32>,
        %get3A_1138 = vector.shape_cast %get3A_1137 : vector<1x1x16xf32> to vector<16xf32>
        %mul3A_1139 = arith.mulf %get3A_450, %get3A_1138 : vector<16xf32>
        %mul3A_1140 = arith.constant 8 : i32
        %mul3A_1141 = arith.muli %scan3A_415, %mul3A_1140 : i32
        %add3A_1142 = arith.constant 6 : i32
        %add3A_1143 = arith.addi %mul3A_1141, %add3A_1142 : i32
        %get3A_1144 = arith.constant 2 : i32
        %get3A_1145 = arith.index_cast %get3A_1144 : i32 to index
        %get3A_1146 = arith.index_cast %add3A_1143 : i32 to index
        %get3A_1147 = arith.constant 96 : index
        %get3A_1148 = tpu.vector_load %arg8[%get3A_1145, %get3A_1146, %get3A_1147] {strides = array<i32>} : memref<4x128x128xf32, #tpu.memory_space<vmem>>, vector<1x1x16xf32>,
        %get3A_1149 = vector.shape_cast %get3A_1148 : vector<1x1x16xf32> to vector<16xf32>
        %mul3A_1150 = arith.mulf %get3A_456, %get3A_1149 : vector<16xf32>
        %mul3A_1151 = arith.constant 8 : i32
        %mul3A_1152 = arith.muli %scan3A_415, %mul3A_1151 : i32
        %add3A_1153 = arith.constant 7 : i32
        %add3A_1154 = arith.addi %mul3A_1152, %add3A_1153 : i32
        %get3A_1155 = arith.constant 2 : i32
        %get3A_1156 = arith.index_cast %get3A_1155 : i32 to index
        %get3A_1157 = arith.index_cast %add3A_1154 : i32 to index
        %get3A_1158 = arith.constant 96 : index
        %get3A_1159 = tpu.vector_load %arg8[%get3A_1156, %get3A_1157, %get3A_1158] {strides = array<i32>} : memref<4x128x128xf32, #tpu.memory_space<vmem>>, vector<1x1x16xf32>,
        %get3A_1160 = vector.shape_cast %get3A_1159 : vector<1x1x16xf32> to vector<16xf32>
        %mul3A_1161 = arith.mulf %get3A_462, %get3A_1160 : vector<16xf32>
        %add3A_1162 = arith.addf %mul3A_1084, %mul3A_1095 : vector<16xf32>
        %add3A_1163 = arith.addf %mul3A_1106, %mul3A_1117 : vector<16xf32>
        %add3A_1164 = arith.addf %mul3A_1128, %mul3A_1139 : vector<16xf32>
        %add3A_1165 = arith.addf %mul3A_1150, %mul3A_1161 : vector<16xf32>
        %add3A_1166 = arith.addf %add3A_1162, %add3A_1163 : vector<16xf32>
        %add3A_1167 = arith.addf %add3A_1164, %add3A_1165 : vector<16xf32>
        %add3A_1168 = arith.addf %add3A_1166, %add3A_1167 : vector<16xf32>
        %swap3A_1169 = arith.constant 2 : i32
        %swap3A_1170 = arith.index_cast %swap3A_1169 : i32 to index
        %swap3A_1171 = arith.index_cast %scan3A_415 : i32 to index
        %swap3A_1172 = arith.constant 96 : index
        %swap3A_1173 = tpu.vector_load %arg9[%swap3A_1170, %swap3A_1171, %swap3A_1172] {strides = array<i32>} : memref<4x16x128xf32, #tpu.memory_space<vmem>>, vector<1x1x16xf32>,
        %swap3A_1174 = vector.shape_cast %swap3A_1173 : vector<1x1x16xf32> to vector<16xf32>
        %swap3A_1175 = vector.shape_cast %add3A_1168 : vector<16xf32> to vector<1x1x16xf32>
        tpu.vector_store %arg9[%swap3A_1170, %swap3A_1171, %swap3A_1172], %swap3A_1175 {strides = array<i32>} : memref<4x16x128xf32, #tpu.memory_space<vmem>>, vector<1x1x16xf32>,
        %mul3A_1176 = arith.constant 8 : i32
        %mul3A_1177 = arith.muli %scan3A_415, %mul3A_1176 : i32
        %add3A_1178 = arith.constant 0 : i32
        %add3A_1179 = arith.addi %mul3A_1177, %add3A_1178 : i32
        %get3A_1180 = arith.constant 2 : i32
        %get3A_1181 = arith.index_cast %get3A_1180 : i32 to index
        %get3A_1182 = arith.index_cast %add3A_1179 : i32 to index
        %get3A_1183 = arith.constant 112 : index
        %get3A_1184 = tpu.vector_load %arg8[%get3A_1181, %get3A_1182, %get3A_1183] {strides = array<i32>} : memref<4x128x128xf32, #tpu.memory_space<vmem>>, vector<1x1x16xf32>,
        %get3A_1185 = vector.shape_cast %get3A_1184 : vector<1x1x16xf32> to vector<16xf32>
        %mul3A_1186 = arith.mulf %get3A_420, %get3A_1185 : vector<16xf32>
        %mul3A_1187 = arith.constant 8 : i32
        %mul3A_1188 = arith.muli %scan3A_415, %mul3A_1187 : i32
        %add3A_1189 = arith.constant 1 : i32
        %add3A_1190 = arith.addi %mul3A_1188, %add3A_1189 : i32
        %get3A_1191 = arith.constant 2 : i32
        %get3A_1192 = arith.index_cast %get3A_1191 : i32 to index
        %get3A_1193 = arith.index_cast %add3A_1190 : i32 to index
        %get3A_1194 = arith.constant 112 : index
        %get3A_1195 = tpu.vector_load %arg8[%get3A_1192, %get3A_1193, %get3A_1194] {strides = array<i32>} : memref<4x128x128xf32, #tpu.memory_space<vmem>>, vector<1x1x16xf32>,
        %get3A_1196 = vector.shape_cast %get3A_1195 : vector<1x1x16xf32> to vector<16xf32>
        %mul3A_1197 = arith.mulf %get3A_426, %get3A_1196 : vector<16xf32>
        %mul3A_1198 = arith.constant 8 : i32
        %mul3A_1199 = arith.muli %scan3A_415, %mul3A_1198 : i32
        %add3A_1200 = arith.constant 2 : i32
        %add3A_1201 = arith.addi %mul3A_1199, %add3A_1200 : i32
        %get3A_1202 = arith.constant 2 : i32
        %get3A_1203 = arith.index_cast %get3A_1202 : i32 to index
        %get3A_1204 = arith.index_cast %add3A_1201 : i32 to index
        %get3A_1205 = arith.constant 112 : index
        %get3A_1206 = tpu.vector_load %arg8[%get3A_1203, %get3A_1204, %get3A_1205] {strides = array<i32>} : memref<4x128x128xf32, #tpu.memory_space<vmem>>, vector<1x1x16xf32>,
        %get3A_1207 = vector.shape_cast %get3A_1206 : vector<1x1x16xf32> to vector<16xf32>
        %mul3A_1208 = arith.mulf %get3A_432, %get3A_1207 : vector<16xf32>
        %mul3A_1209 = arith.constant 8 : i32
        %mul3A_1210 = arith.muli %scan3A_415, %mul3A_1209 : i32
        %add3A_1211 = arith.constant 3 : i32
        %add3A_1212 = arith.addi %mul3A_1210, %add3A_1211 : i32
        %get3A_1213 = arith.constant 2 : i32
        %get3A_1214 = arith.index_cast %get3A_1213 : i32 to index
        %get3A_1215 = arith.index_cast %add3A_1212 : i32 to index
        %get3A_1216 = arith.constant 112 : index
        %get3A_1217 = tpu.vector_load %arg8[%get3A_1214, %get3A_1215, %get3A_1216] {strides = array<i32>} : memref<4x128x128xf32, #tpu.memory_space<vmem>>, vector<1x1x16xf32>,
        %get3A_1218 = vector.shape_cast %get3A_1217 : vector<1x1x16xf32> to vector<16xf32>
        %mul3A_1219 = arith.mulf %get3A_438, %get3A_1218 : vector<16xf32>
        %mul3A_1220 = arith.constant 8 : i32
        %mul3A_1221 = arith.muli %scan3A_415, %mul3A_1220 : i32
        %add3A_1222 = arith.constant 4 : i32
        %add3A_1223 = arith.addi %mul3A_1221, %add3A_1222 : i32
        %get3A_1224 = arith.constant 2 : i32
        %get3A_1225 = arith.index_cast %get3A_1224 : i32 to index
        %get3A_1226 = arith.index_cast %add3A_1223 : i32 to index
        %get3A_1227 = arith.constant 112 : index
        %get3A_1228 = tpu.vector_load %arg8[%get3A_1225, %get3A_1226, %get3A_1227] {strides = array<i32>} : memref<4x128x128xf32, #tpu.memory_space<vmem>>, vector<1x1x16xf32>,
        %get3A_1229 = vector.shape_cast %get3A_1228 : vector<1x1x16xf32> to vector<16xf32>
        %mul3A_1230 = arith.mulf %get3A_444, %get3A_1229 : vector<16xf32>
        %mul3A_1231 = arith.constant 8 : i32
        %mul3A_1232 = arith.muli %scan3A_415, %mul3A_1231 : i32
        %add3A_1233 = arith.constant 5 : i32
        %add3A_1234 = arith.addi %mul3A_1232, %add3A_1233 : i32
        %get3A_1235 = arith.constant 2 : i32
        %get3A_1236 = arith.index_cast %get3A_1235 : i32 to index
        %get3A_1237 = arith.index_cast %add3A_1234 : i32 to index
        %get3A_1238 = arith.constant 112 : index
        %get3A_1239 = tpu.vector_load %arg8[%get3A_1236, %get3A_1237, %get3A_1238] {strides = array<i32>} : memref<4x128x128xf32, #tpu.memory_space<vmem>>, vector<1x1x16xf32>,
        %get3A_1240 = vector.shape_cast %get3A_1239 : vector<1x1x16xf32> to vector<16xf32>
        %mul3A_1241 = arith.mulf %get3A_450, %get3A_1240 : vector<16xf32>
        %mul3A_1242 = arith.constant 8 : i32
        %mul3A_1243 = arith.muli %scan3A_415, %mul3A_1242 : i32
        %add3A_1244 = arith.constant 6 : i32
        %add3A_1245 = arith.addi %mul3A_1243, %add3A_1244 : i32
        %get3A_1246 = arith.constant 2 : i32
        %get3A_1247 = arith.index_cast %get3A_1246 : i32 to index
        %get3A_1248 = arith.index_cast %add3A_1245 : i32 to index
        %get3A_1249 = arith.constant 112 : index
        %get3A_1250 = tpu.vector_load %arg8[%get3A_1247, %get3A_1248, %get3A_1249] {strides = array<i32>} : memref<4x128x128xf32, #tpu.memory_space<vmem>>, vector<1x1x16xf32>,
        %get3A_1251 = vector.shape_cast %get3A_1250 : vector<1x1x16xf32> to vector<16xf32>
        %mul3A_1252 = arith.mulf %get3A_456, %get3A_1251 : vector<16xf32>
        %mul3A_1253 = arith.constant 8 : i32
        %mul3A_1254 = arith.muli %scan3A_415, %mul3A_1253 : i32
        %add3A_1255 = arith.constant 7 : i32
        %add3A_1256 = arith.addi %mul3A_1254, %add3A_1255 : i32
        %get3A_1257 = arith.constant 2 : i32
        %get3A_1258 = arith.index_cast %get3A_1257 : i32 to index
        %get3A_1259 = arith.index_cast %add3A_1256 : i32 to index
        %get3A_1260 = arith.constant 112 : index
        %get3A_1261 = tpu.vector_load %arg8[%get3A_1258, %get3A_1259, %get3A_1260] {strides = array<i32>} : memref<4x128x128xf32, #tpu.memory_space<vmem>>, vector<1x1x16xf32>,
        %get3A_1262 = vector.shape_cast %get3A_1261 : vector<1x1x16xf32> to vector<16xf32>
        %mul3A_1263 = arith.mulf %get3A_462, %get3A_1262 : vector<16xf32>
        %add3A_1264 = arith.addf %mul3A_1186, %mul3A_1197 : vector<16xf32>
        %add3A_1265 = arith.addf %mul3A_1208, %mul3A_1219 : vector<16xf32>
        %add3A_1266 = arith.addf %mul3A_1230, %mul3A_1241 : vector<16xf32>
        %add3A_1267 = arith.addf %mul3A_1252, %mul3A_1263 : vector<16xf32>
        %add3A_1268 = arith.addf %add3A_1264, %add3A_1265 : vector<16xf32>
        %add3A_1269 = arith.addf %add3A_1266, %add3A_1267 : vector<16xf32>
        %add3A_1270 = arith.addf %add3A_1268, %add3A_1269 : vector<16xf32>
        %swap3A_1271 = arith.constant 2 : i32
        %swap3A_1272 = arith.index_cast %swap3A_1271 : i32 to index
        %swap3A_1273 = arith.index_cast %scan3A_415 : i32 to index
        %swap3A_1274 = arith.constant 112 : index
        %swap3A_1275 = tpu.vector_load %arg9[%swap3A_1272, %swap3A_1273, %swap3A_1274] {strides = array<i32>} : memref<4x16x128xf32, #tpu.memory_space<vmem>>, vector<1x1x16xf32>,
        %swap3A_1276 = vector.shape_cast %swap3A_1275 : vector<1x1x16xf32> to vector<16xf32>
        %swap3A_1277 = vector.shape_cast %add3A_1270 : vector<16xf32> to vector<1x1x16xf32>
        tpu.vector_store %arg9[%swap3A_1272, %swap3A_1273, %swap3A_1274], %swap3A_1277 {strides = array<i32>} : memref<4x16x128xf32, #tpu.memory_space<vmem>>, vector<1x1x16xf32>,
      }
      %scan3A_328 = arith.constant 16 : i32
      %add3A_329 = arith.constant 4 : i32
      %add3A_330 = arith.addi %add3A_292, %add3A_329 : i32
      %lt3A_331 = arith.constant 32 : i32
      %lt3A_332 = arith.cmpi slt, %add3A_330, %lt3A_331 : i32
      %convert_element_type3A_333 = arith.extui %lt3A_332 : i1 to i32
      %cond3A_334 = arith.constant 0 : i32
      %cond3A_335 = arith.cmpi ne, %convert_element_type3A_333, %cond3A_334 : i32
      scf.if %cond3A_335 {
        %add3A_415 = arith.constant 4 : i32
        %add3A_416 = arith.addi %add3A_292, %add3A_415 : i32
        %dma_start3A_417 = arith.constant 2 : i32
        %dma_start3A_418 = arith.constant 0 : i32
        %dma_start3A_419 = arith.constant 0 : i32
        %dma_start3A_420 = tpu.memref_slice %arg8[%dma_start3A_417, %dma_start3A_418, %dma_start3A_419] : memref<4x128x128xf32, #tpu.memory_space<vmem>> -> memref<1x128x128xf32, #tpu.memory_space<vmem>>
        %dma_start3A_421 = tpu.memref_squeeze %dma_start3A_420 : memref<1x128x128xf32, #tpu.memory_space<vmem>> -> memref<128x128xf32, #tpu.memory_space<vmem>>
        %dma_start3A_422 = arith.constant 0 : i32
        %dma_start3A_423 = tpu.memref_slice %arg6[%add3A_416, %dma_start3A_422] : memref<32x128xi32, #tpu.memory_space<vmem>> -> memref<1x128xi32, #tpu.memory_space<vmem>>
        %dma_start3A_424 = tpu.memref_squeeze %dma_start3A_423 : memref<1x128xi32, #tpu.memory_space<vmem>> -> memref<128xi32, #tpu.memory_space<vmem>>
        %dma_start3A_425 = arith.constant 0 : i32
        %dma_start3A_426 = arith.constant 0 : i32
        %dma_start3A_427 = tpu.memref_slice %arg2[%dma_start3A_425, %dma_start3A_426] : memref<262144x128xf32, #tpu.memory_space<hbm>> -> memref<262144x128xf32, #tpu.memory_space<hbm>>
        tpu.enqueue_indirect_dma source(%dma_start3A_427 : memref<262144x128xf32, #tpu.memory_space<hbm>>) target(%dma_start3A_421 : memref<128x128xf32, #tpu.memory_space<vmem>>) offsets(%dma_start3A_424 : memref<128xi32, #tpu.memory_space<vmem>>) semaphore(%arg12 : memref<!tpu.dma_semaphore, #tpu.memory_space<semaphore_mem>>)
        %mul3A_428 = arith.constant 16 : i32
        %mul3A_429 = arith.muli %add3A_416, %mul3A_428 : i32
        %add3A_430 = arith.addi %mul3A_2, %mul3A_429 : i32
        %dma_start3A_431 = arith.constant 2 : i32
        %dma_start3A_432 = arith.constant 0 : i32
        %dma_start3A_433 = arith.constant 0 : i32
        %dma_start3A_434 = tpu.memref_slice %arg7[%dma_start3A_431, %dma_start3A_432, %dma_start3A_433] : memref<4x16x128xf32, #tpu.memory_space<vmem>> -> memref<1x16x128xf32, #tpu.memory_space<vmem>>
        %dma_start3A_435 = tpu.memref_squeeze %dma_start3A_434 : memref<1x16x128xf32, #tpu.memory_space<vmem>> -> memref<16x128xf32, #tpu.memory_space<vmem>>
        %dma_start3A_436 = arith.constant 0 : i32
        %dma_start3A_437 = tpu.memref_slice %arg4[%add3A_430, %dma_start3A_436] : memref<16384x128xf32, #tpu.memory_space<hbm>> -> memref<16x128xf32, #tpu.memory_space<hbm>>
        %dma_start3A_438 = arith.constant 0 : i32
        %dma_start3A_439 = arith.constant 0 : i32
        %dma_start3A_440 = tpu.memref_slice %arg7[%dma_start3A_431, %dma_start3A_438, %dma_start3A_439] : memref<4x16x128xf32, #tpu.memory_space<vmem>> -> memref<1x16x128xf32, #tpu.memory_space<vmem>>
        %dma_start3A_441 = tpu.memref_squeeze %dma_start3A_440 : memref<1x16x128xf32, #tpu.memory_space<vmem>> -> memref<16x128xf32, #tpu.memory_space<vmem>>
        %dma_start3A_442 = arith.constant 0 : i32
        %dma_start3A_443 = tpu.memref_slice %arg4[%add3A_430, %dma_start3A_442] : memref<16384x128xf32, #tpu.memory_space<hbm>> -> memref<16x128xf32, #tpu.memory_space<hbm>>
        tpu.enqueue_dma source(%dma_start3A_443 : memref<16x128xf32, #tpu.memory_space<hbm>>) target(%dma_start3A_441 : memref<16x128xf32, #tpu.memory_space<vmem>>) target_semaphore(%arg16 : memref<!tpu.dma_semaphore, #tpu.memory_space<semaphore_mem>>)
      } else {
      }
      %mul3A_336 = arith.constant 16 : i32
      %mul3A_337 = arith.muli %add3A_292, %mul3A_336 : i32
      %add3A_338 = arith.addi %mul3A_2, %mul3A_337 : i32
      %dma_start3A_339 = arith.constant 2 : i32
      %dma_start3A_340 = arith.constant 0 : i32
      %dma_start3A_341 = arith.constant 0 : i32
      %dma_start3A_342 = tpu.memref_slice %arg9[%dma_start3A_339, %dma_start3A_340, %dma_start3A_341] : memref<4x16x128xf32, #tpu.memory_space<vmem>> -> memref<1x16x128xf32, #tpu.memory_space<vmem>>
      %dma_start3A_343 = tpu.memref_squeeze %dma_start3A_342 : memref<1x16x128xf32, #tpu.memory_space<vmem>> -> memref<16x128xf32, #tpu.memory_space<vmem>>
      %dma_start3A_344 = arith.constant 0 : i32
      %dma_start3A_345 = tpu.memref_slice %arg5[%add3A_338, %dma_start3A_344] : memref<16384x128xf32, #tpu.memory_space<hbm>> -> memref<16x128xf32, #tpu.memory_space<hbm>>
      %dma_start3A_346 = arith.constant 0 : i32
      %dma_start3A_347 = tpu.memref_slice %arg5[%add3A_338, %dma_start3A_346] : memref<16384x128xf32, #tpu.memory_space<hbm>> -> memref<16x128xf32, #tpu.memory_space<hbm>>
      %dma_start3A_348 = arith.constant 0 : i32
      %dma_start3A_349 = arith.constant 0 : i32
      %dma_start3A_350 = tpu.memref_slice %arg9[%dma_start3A_339, %dma_start3A_348, %dma_start3A_349] : memref<4x16x128xf32, #tpu.memory_space<vmem>> -> memref<1x16x128xf32, #tpu.memory_space<vmem>>
      %dma_start3A_351 = tpu.memref_squeeze %dma_start3A_350 : memref<1x16x128xf32, #tpu.memory_space<vmem>> -> memref<16x128xf32, #tpu.memory_space<vmem>>
      tpu.enqueue_dma source(%dma_start3A_351 : memref<16x128xf32, #tpu.memory_space<vmem>>) target(%dma_start3A_347 : memref<16x128xf32, #tpu.memory_space<hbm>>) target_semaphore(%arg20 : memref<!tpu.dma_semaphore, #tpu.memory_space<semaphore_mem>>)
      %mul3A_352 = arith.constant 4 : i32
      %mul3A_353 = arith.muli %scan3A_166, %mul3A_352 : i32
      %add3A_354 = arith.constant 3 : i32
      %add3A_355 = arith.addi %mul3A_353, %add3A_354 : i32
      %dma_wait3A_356 = arith.constant 3 : i32
      %dma_wait3A_357 = arith.constant 3 : i32
      %dma_wait3A_358 = arith.constant 0 : i32
      %dma_wait3A_359 = arith.constant 0 : i32
      %dma_wait3A_360 = tpu.memref_slice %arg8[%dma_wait3A_357, %dma_wait3A_358, %dma_wait3A_359] : memref<4x128x128xf32, #tpu.memory_space<vmem>> -> memref<1x128x128xf32, #tpu.memory_space<vmem>>
      %dma_wait3A_361 = tpu.memref_squeeze %dma_wait3A_360 : memref<1x128x128xf32, #tpu.memory_space<vmem>> -> memref<128x128xf32, #tpu.memory_space<vmem>>
      %dma_wait3A_362 = arith.constant 0 : i32
      %dma_wait3A_363 = tpu.memref_slice %arg6[%dma_wait3A_356, %dma_wait3A_362] : memref<32x128xi32, #tpu.memory_space<vmem>> -> memref<1x128xi32, #tpu.memory_space<vmem>>
      %dma_wait3A_364 = tpu.memref_squeeze %dma_wait3A_363 : memref<1x128xi32, #tpu.memory_space<vmem>> -> memref<128xi32, #tpu.memory_space<vmem>>
      %dma_wait3A_365 = arith.constant 0 : i32
      %dma_wait3A_366 = arith.constant 0 : i32
      %dma_wait3A_367 = tpu.memref_slice %arg2[%dma_wait3A_365, %dma_wait3A_366] : memref<262144x128xf32, #tpu.memory_space<hbm>> -> memref<262144x128xf32, #tpu.memory_space<hbm>>
      tpu.wait_indirect_dma semaphore(%arg13 : memref<!tpu.dma_semaphore, #tpu.memory_space<semaphore_mem>>) src(%dma_wait3A_367 : memref<262144x128xf32, #tpu.memory_space<hbm>>) dst(%dma_wait3A_361 : memref<128x128xf32, #tpu.memory_space<vmem>>)
      %dma_wait3A_368 = arith.constant 3 : i32
      %dma_wait3A_369 = arith.constant 0 : i32
      %dma_wait3A_370 = arith.constant 0 : i32
      %dma_wait3A_371 = tpu.memref_slice %arg7[%dma_wait3A_368, %dma_wait3A_369, %dma_wait3A_370] : memref<4x16x128xf32, #tpu.memory_space<vmem>> -> memref<1x16x128xf32, #tpu.memory_space<vmem>>
      %dma_wait3A_372 = tpu.memref_squeeze %dma_wait3A_371 : memref<1x16x128xf32, #tpu.memory_space<vmem>> -> memref<16x128xf32, #tpu.memory_space<vmem>>
      %dma_wait3A_373 = arith.constant 0 : i32
      %dma_wait3A_374 = tpu.memref_slice %arg4[%mul3A_2, %dma_wait3A_373] : memref<16384x128xf32, #tpu.memory_space<hbm>> -> memref<16x128xf32, #tpu.memory_space<hbm>>
      %dma_wait3A_375 = arith.constant 0 : i32
      %dma_wait3A_376 = arith.constant 0 : i32
      %dma_wait3A_377 = tpu.memref_slice %arg7[%dma_wait3A_368, %dma_wait3A_375, %dma_wait3A_376] : memref<4x16x128xf32, #tpu.memory_space<vmem>> -> memref<1x16x128xf32, #tpu.memory_space<vmem>>
      %dma_wait3A_378 = tpu.memref_squeeze %dma_wait3A_377 : memref<1x16x128xf32, #tpu.memory_space<vmem>> -> memref<16x128xf32, #tpu.memory_space<vmem>>
      %dma_wait3A_379 = arith.constant 0 : i32
      %dma_wait3A_380 = tpu.memref_slice %arg4[%mul3A_2, %dma_wait3A_379] : memref<16384x128xf32, #tpu.memory_space<hbm>> -> memref<16x128xf32, #tpu.memory_space<hbm>>
      tpu.wait_dma2 semaphore(%arg17 : memref<!tpu.dma_semaphore, #tpu.memory_space<semaphore_mem>>) src(%dma_wait3A_380 : memref<16x128xf32, #tpu.memory_space<hbm>>) dst(%dma_wait3A_378 : memref<16x128xf32, #tpu.memory_space<vmem>>)
      %gt3A_381 = arith.constant 0 : i32
      %gt3A_382 = arith.cmpi sgt, %scan3A_166, %gt3A_381 : i32
      %convert_element_type3A_383 = arith.extui %gt3A_382 : i1 to i32
      %cond3A_384 = arith.constant 0 : i32
      %cond3A_385 = arith.cmpi ne, %convert_element_type3A_383, %cond3A_384 : i32
      scf.if %cond3A_385 {
        %dma_wait3A_415 = arith.constant 3 : i32
        %dma_wait3A_416 = arith.constant 0 : i32
        %dma_wait3A_417 = arith.constant 0 : i32
        %dma_wait3A_418 = tpu.memref_slice %arg9[%dma_wait3A_415, %dma_wait3A_416, %dma_wait3A_417] : memref<4x16x128xf32, #tpu.memory_space<vmem>> -> memref<1x16x128xf32, #tpu.memory_space<vmem>>
        %dma_wait3A_419 = tpu.memref_squeeze %dma_wait3A_418 : memref<1x16x128xf32, #tpu.memory_space<vmem>> -> memref<16x128xf32, #tpu.memory_space<vmem>>
        %dma_wait3A_420 = arith.constant 0 : i32
        %dma_wait3A_421 = tpu.memref_slice %arg5[%mul3A_2, %dma_wait3A_420] : memref<16384x128xf32, #tpu.memory_space<hbm>> -> memref<16x128xf32, #tpu.memory_space<hbm>>
        %dma_wait3A_422 = arith.constant 0 : i32
        %dma_wait3A_423 = tpu.memref_slice %arg5[%mul3A_2, %dma_wait3A_422] : memref<16384x128xf32, #tpu.memory_space<hbm>> -> memref<16x128xf32, #tpu.memory_space<hbm>>
        %dma_wait3A_424 = arith.constant 0 : i32
        %dma_wait3A_425 = arith.constant 0 : i32
        %dma_wait3A_426 = tpu.memref_slice %arg9[%dma_wait3A_415, %dma_wait3A_424, %dma_wait3A_425] : memref<4x16x128xf32, #tpu.memory_space<vmem>> -> memref<1x16x128xf32, #tpu.memory_space<vmem>>
        %dma_wait3A_427 = tpu.memref_squeeze %dma_wait3A_426 : memref<1x16x128xf32, #tpu.memory_space<vmem>> -> memref<16x128xf32, #tpu.memory_space<vmem>>
        tpu.wait_dma2 semaphore(%arg21 : memref<!tpu.dma_semaphore, #tpu.memory_space<semaphore_mem>>) src(%dma_wait3A_427 : memref<16x128xf32, #tpu.memory_space<vmem>>) dst(%dma_wait3A_423 : memref<16x128xf32, #tpu.memory_space<hbm>>)
      } else {
      }
      %scan3A_386 = arith.constant 0 : i32
      %scan3A_387 = arith.constant 0 : i32
      %scan3A_388 = arith.constant 16 : i32
      %scan3A_389 = arith.addi %scan3A_387, %scan3A_388 : i32
      %scan3A_390 = arith.constant 1 : i32
      scf.for %scan3A_415 = %scan3A_387 to %scan3A_389 step %scan3A_390  : i32 {
        %get3A = arith.constant 3 : i32
        %get3A_416 = arith.index_cast %get3A : i32 to index
        %get3A_417 = arith.index_cast %scan3A_415 : i32 to index
        %get3A_418 = arith.constant 0 : index
        %get3A_419 = tpu.vector_load %arg7[%get3A_416, %get3A_417, %get3A_418] {strides = array<i32>} : memref<4x16x128xf32, #tpu.memory_space<vmem>>, vector<1x1x16xf32>,
        %get3A_420 = vector.shape_cast %get3A_419 : vector<1x1x16xf32> to vector<16xf32>
        %get3A_421 = arith.constant 3 : i32
        %get3A_422 = arith.index_cast %get3A_421 : i32 to index
        %get3A_423 = arith.index_cast %scan3A_415 : i32 to index
        %get3A_424 = arith.constant 16 : index
        %get3A_425 = tpu.vector_load %arg7[%get3A_422, %get3A_423, %get3A_424] {strides = array<i32>} : memref<4x16x128xf32, #tpu.memory_space<vmem>>, vector<1x1x16xf32>,
        %get3A_426 = vector.shape_cast %get3A_425 : vector<1x1x16xf32> to vector<16xf32>
        %get3A_427 = arith.constant 3 : i32
        %get3A_428 = arith.index_cast %get3A_427 : i32 to index
        %get3A_429 = arith.index_cast %scan3A_415 : i32 to index
        %get3A_430 = arith.constant 32 : index
        %get3A_431 = tpu.vector_load %arg7[%get3A_428, %get3A_429, %get3A_430] {strides = array<i32>} : memref<4x16x128xf32, #tpu.memory_space<vmem>>, vector<1x1x16xf32>,
        %get3A_432 = vector.shape_cast %get3A_431 : vector<1x1x16xf32> to vector<16xf32>
        %get3A_433 = arith.constant 3 : i32
        %get3A_434 = arith.index_cast %get3A_433 : i32 to index
        %get3A_435 = arith.index_cast %scan3A_415 : i32 to index
        %get3A_436 = arith.constant 48 : index
        %get3A_437 = tpu.vector_load %arg7[%get3A_434, %get3A_435, %get3A_436] {strides = array<i32>} : memref<4x16x128xf32, #tpu.memory_space<vmem>>, vector<1x1x16xf32>,
        %get3A_438 = vector.shape_cast %get3A_437 : vector<1x1x16xf32> to vector<16xf32>
        %get3A_439 = arith.constant 3 : i32
        %get3A_440 = arith.index_cast %get3A_439 : i32 to index
        %get3A_441 = arith.index_cast %scan3A_415 : i32 to index
        %get3A_442 = arith.constant 64 : index
        %get3A_443 = tpu.vector_load %arg7[%get3A_440, %get3A_441, %get3A_442] {strides = array<i32>} : memref<4x16x128xf32, #tpu.memory_space<vmem>>, vector<1x1x16xf32>,
        %get3A_444 = vector.shape_cast %get3A_443 : vector<1x1x16xf32> to vector<16xf32>
        %get3A_445 = arith.constant 3 : i32
        %get3A_446 = arith.index_cast %get3A_445 : i32 to index
        %get3A_447 = arith.index_cast %scan3A_415 : i32 to index
        %get3A_448 = arith.constant 80 : index
        %get3A_449 = tpu.vector_load %arg7[%get3A_446, %get3A_447, %get3A_448] {strides = array<i32>} : memref<4x16x128xf32, #tpu.memory_space<vmem>>, vector<1x1x16xf32>,
        %get3A_450 = vector.shape_cast %get3A_449 : vector<1x1x16xf32> to vector<16xf32>
        %get3A_451 = arith.constant 3 : i32
        %get3A_452 = arith.index_cast %get3A_451 : i32 to index
        %get3A_453 = arith.index_cast %scan3A_415 : i32 to index
        %get3A_454 = arith.constant 96 : index
        %get3A_455 = tpu.vector_load %arg7[%get3A_452, %get3A_453, %get3A_454] {strides = array<i32>} : memref<4x16x128xf32, #tpu.memory_space<vmem>>, vector<1x1x16xf32>,
        %get3A_456 = vector.shape_cast %get3A_455 : vector<1x1x16xf32> to vector<16xf32>
        %get3A_457 = arith.constant 3 : i32
        %get3A_458 = arith.index_cast %get3A_457 : i32 to index
        %get3A_459 = arith.index_cast %scan3A_415 : i32 to index
        %get3A_460 = arith.constant 112 : index
        %get3A_461 = tpu.vector_load %arg7[%get3A_458, %get3A_459, %get3A_460] {strides = array<i32>} : memref<4x16x128xf32, #tpu.memory_space<vmem>>, vector<1x1x16xf32>,
        %get3A_462 = vector.shape_cast %get3A_461 : vector<1x1x16xf32> to vector<16xf32>
        %mul3A_463 = arith.constant 8 : i32
        %mul3A_464 = arith.muli %scan3A_415, %mul3A_463 : i32
        %add3A_465 = arith.constant 0 : i32
        %add3A_466 = arith.addi %mul3A_464, %add3A_465 : i32
        %get3A_467 = arith.constant 3 : i32
        %get3A_468 = arith.index_cast %get3A_467 : i32 to index
        %get3A_469 = arith.index_cast %add3A_466 : i32 to index
        %get3A_470 = arith.constant 0 : index
        %get3A_471 = tpu.vector_load %arg8[%get3A_468, %get3A_469, %get3A_470] {strides = array<i32>} : memref<4x128x128xf32, #tpu.memory_space<vmem>>, vector<1x1x16xf32>,
        %get3A_472 = vector.shape_cast %get3A_471 : vector<1x1x16xf32> to vector<16xf32>
        %mul3A_473 = arith.mulf %get3A_420, %get3A_472 : vector<16xf32>
        %mul3A_474 = arith.constant 8 : i32
        %mul3A_475 = arith.muli %scan3A_415, %mul3A_474 : i32
        %add3A_476 = arith.constant 1 : i32
        %add3A_477 = arith.addi %mul3A_475, %add3A_476 : i32
        %get3A_478 = arith.constant 3 : i32
        %get3A_479 = arith.index_cast %get3A_478 : i32 to index
        %get3A_480 = arith.index_cast %add3A_477 : i32 to index
        %get3A_481 = arith.constant 0 : index
        %get3A_482 = tpu.vector_load %arg8[%get3A_479, %get3A_480, %get3A_481] {strides = array<i32>} : memref<4x128x128xf32, #tpu.memory_space<vmem>>, vector<1x1x16xf32>,
        %get3A_483 = vector.shape_cast %get3A_482 : vector<1x1x16xf32> to vector<16xf32>
        %mul3A_484 = arith.mulf %get3A_426, %get3A_483 : vector<16xf32>
        %mul3A_485 = arith.constant 8 : i32
        %mul3A_486 = arith.muli %scan3A_415, %mul3A_485 : i32
        %add3A_487 = arith.constant 2 : i32
        %add3A_488 = arith.addi %mul3A_486, %add3A_487 : i32
        %get3A_489 = arith.constant 3 : i32
        %get3A_490 = arith.index_cast %get3A_489 : i32 to index
        %get3A_491 = arith.index_cast %add3A_488 : i32 to index
        %get3A_492 = arith.constant 0 : index
        %get3A_493 = tpu.vector_load %arg8[%get3A_490, %get3A_491, %get3A_492] {strides = array<i32>} : memref<4x128x128xf32, #tpu.memory_space<vmem>>, vector<1x1x16xf32>,
        %get3A_494 = vector.shape_cast %get3A_493 : vector<1x1x16xf32> to vector<16xf32>
        %mul3A_495 = arith.mulf %get3A_432, %get3A_494 : vector<16xf32>
        %mul3A_496 = arith.constant 8 : i32
        %mul3A_497 = arith.muli %scan3A_415, %mul3A_496 : i32
        %add3A_498 = arith.constant 3 : i32
        %add3A_499 = arith.addi %mul3A_497, %add3A_498 : i32
        %get3A_500 = arith.constant 3 : i32
        %get3A_501 = arith.index_cast %get3A_500 : i32 to index
        %get3A_502 = arith.index_cast %add3A_499 : i32 to index
        %get3A_503 = arith.constant 0 : index
        %get3A_504 = tpu.vector_load %arg8[%get3A_501, %get3A_502, %get3A_503] {strides = array<i32>} : memref<4x128x128xf32, #tpu.memory_space<vmem>>, vector<1x1x16xf32>,
        %get3A_505 = vector.shape_cast %get3A_504 : vector<1x1x16xf32> to vector<16xf32>
        %mul3A_506 = arith.mulf %get3A_438, %get3A_505 : vector<16xf32>
        %mul3A_507 = arith.constant 8 : i32
        %mul3A_508 = arith.muli %scan3A_415, %mul3A_507 : i32
        %add3A_509 = arith.constant 4 : i32
        %add3A_510 = arith.addi %mul3A_508, %add3A_509 : i32
        %get3A_511 = arith.constant 3 : i32
        %get3A_512 = arith.index_cast %get3A_511 : i32 to index
        %get3A_513 = arith.index_cast %add3A_510 : i32 to index
        %get3A_514 = arith.constant 0 : index
        %get3A_515 = tpu.vector_load %arg8[%get3A_512, %get3A_513, %get3A_514] {strides = array<i32>} : memref<4x128x128xf32, #tpu.memory_space<vmem>>, vector<1x1x16xf32>,
        %get3A_516 = vector.shape_cast %get3A_515 : vector<1x1x16xf32> to vector<16xf32>
        %mul3A_517 = arith.mulf %get3A_444, %get3A_516 : vector<16xf32>
        %mul3A_518 = arith.constant 8 : i32
        %mul3A_519 = arith.muli %scan3A_415, %mul3A_518 : i32
        %add3A_520 = arith.constant 5 : i32
        %add3A_521 = arith.addi %mul3A_519, %add3A_520 : i32
        %get3A_522 = arith.constant 3 : i32
        %get3A_523 = arith.index_cast %get3A_522 : i32 to index
        %get3A_524 = arith.index_cast %add3A_521 : i32 to index
        %get3A_525 = arith.constant 0 : index
        %get3A_526 = tpu.vector_load %arg8[%get3A_523, %get3A_524, %get3A_525] {strides = array<i32>} : memref<4x128x128xf32, #tpu.memory_space<vmem>>, vector<1x1x16xf32>,
        %get3A_527 = vector.shape_cast %get3A_526 : vector<1x1x16xf32> to vector<16xf32>
        %mul3A_528 = arith.mulf %get3A_450, %get3A_527 : vector<16xf32>
        %mul3A_529 = arith.constant 8 : i32
        %mul3A_530 = arith.muli %scan3A_415, %mul3A_529 : i32
        %add3A_531 = arith.constant 6 : i32
        %add3A_532 = arith.addi %mul3A_530, %add3A_531 : i32
        %get3A_533 = arith.constant 3 : i32
        %get3A_534 = arith.index_cast %get3A_533 : i32 to index
        %get3A_535 = arith.index_cast %add3A_532 : i32 to index
        %get3A_536 = arith.constant 0 : index
        %get3A_537 = tpu.vector_load %arg8[%get3A_534, %get3A_535, %get3A_536] {strides = array<i32>} : memref<4x128x128xf32, #tpu.memory_space<vmem>>, vector<1x1x16xf32>,
        %get3A_538 = vector.shape_cast %get3A_537 : vector<1x1x16xf32> to vector<16xf32>
        %mul3A_539 = arith.mulf %get3A_456, %get3A_538 : vector<16xf32>
        %mul3A_540 = arith.constant 8 : i32
        %mul3A_541 = arith.muli %scan3A_415, %mul3A_540 : i32
        %add3A_542 = arith.constant 7 : i32
        %add3A_543 = arith.addi %mul3A_541, %add3A_542 : i32
        %get3A_544 = arith.constant 3 : i32
        %get3A_545 = arith.index_cast %get3A_544 : i32 to index
        %get3A_546 = arith.index_cast %add3A_543 : i32 to index
        %get3A_547 = arith.constant 0 : index
        %get3A_548 = tpu.vector_load %arg8[%get3A_545, %get3A_546, %get3A_547] {strides = array<i32>} : memref<4x128x128xf32, #tpu.memory_space<vmem>>, vector<1x1x16xf32>,
        %get3A_549 = vector.shape_cast %get3A_548 : vector<1x1x16xf32> to vector<16xf32>
        %mul3A_550 = arith.mulf %get3A_462, %get3A_549 : vector<16xf32>
        %add3A_551 = arith.addf %mul3A_473, %mul3A_484 : vector<16xf32>
        %add3A_552 = arith.addf %mul3A_495, %mul3A_506 : vector<16xf32>
        %add3A_553 = arith.addf %mul3A_517, %mul3A_528 : vector<16xf32>
        %add3A_554 = arith.addf %mul3A_539, %mul3A_550 : vector<16xf32>
        %add3A_555 = arith.addf %add3A_551, %add3A_552 : vector<16xf32>
        %add3A_556 = arith.addf %add3A_553, %add3A_554 : vector<16xf32>
        %add3A_557 = arith.addf %add3A_555, %add3A_556 : vector<16xf32>
        %swap3A = arith.constant 3 : i32
        %swap3A_558 = arith.index_cast %swap3A : i32 to index
        %swap3A_559 = arith.index_cast %scan3A_415 : i32 to index
        %swap3A_560 = arith.constant 0 : index
        %swap3A_561 = tpu.vector_load %arg9[%swap3A_558, %swap3A_559, %swap3A_560] {strides = array<i32>} : memref<4x16x128xf32, #tpu.memory_space<vmem>>, vector<1x1x16xf32>,
        %swap3A_562 = vector.shape_cast %swap3A_561 : vector<1x1x16xf32> to vector<16xf32>
        %swap3A_563 = vector.shape_cast %add3A_557 : vector<16xf32> to vector<1x1x16xf32>
        tpu.vector_store %arg9[%swap3A_558, %swap3A_559, %swap3A_560], %swap3A_563 {strides = array<i32>} : memref<4x16x128xf32, #tpu.memory_space<vmem>>, vector<1x1x16xf32>,
        %mul3A_564 = arith.constant 8 : i32
        %mul3A_565 = arith.muli %scan3A_415, %mul3A_564 : i32
        %add3A_566 = arith.constant 0 : i32
        %add3A_567 = arith.addi %mul3A_565, %add3A_566 : i32
        %get3A_568 = arith.constant 3 : i32
        %get3A_569 = arith.index_cast %get3A_568 : i32 to index
        %get3A_570 = arith.index_cast %add3A_567 : i32 to index
        %get3A_571 = arith.constant 16 : index
        %get3A_572 = tpu.vector_load %arg8[%get3A_569, %get3A_570, %get3A_571] {strides = array<i32>} : memref<4x128x128xf32, #tpu.memory_space<vmem>>, vector<1x1x16xf32>,
        %get3A_573 = vector.shape_cast %get3A_572 : vector<1x1x16xf32> to vector<16xf32>
        %mul3A_574 = arith.mulf %get3A_420, %get3A_573 : vector<16xf32>
        %mul3A_575 = arith.constant 8 : i32
        %mul3A_576 = arith.muli %scan3A_415, %mul3A_575 : i32
        %add3A_577 = arith.constant 1 : i32
        %add3A_578 = arith.addi %mul3A_576, %add3A_577 : i32
        %get3A_579 = arith.constant 3 : i32
        %get3A_580 = arith.index_cast %get3A_579 : i32 to index
        %get3A_581 = arith.index_cast %add3A_578 : i32 to index
        %get3A_582 = arith.constant 16 : index
        %get3A_583 = tpu.vector_load %arg8[%get3A_580, %get3A_581, %get3A_582] {strides = array<i32>} : memref<4x128x128xf32, #tpu.memory_space<vmem>>, vector<1x1x16xf32>,
        %get3A_584 = vector.shape_cast %get3A_583 : vector<1x1x16xf32> to vector<16xf32>
        %mul3A_585 = arith.mulf %get3A_426, %get3A_584 : vector<16xf32>
        %mul3A_586 = arith.constant 8 : i32
        %mul3A_587 = arith.muli %scan3A_415, %mul3A_586 : i32
        %add3A_588 = arith.constant 2 : i32
        %add3A_589 = arith.addi %mul3A_587, %add3A_588 : i32
        %get3A_590 = arith.constant 3 : i32
        %get3A_591 = arith.index_cast %get3A_590 : i32 to index
        %get3A_592 = arith.index_cast %add3A_589 : i32 to index
        %get3A_593 = arith.constant 16 : index
        %get3A_594 = tpu.vector_load %arg8[%get3A_591, %get3A_592, %get3A_593] {strides = array<i32>} : memref<4x128x128xf32, #tpu.memory_space<vmem>>, vector<1x1x16xf32>,
        %get3A_595 = vector.shape_cast %get3A_594 : vector<1x1x16xf32> to vector<16xf32>
        %mul3A_596 = arith.mulf %get3A_432, %get3A_595 : vector<16xf32>
        %mul3A_597 = arith.constant 8 : i32
        %mul3A_598 = arith.muli %scan3A_415, %mul3A_597 : i32
        %add3A_599 = arith.constant 3 : i32
        %add3A_600 = arith.addi %mul3A_598, %add3A_599 : i32
        %get3A_601 = arith.constant 3 : i32
        %get3A_602 = arith.index_cast %get3A_601 : i32 to index
        %get3A_603 = arith.index_cast %add3A_600 : i32 to index
        %get3A_604 = arith.constant 16 : index
        %get3A_605 = tpu.vector_load %arg8[%get3A_602, %get3A_603, %get3A_604] {strides = array<i32>} : memref<4x128x128xf32, #tpu.memory_space<vmem>>, vector<1x1x16xf32>,
        %get3A_606 = vector.shape_cast %get3A_605 : vector<1x1x16xf32> to vector<16xf32>
        %mul3A_607 = arith.mulf %get3A_438, %get3A_606 : vector<16xf32>
        %mul3A_608 = arith.constant 8 : i32
        %mul3A_609 = arith.muli %scan3A_415, %mul3A_608 : i32
        %add3A_610 = arith.constant 4 : i32
        %add3A_611 = arith.addi %mul3A_609, %add3A_610 : i32
        %get3A_612 = arith.constant 3 : i32
        %get3A_613 = arith.index_cast %get3A_612 : i32 to index
        %get3A_614 = arith.index_cast %add3A_611 : i32 to index
        %get3A_615 = arith.constant 16 : index
        %get3A_616 = tpu.vector_load %arg8[%get3A_613, %get3A_614, %get3A_615] {strides = array<i32>} : memref<4x128x128xf32, #tpu.memory_space<vmem>>, vector<1x1x16xf32>,
        %get3A_617 = vector.shape_cast %get3A_616 : vector<1x1x16xf32> to vector<16xf32>
        %mul3A_618 = arith.mulf %get3A_444, %get3A_617 : vector<16xf32>
        %mul3A_619 = arith.constant 8 : i32
        %mul3A_620 = arith.muli %scan3A_415, %mul3A_619 : i32
        %add3A_621 = arith.constant 5 : i32
        %add3A_622 = arith.addi %mul3A_620, %add3A_621 : i32
        %get3A_623 = arith.constant 3 : i32
        %get3A_624 = arith.index_cast %get3A_623 : i32 to index
        %get3A_625 = arith.index_cast %add3A_622 : i32 to index
        %get3A_626 = arith.constant 16 : index
        %get3A_627 = tpu.vector_load %arg8[%get3A_624, %get3A_625, %get3A_626] {strides = array<i32>} : memref<4x128x128xf32, #tpu.memory_space<vmem>>, vector<1x1x16xf32>,
        %get3A_628 = vector.shape_cast %get3A_627 : vector<1x1x16xf32> to vector<16xf32>
        %mul3A_629 = arith.mulf %get3A_450, %get3A_628 : vector<16xf32>
        %mul3A_630 = arith.constant 8 : i32
        %mul3A_631 = arith.muli %scan3A_415, %mul3A_630 : i32
        %add3A_632 = arith.constant 6 : i32
        %add3A_633 = arith.addi %mul3A_631, %add3A_632 : i32
        %get3A_634 = arith.constant 3 : i32
        %get3A_635 = arith.index_cast %get3A_634 : i32 to index
        %get3A_636 = arith.index_cast %add3A_633 : i32 to index
        %get3A_637 = arith.constant 16 : index
        %get3A_638 = tpu.vector_load %arg8[%get3A_635, %get3A_636, %get3A_637] {strides = array<i32>} : memref<4x128x128xf32, #tpu.memory_space<vmem>>, vector<1x1x16xf32>,
        %get3A_639 = vector.shape_cast %get3A_638 : vector<1x1x16xf32> to vector<16xf32>
        %mul3A_640 = arith.mulf %get3A_456, %get3A_639 : vector<16xf32>
        %mul3A_641 = arith.constant 8 : i32
        %mul3A_642 = arith.muli %scan3A_415, %mul3A_641 : i32
        %add3A_643 = arith.constant 7 : i32
        %add3A_644 = arith.addi %mul3A_642, %add3A_643 : i32
        %get3A_645 = arith.constant 3 : i32
        %get3A_646 = arith.index_cast %get3A_645 : i32 to index
        %get3A_647 = arith.index_cast %add3A_644 : i32 to index
        %get3A_648 = arith.constant 16 : index
        %get3A_649 = tpu.vector_load %arg8[%get3A_646, %get3A_647, %get3A_648] {strides = array<i32>} : memref<4x128x128xf32, #tpu.memory_space<vmem>>, vector<1x1x16xf32>,
        %get3A_650 = vector.shape_cast %get3A_649 : vector<1x1x16xf32> to vector<16xf32>
        %mul3A_651 = arith.mulf %get3A_462, %get3A_650 : vector<16xf32>
        %add3A_652 = arith.addf %mul3A_574, %mul3A_585 : vector<16xf32>
        %add3A_653 = arith.addf %mul3A_596, %mul3A_607 : vector<16xf32>
        %add3A_654 = arith.addf %mul3A_618, %mul3A_629 : vector<16xf32>
        %add3A_655 = arith.addf %mul3A_640, %mul3A_651 : vector<16xf32>
        %add3A_656 = arith.addf %add3A_652, %add3A_653 : vector<16xf32>
        %add3A_657 = arith.addf %add3A_654, %add3A_655 : vector<16xf32>
        %add3A_658 = arith.addf %add3A_656, %add3A_657 : vector<16xf32>
        %swap3A_659 = arith.constant 3 : i32
        %swap3A_660 = arith.index_cast %swap3A_659 : i32 to index
        %swap3A_661 = arith.index_cast %scan3A_415 : i32 to index
        %swap3A_662 = arith.constant 16 : index
        %swap3A_663 = tpu.vector_load %arg9[%swap3A_660, %swap3A_661, %swap3A_662] {strides = array<i32>} : memref<4x16x128xf32, #tpu.memory_space<vmem>>, vector<1x1x16xf32>,
        %swap3A_664 = vector.shape_cast %swap3A_663 : vector<1x1x16xf32> to vector<16xf32>
        %swap3A_665 = vector.shape_cast %add3A_658 : vector<16xf32> to vector<1x1x16xf32>
        tpu.vector_store %arg9[%swap3A_660, %swap3A_661, %swap3A_662], %swap3A_665 {strides = array<i32>} : memref<4x16x128xf32, #tpu.memory_space<vmem>>, vector<1x1x16xf32>,
        %mul3A_666 = arith.constant 8 : i32
        %mul3A_667 = arith.muli %scan3A_415, %mul3A_666 : i32
        %add3A_668 = arith.constant 0 : i32
        %add3A_669 = arith.addi %mul3A_667, %add3A_668 : i32
        %get3A_670 = arith.constant 3 : i32
        %get3A_671 = arith.index_cast %get3A_670 : i32 to index
        %get3A_672 = arith.index_cast %add3A_669 : i32 to index
        %get3A_673 = arith.constant 32 : index
        %get3A_674 = tpu.vector_load %arg8[%get3A_671, %get3A_672, %get3A_673] {strides = array<i32>} : memref<4x128x128xf32, #tpu.memory_space<vmem>>, vector<1x1x16xf32>,
        %get3A_675 = vector.shape_cast %get3A_674 : vector<1x1x16xf32> to vector<16xf32>
        %mul3A_676 = arith.mulf %get3A_420, %get3A_675 : vector<16xf32>
        %mul3A_677 = arith.constant 8 : i32
        %mul3A_678 = arith.muli %scan3A_415, %mul3A_677 : i32
        %add3A_679 = arith.constant 1 : i32
        %add3A_680 = arith.addi %mul3A_678, %add3A_679 : i32
        %get3A_681 = arith.constant 3 : i32
        %get3A_682 = arith.index_cast %get3A_681 : i32 to index
        %get3A_683 = arith.index_cast %add3A_680 : i32 to index
        %get3A_684 = arith.constant 32 : index
        %get3A_685 = tpu.vector_load %arg8[%get3A_682, %get3A_683, %get3A_684] {strides = array<i32>} : memref<4x128x128xf32, #tpu.memory_space<vmem>>, vector<1x1x16xf32>,
        %get3A_686 = vector.shape_cast %get3A_685 : vector<1x1x16xf32> to vector<16xf32>
        %mul3A_687 = arith.mulf %get3A_426, %get3A_686 : vector<16xf32>
        %mul3A_688 = arith.constant 8 : i32
        %mul3A_689 = arith.muli %scan3A_415, %mul3A_688 : i32
        %add3A_690 = arith.constant 2 : i32
        %add3A_691 = arith.addi %mul3A_689, %add3A_690 : i32
        %get3A_692 = arith.constant 3 : i32
        %get3A_693 = arith.index_cast %get3A_692 : i32 to index
        %get3A_694 = arith.index_cast %add3A_691 : i32 to index
        %get3A_695 = arith.constant 32 : index
        %get3A_696 = tpu.vector_load %arg8[%get3A_693, %get3A_694, %get3A_695] {strides = array<i32>} : memref<4x128x128xf32, #tpu.memory_space<vmem>>, vector<1x1x16xf32>,
        %get3A_697 = vector.shape_cast %get3A_696 : vector<1x1x16xf32> to vector<16xf32>
        %mul3A_698 = arith.mulf %get3A_432, %get3A_697 : vector<16xf32>
        %mul3A_699 = arith.constant 8 : i32
        %mul3A_700 = arith.muli %scan3A_415, %mul3A_699 : i32
        %add3A_701 = arith.constant 3 : i32
        %add3A_702 = arith.addi %mul3A_700, %add3A_701 : i32
        %get3A_703 = arith.constant 3 : i32
        %get3A_704 = arith.index_cast %get3A_703 : i32 to index
        %get3A_705 = arith.index_cast %add3A_702 : i32 to index
        %get3A_706 = arith.constant 32 : index
        %get3A_707 = tpu.vector_load %arg8[%get3A_704, %get3A_705, %get3A_706] {strides = array<i32>} : memref<4x128x128xf32, #tpu.memory_space<vmem>>, vector<1x1x16xf32>,
        %get3A_708 = vector.shape_cast %get3A_707 : vector<1x1x16xf32> to vector<16xf32>
        %mul3A_709 = arith.mulf %get3A_438, %get3A_708 : vector<16xf32>
        %mul3A_710 = arith.constant 8 : i32
        %mul3A_711 = arith.muli %scan3A_415, %mul3A_710 : i32
        %add3A_712 = arith.constant 4 : i32
        %add3A_713 = arith.addi %mul3A_711, %add3A_712 : i32
        %get3A_714 = arith.constant 3 : i32
        %get3A_715 = arith.index_cast %get3A_714 : i32 to index
        %get3A_716 = arith.index_cast %add3A_713 : i32 to index
        %get3A_717 = arith.constant 32 : index
        %get3A_718 = tpu.vector_load %arg8[%get3A_715, %get3A_716, %get3A_717] {strides = array<i32>} : memref<4x128x128xf32, #tpu.memory_space<vmem>>, vector<1x1x16xf32>,
        %get3A_719 = vector.shape_cast %get3A_718 : vector<1x1x16xf32> to vector<16xf32>
        %mul3A_720 = arith.mulf %get3A_444, %get3A_719 : vector<16xf32>
        %mul3A_721 = arith.constant 8 : i32
        %mul3A_722 = arith.muli %scan3A_415, %mul3A_721 : i32
        %add3A_723 = arith.constant 5 : i32
        %add3A_724 = arith.addi %mul3A_722, %add3A_723 : i32
        %get3A_725 = arith.constant 3 : i32
        %get3A_726 = arith.index_cast %get3A_725 : i32 to index
        %get3A_727 = arith.index_cast %add3A_724 : i32 to index
        %get3A_728 = arith.constant 32 : index
        %get3A_729 = tpu.vector_load %arg8[%get3A_726, %get3A_727, %get3A_728] {strides = array<i32>} : memref<4x128x128xf32, #tpu.memory_space<vmem>>, vector<1x1x16xf32>,
        %get3A_730 = vector.shape_cast %get3A_729 : vector<1x1x16xf32> to vector<16xf32>
        %mul3A_731 = arith.mulf %get3A_450, %get3A_730 : vector<16xf32>
        %mul3A_732 = arith.constant 8 : i32
        %mul3A_733 = arith.muli %scan3A_415, %mul3A_732 : i32
        %add3A_734 = arith.constant 6 : i32
        %add3A_735 = arith.addi %mul3A_733, %add3A_734 : i32
        %get3A_736 = arith.constant 3 : i32
        %get3A_737 = arith.index_cast %get3A_736 : i32 to index
        %get3A_738 = arith.index_cast %add3A_735 : i32 to index
        %get3A_739 = arith.constant 32 : index
        %get3A_740 = tpu.vector_load %arg8[%get3A_737, %get3A_738, %get3A_739] {strides = array<i32>} : memref<4x128x128xf32, #tpu.memory_space<vmem>>, vector<1x1x16xf32>,
        %get3A_741 = vector.shape_cast %get3A_740 : vector<1x1x16xf32> to vector<16xf32>
        %mul3A_742 = arith.mulf %get3A_456, %get3A_741 : vector<16xf32>
        %mul3A_743 = arith.constant 8 : i32
        %mul3A_744 = arith.muli %scan3A_415, %mul3A_743 : i32
        %add3A_745 = arith.constant 7 : i32
        %add3A_746 = arith.addi %mul3A_744, %add3A_745 : i32
        %get3A_747 = arith.constant 3 : i32
        %get3A_748 = arith.index_cast %get3A_747 : i32 to index
        %get3A_749 = arith.index_cast %add3A_746 : i32 to index
        %get3A_750 = arith.constant 32 : index
        %get3A_751 = tpu.vector_load %arg8[%get3A_748, %get3A_749, %get3A_750] {strides = array<i32>} : memref<4x128x128xf32, #tpu.memory_space<vmem>>, vector<1x1x16xf32>,
        %get3A_752 = vector.shape_cast %get3A_751 : vector<1x1x16xf32> to vector<16xf32>
        %mul3A_753 = arith.mulf %get3A_462, %get3A_752 : vector<16xf32>
        %add3A_754 = arith.addf %mul3A_676, %mul3A_687 : vector<16xf32>
        %add3A_755 = arith.addf %mul3A_698, %mul3A_709 : vector<16xf32>
        %add3A_756 = arith.addf %mul3A_720, %mul3A_731 : vector<16xf32>
        %add3A_757 = arith.addf %mul3A_742, %mul3A_753 : vector<16xf32>
        %add3A_758 = arith.addf %add3A_754, %add3A_755 : vector<16xf32>
        %add3A_759 = arith.addf %add3A_756, %add3A_757 : vector<16xf32>
        %add3A_760 = arith.addf %add3A_758, %add3A_759 : vector<16xf32>
        %swap3A_761 = arith.constant 3 : i32
        %swap3A_762 = arith.index_cast %swap3A_761 : i32 to index
        %swap3A_763 = arith.index_cast %scan3A_415 : i32 to index
        %swap3A_764 = arith.constant 32 : index
        %swap3A_765 = tpu.vector_load %arg9[%swap3A_762, %swap3A_763, %swap3A_764] {strides = array<i32>} : memref<4x16x128xf32, #tpu.memory_space<vmem>>, vector<1x1x16xf32>,
        %swap3A_766 = vector.shape_cast %swap3A_765 : vector<1x1x16xf32> to vector<16xf32>
        %swap3A_767 = vector.shape_cast %add3A_760 : vector<16xf32> to vector<1x1x16xf32>
        tpu.vector_store %arg9[%swap3A_762, %swap3A_763, %swap3A_764], %swap3A_767 {strides = array<i32>} : memref<4x16x128xf32, #tpu.memory_space<vmem>>, vector<1x1x16xf32>,
        %mul3A_768 = arith.constant 8 : i32
        %mul3A_769 = arith.muli %scan3A_415, %mul3A_768 : i32
        %add3A_770 = arith.constant 0 : i32
        %add3A_771 = arith.addi %mul3A_769, %add3A_770 : i32
        %get3A_772 = arith.constant 3 : i32
        %get3A_773 = arith.index_cast %get3A_772 : i32 to index
        %get3A_774 = arith.index_cast %add3A_771 : i32 to index
        %get3A_775 = arith.constant 48 : index
        %get3A_776 = tpu.vector_load %arg8[%get3A_773, %get3A_774, %get3A_775] {strides = array<i32>} : memref<4x128x128xf32, #tpu.memory_space<vmem>>, vector<1x1x16xf32>,
        %get3A_777 = vector.shape_cast %get3A_776 : vector<1x1x16xf32> to vector<16xf32>
        %mul3A_778 = arith.mulf %get3A_420, %get3A_777 : vector<16xf32>
        %mul3A_779 = arith.constant 8 : i32
        %mul3A_780 = arith.muli %scan3A_415, %mul3A_779 : i32
        %add3A_781 = arith.constant 1 : i32
        %add3A_782 = arith.addi %mul3A_780, %add3A_781 : i32
        %get3A_783 = arith.constant 3 : i32
        %get3A_784 = arith.index_cast %get3A_783 : i32 to index
        %get3A_785 = arith.index_cast %add3A_782 : i32 to index
        %get3A_786 = arith.constant 48 : index
        %get3A_787 = tpu.vector_load %arg8[%get3A_784, %get3A_785, %get3A_786] {strides = array<i32>} : memref<4x128x128xf32, #tpu.memory_space<vmem>>, vector<1x1x16xf32>,
        %get3A_788 = vector.shape_cast %get3A_787 : vector<1x1x16xf32> to vector<16xf32>
        %mul3A_789 = arith.mulf %get3A_426, %get3A_788 : vector<16xf32>
        %mul3A_790 = arith.constant 8 : i32
        %mul3A_791 = arith.muli %scan3A_415, %mul3A_790 : i32
        %add3A_792 = arith.constant 2 : i32
        %add3A_793 = arith.addi %mul3A_791, %add3A_792 : i32
        %get3A_794 = arith.constant 3 : i32
        %get3A_795 = arith.index_cast %get3A_794 : i32 to index
        %get3A_796 = arith.index_cast %add3A_793 : i32 to index
        %get3A_797 = arith.constant 48 : index
        %get3A_798 = tpu.vector_load %arg8[%get3A_795, %get3A_796, %get3A_797] {strides = array<i32>} : memref<4x128x128xf32, #tpu.memory_space<vmem>>, vector<1x1x16xf32>,
        %get3A_799 = vector.shape_cast %get3A_798 : vector<1x1x16xf32> to vector<16xf32>
        %mul3A_800 = arith.mulf %get3A_432, %get3A_799 : vector<16xf32>
        %mul3A_801 = arith.constant 8 : i32
        %mul3A_802 = arith.muli %scan3A_415, %mul3A_801 : i32
        %add3A_803 = arith.constant 3 : i32
        %add3A_804 = arith.addi %mul3A_802, %add3A_803 : i32
        %get3A_805 = arith.constant 3 : i32
        %get3A_806 = arith.index_cast %get3A_805 : i32 to index
        %get3A_807 = arith.index_cast %add3A_804 : i32 to index
        %get3A_808 = arith.constant 48 : index
        %get3A_809 = tpu.vector_load %arg8[%get3A_806, %get3A_807, %get3A_808] {strides = array<i32>} : memref<4x128x128xf32, #tpu.memory_space<vmem>>, vector<1x1x16xf32>,
        %get3A_810 = vector.shape_cast %get3A_809 : vector<1x1x16xf32> to vector<16xf32>
        %mul3A_811 = arith.mulf %get3A_438, %get3A_810 : vector<16xf32>
        %mul3A_812 = arith.constant 8 : i32
        %mul3A_813 = arith.muli %scan3A_415, %mul3A_812 : i32
        %add3A_814 = arith.constant 4 : i32
        %add3A_815 = arith.addi %mul3A_813, %add3A_814 : i32
        %get3A_816 = arith.constant 3 : i32
        %get3A_817 = arith.index_cast %get3A_816 : i32 to index
        %get3A_818 = arith.index_cast %add3A_815 : i32 to index
        %get3A_819 = arith.constant 48 : index
        %get3A_820 = tpu.vector_load %arg8[%get3A_817, %get3A_818, %get3A_819] {strides = array<i32>} : memref<4x128x128xf32, #tpu.memory_space<vmem>>, vector<1x1x16xf32>,
        %get3A_821 = vector.shape_cast %get3A_820 : vector<1x1x16xf32> to vector<16xf32>
        %mul3A_822 = arith.mulf %get3A_444, %get3A_821 : vector<16xf32>
        %mul3A_823 = arith.constant 8 : i32
        %mul3A_824 = arith.muli %scan3A_415, %mul3A_823 : i32
        %add3A_825 = arith.constant 5 : i32
        %add3A_826 = arith.addi %mul3A_824, %add3A_825 : i32
        %get3A_827 = arith.constant 3 : i32
        %get3A_828 = arith.index_cast %get3A_827 : i32 to index
        %get3A_829 = arith.index_cast %add3A_826 : i32 to index
        %get3A_830 = arith.constant 48 : index
        %get3A_831 = tpu.vector_load %arg8[%get3A_828, %get3A_829, %get3A_830] {strides = array<i32>} : memref<4x128x128xf32, #tpu.memory_space<vmem>>, vector<1x1x16xf32>,
        %get3A_832 = vector.shape_cast %get3A_831 : vector<1x1x16xf32> to vector<16xf32>
        %mul3A_833 = arith.mulf %get3A_450, %get3A_832 : vector<16xf32>
        %mul3A_834 = arith.constant 8 : i32
        %mul3A_835 = arith.muli %scan3A_415, %mul3A_834 : i32
        %add3A_836 = arith.constant 6 : i32
        %add3A_837 = arith.addi %mul3A_835, %add3A_836 : i32
        %get3A_838 = arith.constant 3 : i32
        %get3A_839 = arith.index_cast %get3A_838 : i32 to index
        %get3A_840 = arith.index_cast %add3A_837 : i32 to index
        %get3A_841 = arith.constant 48 : index
        %get3A_842 = tpu.vector_load %arg8[%get3A_839, %get3A_840, %get3A_841] {strides = array<i32>} : memref<4x128x128xf32, #tpu.memory_space<vmem>>, vector<1x1x16xf32>,
        %get3A_843 = vector.shape_cast %get3A_842 : vector<1x1x16xf32> to vector<16xf32>
        %mul3A_844 = arith.mulf %get3A_456, %get3A_843 : vector<16xf32>
        %mul3A_845 = arith.constant 8 : i32
        %mul3A_846 = arith.muli %scan3A_415, %mul3A_845 : i32
        %add3A_847 = arith.constant 7 : i32
        %add3A_848 = arith.addi %mul3A_846, %add3A_847 : i32
        %get3A_849 = arith.constant 3 : i32
        %get3A_850 = arith.index_cast %get3A_849 : i32 to index
        %get3A_851 = arith.index_cast %add3A_848 : i32 to index
        %get3A_852 = arith.constant 48 : index
        %get3A_853 = tpu.vector_load %arg8[%get3A_850, %get3A_851, %get3A_852] {strides = array<i32>} : memref<4x128x128xf32, #tpu.memory_space<vmem>>, vector<1x1x16xf32>,
        %get3A_854 = vector.shape_cast %get3A_853 : vector<1x1x16xf32> to vector<16xf32>
        %mul3A_855 = arith.mulf %get3A_462, %get3A_854 : vector<16xf32>
        %add3A_856 = arith.addf %mul3A_778, %mul3A_789 : vector<16xf32>
        %add3A_857 = arith.addf %mul3A_800, %mul3A_811 : vector<16xf32>
        %add3A_858 = arith.addf %mul3A_822, %mul3A_833 : vector<16xf32>
        %add3A_859 = arith.addf %mul3A_844, %mul3A_855 : vector<16xf32>
        %add3A_860 = arith.addf %add3A_856, %add3A_857 : vector<16xf32>
        %add3A_861 = arith.addf %add3A_858, %add3A_859 : vector<16xf32>
        %add3A_862 = arith.addf %add3A_860, %add3A_861 : vector<16xf32>
        %swap3A_863 = arith.constant 3 : i32
        %swap3A_864 = arith.index_cast %swap3A_863 : i32 to index
        %swap3A_865 = arith.index_cast %scan3A_415 : i32 to index
        %swap3A_866 = arith.constant 48 : index
        %swap3A_867 = tpu.vector_load %arg9[%swap3A_864, %swap3A_865, %swap3A_866] {strides = array<i32>} : memref<4x16x128xf32, #tpu.memory_space<vmem>>, vector<1x1x16xf32>,
        %swap3A_868 = vector.shape_cast %swap3A_867 : vector<1x1x16xf32> to vector<16xf32>
        %swap3A_869 = vector.shape_cast %add3A_862 : vector<16xf32> to vector<1x1x16xf32>
        tpu.vector_store %arg9[%swap3A_864, %swap3A_865, %swap3A_866], %swap3A_869 {strides = array<i32>} : memref<4x16x128xf32, #tpu.memory_space<vmem>>, vector<1x1x16xf32>,
        %mul3A_870 = arith.constant 8 : i32
        %mul3A_871 = arith.muli %scan3A_415, %mul3A_870 : i32
        %add3A_872 = arith.constant 0 : i32
        %add3A_873 = arith.addi %mul3A_871, %add3A_872 : i32
        %get3A_874 = arith.constant 3 : i32
        %get3A_875 = arith.index_cast %get3A_874 : i32 to index
        %get3A_876 = arith.index_cast %add3A_873 : i32 to index
        %get3A_877 = arith.constant 64 : index
        %get3A_878 = tpu.vector_load %arg8[%get3A_875, %get3A_876, %get3A_877] {strides = array<i32>} : memref<4x128x128xf32, #tpu.memory_space<vmem>>, vector<1x1x16xf32>,
        %get3A_879 = vector.shape_cast %get3A_878 : vector<1x1x16xf32> to vector<16xf32>
        %mul3A_880 = arith.mulf %get3A_420, %get3A_879 : vector<16xf32>
        %mul3A_881 = arith.constant 8 : i32
        %mul3A_882 = arith.muli %scan3A_415, %mul3A_881 : i32
        %add3A_883 = arith.constant 1 : i32
        %add3A_884 = arith.addi %mul3A_882, %add3A_883 : i32
        %get3A_885 = arith.constant 3 : i32
        %get3A_886 = arith.index_cast %get3A_885 : i32 to index
        %get3A_887 = arith.index_cast %add3A_884 : i32 to index
        %get3A_888 = arith.constant 64 : index
        %get3A_889 = tpu.vector_load %arg8[%get3A_886, %get3A_887, %get3A_888] {strides = array<i32>} : memref<4x128x128xf32, #tpu.memory_space<vmem>>, vector<1x1x16xf32>,
        %get3A_890 = vector.shape_cast %get3A_889 : vector<1x1x16xf32> to vector<16xf32>
        %mul3A_891 = arith.mulf %get3A_426, %get3A_890 : vector<16xf32>
        %mul3A_892 = arith.constant 8 : i32
        %mul3A_893 = arith.muli %scan3A_415, %mul3A_892 : i32
        %add3A_894 = arith.constant 2 : i32
        %add3A_895 = arith.addi %mul3A_893, %add3A_894 : i32
        %get3A_896 = arith.constant 3 : i32
        %get3A_897 = arith.index_cast %get3A_896 : i32 to index
        %get3A_898 = arith.index_cast %add3A_895 : i32 to index
        %get3A_899 = arith.constant 64 : index
        %get3A_900 = tpu.vector_load %arg8[%get3A_897, %get3A_898, %get3A_899] {strides = array<i32>} : memref<4x128x128xf32, #tpu.memory_space<vmem>>, vector<1x1x16xf32>,
        %get3A_901 = vector.shape_cast %get3A_900 : vector<1x1x16xf32> to vector<16xf32>
        %mul3A_902 = arith.mulf %get3A_432, %get3A_901 : vector<16xf32>
        %mul3A_903 = arith.constant 8 : i32
        %mul3A_904 = arith.muli %scan3A_415, %mul3A_903 : i32
        %add3A_905 = arith.constant 3 : i32
        %add3A_906 = arith.addi %mul3A_904, %add3A_905 : i32
        %get3A_907 = arith.constant 3 : i32
        %get3A_908 = arith.index_cast %get3A_907 : i32 to index
        %get3A_909 = arith.index_cast %add3A_906 : i32 to index
        %get3A_910 = arith.constant 64 : index
        %get3A_911 = tpu.vector_load %arg8[%get3A_908, %get3A_909, %get3A_910] {strides = array<i32>} : memref<4x128x128xf32, #tpu.memory_space<vmem>>, vector<1x1x16xf32>,
        %get3A_912 = vector.shape_cast %get3A_911 : vector<1x1x16xf32> to vector<16xf32>
        %mul3A_913 = arith.mulf %get3A_438, %get3A_912 : vector<16xf32>
        %mul3A_914 = arith.constant 8 : i32
        %mul3A_915 = arith.muli %scan3A_415, %mul3A_914 : i32
        %add3A_916 = arith.constant 4 : i32
        %add3A_917 = arith.addi %mul3A_915, %add3A_916 : i32
        %get3A_918 = arith.constant 3 : i32
        %get3A_919 = arith.index_cast %get3A_918 : i32 to index
        %get3A_920 = arith.index_cast %add3A_917 : i32 to index
        %get3A_921 = arith.constant 64 : index
        %get3A_922 = tpu.vector_load %arg8[%get3A_919, %get3A_920, %get3A_921] {strides = array<i32>} : memref<4x128x128xf32, #tpu.memory_space<vmem>>, vector<1x1x16xf32>,
        %get3A_923 = vector.shape_cast %get3A_922 : vector<1x1x16xf32> to vector<16xf32>
        %mul3A_924 = arith.mulf %get3A_444, %get3A_923 : vector<16xf32>
        %mul3A_925 = arith.constant 8 : i32
        %mul3A_926 = arith.muli %scan3A_415, %mul3A_925 : i32
        %add3A_927 = arith.constant 5 : i32
        %add3A_928 = arith.addi %mul3A_926, %add3A_927 : i32
        %get3A_929 = arith.constant 3 : i32
        %get3A_930 = arith.index_cast %get3A_929 : i32 to index
        %get3A_931 = arith.index_cast %add3A_928 : i32 to index
        %get3A_932 = arith.constant 64 : index
        %get3A_933 = tpu.vector_load %arg8[%get3A_930, %get3A_931, %get3A_932] {strides = array<i32>} : memref<4x128x128xf32, #tpu.memory_space<vmem>>, vector<1x1x16xf32>,
        %get3A_934 = vector.shape_cast %get3A_933 : vector<1x1x16xf32> to vector<16xf32>
        %mul3A_935 = arith.mulf %get3A_450, %get3A_934 : vector<16xf32>
        %mul3A_936 = arith.constant 8 : i32
        %mul3A_937 = arith.muli %scan3A_415, %mul3A_936 : i32
        %add3A_938 = arith.constant 6 : i32
        %add3A_939 = arith.addi %mul3A_937, %add3A_938 : i32
        %get3A_940 = arith.constant 3 : i32
        %get3A_941 = arith.index_cast %get3A_940 : i32 to index
        %get3A_942 = arith.index_cast %add3A_939 : i32 to index
        %get3A_943 = arith.constant 64 : index
        %get3A_944 = tpu.vector_load %arg8[%get3A_941, %get3A_942, %get3A_943] {strides = array<i32>} : memref<4x128x128xf32, #tpu.memory_space<vmem>>, vector<1x1x16xf32>,
        %get3A_945 = vector.shape_cast %get3A_944 : vector<1x1x16xf32> to vector<16xf32>
        %mul3A_946 = arith.mulf %get3A_456, %get3A_945 : vector<16xf32>
        %mul3A_947 = arith.constant 8 : i32
        %mul3A_948 = arith.muli %scan3A_415, %mul3A_947 : i32
        %add3A_949 = arith.constant 7 : i32
        %add3A_950 = arith.addi %mul3A_948, %add3A_949 : i32
        %get3A_951 = arith.constant 3 : i32
        %get3A_952 = arith.index_cast %get3A_951 : i32 to index
        %get3A_953 = arith.index_cast %add3A_950 : i32 to index
        %get3A_954 = arith.constant 64 : index
        %get3A_955 = tpu.vector_load %arg8[%get3A_952, %get3A_953, %get3A_954] {strides = array<i32>} : memref<4x128x128xf32, #tpu.memory_space<vmem>>, vector<1x1x16xf32>,
        %get3A_956 = vector.shape_cast %get3A_955 : vector<1x1x16xf32> to vector<16xf32>
        %mul3A_957 = arith.mulf %get3A_462, %get3A_956 : vector<16xf32>
        %add3A_958 = arith.addf %mul3A_880, %mul3A_891 : vector<16xf32>
        %add3A_959 = arith.addf %mul3A_902, %mul3A_913 : vector<16xf32>
        %add3A_960 = arith.addf %mul3A_924, %mul3A_935 : vector<16xf32>
        %add3A_961 = arith.addf %mul3A_946, %mul3A_957 : vector<16xf32>
        %add3A_962 = arith.addf %add3A_958, %add3A_959 : vector<16xf32>
        %add3A_963 = arith.addf %add3A_960, %add3A_961 : vector<16xf32>
        %add3A_964 = arith.addf %add3A_962, %add3A_963 : vector<16xf32>
        %swap3A_965 = arith.constant 3 : i32
        %swap3A_966 = arith.index_cast %swap3A_965 : i32 to index
        %swap3A_967 = arith.index_cast %scan3A_415 : i32 to index
        %swap3A_968 = arith.constant 64 : index
        %swap3A_969 = tpu.vector_load %arg9[%swap3A_966, %swap3A_967, %swap3A_968] {strides = array<i32>} : memref<4x16x128xf32, #tpu.memory_space<vmem>>, vector<1x1x16xf32>,
        %swap3A_970 = vector.shape_cast %swap3A_969 : vector<1x1x16xf32> to vector<16xf32>
        %swap3A_971 = vector.shape_cast %add3A_964 : vector<16xf32> to vector<1x1x16xf32>
        tpu.vector_store %arg9[%swap3A_966, %swap3A_967, %swap3A_968], %swap3A_971 {strides = array<i32>} : memref<4x16x128xf32, #tpu.memory_space<vmem>>, vector<1x1x16xf32>,
        %mul3A_972 = arith.constant 8 : i32
        %mul3A_973 = arith.muli %scan3A_415, %mul3A_972 : i32
        %add3A_974 = arith.constant 0 : i32
        %add3A_975 = arith.addi %mul3A_973, %add3A_974 : i32
        %get3A_976 = arith.constant 3 : i32
        %get3A_977 = arith.index_cast %get3A_976 : i32 to index
        %get3A_978 = arith.index_cast %add3A_975 : i32 to index
        %get3A_979 = arith.constant 80 : index
        %get3A_980 = tpu.vector_load %arg8[%get3A_977, %get3A_978, %get3A_979] {strides = array<i32>} : memref<4x128x128xf32, #tpu.memory_space<vmem>>, vector<1x1x16xf32>,
        %get3A_981 = vector.shape_cast %get3A_980 : vector<1x1x16xf32> to vector<16xf32>
        %mul3A_982 = arith.mulf %get3A_420, %get3A_981 : vector<16xf32>
        %mul3A_983 = arith.constant 8 : i32
        %mul3A_984 = arith.muli %scan3A_415, %mul3A_983 : i32
        %add3A_985 = arith.constant 1 : i32
        %add3A_986 = arith.addi %mul3A_984, %add3A_985 : i32
        %get3A_987 = arith.constant 3 : i32
        %get3A_988 = arith.index_cast %get3A_987 : i32 to index
        %get3A_989 = arith.index_cast %add3A_986 : i32 to index
        %get3A_990 = arith.constant 80 : index
        %get3A_991 = tpu.vector_load %arg8[%get3A_988, %get3A_989, %get3A_990] {strides = array<i32>} : memref<4x128x128xf32, #tpu.memory_space<vmem>>, vector<1x1x16xf32>,
        %get3A_992 = vector.shape_cast %get3A_991 : vector<1x1x16xf32> to vector<16xf32>
        %mul3A_993 = arith.mulf %get3A_426, %get3A_992 : vector<16xf32>
        %mul3A_994 = arith.constant 8 : i32
        %mul3A_995 = arith.muli %scan3A_415, %mul3A_994 : i32
        %add3A_996 = arith.constant 2 : i32
        %add3A_997 = arith.addi %mul3A_995, %add3A_996 : i32
        %get3A_998 = arith.constant 3 : i32
        %get3A_999 = arith.index_cast %get3A_998 : i32 to index
        %get3A_1000 = arith.index_cast %add3A_997 : i32 to index
        %get3A_1001 = arith.constant 80 : index
        %get3A_1002 = tpu.vector_load %arg8[%get3A_999, %get3A_1000, %get3A_1001] {strides = array<i32>} : memref<4x128x128xf32, #tpu.memory_space<vmem>>, vector<1x1x16xf32>,
        %get3A_1003 = vector.shape_cast %get3A_1002 : vector<1x1x16xf32> to vector<16xf32>
        %mul3A_1004 = arith.mulf %get3A_432, %get3A_1003 : vector<16xf32>
        %mul3A_1005 = arith.constant 8 : i32
        %mul3A_1006 = arith.muli %scan3A_415, %mul3A_1005 : i32
        %add3A_1007 = arith.constant 3 : i32
        %add3A_1008 = arith.addi %mul3A_1006, %add3A_1007 : i32
        %get3A_1009 = arith.constant 3 : i32
        %get3A_1010 = arith.index_cast %get3A_1009 : i32 to index
        %get3A_1011 = arith.index_cast %add3A_1008 : i32 to index
        %get3A_1012 = arith.constant 80 : index
        %get3A_1013 = tpu.vector_load %arg8[%get3A_1010, %get3A_1011, %get3A_1012] {strides = array<i32>} : memref<4x128x128xf32, #tpu.memory_space<vmem>>, vector<1x1x16xf32>,
        %get3A_1014 = vector.shape_cast %get3A_1013 : vector<1x1x16xf32> to vector<16xf32>
        %mul3A_1015 = arith.mulf %get3A_438, %get3A_1014 : vector<16xf32>
        %mul3A_1016 = arith.constant 8 : i32
        %mul3A_1017 = arith.muli %scan3A_415, %mul3A_1016 : i32
        %add3A_1018 = arith.constant 4 : i32
        %add3A_1019 = arith.addi %mul3A_1017, %add3A_1018 : i32
        %get3A_1020 = arith.constant 3 : i32
        %get3A_1021 = arith.index_cast %get3A_1020 : i32 to index
        %get3A_1022 = arith.index_cast %add3A_1019 : i32 to index
        %get3A_1023 = arith.constant 80 : index
        %get3A_1024 = tpu.vector_load %arg8[%get3A_1021, %get3A_1022, %get3A_1023] {strides = array<i32>} : memref<4x128x128xf32, #tpu.memory_space<vmem>>, vector<1x1x16xf32>,
        %get3A_1025 = vector.shape_cast %get3A_1024 : vector<1x1x16xf32> to vector<16xf32>
        %mul3A_1026 = arith.mulf %get3A_444, %get3A_1025 : vector<16xf32>
        %mul3A_1027 = arith.constant 8 : i32
        %mul3A_1028 = arith.muli %scan3A_415, %mul3A_1027 : i32
        %add3A_1029 = arith.constant 5 : i32
        %add3A_1030 = arith.addi %mul3A_1028, %add3A_1029 : i32
        %get3A_1031 = arith.constant 3 : i32
        %get3A_1032 = arith.index_cast %get3A_1031 : i32 to index
        %get3A_1033 = arith.index_cast %add3A_1030 : i32 to index
        %get3A_1034 = arith.constant 80 : index
        %get3A_1035 = tpu.vector_load %arg8[%get3A_1032, %get3A_1033, %get3A_1034] {strides = array<i32>} : memref<4x128x128xf32, #tpu.memory_space<vmem>>, vector<1x1x16xf32>,
        %get3A_1036 = vector.shape_cast %get3A_1035 : vector<1x1x16xf32> to vector<16xf32>
        %mul3A_1037 = arith.mulf %get3A_450, %get3A_1036 : vector<16xf32>
        %mul3A_1038 = arith.constant 8 : i32
        %mul3A_1039 = arith.muli %scan3A_415, %mul3A_1038 : i32
        %add3A_1040 = arith.constant 6 : i32
        %add3A_1041 = arith.addi %mul3A_1039, %add3A_1040 : i32
        %get3A_1042 = arith.constant 3 : i32
        %get3A_1043 = arith.index_cast %get3A_1042 : i32 to index
        %get3A_1044 = arith.index_cast %add3A_1041 : i32 to index
        %get3A_1045 = arith.constant 80 : index
        %get3A_1046 = tpu.vector_load %arg8[%get3A_1043, %get3A_1044, %get3A_1045] {strides = array<i32>} : memref<4x128x128xf32, #tpu.memory_space<vmem>>, vector<1x1x16xf32>,
        %get3A_1047 = vector.shape_cast %get3A_1046 : vector<1x1x16xf32> to vector<16xf32>
        %mul3A_1048 = arith.mulf %get3A_456, %get3A_1047 : vector<16xf32>
        %mul3A_1049 = arith.constant 8 : i32
        %mul3A_1050 = arith.muli %scan3A_415, %mul3A_1049 : i32
        %add3A_1051 = arith.constant 7 : i32
        %add3A_1052 = arith.addi %mul3A_1050, %add3A_1051 : i32
        %get3A_1053 = arith.constant 3 : i32
        %get3A_1054 = arith.index_cast %get3A_1053 : i32 to index
        %get3A_1055 = arith.index_cast %add3A_1052 : i32 to index
        %get3A_1056 = arith.constant 80 : index
        %get3A_1057 = tpu.vector_load %arg8[%get3A_1054, %get3A_1055, %get3A_1056] {strides = array<i32>} : memref<4x128x128xf32, #tpu.memory_space<vmem>>, vector<1x1x16xf32>,
        %get3A_1058 = vector.shape_cast %get3A_1057 : vector<1x1x16xf32> to vector<16xf32>
        %mul3A_1059 = arith.mulf %get3A_462, %get3A_1058 : vector<16xf32>
        %add3A_1060 = arith.addf %mul3A_982, %mul3A_993 : vector<16xf32>
        %add3A_1061 = arith.addf %mul3A_1004, %mul3A_1015 : vector<16xf32>
        %add3A_1062 = arith.addf %mul3A_1026, %mul3A_1037 : vector<16xf32>
        %add3A_1063 = arith.addf %mul3A_1048, %mul3A_1059 : vector<16xf32>
        %add3A_1064 = arith.addf %add3A_1060, %add3A_1061 : vector<16xf32>
        %add3A_1065 = arith.addf %add3A_1062, %add3A_1063 : vector<16xf32>
        %add3A_1066 = arith.addf %add3A_1064, %add3A_1065 : vector<16xf32>
        %swap3A_1067 = arith.constant 3 : i32
        %swap3A_1068 = arith.index_cast %swap3A_1067 : i32 to index
        %swap3A_1069 = arith.index_cast %scan3A_415 : i32 to index
        %swap3A_1070 = arith.constant 80 : index
        %swap3A_1071 = tpu.vector_load %arg9[%swap3A_1068, %swap3A_1069, %swap3A_1070] {strides = array<i32>} : memref<4x16x128xf32, #tpu.memory_space<vmem>>, vector<1x1x16xf32>,
        %swap3A_1072 = vector.shape_cast %swap3A_1071 : vector<1x1x16xf32> to vector<16xf32>
        %swap3A_1073 = vector.shape_cast %add3A_1066 : vector<16xf32> to vector<1x1x16xf32>
        tpu.vector_store %arg9[%swap3A_1068, %swap3A_1069, %swap3A_1070], %swap3A_1073 {strides = array<i32>} : memref<4x16x128xf32, #tpu.memory_space<vmem>>, vector<1x1x16xf32>,
        %mul3A_1074 = arith.constant 8 : i32
        %mul3A_1075 = arith.muli %scan3A_415, %mul3A_1074 : i32
        %add3A_1076 = arith.constant 0 : i32
        %add3A_1077 = arith.addi %mul3A_1075, %add3A_1076 : i32
        %get3A_1078 = arith.constant 3 : i32
        %get3A_1079 = arith.index_cast %get3A_1078 : i32 to index
        %get3A_1080 = arith.index_cast %add3A_1077 : i32 to index
        %get3A_1081 = arith.constant 96 : index
        %get3A_1082 = tpu.vector_load %arg8[%get3A_1079, %get3A_1080, %get3A_1081] {strides = array<i32>} : memref<4x128x128xf32, #tpu.memory_space<vmem>>, vector<1x1x16xf32>,
        %get3A_1083 = vector.shape_cast %get3A_1082 : vector<1x1x16xf32> to vector<16xf32>
        %mul3A_1084 = arith.mulf %get3A_420, %get3A_1083 : vector<16xf32>
        %mul3A_1085 = arith.constant 8 : i32
        %mul3A_1086 = arith.muli %scan3A_415, %mul3A_1085 : i32
        %add3A_1087 = arith.constant 1 : i32
        %add3A_1088 = arith.addi %mul3A_1086, %add3A_1087 : i32
        %get3A_1089 = arith.constant 3 : i32
        %get3A_1090 = arith.index_cast %get3A_1089 : i32 to index
        %get3A_1091 = arith.index_cast %add3A_1088 : i32 to index
        %get3A_1092 = arith.constant 96 : index
        %get3A_1093 = tpu.vector_load %arg8[%get3A_1090, %get3A_1091, %get3A_1092] {strides = array<i32>} : memref<4x128x128xf32, #tpu.memory_space<vmem>>, vector<1x1x16xf32>,
        %get3A_1094 = vector.shape_cast %get3A_1093 : vector<1x1x16xf32> to vector<16xf32>
        %mul3A_1095 = arith.mulf %get3A_426, %get3A_1094 : vector<16xf32>
        %mul3A_1096 = arith.constant 8 : i32
        %mul3A_1097 = arith.muli %scan3A_415, %mul3A_1096 : i32
        %add3A_1098 = arith.constant 2 : i32
        %add3A_1099 = arith.addi %mul3A_1097, %add3A_1098 : i32
        %get3A_1100 = arith.constant 3 : i32
        %get3A_1101 = arith.index_cast %get3A_1100 : i32 to index
        %get3A_1102 = arith.index_cast %add3A_1099 : i32 to index
        %get3A_1103 = arith.constant 96 : index
        %get3A_1104 = tpu.vector_load %arg8[%get3A_1101, %get3A_1102, %get3A_1103] {strides = array<i32>} : memref<4x128x128xf32, #tpu.memory_space<vmem>>, vector<1x1x16xf32>,
        %get3A_1105 = vector.shape_cast %get3A_1104 : vector<1x1x16xf32> to vector<16xf32>
        %mul3A_1106 = arith.mulf %get3A_432, %get3A_1105 : vector<16xf32>
        %mul3A_1107 = arith.constant 8 : i32
        %mul3A_1108 = arith.muli %scan3A_415, %mul3A_1107 : i32
        %add3A_1109 = arith.constant 3 : i32
        %add3A_1110 = arith.addi %mul3A_1108, %add3A_1109 : i32
        %get3A_1111 = arith.constant 3 : i32
        %get3A_1112 = arith.index_cast %get3A_1111 : i32 to index
        %get3A_1113 = arith.index_cast %add3A_1110 : i32 to index
        %get3A_1114 = arith.constant 96 : index
        %get3A_1115 = tpu.vector_load %arg8[%get3A_1112, %get3A_1113, %get3A_1114] {strides = array<i32>} : memref<4x128x128xf32, #tpu.memory_space<vmem>>, vector<1x1x16xf32>,
        %get3A_1116 = vector.shape_cast %get3A_1115 : vector<1x1x16xf32> to vector<16xf32>
        %mul3A_1117 = arith.mulf %get3A_438, %get3A_1116 : vector<16xf32>
        %mul3A_1118 = arith.constant 8 : i32
        %mul3A_1119 = arith.muli %scan3A_415, %mul3A_1118 : i32
        %add3A_1120 = arith.constant 4 : i32
        %add3A_1121 = arith.addi %mul3A_1119, %add3A_1120 : i32
        %get3A_1122 = arith.constant 3 : i32
        %get3A_1123 = arith.index_cast %get3A_1122 : i32 to index
        %get3A_1124 = arith.index_cast %add3A_1121 : i32 to index
        %get3A_1125 = arith.constant 96 : index
        %get3A_1126 = tpu.vector_load %arg8[%get3A_1123, %get3A_1124, %get3A_1125] {strides = array<i32>} : memref<4x128x128xf32, #tpu.memory_space<vmem>>, vector<1x1x16xf32>,
        %get3A_1127 = vector.shape_cast %get3A_1126 : vector<1x1x16xf32> to vector<16xf32>
        %mul3A_1128 = arith.mulf %get3A_444, %get3A_1127 : vector<16xf32>
        %mul3A_1129 = arith.constant 8 : i32
        %mul3A_1130 = arith.muli %scan3A_415, %mul3A_1129 : i32
        %add3A_1131 = arith.constant 5 : i32
        %add3A_1132 = arith.addi %mul3A_1130, %add3A_1131 : i32
        %get3A_1133 = arith.constant 3 : i32
        %get3A_1134 = arith.index_cast %get3A_1133 : i32 to index
        %get3A_1135 = arith.index_cast %add3A_1132 : i32 to index
        %get3A_1136 = arith.constant 96 : index
        %get3A_1137 = tpu.vector_load %arg8[%get3A_1134, %get3A_1135, %get3A_1136] {strides = array<i32>} : memref<4x128x128xf32, #tpu.memory_space<vmem>>, vector<1x1x16xf32>,
        %get3A_1138 = vector.shape_cast %get3A_1137 : vector<1x1x16xf32> to vector<16xf32>
        %mul3A_1139 = arith.mulf %get3A_450, %get3A_1138 : vector<16xf32>
        %mul3A_1140 = arith.constant 8 : i32
        %mul3A_1141 = arith.muli %scan3A_415, %mul3A_1140 : i32
        %add3A_1142 = arith.constant 6 : i32
        %add3A_1143 = arith.addi %mul3A_1141, %add3A_1142 : i32
        %get3A_1144 = arith.constant 3 : i32
        %get3A_1145 = arith.index_cast %get3A_1144 : i32 to index
        %get3A_1146 = arith.index_cast %add3A_1143 : i32 to index
        %get3A_1147 = arith.constant 96 : index
        %get3A_1148 = tpu.vector_load %arg8[%get3A_1145, %get3A_1146, %get3A_1147] {strides = array<i32>} : memref<4x128x128xf32, #tpu.memory_space<vmem>>, vector<1x1x16xf32>,
        %get3A_1149 = vector.shape_cast %get3A_1148 : vector<1x1x16xf32> to vector<16xf32>
        %mul3A_1150 = arith.mulf %get3A_456, %get3A_1149 : vector<16xf32>
        %mul3A_1151 = arith.constant 8 : i32
        %mul3A_1152 = arith.muli %scan3A_415, %mul3A_1151 : i32
        %add3A_1153 = arith.constant 7 : i32
        %add3A_1154 = arith.addi %mul3A_1152, %add3A_1153 : i32
        %get3A_1155 = arith.constant 3 : i32
        %get3A_1156 = arith.index_cast %get3A_1155 : i32 to index
        %get3A_1157 = arith.index_cast %add3A_1154 : i32 to index
        %get3A_1158 = arith.constant 96 : index
        %get3A_1159 = tpu.vector_load %arg8[%get3A_1156, %get3A_1157, %get3A_1158] {strides = array<i32>} : memref<4x128x128xf32, #tpu.memory_space<vmem>>, vector<1x1x16xf32>,
        %get3A_1160 = vector.shape_cast %get3A_1159 : vector<1x1x16xf32> to vector<16xf32>
        %mul3A_1161 = arith.mulf %get3A_462, %get3A_1160 : vector<16xf32>
        %add3A_1162 = arith.addf %mul3A_1084, %mul3A_1095 : vector<16xf32>
        %add3A_1163 = arith.addf %mul3A_1106, %mul3A_1117 : vector<16xf32>
        %add3A_1164 = arith.addf %mul3A_1128, %mul3A_1139 : vector<16xf32>
        %add3A_1165 = arith.addf %mul3A_1150, %mul3A_1161 : vector<16xf32>
        %add3A_1166 = arith.addf %add3A_1162, %add3A_1163 : vector<16xf32>
        %add3A_1167 = arith.addf %add3A_1164, %add3A_1165 : vector<16xf32>
        %add3A_1168 = arith.addf %add3A_1166, %add3A_1167 : vector<16xf32>
        %swap3A_1169 = arith.constant 3 : i32
        %swap3A_1170 = arith.index_cast %swap3A_1169 : i32 to index
        %swap3A_1171 = arith.index_cast %scan3A_415 : i32 to index
        %swap3A_1172 = arith.constant 96 : index
        %swap3A_1173 = tpu.vector_load %arg9[%swap3A_1170, %swap3A_1171, %swap3A_1172] {strides = array<i32>} : memref<4x16x128xf32, #tpu.memory_space<vmem>>, vector<1x1x16xf32>,
        %swap3A_1174 = vector.shape_cast %swap3A_1173 : vector<1x1x16xf32> to vector<16xf32>
        %swap3A_1175 = vector.shape_cast %add3A_1168 : vector<16xf32> to vector<1x1x16xf32>
        tpu.vector_store %arg9[%swap3A_1170, %swap3A_1171, %swap3A_1172], %swap3A_1175 {strides = array<i32>} : memref<4x16x128xf32, #tpu.memory_space<vmem>>, vector<1x1x16xf32>,
        %mul3A_1176 = arith.constant 8 : i32
        %mul3A_1177 = arith.muli %scan3A_415, %mul3A_1176 : i32
        %add3A_1178 = arith.constant 0 : i32
        %add3A_1179 = arith.addi %mul3A_1177, %add3A_1178 : i32
        %get3A_1180 = arith.constant 3 : i32
        %get3A_1181 = arith.index_cast %get3A_1180 : i32 to index
        %get3A_1182 = arith.index_cast %add3A_1179 : i32 to index
        %get3A_1183 = arith.constant 112 : index
        %get3A_1184 = tpu.vector_load %arg8[%get3A_1181, %get3A_1182, %get3A_1183] {strides = array<i32>} : memref<4x128x128xf32, #tpu.memory_space<vmem>>, vector<1x1x16xf32>,
        %get3A_1185 = vector.shape_cast %get3A_1184 : vector<1x1x16xf32> to vector<16xf32>
        %mul3A_1186 = arith.mulf %get3A_420, %get3A_1185 : vector<16xf32>
        %mul3A_1187 = arith.constant 8 : i32
        %mul3A_1188 = arith.muli %scan3A_415, %mul3A_1187 : i32
        %add3A_1189 = arith.constant 1 : i32
        %add3A_1190 = arith.addi %mul3A_1188, %add3A_1189 : i32
        %get3A_1191 = arith.constant 3 : i32
        %get3A_1192 = arith.index_cast %get3A_1191 : i32 to index
        %get3A_1193 = arith.index_cast %add3A_1190 : i32 to index
        %get3A_1194 = arith.constant 112 : index
        %get3A_1195 = tpu.vector_load %arg8[%get3A_1192, %get3A_1193, %get3A_1194] {strides = array<i32>} : memref<4x128x128xf32, #tpu.memory_space<vmem>>, vector<1x1x16xf32>,
        %get3A_1196 = vector.shape_cast %get3A_1195 : vector<1x1x16xf32> to vector<16xf32>
        %mul3A_1197 = arith.mulf %get3A_426, %get3A_1196 : vector<16xf32>
        %mul3A_1198 = arith.constant 8 : i32
        %mul3A_1199 = arith.muli %scan3A_415, %mul3A_1198 : i32
        %add3A_1200 = arith.constant 2 : i32
        %add3A_1201 = arith.addi %mul3A_1199, %add3A_1200 : i32
        %get3A_1202 = arith.constant 3 : i32
        %get3A_1203 = arith.index_cast %get3A_1202 : i32 to index
        %get3A_1204 = arith.index_cast %add3A_1201 : i32 to index
        %get3A_1205 = arith.constant 112 : index
        %get3A_1206 = tpu.vector_load %arg8[%get3A_1203, %get3A_1204, %get3A_1205] {strides = array<i32>} : memref<4x128x128xf32, #tpu.memory_space<vmem>>, vector<1x1x16xf32>,
        %get3A_1207 = vector.shape_cast %get3A_1206 : vector<1x1x16xf32> to vector<16xf32>
        %mul3A_1208 = arith.mulf %get3A_432, %get3A_1207 : vector<16xf32>
        %mul3A_1209 = arith.constant 8 : i32
        %mul3A_1210 = arith.muli %scan3A_415, %mul3A_1209 : i32
        %add3A_1211 = arith.constant 3 : i32
        %add3A_1212 = arith.addi %mul3A_1210, %add3A_1211 : i32
        %get3A_1213 = arith.constant 3 : i32
        %get3A_1214 = arith.index_cast %get3A_1213 : i32 to index
        %get3A_1215 = arith.index_cast %add3A_1212 : i32 to index
        %get3A_1216 = arith.constant 112 : index
        %get3A_1217 = tpu.vector_load %arg8[%get3A_1214, %get3A_1215, %get3A_1216] {strides = array<i32>} : memref<4x128x128xf32, #tpu.memory_space<vmem>>, vector<1x1x16xf32>,
        %get3A_1218 = vector.shape_cast %get3A_1217 : vector<1x1x16xf32> to vector<16xf32>
        %mul3A_1219 = arith.mulf %get3A_438, %get3A_1218 : vector<16xf32>
        %mul3A_1220 = arith.constant 8 : i32
        %mul3A_1221 = arith.muli %scan3A_415, %mul3A_1220 : i32
        %add3A_1222 = arith.constant 4 : i32
        %add3A_1223 = arith.addi %mul3A_1221, %add3A_1222 : i32
        %get3A_1224 = arith.constant 3 : i32
        %get3A_1225 = arith.index_cast %get3A_1224 : i32 to index
        %get3A_1226 = arith.index_cast %add3A_1223 : i32 to index
        %get3A_1227 = arith.constant 112 : index
        %get3A_1228 = tpu.vector_load %arg8[%get3A_1225, %get3A_1226, %get3A_1227] {strides = array<i32>} : memref<4x128x128xf32, #tpu.memory_space<vmem>>, vector<1x1x16xf32>,
        %get3A_1229 = vector.shape_cast %get3A_1228 : vector<1x1x16xf32> to vector<16xf32>
        %mul3A_1230 = arith.mulf %get3A_444, %get3A_1229 : vector<16xf32>
        %mul3A_1231 = arith.constant 8 : i32
        %mul3A_1232 = arith.muli %scan3A_415, %mul3A_1231 : i32
        %add3A_1233 = arith.constant 5 : i32
        %add3A_1234 = arith.addi %mul3A_1232, %add3A_1233 : i32
        %get3A_1235 = arith.constant 3 : i32
        %get3A_1236 = arith.index_cast %get3A_1235 : i32 to index
        %get3A_1237 = arith.index_cast %add3A_1234 : i32 to index
        %get3A_1238 = arith.constant 112 : index
        %get3A_1239 = tpu.vector_load %arg8[%get3A_1236, %get3A_1237, %get3A_1238] {strides = array<i32>} : memref<4x128x128xf32, #tpu.memory_space<vmem>>, vector<1x1x16xf32>,
        %get3A_1240 = vector.shape_cast %get3A_1239 : vector<1x1x16xf32> to vector<16xf32>
        %mul3A_1241 = arith.mulf %get3A_450, %get3A_1240 : vector<16xf32>
        %mul3A_1242 = arith.constant 8 : i32
        %mul3A_1243 = arith.muli %scan3A_415, %mul3A_1242 : i32
        %add3A_1244 = arith.constant 6 : i32
        %add3A_1245 = arith.addi %mul3A_1243, %add3A_1244 : i32
        %get3A_1246 = arith.constant 3 : i32
        %get3A_1247 = arith.index_cast %get3A_1246 : i32 to index
        %get3A_1248 = arith.index_cast %add3A_1245 : i32 to index
        %get3A_1249 = arith.constant 112 : index
        %get3A_1250 = tpu.vector_load %arg8[%get3A_1247, %get3A_1248, %get3A_1249] {strides = array<i32>} : memref<4x128x128xf32, #tpu.memory_space<vmem>>, vector<1x1x16xf32>,
        %get3A_1251 = vector.shape_cast %get3A_1250 : vector<1x1x16xf32> to vector<16xf32>
        %mul3A_1252 = arith.mulf %get3A_456, %get3A_1251 : vector<16xf32>
        %mul3A_1253 = arith.constant 8 : i32
        %mul3A_1254 = arith.muli %scan3A_415, %mul3A_1253 : i32
        %add3A_1255 = arith.constant 7 : i32
        %add3A_1256 = arith.addi %mul3A_1254, %add3A_1255 : i32
        %get3A_1257 = arith.constant 3 : i32
        %get3A_1258 = arith.index_cast %get3A_1257 : i32 to index
        %get3A_1259 = arith.index_cast %add3A_1256 : i32 to index
        %get3A_1260 = arith.constant 112 : index
        %get3A_1261 = tpu.vector_load %arg8[%get3A_1258, %get3A_1259, %get3A_1260] {strides = array<i32>} : memref<4x128x128xf32, #tpu.memory_space<vmem>>, vector<1x1x16xf32>,
        %get3A_1262 = vector.shape_cast %get3A_1261 : vector<1x1x16xf32> to vector<16xf32>
        %mul3A_1263 = arith.mulf %get3A_462, %get3A_1262 : vector<16xf32>
        %add3A_1264 = arith.addf %mul3A_1186, %mul3A_1197 : vector<16xf32>
        %add3A_1265 = arith.addf %mul3A_1208, %mul3A_1219 : vector<16xf32>
        %add3A_1266 = arith.addf %mul3A_1230, %mul3A_1241 : vector<16xf32>
        %add3A_1267 = arith.addf %mul3A_1252, %mul3A_1263 : vector<16xf32>
        %add3A_1268 = arith.addf %add3A_1264, %add3A_1265 : vector<16xf32>
        %add3A_1269 = arith.addf %add3A_1266, %add3A_1267 : vector<16xf32>
        %add3A_1270 = arith.addf %add3A_1268, %add3A_1269 : vector<16xf32>
        %swap3A_1271 = arith.constant 3 : i32
        %swap3A_1272 = arith.index_cast %swap3A_1271 : i32 to index
        %swap3A_1273 = arith.index_cast %scan3A_415 : i32 to index
        %swap3A_1274 = arith.constant 112 : index
        %swap3A_1275 = tpu.vector_load %arg9[%swap3A_1272, %swap3A_1273, %swap3A_1274] {strides = array<i32>} : memref<4x16x128xf32, #tpu.memory_space<vmem>>, vector<1x1x16xf32>,
        %swap3A_1276 = vector.shape_cast %swap3A_1275 : vector<1x1x16xf32> to vector<16xf32>
        %swap3A_1277 = vector.shape_cast %add3A_1270 : vector<16xf32> to vector<1x1x16xf32>
        tpu.vector_store %arg9[%swap3A_1272, %swap3A_1273, %swap3A_1274], %swap3A_1277 {strides = array<i32>} : memref<4x16x128xf32, #tpu.memory_space<vmem>>, vector<1x1x16xf32>,
      }
      %scan3A_391 = arith.constant 16 : i32
      %add3A_392 = arith.constant 4 : i32
      %add3A_393 = arith.addi %add3A_355, %add3A_392 : i32
      %lt3A_394 = arith.constant 32 : i32
      %lt3A_395 = arith.cmpi slt, %add3A_393, %lt3A_394 : i32
      %convert_element_type3A_396 = arith.extui %lt3A_395 : i1 to i32
      %cond3A_397 = arith.constant 0 : i32
      %cond3A_398 = arith.cmpi ne, %convert_element_type3A_396, %cond3A_397 : i32
      scf.if %cond3A_398 {
        %add3A_415 = arith.constant 4 : i32
        %add3A_416 = arith.addi %add3A_355, %add3A_415 : i32
        %dma_start3A_417 = arith.constant 3 : i32
        %dma_start3A_418 = arith.constant 0 : i32
        %dma_start3A_419 = arith.constant 0 : i32
        %dma_start3A_420 = tpu.memref_slice %arg8[%dma_start3A_417, %dma_start3A_418, %dma_start3A_419] : memref<4x128x128xf32, #tpu.memory_space<vmem>> -> memref<1x128x128xf32, #tpu.memory_space<vmem>>
        %dma_start3A_421 = tpu.memref_squeeze %dma_start3A_420 : memref<1x128x128xf32, #tpu.memory_space<vmem>> -> memref<128x128xf32, #tpu.memory_space<vmem>>
        %dma_start3A_422 = arith.constant 0 : i32
        %dma_start3A_423 = tpu.memref_slice %arg6[%add3A_416, %dma_start3A_422] : memref<32x128xi32, #tpu.memory_space<vmem>> -> memref<1x128xi32, #tpu.memory_space<vmem>>
        %dma_start3A_424 = tpu.memref_squeeze %dma_start3A_423 : memref<1x128xi32, #tpu.memory_space<vmem>> -> memref<128xi32, #tpu.memory_space<vmem>>
        %dma_start3A_425 = arith.constant 0 : i32
        %dma_start3A_426 = arith.constant 0 : i32
        %dma_start3A_427 = tpu.memref_slice %arg2[%dma_start3A_425, %dma_start3A_426] : memref<262144x128xf32, #tpu.memory_space<hbm>> -> memref<262144x128xf32, #tpu.memory_space<hbm>>
        tpu.enqueue_indirect_dma source(%dma_start3A_427 : memref<262144x128xf32, #tpu.memory_space<hbm>>) target(%dma_start3A_421 : memref<128x128xf32, #tpu.memory_space<vmem>>) offsets(%dma_start3A_424 : memref<128xi32, #tpu.memory_space<vmem>>) semaphore(%arg13 : memref<!tpu.dma_semaphore, #tpu.memory_space<semaphore_mem>>)
        %mul3A_428 = arith.constant 16 : i32
        %mul3A_429 = arith.muli %add3A_416, %mul3A_428 : i32
        %add3A_430 = arith.addi %mul3A_2, %mul3A_429 : i32
        %dma_start3A_431 = arith.constant 3 : i32
        %dma_start3A_432 = arith.constant 0 : i32
        %dma_start3A_433 = arith.constant 0 : i32
        %dma_start3A_434 = tpu.memref_slice %arg7[%dma_start3A_431, %dma_start3A_432, %dma_start3A_433] : memref<4x16x128xf32, #tpu.memory_space<vmem>> -> memref<1x16x128xf32, #tpu.memory_space<vmem>>
        %dma_start3A_435 = tpu.memref_squeeze %dma_start3A_434 : memref<1x16x128xf32, #tpu.memory_space<vmem>> -> memref<16x128xf32, #tpu.memory_space<vmem>>
        %dma_start3A_436 = arith.constant 0 : i32
        %dma_start3A_437 = tpu.memref_slice %arg4[%add3A_430, %dma_start3A_436] : memref<16384x128xf32, #tpu.memory_space<hbm>> -> memref<16x128xf32, #tpu.memory_space<hbm>>
        %dma_start3A_438 = arith.constant 0 : i32
        %dma_start3A_439 = arith.constant 0 : i32
        %dma_start3A_440 = tpu.memref_slice %arg7[%dma_start3A_431, %dma_start3A_438, %dma_start3A_439] : memref<4x16x128xf32, #tpu.memory_space<vmem>> -> memref<1x16x128xf32, #tpu.memory_space<vmem>>
        %dma_start3A_441 = tpu.memref_squeeze %dma_start3A_440 : memref<1x16x128xf32, #tpu.memory_space<vmem>> -> memref<16x128xf32, #tpu.memory_space<vmem>>
        %dma_start3A_442 = arith.constant 0 : i32
        %dma_start3A_443 = tpu.memref_slice %arg4[%add3A_430, %dma_start3A_442] : memref<16384x128xf32, #tpu.memory_space<hbm>> -> memref<16x128xf32, #tpu.memory_space<hbm>>
        tpu.enqueue_dma source(%dma_start3A_443 : memref<16x128xf32, #tpu.memory_space<hbm>>) target(%dma_start3A_441 : memref<16x128xf32, #tpu.memory_space<vmem>>) target_semaphore(%arg17 : memref<!tpu.dma_semaphore, #tpu.memory_space<semaphore_mem>>)
      } else {
      }
      %mul3A_399 = arith.constant 16 : i32
      %mul3A_400 = arith.muli %add3A_355, %mul3A_399 : i32
      %add3A_401 = arith.addi %mul3A_2, %mul3A_400 : i32
      %dma_start3A_402 = arith.constant 3 : i32
      %dma_start3A_403 = arith.constant 0 : i32
      %dma_start3A_404 = arith.constant 0 : i32
      %dma_start3A_405 = tpu.memref_slice %arg9[%dma_start3A_402, %dma_start3A_403, %dma_start3A_404] : memref<4x16x128xf32, #tpu.memory_space<vmem>> -> memref<1x16x128xf32, #tpu.memory_space<vmem>>
      %dma_start3A_406 = tpu.memref_squeeze %dma_start3A_405 : memref<1x16x128xf32, #tpu.memory_space<vmem>> -> memref<16x128xf32, #tpu.memory_space<vmem>>
      %dma_start3A_407 = arith.constant 0 : i32
      %dma_start3A_408 = tpu.memref_slice %arg5[%add3A_401, %dma_start3A_407] : memref<16384x128xf32, #tpu.memory_space<hbm>> -> memref<16x128xf32, #tpu.memory_space<hbm>>
      %dma_start3A_409 = arith.constant 0 : i32
      %dma_start3A_410 = tpu.memref_slice %arg5[%add3A_401, %dma_start3A_409] : memref<16384x128xf32, #tpu.memory_space<hbm>> -> memref<16x128xf32, #tpu.memory_space<hbm>>
      %dma_start3A_411 = arith.constant 0 : i32
      %dma_start3A_412 = arith.constant 0 : i32
      %dma_start3A_413 = tpu.memref_slice %arg9[%dma_start3A_402, %dma_start3A_411, %dma_start3A_412] : memref<4x16x128xf32, #tpu.memory_space<vmem>> -> memref<1x16x128xf32, #tpu.memory_space<vmem>>
      %dma_start3A_414 = tpu.memref_squeeze %dma_start3A_413 : memref<1x16x128xf32, #tpu.memory_space<vmem>> -> memref<16x128xf32, #tpu.memory_space<vmem>>
      tpu.enqueue_dma source(%dma_start3A_414 : memref<16x128xf32, #tpu.memory_space<vmem>>) target(%dma_start3A_410 : memref<16x128xf32, #tpu.memory_space<hbm>>) target_semaphore(%arg21 : memref<!tpu.dma_semaphore, #tpu.memory_space<semaphore_mem>>)
    }
    %scan3A_114 = arith.constant 8 : i32
    %dma_wait3A = arith.constant 0 : i32
    %dma_wait3A_115 = arith.constant 0 : i32
    %dma_wait3A_116 = arith.constant 0 : i32
    %dma_wait3A_117 = tpu.memref_slice %arg9[%dma_wait3A, %dma_wait3A_115, %dma_wait3A_116] : memref<4x16x128xf32, #tpu.memory_space<vmem>> -> memref<1x16x128xf32, #tpu.memory_space<vmem>>
    %dma_wait3A_118 = tpu.memref_squeeze %dma_wait3A_117 : memref<1x16x128xf32, #tpu.memory_space<vmem>> -> memref<16x128xf32, #tpu.memory_space<vmem>>
    %dma_wait3A_119 = arith.constant 0 : i32
    %dma_wait3A_120 = tpu.memref_slice %arg5[%mul3A_2, %dma_wait3A_119] : memref<16384x128xf32, #tpu.memory_space<hbm>> -> memref<16x128xf32, #tpu.memory_space<hbm>>
    %dma_wait3A_121 = arith.constant 0 : i32
    %dma_wait3A_122 = tpu.memref_slice %arg5[%mul3A_2, %dma_wait3A_121] : memref<16384x128xf32, #tpu.memory_space<hbm>> -> memref<16x128xf32, #tpu.memory_space<hbm>>
    %dma_wait3A_123 = arith.constant 0 : i32
    %dma_wait3A_124 = arith.constant 0 : i32
    %dma_wait3A_125 = tpu.memref_slice %arg9[%dma_wait3A, %dma_wait3A_123, %dma_wait3A_124] : memref<4x16x128xf32, #tpu.memory_space<vmem>> -> memref<1x16x128xf32, #tpu.memory_space<vmem>>
    %dma_wait3A_126 = tpu.memref_squeeze %dma_wait3A_125 : memref<1x16x128xf32, #tpu.memory_space<vmem>> -> memref<16x128xf32, #tpu.memory_space<vmem>>
    tpu.wait_dma2 semaphore(%arg18 : memref<!tpu.dma_semaphore, #tpu.memory_space<semaphore_mem>>) src(%dma_wait3A_126 : memref<16x128xf32, #tpu.memory_space<vmem>>) dst(%dma_wait3A_122 : memref<16x128xf32, #tpu.memory_space<hbm>>)
    %dma_wait3A_127 = arith.constant 1 : i32
    %dma_wait3A_128 = arith.constant 0 : i32
    %dma_wait3A_129 = arith.constant 0 : i32
    %dma_wait3A_130 = tpu.memref_slice %arg9[%dma_wait3A_127, %dma_wait3A_128, %dma_wait3A_129] : memref<4x16x128xf32, #tpu.memory_space<vmem>> -> memref<1x16x128xf32, #tpu.memory_space<vmem>>
    %dma_wait3A_131 = tpu.memref_squeeze %dma_wait3A_130 : memref<1x16x128xf32, #tpu.memory_space<vmem>> -> memref<16x128xf32, #tpu.memory_space<vmem>>
    %dma_wait3A_132 = arith.constant 0 : i32
    %dma_wait3A_133 = tpu.memref_slice %arg5[%mul3A_2, %dma_wait3A_132] : memref<16384x128xf32, #tpu.memory_space<hbm>> -> memref<16x128xf32, #tpu.memory_space<hbm>>
    %dma_wait3A_134 = arith.constant 0 : i32
    %dma_wait3A_135 = tpu.memref_slice %arg5[%mul3A_2, %dma_wait3A_134] : memref<16384x128xf32, #tpu.memory_space<hbm>> -> memref<16x128xf32, #tpu.memory_space<hbm>>
    %dma_wait3A_136 = arith.constant 0 : i32
    %dma_wait3A_137 = arith.constant 0 : i32
    %dma_wait3A_138 = tpu.memref_slice %arg9[%dma_wait3A_127, %dma_wait3A_136, %dma_wait3A_137] : memref<4x16x128xf32, #tpu.memory_space<vmem>> -> memref<1x16x128xf32, #tpu.memory_space<vmem>>
    %dma_wait3A_139 = tpu.memref_squeeze %dma_wait3A_138 : memref<1x16x128xf32, #tpu.memory_space<vmem>> -> memref<16x128xf32, #tpu.memory_space<vmem>>
    tpu.wait_dma2 semaphore(%arg19 : memref<!tpu.dma_semaphore, #tpu.memory_space<semaphore_mem>>) src(%dma_wait3A_139 : memref<16x128xf32, #tpu.memory_space<vmem>>) dst(%dma_wait3A_135 : memref<16x128xf32, #tpu.memory_space<hbm>>)
    %dma_wait3A_140 = arith.constant 2 : i32
    %dma_wait3A_141 = arith.constant 0 : i32
    %dma_wait3A_142 = arith.constant 0 : i32
    %dma_wait3A_143 = tpu.memref_slice %arg9[%dma_wait3A_140, %dma_wait3A_141, %dma_wait3A_142] : memref<4x16x128xf32, #tpu.memory_space<vmem>> -> memref<1x16x128xf32, #tpu.memory_space<vmem>>
    %dma_wait3A_144 = tpu.memref_squeeze %dma_wait3A_143 : memref<1x16x128xf32, #tpu.memory_space<vmem>> -> memref<16x128xf32, #tpu.memory_space<vmem>>
    %dma_wait3A_145 = arith.constant 0 : i32
    %dma_wait3A_146 = tpu.memref_slice %arg5[%mul3A_2, %dma_wait3A_145] : memref<16384x128xf32, #tpu.memory_space<hbm>> -> memref<16x128xf32, #tpu.memory_space<hbm>>
    %dma_wait3A_147 = arith.constant 0 : i32
    %dma_wait3A_148 = tpu.memref_slice %arg5[%mul3A_2, %dma_wait3A_147] : memref<16384x128xf32, #tpu.memory_space<hbm>> -> memref<16x128xf32, #tpu.memory_space<hbm>>
    %dma_wait3A_149 = arith.constant 0 : i32
    %dma_wait3A_150 = arith.constant 0 : i32
    %dma_wait3A_151 = tpu.memref_slice %arg9[%dma_wait3A_140, %dma_wait3A_149, %dma_wait3A_150] : memref<4x16x128xf32, #tpu.memory_space<vmem>> -> memref<1x16x128xf32, #tpu.memory_space<vmem>>
    %dma_wait3A_152 = tpu.memref_squeeze %dma_wait3A_151 : memref<1x16x128xf32, #tpu.memory_space<vmem>> -> memref<16x128xf32, #tpu.memory_space<vmem>>
    tpu.wait_dma2 semaphore(%arg20 : memref<!tpu.dma_semaphore, #tpu.memory_space<semaphore_mem>>) src(%dma_wait3A_152 : memref<16x128xf32, #tpu.memory_space<vmem>>) dst(%dma_wait3A_148 : memref<16x128xf32, #tpu.memory_space<hbm>>)
    %dma_wait3A_153 = arith.constant 3 : i32
    %dma_wait3A_154 = arith.constant 0 : i32
    %dma_wait3A_155 = arith.constant 0 : i32
    %dma_wait3A_156 = tpu.memref_slice %arg9[%dma_wait3A_153, %dma_wait3A_154, %dma_wait3A_155] : memref<4x16x128xf32, #tpu.memory_space<vmem>> -> memref<1x16x128xf32, #tpu.memory_space<vmem>>
    %dma_wait3A_157 = tpu.memref_squeeze %dma_wait3A_156 : memref<1x16x128xf32, #tpu.memory_space<vmem>> -> memref<16x128xf32, #tpu.memory_space<vmem>>
    %dma_wait3A_158 = arith.constant 0 : i32
    %dma_wait3A_159 = tpu.memref_slice %arg5[%mul3A_2, %dma_wait3A_158] : memref<16384x128xf32, #tpu.memory_space<hbm>> -> memref<16x128xf32, #tpu.memory_space<hbm>>
    %dma_wait3A_160 = arith.constant 0 : i32
    %dma_wait3A_161 = tpu.memref_slice %arg5[%mul3A_2, %dma_wait3A_160] : memref<16384x128xf32, #tpu.memory_space<hbm>> -> memref<16x128xf32, #tpu.memory_space<hbm>>
    %dma_wait3A_162 = arith.constant 0 : i32
    %dma_wait3A_163 = arith.constant 0 : i32
    %dma_wait3A_164 = tpu.memref_slice %arg9[%dma_wait3A_153, %dma_wait3A_162, %dma_wait3A_163] : memref<4x16x128xf32, #tpu.memory_space<vmem>> -> memref<1x16x128xf32, #tpu.memory_space<vmem>>
    %dma_wait3A_165 = tpu.memref_squeeze %dma_wait3A_164 : memref<1x16x128xf32, #tpu.memory_space<vmem>> -> memref<16x128xf32, #tpu.memory_space<vmem>>
    tpu.wait_dma2 semaphore(%arg21 : memref<!tpu.dma_semaphore, #tpu.memory_space<semaphore_mem>>) src(%dma_wait3A_165 : memref<16x128xf32, #tpu.memory_space<vmem>>) dst(%dma_wait3A_161 : memref<16x128xf32, #tpu.memory_space<hbm>>)
    return
  }
}

module attributes {stable_mosaic.version = 14 : i64} {
  func.func @_pos_body(%arg0: i32, %arg1: i32, %arg2: memref<1x512x2048xf32, #tpu.memory_space<vmem>>, %arg3: memref<1x2048x128xf32, #tpu.memory_space<vmem>>, %arg4: memref<128x3xf32, #tpu.memory_space<vmem>>, %arg5: memref<1x512x3xf32, #tpu.memory_space<vmem>>, %arg6: memref<1x512x128xf32, #tpu.memory_space<vmem>>, %arg7: memref<1x512x8xi32, #tpu.memory_space<vmem>>) attributes {dimension_semantics = [#tpu.dimension_semantics<arbitrary>, #tpu.dimension_semantics<arbitrary>], iteration_bounds = array<i64: 8, 4>, scalar_prefetch = 0 : i64, scratch_operands = 0 : i64, tpu.core_type = #tpu.core_type<tc>, window_params = [{transform_indices = @transform_0, window_bounds = array<i64: 1, 512, 2048>}, {transform_indices = @transform_1, window_bounds = array<i64: 1, 2048, 128>}, {pipeline_mode = #tpu.pipeline_mode<synchronous>, transform_indices = @transform_2, window_bounds = array<i64: 128, 3>}, {transform_indices = @transform_3, window_bounds = array<i64: 1, 512, 3>}, {transform_indices = @transform_4, window_bounds = array<i64: 1, 512, 128>}, {transform_indices = @transform_5, window_bounds = array<i64: 1, 512, 8>}]} {
    %get3A = arith.constant 0 : index
    %get3A_0 = arith.constant 0 : index
    %get3A_1 = arith.constant 0 : index
    %get3A_2 = vector.load %arg2[%get3A, %get3A_0, %get3A_1] : memref<1x512x2048xf32, #tpu.memory_space<vmem>>, vector<1x512x2048xf32>
    %get3A_3 = vector.shape_cast %get3A_2 : vector<1x512x2048xf32> to vector<512x2048xf32>
    %convert_element_type3A = arith.truncf %get3A_3 : vector<512x2048xf32> to vector<512x2048xbf16>
    %get3A_4 = arith.constant 0 : index
    %get3A_5 = arith.constant 0 : index
    %get3A_6 = arith.constant 0 : index
    %get3A_7 = vector.load %arg3[%get3A_4, %get3A_5, %get3A_6] : memref<1x2048x128xf32, #tpu.memory_space<vmem>>, vector<1x2048x128xf32>
    %get3A_8 = vector.shape_cast %get3A_7 : vector<1x2048x128xf32> to vector<2048x128xf32>
    %convert_element_type3A_9 = arith.truncf %get3A_8 : vector<2048x128xf32> to vector<2048x128xbf16>
    %dot_general3A = arith.constant dense<0.000000e+00> : vector<512x128xf32>
    %dot_general3A_10 = tpu.matmul %convert_element_type3A, %convert_element_type3A_9, %dot_general3A {dimension_numbers = #tpu.dot_dimension_numbers<[1], [0], [0], [1], [0, 0, 1, 1], [], []>, transpose_lhs_hint = false} : vector<512x2048xbf16>, vector<2048x128xbf16>, vector<512x128xf32> -> vector<512x128xf32>
    %convert_element_type3A_11 = arith.truncf %dot_general3A_10 : vector<512x128xf32> to vector<512x128xbf16>
    %get3A_12 = arith.constant 0 : index
    %get3A_13 = arith.constant 0 : index
    %get3A_14 = vector.load %arg4[%get3A_12, %get3A_13] : memref<128x3xf32, #tpu.memory_space<vmem>>, vector<128x3xf32>
    %convert_element_type3A_15 = arith.truncf %get3A_14 : vector<128x3xf32> to vector<128x3xbf16>
    %dot_general3A_16 = arith.constant dense<0.000000e+00> : vector<512x3xf32>
    %dot_general3A_17 = tpu.matmul %convert_element_type3A_11, %convert_element_type3A_15, %dot_general3A_16 {dimension_numbers = #tpu.dot_dimension_numbers<[1], [0], [0], [1], [0, 0, 1, 1], [], []>, transpose_lhs_hint = false} : vector<512x128xbf16>, vector<128x3xbf16>, vector<512x3xf32> -> vector<512x3xf32>
    %swap3A = arith.constant 0 : index
    %swap3A_18 = arith.constant 0 : index
    %swap3A_19 = arith.constant 0 : index
    %swap3A_20 = vector.load %arg5[%swap3A, %swap3A_18, %swap3A_19] : memref<1x512x3xf32, #tpu.memory_space<vmem>>, vector<1x512x3xf32>
    %swap3A_21 = vector.shape_cast %swap3A_20 : vector<1x512x3xf32> to vector<512x3xf32>
    %swap3A_22 = vector.shape_cast %dot_general3A_17 : vector<512x3xf32> to vector<1x512x3xf32>
    tpu.vector_store %arg5[%swap3A, %swap3A_18, %swap3A_19], %swap3A_22 {strides = array<i32>} : memref<1x512x3xf32, #tpu.memory_space<vmem>>, vector<1x512x3xf32>,
    %slice3A = vector.extract_strided_slice %dot_general3A_17 {offsets = [0, 0], sizes = [512, 1], strides = [1, 1]} : vector<512x3xf32> to vector<512x1xf32>
    %broadcast_in_dim3A = vector.shape_cast %slice3A : vector<512x1xf32> to vector<512x1xf32>
    %broadcast_in_dim3A_23 = vector.broadcast %broadcast_in_dim3A : vector<512x1xf32> to vector<512x128xf32>
    %mul3A = arith.constant 2.000000e+00 : f32
    %mul3A_24 = vector.broadcast %mul3A : f32 to vector<512x128xf32>
    %mul3A_25 = arith.mulf %mul3A_24, %broadcast_in_dim3A_23 : vector<512x128xf32>
    %sub3A = arith.constant 1.000000e+00 : f32
    %sub3A_26 = vector.broadcast %sub3A : f32 to vector<512x128xf32>
    %sub3A_27 = arith.subf %mul3A_25, %sub3A_26 : vector<512x128xf32>
    %add3A = arith.constant 1.000000e+00 : f32
    %add3A_28 = vector.broadcast %add3A : f32 to vector<512x128xf32>
    %add3A_29 = arith.addf %sub3A_27, %add3A_28 : vector<512x128xf32>
    %mul3A_30 = arith.constant 1.550000e+01 : f32
    %mul3A_31 = vector.broadcast %mul3A_30 : f32 to vector<512x128xf32>
    %mul3A_32 = arith.mulf %add3A_29, %mul3A_31 : vector<512x128xf32>
    %floor3A = math.floor %mul3A_32 : vector<512x128xf32>
    %slice3A_33 = vector.extract_strided_slice %dot_general3A_17 {offsets = [0, 1], sizes = [512, 1], strides = [1, 1]} : vector<512x3xf32> to vector<512x1xf32>
    %broadcast_in_dim3A_34 = vector.shape_cast %slice3A_33 : vector<512x1xf32> to vector<512x1xf32>
    %broadcast_in_dim3A_35 = vector.broadcast %broadcast_in_dim3A_34 : vector<512x1xf32> to vector<512x128xf32>
    %mul3A_36 = arith.constant 2.000000e+00 : f32
    %mul3A_37 = vector.broadcast %mul3A_36 : f32 to vector<512x128xf32>
    %mul3A_38 = arith.mulf %mul3A_37, %broadcast_in_dim3A_35 : vector<512x128xf32>
    %sub3A_39 = arith.constant 1.000000e+00 : f32
    %sub3A_40 = vector.broadcast %sub3A_39 : f32 to vector<512x128xf32>
    %sub3A_41 = arith.subf %mul3A_38, %sub3A_40 : vector<512x128xf32>
    %add3A_42 = arith.constant 1.000000e+00 : f32
    %add3A_43 = vector.broadcast %add3A_42 : f32 to vector<512x128xf32>
    %add3A_44 = arith.addf %sub3A_41, %add3A_43 : vector<512x128xf32>
    %mul3A_45 = arith.constant 1.550000e+01 : f32
    %mul3A_46 = vector.broadcast %mul3A_45 : f32 to vector<512x128xf32>
    %mul3A_47 = arith.mulf %add3A_44, %mul3A_46 : vector<512x128xf32>
    %floor3A_48 = math.floor %mul3A_47 : vector<512x128xf32>
    %slice3A_49 = vector.extract_strided_slice %dot_general3A_17 {offsets = [0, 2], sizes = [512, 1], strides = [1, 1]} : vector<512x3xf32> to vector<512x1xf32>
    %broadcast_in_dim3A_50 = vector.shape_cast %slice3A_49 : vector<512x1xf32> to vector<512x1xf32>
    %broadcast_in_dim3A_51 = vector.broadcast %broadcast_in_dim3A_50 : vector<512x1xf32> to vector<512x128xf32>
    %mul3A_52 = arith.constant 2.000000e+00 : f32
    %mul3A_53 = vector.broadcast %mul3A_52 : f32 to vector<512x128xf32>
    %mul3A_54 = arith.mulf %mul3A_53, %broadcast_in_dim3A_51 : vector<512x128xf32>
    %sub3A_55 = arith.constant 1.000000e+00 : f32
    %sub3A_56 = vector.broadcast %sub3A_55 : f32 to vector<512x128xf32>
    %sub3A_57 = arith.subf %mul3A_54, %sub3A_56 : vector<512x128xf32>
    %add3A_58 = arith.constant 1.000000e+00 : f32
    %add3A_59 = vector.broadcast %add3A_58 : f32 to vector<512x128xf32>
    %add3A_60 = arith.addf %sub3A_57, %add3A_59 : vector<512x128xf32>
    %mul3A_61 = arith.constant 1.550000e+01 : f32
    %mul3A_62 = vector.broadcast %mul3A_61 : f32 to vector<512x128xf32>
    %mul3A_63 = arith.mulf %add3A_60, %mul3A_62 : vector<512x128xf32>
    %floor3A_64 = math.floor %mul3A_63 : vector<512x128xf32>
    %iota3A = tpu.iota {dimensions = array<i32: 1>} : vector<512x128xi32>
    %shift_right_arithmetic3A = arith.constant 4 : i32
    %shift_right_arithmetic3A_65 = vector.broadcast %shift_right_arithmetic3A : i32 to vector<512x128xi32>
    %shift_right_arithmetic3A_66 = arith.shrsi %iota3A, %shift_right_arithmetic3A_65 : vector<512x128xi32>
    %shift_right_arithmetic3A_67 = arith.constant 0 : i32
    %shift_right_arithmetic3A_68 = vector.broadcast %shift_right_arithmetic3A_67 : i32 to vector<512x128xi32>
    %shift_right_arithmetic3A_69 = arith.shrsi %shift_right_arithmetic3A_66, %shift_right_arithmetic3A_68 : vector<512x128xi32>
    %and3A = arith.constant 1 : i32
    %and3A_70 = vector.broadcast %and3A : i32 to vector<512x128xi32>
    %and3A_71 = arith.andi %shift_right_arithmetic3A_69, %and3A_70 : vector<512x128xi32>
    %convert_element_type3A_72 = arith.sitofp %and3A_71 : vector<512x128xi32> to vector<512x128xf32>
    %add3A_73 = arith.addf %floor3A, %convert_element_type3A_72 : vector<512x128xf32>
    %sub3A_74 = arith.subf %mul3A_32, %add3A_73 : vector<512x128xf32>
    %abs3A = math.absf %sub3A_74 : vector<512x128xf32>
    %sub3A_75 = arith.constant 1.000000e+00 : f32
    %sub3A_76 = vector.broadcast %sub3A_75 : f32 to vector<512x128xf32>
    %sub3A_77 = arith.subf %sub3A_76, %abs3A : vector<512x128xf32>
    %ge3A = arith.constant 0.000000e+00 : f32
    %ge3A_78 = vector.broadcast %ge3A : f32 to vector<512x128xf32>
    %ge3A_79 = arith.cmpf oge, %add3A_73, %ge3A_78 : vector<512x128xf32>
    %le3A = arith.constant 3.100000e+01 : f32
    %le3A_80 = vector.broadcast %le3A : f32 to vector<512x128xf32>
    %le3A_81 = arith.cmpf ole, %add3A_73, %le3A_80 : vector<512x128xf32>
    %and3A_82 = arith.andi %ge3A_79, %le3A_81 : vector<512x128xi1>
    %shift_right_arithmetic3A_83 = arith.constant 1 : i32
    %shift_right_arithmetic3A_84 = vector.broadcast %shift_right_arithmetic3A_83 : i32 to vector<512x128xi32>
    %shift_right_arithmetic3A_85 = arith.shrsi %shift_right_arithmetic3A_66, %shift_right_arithmetic3A_84 : vector<512x128xi32>
    %and3A_86 = arith.constant 1 : i32
    %and3A_87 = vector.broadcast %and3A_86 : i32 to vector<512x128xi32>
    %and3A_88 = arith.andi %shift_right_arithmetic3A_85, %and3A_87 : vector<512x128xi32>
    %convert_element_type3A_89 = arith.sitofp %and3A_88 : vector<512x128xi32> to vector<512x128xf32>
    %add3A_90 = arith.addf %floor3A_48, %convert_element_type3A_89 : vector<512x128xf32>
    %sub3A_91 = arith.subf %mul3A_47, %add3A_90 : vector<512x128xf32>
    %abs3A_92 = math.absf %sub3A_91 : vector<512x128xf32>
    %sub3A_93 = arith.constant 1.000000e+00 : f32
    %sub3A_94 = vector.broadcast %sub3A_93 : f32 to vector<512x128xf32>
    %sub3A_95 = arith.subf %sub3A_94, %abs3A_92 : vector<512x128xf32>
    %ge3A_96 = arith.constant 0.000000e+00 : f32
    %ge3A_97 = vector.broadcast %ge3A_96 : f32 to vector<512x128xf32>
    %ge3A_98 = arith.cmpf oge, %add3A_90, %ge3A_97 : vector<512x128xf32>
    %le3A_99 = arith.constant 3.100000e+01 : f32
    %le3A_100 = vector.broadcast %le3A_99 : f32 to vector<512x128xf32>
    %le3A_101 = arith.cmpf ole, %add3A_90, %le3A_100 : vector<512x128xf32>
    %and3A_102 = arith.andi %ge3A_98, %le3A_101 : vector<512x128xi1>
    %and3A_103 = arith.andi %and3A_82, %and3A_102 : vector<512x128xi1>
    %shift_right_arithmetic3A_104 = arith.constant 2 : i32
    %shift_right_arithmetic3A_105 = vector.broadcast %shift_right_arithmetic3A_104 : i32 to vector<512x128xi32>
    %shift_right_arithmetic3A_106 = arith.shrsi %shift_right_arithmetic3A_66, %shift_right_arithmetic3A_105 : vector<512x128xi32>
    %and3A_107 = arith.constant 1 : i32
    %and3A_108 = vector.broadcast %and3A_107 : i32 to vector<512x128xi32>
    %and3A_109 = arith.andi %shift_right_arithmetic3A_106, %and3A_108 : vector<512x128xi32>
    %convert_element_type3A_110 = arith.sitofp %and3A_109 : vector<512x128xi32> to vector<512x128xf32>
    %add3A_111 = arith.addf %floor3A_64, %convert_element_type3A_110 : vector<512x128xf32>
    %sub3A_112 = arith.subf %mul3A_63, %add3A_111 : vector<512x128xf32>
    %abs3A_113 = math.absf %sub3A_112 : vector<512x128xf32>
    %sub3A_114 = arith.constant 1.000000e+00 : f32
    %sub3A_115 = vector.broadcast %sub3A_114 : f32 to vector<512x128xf32>
    %sub3A_116 = arith.subf %sub3A_115, %abs3A_113 : vector<512x128xf32>
    %ge3A_117 = arith.constant 0.000000e+00 : f32
    %ge3A_118 = vector.broadcast %ge3A_117 : f32 to vector<512x128xf32>
    %ge3A_119 = arith.cmpf oge, %add3A_111, %ge3A_118 : vector<512x128xf32>
    %le3A_120 = arith.constant 3.100000e+01 : f32
    %le3A_121 = vector.broadcast %le3A_120 : f32 to vector<512x128xf32>
    %le3A_122 = arith.cmpf ole, %add3A_111, %le3A_121 : vector<512x128xf32>
    %and3A_123 = arith.andi %ge3A_119, %le3A_122 : vector<512x128xi1>
    %and3A_124 = arith.andi %and3A_103, %and3A_123 : vector<512x128xi1>
    %mul3A_125 = arith.mulf %sub3A_77, %sub3A_95 : vector<512x128xf32>
    %mul3A_126 = arith.mulf %mul3A_125, %sub3A_116 : vector<512x128xf32>
    %convert_element_type3A_127 = arith.extui %and3A_124 : vector<512x128xi1> to vector<512x128xi32>
    %convert_element_type3A_128 = arith.sitofp %convert_element_type3A_127 : vector<512x128xi32> to vector<512x128xf32>
    %mul3A_129 = arith.mulf %mul3A_126, %convert_element_type3A_128 : vector<512x128xf32>
    %swap3A_130 = arith.constant 0 : index
    %swap3A_131 = arith.constant 0 : index
    %swap3A_132 = arith.constant 0 : index
    %swap3A_133 = vector.load %arg6[%swap3A_130, %swap3A_131, %swap3A_132] : memref<1x512x128xf32, #tpu.memory_space<vmem>>, vector<1x512x128xf32>
    %swap3A_134 = vector.shape_cast %swap3A_133 : vector<1x512x128xf32> to vector<512x128xf32>
    %swap3A_135 = vector.shape_cast %mul3A_129 : vector<512x128xf32> to vector<1x512x128xf32>
    tpu.vector_store %arg6[%swap3A_130, %swap3A_131, %swap3A_132], %swap3A_135 {strides = array<i32>} : memref<1x512x128xf32, #tpu.memory_space<vmem>>, vector<1x512x128xf32>,
    %shift_right_arithmetic3A_136 = arith.constant 0 : i32
    %shift_right_arithmetic3A_137 = vector.broadcast %shift_right_arithmetic3A_136 : i32 to vector<512x128xi32>
    %shift_right_arithmetic3A_138 = arith.shrsi %iota3A, %shift_right_arithmetic3A_137 : vector<512x128xi32>
    %and3A_139 = arith.constant 1 : i32
    %and3A_140 = vector.broadcast %and3A_139 : i32 to vector<512x128xi32>
    %and3A_141 = arith.andi %shift_right_arithmetic3A_138, %and3A_140 : vector<512x128xi32>
    %convert_element_type3A_142 = arith.sitofp %and3A_141 : vector<512x128xi32> to vector<512x128xf32>
    %add3A_143 = arith.addf %floor3A, %convert_element_type3A_142 : vector<512x128xf32>
    %jit3A = arith.constant 0 : i32
    %jit3A_144 = arith.constant 31 : i32
    %convert_element_type3A_145 = arith.sitofp %jit3A : i32 to f32
    %max3A = vector.broadcast %convert_element_type3A_145 : f32 to vector<512x128xf32>
    %max3A_146 = arith.maximumf %max3A, %add3A_143 : vector<512x128xf32>
    %convert_element_type3A_147 = arith.sitofp %jit3A_144 : i32 to f32
    %min3A = vector.broadcast %convert_element_type3A_147 : f32 to vector<512x128xf32>
    %min3A_148 = arith.minimumf %min3A, %max3A_146 : vector<512x128xf32>
    %convert_element_type3A_149 = arith.fptosi %min3A_148 : vector<512x128xf32> to vector<512x128xi32>
    %shift_right_arithmetic3A_150 = arith.constant 1 : i32
    %shift_right_arithmetic3A_151 = vector.broadcast %shift_right_arithmetic3A_150 : i32 to vector<512x128xi32>
    %shift_right_arithmetic3A_152 = arith.shrsi %iota3A, %shift_right_arithmetic3A_151 : vector<512x128xi32>
    %and3A_153 = arith.constant 1 : i32
    %and3A_154 = vector.broadcast %and3A_153 : i32 to vector<512x128xi32>
    %and3A_155 = arith.andi %shift_right_arithmetic3A_152, %and3A_154 : vector<512x128xi32>
    %convert_element_type3A_156 = arith.sitofp %and3A_155 : vector<512x128xi32> to vector<512x128xf32>
    %add3A_157 = arith.addf %floor3A_48, %convert_element_type3A_156 : vector<512x128xf32>
    %jit3A_158 = arith.constant 0 : i32
    %jit3A_159 = arith.constant 31 : i32
    %convert_element_type3A_160 = arith.sitofp %jit3A_158 : i32 to f32
    %max3A_161 = vector.broadcast %convert_element_type3A_160 : f32 to vector<512x128xf32>
    %max3A_162 = arith.maximumf %max3A_161, %add3A_157 : vector<512x128xf32>
    %convert_element_type3A_163 = arith.sitofp %jit3A_159 : i32 to f32
    %min3A_164 = vector.broadcast %convert_element_type3A_163 : f32 to vector<512x128xf32>
    %min3A_165 = arith.minimumf %min3A_164, %max3A_162 : vector<512x128xf32>
    %convert_element_type3A_166 = arith.fptosi %min3A_165 : vector<512x128xf32> to vector<512x128xi32>
    %shift_right_arithmetic3A_167 = arith.constant 2 : i32
    %shift_right_arithmetic3A_168 = vector.broadcast %shift_right_arithmetic3A_167 : i32 to vector<512x128xi32>
    %shift_right_arithmetic3A_169 = arith.shrsi %iota3A, %shift_right_arithmetic3A_168 : vector<512x128xi32>
    %and3A_170 = arith.constant 1 : i32
    %and3A_171 = vector.broadcast %and3A_170 : i32 to vector<512x128xi32>
    %and3A_172 = arith.andi %shift_right_arithmetic3A_169, %and3A_171 : vector<512x128xi32>
    %convert_element_type3A_173 = arith.sitofp %and3A_172 : vector<512x128xi32> to vector<512x128xf32>
    %add3A_174 = arith.addf %floor3A_64, %convert_element_type3A_173 : vector<512x128xf32>
    %jit3A_175 = arith.constant 0 : i32
    %jit3A_176 = arith.constant 31 : i32
    %convert_element_type3A_177 = arith.sitofp %jit3A_175 : i32 to f32
    %max3A_178 = vector.broadcast %convert_element_type3A_177 : f32 to vector<512x128xf32>
    %max3A_179 = arith.maximumf %max3A_178, %add3A_174 : vector<512x128xf32>
    %convert_element_type3A_180 = arith.sitofp %jit3A_176 : i32 to f32
    %min3A_181 = vector.broadcast %convert_element_type3A_180 : f32 to vector<512x128xf32>
    %min3A_182 = arith.minimumf %min3A_181, %max3A_179 : vector<512x128xf32>
    %convert_element_type3A_183 = arith.fptosi %min3A_182 : vector<512x128xf32> to vector<512x128xi32>
    %mul3A_184 = arith.constant 32 : i32
    %mul3A_185 = arith.muli %arg0, %mul3A_184 : i32
    %add3A_186 = vector.broadcast %mul3A_185 : i32 to vector<512x128xi32>
    %add3A_187 = arith.addi %add3A_186, %convert_element_type3A_183 : vector<512x128xi32>
    %mul3A_188 = arith.constant 32 : i32
    %mul3A_189 = vector.broadcast %mul3A_188 : i32 to vector<512x128xi32>
    %mul3A_190 = arith.muli %add3A_187, %mul3A_189 : vector<512x128xi32>
    %add3A_191 = arith.addi %mul3A_190, %convert_element_type3A_166 : vector<512x128xi32>
    %mul3A_192 = arith.constant 32 : i32
    %mul3A_193 = vector.broadcast %mul3A_192 : i32 to vector<512x128xi32>
    %mul3A_194 = arith.muli %add3A_191, %mul3A_193 : vector<512x128xi32>
    %add3A_195 = arith.addi %mul3A_194, %convert_element_type3A_149 : vector<512x128xi32>
    %slice3A_196 = vector.extract_strided_slice %add3A_195 {offsets = [0, 0], sizes = [512, 8], strides = [1, 1]} : vector<512x128xi32> to vector<512x8xi32>
    %swap3A_197 = arith.constant 0 : index
    %swap3A_198 = arith.constant 0 : index
    %swap3A_199 = arith.constant 0 : index
    %swap3A_200 = vector.load %arg7[%swap3A_197, %swap3A_198, %swap3A_199] : memref<1x512x8xi32, #tpu.memory_space<vmem>>, vector<1x512x8xi32>
    %swap3A_201 = vector.shape_cast %swap3A_200 : vector<1x512x8xi32> to vector<512x8xi32>
    %swap3A_202 = vector.shape_cast %slice3A_196 : vector<512x8xi32> to vector<1x512x8xi32>
    tpu.vector_store %arg7[%swap3A_197, %swap3A_198, %swap3A_199], %swap3A_202 {strides = array<i32>} : memref<1x512x8xi32, #tpu.memory_space<vmem>>, vector<1x512x8xi32>,
    return
  }
  func.func @transform_0(%arg0: i32, %arg1: i32) -> (i32, i32, i32) {
    %c0_i32 = arith.constant 0 : i32
    %c0_i32_0 = arith.constant 0 : i32
    return %arg0, %arg1, %c0_i32 : i32, i32, i32
  }
  func.func @transform_1(%arg0: i32, %arg1: i32) -> (i32, i32, i32) {
    %c0_i32 = arith.constant 0 : i32
    %c0_i32_0 = arith.constant 0 : i32
    %c0_i32_1 = arith.constant 0 : i32
    return %arg0, %c0_i32, %c0_i32_0 : i32, i32, i32
  }
  func.func @transform_2(%arg0: i32, %arg1: i32) -> (i32, i32) {
    %c0_i32 = arith.constant 0 : i32
    %c0_i32_0 = arith.constant 0 : i32
    %c0_i32_1 = arith.constant 0 : i32
    return %c0_i32, %c0_i32_0 : i32, i32
  }
  func.func @transform_3(%arg0: i32, %arg1: i32) -> (i32, i32, i32) {
    %c0_i32 = arith.constant 0 : i32
    %c0_i32_0 = arith.constant 0 : i32
    return %arg0, %arg1, %c0_i32 : i32, i32, i32
  }
  func.func @transform_4(%arg0: i32, %arg1: i32) -> (i32, i32, i32) {
    %c0_i32 = arith.constant 0 : i32
    %c0_i32_0 = arith.constant 0 : i32
    return %arg0, %arg1, %c0_i32 : i32, i32, i32
  }
  func.func @transform_5(%arg0: i32, %arg1: i32) -> (i32, i32, i32) {
    %c0_i32 = arith.constant 0 : i32
    %c0_i32_0 = arith.constant 0 : i32
    return %arg0, %arg1, %c0_i32 : i32, i32, i32
  }
}

</mosaic_0001>

<sc_bundles>
// kernel: kernel.4.cloned.1.call-start
scs
__scs_entry_jumppad:
0x0: {  	(pc) =	sbr.rel $0x88, $3  }
0x1: {  	(tag) =	ssettag $0x0;
	lr =	simm.s32 $0x1  }
0x2: {  	[smem:$0x3F9D] =	sst lr;
	_ =	strace $0xD0000000  }
0x3: {  	_ = 	snop  }
0x4: {  	_ = 	snop  }
0x5: {  	_ = 	snop  }
0x6: {  	_ = 	snop  }
0x7: {  	_ = 	snop  }
__scs_overlays_trampoline_lowered:
0x8: {  	[smem:$0x3FAC] =	sst s0  }
0x9: {  	[smem:$0x3FAD] =	sst s1  }
0xa: {  	[smem:$0x3FAE] =	sst s2  }
0xb: {  	[smem:$0x3FAF] =	sst s3  }
0xc: {  	[smem:$0x3FB0] =	sst s4  }
0xd: {  	[smem:$0x3FB1] =	sst s5  }
0xe: {  	[smem:$0x3FB2] =	sst s6  }
0xf: {  	[smem:$0x3FB3] =	sst s7  }
0x10: {  	[smem:$0x3FB4] =	sst s8  }
0x11: {  	[smem:$0x3FB5] =	sst s9;
	s0 =	simm.s32 @!p0 $0x0  }
0x12: {  	s1 =	sld [smem:$0x3F9B];
	s0 =	simm.s32 @p0 $0x1  }
0x13: {  	[smem:$0x3FB6] =	sst s0;
	s0 =	simm.s32 @!p1 $0x0  }
0x14: {  	s2 =	sld [smem:$0x3F9A];
	s0 =	simm.s32 @p1 $0x1  }
0x15: {  	[smem:$0x3FB7] =	sst s0;
	s0 =	simm.s32 @!p2 $0x0  }
0x16: {  	s3 =	sld [smem:$0x3FDB];
	s0 =	simm.s32 @p2 $0x1  }
0x17: {  	s4 =	simm.s32 $0x1BF5;
	[smem:$0x3FB9] =	sst s0  }
0x18: {  	s0 =	sld [smem:$0x3F9C];
	_ =	swait.ge [sflag:s4], $0x0  }
0x19: {  	s7 =	sld [smem:$0x3F9D]  }
0x1a: {  	s8 =	sadd.s32 $0xFFFFE003, lr  }
0x1b: {  	s9 =	sadd.s32 $0xFFFFFEF7, lr;
	s5 =	simm.s32 $0xFFFFFFFF;
	p2 =	slt.u32 s8, $0xFFFFF086  }
0x1c: {  	p1 =	slt.u32 s9, $0xF7A;
	s5 =	simm.s32 @!p2 $0x0  }
0x1d: {  	s5 =	simm.s32 @p1 $0x1;
	p0 =	seq.s32 s7, s2  }
0x1e: {  	s7 =	smul.u32 @!p0 $0xF7A, s2;
	p2 =	seq.s32 @!p0 s5, $0x0  }
0x1f: {  	s9 =	smul.u32 $0xF7A, s1;
	s8 =	simm.s32 @!p0 $0x1BF5;
	p2 =	por !p2, p0  }
0x20: {  	[sflag:s8] =	ssyncset.s32 @!p0 $0xFFFFF086;
	s6 =	sadd.s32 @!p0 s3, s7;
	s7 =	simm.s32 @!p0 $0x108  }
0x21: {  	s3 =	sadd.s32 s3, s9;
	s6 =	sadd.s32 @!p0 $0x88, s6;
	s7 =	simm.s32 @p2 $0x1082  }
0x22: {  	[simem:s7], [sflag:s8] =	dma.local @!p0 [hbm:s6], $0xF7A  }
0x23: {  	s9 =	sor.u32 $0xD0000000, s2;
	s6 =	simm.s32 $0x108;
	_ =	swait.ge @!p0 [sflag:s8], $0x0  }
0x24: {  	s3 =	sadd.s32 $0x88, s3;
	s6 =	simm.s32 @!p1 $0x1082;
	[sflag:s4] =	ssyncset.s32 $0xFFFFF086  }
0x25: {  	[simem:s6], [sflag:s4] =	dma.local [hbm:s3], $0xF7A  }
0x26: {  	[smem:$0x3F9D] =	sst s1;
	(tag) =	ssettag s2;
	_ =	strace s9  }
0x27: {  	s1 =	sld [smem:$0x3FAD]  }
0x28: {  	s2 =	sld [smem:$0x3FAE]  }
0x29: {  	s4 =	sld [smem:$0x3FB0]  }
0x2a: {  	p0 =	seq.s32 s5, $0x0;
	s5 =	sld [smem:$0x3FB1]  }
0x2b: {  	s6 =	sld [smem:$0x3FB2]  }
0x2c: {  	s7 =	sld [smem:$0x3FB3]  }
0x2d: {  	s3 =	simm.s32 $0x108;
	s8 =	sld [smem:$0x3FB4]  }
0x2e: {  	s3 =	simm.s32 @!p0 $0x1082;
	s9 =	sld [smem:$0x3FB5]  }
0x2f: {  	lr =	sadd.s32 s0, s3;
	s0 =	sld [smem:$0x3FAC]  }
0x30: {  	s3 =	sld [smem:$0x3FAF]  }
0x31: {  	[smem:$0x3FB8] =	sst s10  }
0x32: {  	s10 =	sld [smem:$0x3FB6];
	_ =	sdelay $0x3  }
0x33: {  	p0 =	seq.s32 s10, $0x1;
	s10 =	sld [smem:$0x3FB8];
	_ =	sdelay $0x3  }
0x34: {  	[smem:$0x3FB8] =	sst s10  }
0x35: {  	s10 =	sld [smem:$0x3FB7];
	_ =	sdelay $0x3  }
0x36: {  	p1 =	seq.s32 s10, $0x1;
	s10 =	sld [smem:$0x3FB8];
	_ =	sdelay $0x3  }
0x37: {  	[smem:$0x3FB8] =	sst s10  }
0x38: {  	s10 =	sld [smem:$0x3FB9]  }
0x39: {  	_ = 	snop;
	(pc) =	sbr.ind lr, $3  }
0x3a: {  	_ = 	snop  }
0x3b: {  	_ = 	snop  }
0x3c: {  	p2 =	seq.s32 s10, $0x1;
	s10 =	sld [smem:$0x3FB8]  }
0x3d: {  	_ =	shalt  }
0x3e: {  	_ =	shalt  }
0x3f: {  	_ =	shalt  }
0x40: {  	_ =	shalt  }
0x41: {  	_ =	shalt  }
0x42: {  	_ =	shalt  }
0x43: {  	_ =	shalt  }
0x44: {  	_ =	shalt  }
0x45: {  	_ =	shalt  }
0x46: {  	_ =	shalt  }
0x47: {  	_ =	shalt  }
0x48: {  	_ =	shalt  }
0x49: {  	_ =	shalt  }
0x4a: {  	_ =	shalt  }
0x4b: {  	_ =	shalt  }
0x4c: {  	_ =	shalt  }
0x4d: {  	_ =	shalt  }
0x4e: {  	_ =	shalt  }
0x4f: {  	_ =	shalt  }
0x50: {  	_ =	shalt  }
0x51: {  	_ =	shalt  }
0x52: {  	_ =	shalt  }
0x53: {  	_ =	shalt  }
0x54: {  	_ =	shalt  }
0x55: {  	_ =	shalt  }
0x56: {  	_ =	shalt  }
0x57: {  	_ =	shalt  }
0x58: {  	_ =	shalt  }
0x59: {  	_ =	shalt  }
0x5a: {  	_ =	shalt  }
0x5b: {  	_ =	shalt  }
0x5c: {  	_ =	shalt  }
0x5d: {  	_ =	shalt  }
0x5e: {  	_ =	shalt  }
0x5f: {  	_ =	shalt  }
0x60: {  	_ =	shalt  }
0x61: {  	_ =	shalt  }
0x62: {  	_ =	shalt  }
0x63: {  	_ =	shalt  }
0x64: {  	_ =	shalt  }
0x65: {  	_ =	shalt  }
0x66: {  	_ =	shalt  }
0x67: {  	_ =	shalt  }
0x68: {  	_ =	shalt  }
0x69: {  	_ =	shalt  }
0x6a: {  	_ =	shalt  }
0x6b: {  	_ =	shalt  }
0x6c: {  	_ =	shalt  }
0x6d: {  	_ =	shalt  }
0x6e: {  	_ =	shalt  }
0x6f: {  	_ =	shalt  }
0x70: {  	_ =	shalt  }
0x71: {  	_ =	shalt  }
0x72: {  	_ =	shalt  }
0x73: {  	_ =	shalt  }
0x74: {  	_ =	shalt  }
0x75: {  	_ =	shalt  }
0x76: {  	_ =	shalt  }
0x77: {  	_ =	shalt  }
0x78: {  	_ =	shalt  }
0x79: {  	_ =	shalt  }
0x7a: {  	_ =	shalt  }
0x7b: {  	_ =	shalt  }
0x7c: {  	_ =	shalt  }
0x7d: {  	_ =	shalt  }
0x7e: {  	_ =	shalt  }
0x7f: {  	_ =	shalt  }
0x80: {  	_ =	shalt  }
0x81: {  	_ =	shalt  }
0x82: {  	_ =	shalt  }
0x83: {  	_ =	shalt  }
0x84: {  	_ =	shalt  }
0x85: {  	_ =	shalt  }
0x86: {  	_ =	shalt  }
0x87: {  	_ =	shalt  }
.Lfunc_end0:
.L_simem_size_0:
called_computation_lowered:
.L_overlay_start_0:
0x88: {  	s2 =	sld [smem:$0x3FD9]  }
0x89: {  	s3 =	sld [smem:$0x3FFE];
	_ =	sdelay $0x1  }
0x8a: {  	s1 =	srdreg.scid  }
0x8b: {  	s0 =	sand.u32 $0x1, s1  }
0x8c: {  	s14 =	sshll.u32 s0, $0xA;
	s2 =	sadd.s32 s3, s2  }
0x8d: {  	s2 =	sadd.s32 s2, s14  }
0x8e: {  	[smem:$0x3FC4] =	sst s2  }
0x8f: {  	_ = 	snop  }
0x90: {  	s2 =	sld [smem:$0x3FD0];
	_ =	sdelay $0x2  }
0x91: {  	s4 =	simm.s32 $0xA;
	s5 =	simm.s32 $0x10;
	s15 =	sld [smem:$0x3FC7]  }
0x92: {  	[smem:s5], [sflag:s4] =	dma.local [hbm:s2], $0x1  }
0x93: {  	_ =	swait.eq [sflag:s4], $0x1  }
0x94: {  	[sflag:s4] =	ssyncset.done $0x0  }
0x95: {  	[sflag:s4] =	ssyncadd.s32 $0xFFFFFFFF  }
0x96: {  	s16 =	sld [smem:$0x10];
	(tm) =	ssettm $0x1  }
0x97: {  	s17 =	sld [smem:$0x3FFB];
	_ =	sdelay $0x3  }
0x98: {  	_ =	strace s17  }
0x99: {  	s4 =	sld [smem:$0x3FFC];
	_ =	sdelay $0x3  }
0x9a: {  	_ =	strace s4  }
0x9b: {  	s4 =	sld [smem:$0x3FFD];
	_ =	sdelay $0x3  }
0x9c: {  	_ =	strace s4  }
0x9d: {  	_ =	strace $0x8FFFFFFF  }
0x9e: {  	s18 =	sld [smem:$0x3FDB];
	_ =	sdelay $0x1  }
0x9f: {  	s19 =	simm.s32 $_scs_section_size  }
0xa0: {  	s6 =	simm.s32 $_size__tile_overlayer_lowered;
	s7 =	simm.s32 $_tile_overlayer_lowered  }
0xa1: {  	s22 =	simm.s32 $0x1BFF;
	s21 =	sshll.u32 s7, $0x1;
	s4 =	sadd.s32 s19, s18  }
0xa2: {  	s8 =	simm.s32 $0x0;
	s20 =	sshll.u32 s6, $0x1;
	s6 =	sadd.s32 s21, s4  }
0xa3: {  	[timem:s8], [sflag:s22] =	dma.local [hbm:s6], s20  }
0xa4: {  	_ =	swait.ge [sflag:s22], s20  }
0xa5: {  	s5 =	ssub.s32 $0x0, s20;
	[sflag:s22] =	ssyncset.done $0x0  }
0xa6: {  	[sflag:s22] =	ssyncadd.s32 s5;
	_ =	sdelay $0x1  }
0xa7: {  	s23 =	simm.s32 $0x1B8B  }
0xa8: {  	_ =	swait.ge [sflag:s23], $0x1  }
0xa9: {  	[sflag:s23] =	ssyncset.done $0x0  }
0xaa: {  	s25 =	simm.s32 $0x1B8E;
	s24 =	sld [smem:$0x3FFE];
	[sflag:s23] =	ssyncadd.s32 $0xFFFFFFFF  }
0xab: {  	s26 =	simm.s32 $execute0_lowered;
	[smem:$0x3FD2] =	sst s25  }
0xac: {  	s6 =	sshll.u32 s26, $0x1;
	_ =	strace $0x80000046;
	[dreg:$0x1] =	wrdreg $0xFFFFFFFF  }
0xad: {  	s28 =	simm.s32 $_size_execute0_lowered;
	s4 =	sadd.s32 s4, s6;
	[dreg:$0x0] =	wrdreg $0x0  }
0xae: {  	s6 =	sshll.u32 s28, $0x1;
	[dreg:$0x2] =	wrdreg s4  }
0xaf: {  	[dreg:$0x3] =	wrdreg s6  }
0xb0: {  	[dreg:$0x4] =	wrdreg $0xC0  }
0xb1: {  	_ =	task [dreg:s8], $0x5FFFF  }
0xb2: {  	[dreg:$0x1] =	wrdreg $0xFFFFFFFF  }
0xb3: {  	[dreg:$0x0] =	wrdreg $0x60  }
0xb4: {  	[dreg:$0x2] =	wrdreg s15  }
0xb5: {  	[dreg:$0x3] =	wrdreg s24  }
0xb6: {  	[dreg:$0x4] =	wrdreg s16  }
0xb7: {  	[dreg:$0x5] =	wrdreg $0x9  }
0xb8: {  	_ =	task.clear_ibuf [dreg:s8], $0x6FFFF;
	_ =	strace $0x90000046  }
0xb9: {  	s29 =	simm.s32 $0x9;
	_ =	strace $0x80000048  }
0xba: {  	_ =	swait.ge [sflag:s29], $0x1  }
0xbb: {  	[sflag:s29] =	ssyncadd.s32 $0xFFFFFFFF  }
0xbc: {  	_ =	strace $0x90000048  }
0xbd: {  	_ =	sfence  }
0xbe: {  	s30 =	sld [smem:$0x0];
	_ =	sdelay $0x2  }
0xbf: {  	s31 =	sshll.u32 s1, $0xD;
	s1 =	sshrl.u32 s1, $0x2  }
0xc0: {  	s3 =	sand.u32 $0x4000, s31;
	s1 =	sadd.s32 s1, s30  }
0xc1: {  	s0 =	sor.u32 s3, s0;
	s1 =	sshll.u32 s1, $0x11  }
0xc2: {  	s0 =	sor.u32 s1, s0  }
0xc3: {  	s0 =	sadd.s32 $0x8F2B, s0  }
0xc4: {  	[sflag:s0] =	ssyncadd.remote.s32 $0x1  }
0xc5: {  	_ =	sfence.sel $0xFFFF  }
0xc6: {  	[dreg:$0x0] =	wrdreg $0xFFFFFFFF;
	(pc) =	sbr.abs _section_cstart, $3  }
0xc7: {  	[dreg:$0x1] =	wrdreg $0xFFFFFFFF  }
0xc8: {  	_ =	task.clear_ibuf [dreg:s8], $0x2FFFF;
	_ =	strace $0x9FFFFFFF  }
0xc9: {  	(tm) =	ssettm $0x7FFFFFFF  }
tec
execute0_lowered:
.L_overlay_start_1:
0x0: {  	(tag) =	ssettag $0x1  }
0x1: {  	s1 =	rddreg [dreg:$0x0]  }
0x2: {  	s0 =	rddreg [dreg:$0x1]  }
0x3: {  	s3 =	rddreg [dreg:$0x2]  }
0x4: {  	s4 =	simm.s32 $0x0;
	s2 =	srdreg.scid;
	s5 =	stileid.u32  }
0x5: {  	s14 =	simm.s32 $0x80;
	s28 =	simm.s32 $0x13000;
	s29 =	simm.s32 $0x2  }
0x6: {  	s30 =	simm.s32 $0x6;
	s31 =	simm.s32 $0x13800;
	s15 =	simm.s32 $0x14000  }
0x7: {  	s16 =	simm.s32 $0x4;
	s17 =	simm.s32 $0x8;
	s18 =	simm.s32 $0x14800  }
0x8: {  	s19 =	simm.s32 $0x9;
	s2 =	sand.u32 $0x1, s2;
	s5 =	sshll.u32 s5, $0x1  }
0x9: {  	s20 =	simm.s32 $0xA;
	s21 =	simm.s32 $0xB;
	s6 =	sor.u32 s2, s5  }
0xa: {  	s22 =	simm.s32 $0xC;
	[smem:$0x7FF] =	sst s4;
	s5 =	sshll.u32 s6, $0x9  }
0xb: {  	_ =	strace $0x80000047;
	s6 =	sshll.u32 s6, $0xD;
	s8 =	sadd.s32 s5, s0  }
0xc: {  	s2 =	ssub.s32 $0x2, s2;
	s0 =	sadd.s32 s6, s0;
	s23 =	sadd.s32 $0x41200, s8  }
0xd: {  	s7 =	sshrl.u32 s2, $0x1;
	s24 =	sadd.s32 $0x1300, s0;
	[dreg:$0x4] =	wrdreg s23  }
0xe: {  	s2 =	ssub.s32 s2, s7;
	s25 =	sadd.s32 $0x1400, s0;
	[dreg:$0x5] =	wrdreg s24  }
0xf: {  	s7 =	sadd.s32 $0x1200, s0;
	s0 =	sadd.s32 $0x1500, s0;
	[dreg:$0x6] =	wrdreg s25  }
0x10: {  	s11 =	sadd.s32 s3, s6;
	s26 =	smax.u32 s2, $0x1;
	[dreg:$0x7] =	wrdreg s0  }
0x11: {  	s2 =	simm.s32 $0x7;
	[dreg:$0x8] =	wrdreg s26;
	s25 =	simm.s32 $0x1  }
0x12: {  	s26 =	simm.s32 $0x5;
	s0 =	simm.s32 $0x3;
	s23 =	simm.s32 $0x0  }
.LBB2_1:
0x13: {  	s6 =	rddreg [dreg:$0x4];
	s24 =	simm.s32 $0xD  }
0x14: {  	[tilespmem:s4], [sflag:$0xD] =	stream.linear.gather [hbm4b:s6+s4], $0x1000, $0x38;
	[tilespmem:$0x15000] =	vst v63  }
0x15: {  	_ =	swait.ge [sflag:s24], $0x1000  }
0x16: {  	[sflag:s24] =	ssyncset.done $0x0  }
0x17: {  	s8 =	simm.s32 $0x3000;
	[sflag:s24] =	ssyncadd.s32 $0xFFFFF000  }
0x18: {  	[tilespmem:s8], [sflag:$0x1] =	stream.indirect.gather [hbm4b:s1+s14], $0x80, s4, s14, $0xb8;
	[tilespmem:$0x15000] =	vst v63  }
0x19: {  	s9 =	simm.s32 $0x1000  }
0x1a: {  	[tilespmem:s9], [sflag:$0x5] =	stream.linear.gather [hbm4b:s7+s4], $0x800, $0x38;
	[tilespmem:$0x15000] =	vst v63  }
0x1b: {  	s10 =	simm.s32 $0x7000  }
0x1c: {  	[tilespmem:s10], [sflag:$0x2] =	stream.indirect.gather [hbm4b:s1+s14], $0x80, s14, s14, $0xb8;
	[tilespmem:$0x15000] =	vst v63  }
0x1d: {  	s12 =	rddreg [dreg:$0x5];
	s8 =	simm.s32 $0x1800  }
0x1e: {  	[tilespmem:s8], [sflag:$0x6] =	stream.linear.gather [hbm4b:s12+s4], $0x800, $0x38;
	[tilespmem:$0x15000] =	vst v63  }
0x1f: {  	s13 =	simm.s32 $0x100;
	s24 =	simm.s32 $0xB000  }
0x20: {  	[tilespmem:s24], [sflag:$0x3] =	stream.indirect.gather [hbm4b:s1+s14], $0x80, s13, s14, $0xb8;
	[tilespmem:$0x15000] =	vst v63  }
0x21: {  	s9 =	simm.s32 $0x2000;
	s8 =	rddreg [dreg:$0x6]  }
0x22: {  	[tilespmem:s9], [sflag:$0x7] =	stream.linear.gather [hbm4b:s8+s4], $0x800, $0x38;
	[tilespmem:$0x15000] =	vst v63  }
0x23: {  	s10 =	simm.s32 $0x180;
	s12 =	simm.s32 $0xF000  }
0x24: {  	[tilespmem:s12], [sflag:$0x4] =	stream.indirect.gather [hbm4b:s1+s14], $0x80, s10, s14, $0xb8;
	[tilespmem:$0x15000] =	vst v63  }
0x25: {  	s13 =	rddreg [dreg:$0x7];
	s24 =	simm.s32 $0x2800  }
0x26: {  	[tilespmem:s24], [sflag:$0x8] =	stream.linear.gather [hbm4b:s13+s4], $0x800, $0x38;
	[tilespmem:$0x15000] =	vst v63  }
0x27: {  	s24 =	simm.s32 $0x0  }
.LBB2_2:
0x28: {  	_ =	swait.ge [sflag:s25], $0x4000  }
0x29: {  	[sflag:s25] =	ssyncset.done $0x0  }
0x2a: {  	[sflag:s25] =	ssyncadd.s32 $0xFFFFC000  }
0x2b: {  	_ =	swait.ge [sflag:s26], $0x800  }
0x2c: {  	p1 =	seq.s32 s24, $0x0;
	[sflag:s26] =	ssyncset.done $0x0  }
0x2d: {  	s8 =	simm.s32 @!p1 $0x9;
	[sflag:s26] =	ssyncadd.s32 $0xFFFFF800  }
0x2e: {  	_ =	swait.ge @!p1 [sflag:s8], $0x800  }
0x2f: {  	s6 =	sshll.u32 s24, $0x2;
	[sflag:s8] =	ssyncset.done @!p1 $0x0  }
0x30: {  	s9 =	simm.s32 $0x3200;
	[sflag:s8] =	ssyncadd.s32 @!p1 $0xFFFFF800;
	s8 =	simm.s32 $0x0  }
.LBB2_3:
0x31: {  	v8 =	vld [tilespmem:s9+$0xFFFFFE00]  }
0x32: {  	v9 =	vld [tilespmem:s9+$0xFFFFFE80]  }
0x33: {  	v10 =	vld [tilespmem:s9+$0xFFFFFF00]  }
0x34: {  	v11 =	vld [tilespmem:s9+$0xFFFFFF80]  }
0x35: {  	v12 =	vld [tilespmem:s9+$0x0]  }
0x36: {  	v13 =	vld [tilespmem:s9+$0x80]  }
0x37: {  	v14 =	vld [tilespmem:s9+$0x100]  }
0x38: {  	s10 =	sshra.s32 s8, $0x2;
	v15 =	vld [tilespmem:s9+$0x180]  }
0x39: {  	v0 =	vld [tilespmem:s10+$0x1000]  }
0x3a: {  	v1 =	vld [tilespmem:s10+$0x1010]  }
0x3b: {  	v2 =	vld [tilespmem:s10+$0x1020]  }
0x3c: {  	v3 =	vld [tilespmem:s10+$0x1030]  }
0x3d: {  	v4 =	vld [tilespmem:s10+$0x1040]  }
0x3e: {  	v5 =	vld [tilespmem:s10+$0x1050]  }
0x3f: {  	v6 =	vld [tilespmem:s10+$0x1060]  }
0x40: {  	v7 =	vld [tilespmem:s10+$0x1070];
	_ =	sdelay $0x1  }
0x41: {  	v8 =	vmul.f32 v8, v0;
	v9 =	vmul.f32 v9, v1  }
0x42: {  	v10 =	vmul.f32 v10, v2;
	v11 =	vmul.f32 v11, v3  }
0x43: {  	v12 =	vmul.f32 v12, v4;
	v13 =	vmul.f32 v13, v5  }
0x44: {  	v14 =	vmul.f32 v14, v6;
	v15 =	vmul.f32 v15, v7  }
0x45: {  	v8 =	vadd.f32 v9, v8;
	v31 =	vadd.f32 v11, v10  }
0x46: {  	v32 =	vadd.f32 v13, v12;
	v33 =	vadd.f32 v15, v14;
	_ =	sdelay $0x1  }
0x47: {  	v8 =	vadd.f32 v31, v8;
	v34 =	vadd.f32 v33, v32;
	_ =	sdelay $0x1  }
0x48: {  	v8 =	vadd.f32 v34, v8;
	_ =	sdelay $0x1  }
0x49: {  	[tilespmem:s10+$0x13000] =	vst v8  }
0x4a: {  	v8 =	vld [tilespmem:s9+$0xFFFFFE10]  }
0x4b: {  	v35 =	vld [tilespmem:s9+$0xFFFFFE90]  }
0x4c: {  	v36 =	vld [tilespmem:s9+$0xFFFFFF10]  }
0x4d: {  	v37 =	vld [tilespmem:s9+$0xFFFFFF90]  }
0x4e: {  	v38 =	vld [tilespmem:s9+$0x10]  }
0x4f: {  	v39 =	vld [tilespmem:s9+$0x90]  }
0x50: {  	v40 =	vld [tilespmem:s9+$0x110]  }
0x51: {  	v41 =	vld [tilespmem:s9+$0x190];
	_ =	sdelay $0x1  }
0x52: {  	v8 =	vmul.f32 v8, v0;
	v9 =	vmul.f32 v35, v1  }
0x53: {  	v10 =	vmul.f32 v36, v2;
	v11 =	vmul.f32 v37, v3  }
0x54: {  	v12 =	vmul.f32 v38, v4;
	v13 =	vmul.f32 v39, v5  }
0x55: {  	v14 =	vmul.f32 v40, v6;
	v15 =	vmul.f32 v41, v7  }
0x56: {  	v8 =	vadd.f32 v9, v8;
	v42 =	vadd.f32 v11, v10  }
0x57: {  	v43 =	vadd.f32 v13, v12;
	v44 =	vadd.f32 v15, v14;
	_ =	sdelay $0x1  }
0x58: {  	v8 =	vadd.f32 v42, v8;
	v45 =	vadd.f32 v44, v43;
	_ =	sdelay $0x1  }
0x59: {  	v8 =	vadd.f32 v45, v8;
	_ =	sdelay $0x1  }
0x5a: {  	[tilespmem:s10+$0x13010] =	vst v8  }
0x5b: {  	v8 =	vld [tilespmem:s9+$0xFFFFFE20]  }
0x5c: {  	v46 =	vld [tilespmem:s9+$0xFFFFFEA0]  }
0x5d: {  	v47 =	vld [tilespmem:s9+$0xFFFFFF20]  }
0x5e: {  	v48 =	vld [tilespmem:s9+$0xFFFFFFA0]  }
0x5f: {  	v49 =	vld [tilespmem:s9+$0x20]  }
0x60: {  	v50 =	vld [tilespmem:s9+$0xA0]  }
0x61: {  	v51 =	vld [tilespmem:s9+$0x120]  }
0x62: {  	v52 =	vld [tilespmem:s9+$0x1A0];
	_ =	sdelay $0x1  }
0x63: {  	v8 =	vmul.f32 v8, v0;
	v9 =	vmul.f32 v46, v1  }
0x64: {  	v10 =	vmul.f32 v47, v2;
	v11 =	vmul.f32 v48, v3  }
0x65: {  	v12 =	vmul.f32 v49, v4;
	v13 =	vmul.f32 v50, v5  }
0x66: {  	v14 =	vmul.f32 v51, v6;
	v15 =	vmul.f32 v52, v7  }
0x67: {  	v8 =	vadd.f32 v9, v8;
	v53 =	vadd.f32 v11, v10  }
0x68: {  	v54 =	vadd.f32 v13, v12;
	v55 =	vadd.f32 v15, v14;
	_ =	sdelay $0x1  }
0x69: {  	v8 =	vadd.f32 v53, v8;
	v56 =	vadd.f32 v55, v54;
	_ =	sdelay $0x1  }
0x6a: {  	v8 =	vadd.f32 v56, v8;
	_ =	sdelay $0x1  }
0x6b: {  	[tilespmem:s10+$0x13020] =	vst v8  }
0x6c: {  	v8 =	vld [tilespmem:s9+$0xFFFFFE30]  }
0x6d: {  	v57 =	vld [tilespmem:s9+$0xFFFFFEB0]  }
0x6e: {  	v58 =	vld [tilespmem:s9+$0xFFFFFF30]  }
0x6f: {  	v59 =	vld [tilespmem:s9+$0xFFFFFFB0]  }
0x70: {  	v60 =	vld [tilespmem:s9+$0x30]  }
0x71: {  	v61 =	vld [tilespmem:s9+$0xB0]  }
0x72: {  	v62 =	vld [tilespmem:s9+$0x130]  }
0x73: {  	v63 =	vld [tilespmem:s9+$0x1B0];
	_ =	sdelay $0x1  }
0x74: {  	v8 =	vmul.f32 v8, v0;
	v9 =	vmul.f32 v57, v1  }
0x75: {  	v10 =	vmul.f32 v58, v2;
	v11 =	vmul.f32 v59, v3  }
0x76: {  	v12 =	vmul.f32 v60, v4;
	v13 =	vmul.f32 v61, v5  }
0x77: {  	v14 =	vmul.f32 v62, v6;
	v15 =	vmul.f32 v63, v7  }
0x78: {  	v8 =	vadd.f32 v9, v8;
	v16 =	vadd.f32 v11, v10  }
0x79: {  	v17 =	vadd.f32 v13, v12;
	v18 =	vadd.f32 v15, v14;
	_ =	sdelay $0x1  }
0x7a: {  	v8 =	vadd.f32 v16, v8;
	v19 =	vadd.f32 v18, v17;
	_ =	sdelay $0x1  }
0x7b: {  	v8 =	vadd.f32 v19, v8;
	_ =	sdelay $0x1  }
0x7c: {  	[tilespmem:s10+$0x13030] =	vst v8  }
0x7d: {  	v8 =	vld [tilespmem:s9+$0xFFFFFE40]  }
0x7e: {  	v20 =	vld [tilespmem:s9+$0xFFFFFEC0]  }
0x7f: {  	v21 =	vld [tilespmem:s9+$0xFFFFFF40]  }
0x80: {  	v22 =	vld [tilespmem:s9+$0xFFFFFFC0]  }
0x81: {  	v23 =	vld [tilespmem:s9+$0x40]  }
0x82: {  	v24 =	vld [tilespmem:s9+$0xC0]  }
0x83: {  	v25 =	vld [tilespmem:s9+$0x140]  }
0x84: {  	v26 =	vld [tilespmem:s9+$0x1C0];
	_ =	sdelay $0x1  }
0x85: {  	v8 =	vmul.f32 v8, v0;
	v9 =	vmul.f32 v20, v1  }
0x86: {  	v10 =	vmul.f32 v21, v2;
	v11 =	vmul.f32 v22, v3  }
0x87: {  	v12 =	vmul.f32 v23, v4;
	v13 =	vmul.f32 v24, v5  }
0x88: {  	v14 =	vmul.f32 v25, v6;
	v15 =	vmul.f32 v26, v7  }
0x89: {  	v8 =	vadd.f32 v9, v8;
	v27 =	vadd.f32 v11, v10  }
0x8a: {  	v28 =	vadd.f32 v13, v12;
	v29 =	vadd.f32 v15, v14;
	_ =	sdelay $0x1  }
0x8b: {  	v8 =	vadd.f32 v27, v8;
	v30 =	vadd.f32 v29, v28;
	_ =	sdelay $0x1  }
0x8c: {  	v8 =	vadd.f32 v30, v8;
	_ =	sdelay $0x1  }
0x8d: {  	[tilespmem:s10+$0x13040] =	vst v8  }
0x8e: {  	v8 =	vld [tilespmem:s9+$0xFFFFFE50]  }
0x8f: {  	v31 =	vld [tilespmem:s9+$0xFFFFFED0]  }
0x90: {  	v32 =	vld [tilespmem:s9+$0xFFFFFF50]  }
0x91: {  	v33 =	vld [tilespmem:s9+$0xFFFFFFD0]  }
0x92: {  	v34 =	vld [tilespmem:s9+$0x50]  }
0x93: {  	v35 =	vld [tilespmem:s9+$0xD0]  }
0x94: {  	v36 =	vld [tilespmem:s9+$0x150]  }
0x95: {  	v37 =	vld [tilespmem:s9+$0x1D0];
	_ =	sdelay $0x1  }
0x96: {  	v8 =	vmul.f32 v8, v0;
	v9 =	vmul.f32 v31, v1  }
0x97: {  	v10 =	vmul.f32 v32, v2;
	v11 =	vmul.f32 v33, v3  }
0x98: {  	v12 =	vmul.f32 v34, v4;
	v13 =	vmul.f32 v35, v5  }
0x99: {  	v14 =	vmul.f32 v36, v6;
	v15 =	vmul.f32 v37, v7  }
0x9a: {  	v8 =	vadd.f32 v9, v8;
	v38 =	vadd.f32 v11, v10  }
0x9b: {  	v39 =	vadd.f32 v13, v12;
	v40 =	vadd.f32 v15, v14;
	_ =	sdelay $0x1  }
0x9c: {  	v8 =	vadd.f32 v38, v8;
	v41 =	vadd.f32 v40, v39;
	_ =	sdelay $0x1  }
0x9d: {  	v8 =	vadd.f32 v41, v8;
	_ =	sdelay $0x1  }
0x9e: {  	[tilespmem:s10+$0x13050] =	vst v8  }
0x9f: {  	v8 =	vld [tilespmem:s9+$0xFFFFFE60]  }
0xa0: {  	v42 =	vld [tilespmem:s9+$0xFFFFFEE0]  }
0xa1: {  	v43 =	vld [tilespmem:s9+$0xFFFFFF60]  }
0xa2: {  	v44 =	vld [tilespmem:s9+$0xFFFFFFE0]  }
0xa3: {  	v45 =	vld [tilespmem:s9+$0x60]  }
0xa4: {  	v46 =	vld [tilespmem:s9+$0xE0]  }
0xa5: {  	v47 =	vld [tilespmem:s9+$0x160]  }
0xa6: {  	v48 =	vld [tilespmem:s9+$0x1E0];
	_ =	sdelay $0x1  }
0xa7: {  	v8 =	vmul.f32 v8, v0;
	v9 =	vmul.f32 v42, v1  }
0xa8: {  	v10 =	vmul.f32 v43, v2;
	v11 =	vmul.f32 v44, v3  }
0xa9: {  	v12 =	vmul.f32 v45, v4;
	v13 =	vmul.f32 v46, v5  }
0xaa: {  	v14 =	vmul.f32 v47, v6;
	v15 =	vmul.f32 v48, v7  }
0xab: {  	v8 =	vadd.f32 v9, v8;
	v49 =	vadd.f32 v11, v10  }
0xac: {  	v50 =	vadd.f32 v13, v12;
	v51 =	vadd.f32 v15, v14;
	_ =	sdelay $0x1  }
0xad: {  	v8 =	vadd.f32 v49, v8;
	v52 =	vadd.f32 v51, v50;
	_ =	sdelay $0x1  }
0xae: {  	v8 =	vadd.f32 v52, v8;
	_ =	sdelay $0x1  }
0xaf: {  	[tilespmem:s10+$0x13060] =	vst v8  }
0xb0: {  	v8 =	vld [tilespmem:s9+$0xFFFFFE70]  }
0xb1: {  	v53 =	vld [tilespmem:s9+$0xFFFFFEF0]  }
0xb2: {  	v54 =	vld [tilespmem:s9+$0xFFFFFF70]  }
0xb3: {  	v55 =	vld [tilespmem:s9+$0xFFFFFFF0]  }
0xb4: {  	v56 =	vld [tilespmem:s9+$0x70]  }
0xb5: {  	v57 =	vld [tilespmem:s9+$0xF0]  }
0xb6: {  	v58 =	vld [tilespmem:s9+$0x170]  }
0xb7: {  	v59 =	vld [tilespmem:s9+$0x1F0];
	_ =	sdelay $0x1  }
0xb8: {  	v0 =	vmul.f32 v8, v0;
	v1 =	vmul.f32 v53, v1  }
0xb9: {  	v2 =	vmul.f32 v54, v2;
	v3 =	vmul.f32 v55, v3  }
0xba: {  	v4 =	vmul.f32 v56, v4;
	v5 =	vmul.f32 v57, v5  }
0xbb: {  	v6 =	vmul.f32 v58, v6;
	v7 =	vmul.f32 v59, v7  }
0xbc: {  	v0 =	vadd.f32 v1, v0;
	v60 =	vadd.f32 v3, v2  }
0xbd: {  	v61 =	vadd.f32 v5, v4;
	v62 =	vadd.f32 v7, v6  }
0xbe: {  	p0 =	sne.s32 s8, $0x1E00  }
.Ltmp0:
0xbf: {  	v0 =	vadd.f32 v60, v0;
	v63 =	vadd.f32 v62, v61;
	(pc) =	sbr.rel @p0 .LBB2_3-.Ltmp0, $3  }
0xc0: {  	_ = 	snop  }
0xc1: {  	v0 =	vadd.f32 v63, v0;
	_ =	sdelay $0x1  }
0xc2: {  	s8 =	sadd.s32 $0x200, s8;
	s9 =	sadd.s32 $0x400, s9;
	[tilespmem:s10+$0x13070] =	vst v0  }
0xc3: {  	p0 =	seq.s32 s24, $0x7  }
0xc4: {  	s8 =	sadd.s32 @!p0 $0x4, s6  }
0xc5: {  	s13 =	sshll.u32 s24, $0xA;
	s10 =	simm.s32 @!p0 $0x80;
	s9 =	sshll.u32 @!p0 s8, $0x7  }
0xc6: {  	s12 =	simm.s32 @!p0 $0x3000;
	s8 =	sshll.u32 @!p0 s8, $0x8;
	s9 =	sand.u32 @!p0 $0x3FFFFF80, s9  }
0xc7: {  	[tilespmem:s12], [sflag:$0x1] =	stream.indirect.gather @!p0 [hbm4b:s1+s10], $0x80, s9, s10, $0xb8;
	[tilespmem:$0x15000] =	vst v63  }
0xc8: {  	s8 =	sadd.s32 @!p0 s8, s7;
	s9 =	simm.s32 @!p0 $0x0;
	s10 =	simm.s32 @!p0 $0x1000  }
0xc9: {  	[tilespmem:s10], [sflag:$0x5] =	stream.linear.gather @!p0 [hbm4b:s8+s9], $0x800, $0x38;
	[tilespmem:$0x15000] =	vst v63  }
0xca: {  	s8 =	sadd.s32 s13, s11  }
0xcb: {  	[hbm4b:s8+s4] =	stream.linear.scatter [tilespmem:s28], [sflag:$0x9], $0x800, $0x38;
	[tilespmem:$0x15000] =	vst v63  }
0xcc: {  	_ =	swait.ge [sflag:s29], $0x4000  }
0xcd: {  	[sflag:s29] =	ssyncset.done $0x0  }
0xce: {  	[sflag:s29] =	ssyncadd.s32 $0xFFFFC000  }
0xcf: {  	_ =	swait.ge [sflag:s30], $0x800  }
0xd0: {  	[sflag:s30] =	ssyncset.done $0x0  }
0xd1: {  	s8 =	simm.s32 @!p1 $0xA;
	[sflag:s30] =	ssyncadd.s32 $0xFFFFF800  }
0xd2: {  	_ =	swait.ge @!p1 [sflag:s8], $0x800  }
0xd3: {  	s9 =	simm.s32 $0x1870;
	[sflag:s8] =	ssyncset.done @!p1 $0x0  }
0xd4: {  	s10 =	simm.s32 $0x13870;
	[sflag:s8] =	ssyncadd.s32 @!p1 $0xFFFFF800;
	s8 =	simm.s32 $0x0  }
.LBB2_5:
0xd5: {  	v0 =	vld [tilespmem:s9+$0xFFFFFF90]  }
0xd6: {  	v1 =	vld [tilespmem:s9+$0xFFFFFFA0]  }
0xd7: {  	v2 =	vld [tilespmem:s9+$0xFFFFFFB0]  }
0xd8: {  	v3 =	vld [tilespmem:s9+$0xFFFFFFC0]  }
0xd9: {  	v4 =	vld [tilespmem:s9+$0xFFFFFFD0]  }
0xda: {  	v5 =	vld [tilespmem:s9+$0xFFFFFFE0]  }
0xdb: {  	v6 =	vld [tilespmem:s9+$0xFFFFFFF0]  }
0xdc: {  	v7 =	vld [tilespmem:s9+$0x0];
	s12 =	sshra.s32 s8, $0x2  }
0xdd: {  	v8 =	vld [tilespmem:s12+$0x7000]  }
0xde: {  	v9 =	vld [tilespmem:s12+$0x7080]  }
0xdf: {  	v10 =	vld [tilespmem:s12+$0x7100]  }
0xe0: {  	v11 =	vld [tilespmem:s12+$0x7180]  }
0xe1: {  	v12 =	vld [tilespmem:s12+$0x7200]  }
0xe2: {  	v13 =	vld [tilespmem:s12+$0x7280]  }
0xe3: {  	v14 =	vld [tilespmem:s12+$0x7300]  }
0xe4: {  	v15 =	vld [tilespmem:s12+$0x7380];
	_ =	sdelay $0x1  }
0xe5: {  	v8 =	vmul.f32 v8, v0;
	v9 =	vmul.f32 v9, v1  }
0xe6: {  	v10 =	vmul.f32 v10, v2;
	v11 =	vmul.f32 v11, v3  }
0xe7: {  	v12 =	vmul.f32 v12, v4;
	v13 =	vmul.f32 v13, v5  }
0xe8: {  	v14 =	vmul.f32 v14, v6;
	v15 =	vmul.f32 v15, v7  }
0xe9: {  	v8 =	vadd.f32 v9, v8;
	v31 =	vadd.f32 v11, v10  }
0xea: {  	v32 =	vadd.f32 v13, v12;
	v33 =	vadd.f32 v15, v14;
	_ =	sdelay $0x1  }
0xeb: {  	v8 =	vadd.f32 v31, v8;
	v34 =	vadd.f32 v33, v32;
	_ =	sdelay $0x1  }
0xec: {  	v8 =	vadd.f32 v34, v8;
	_ =	sdelay $0x1  }
0xed: {  	[tilespmem:s10+$0xFFFFFF90] =	vst v8  }
0xee: {  	v8 =	vld [tilespmem:s12+$0x7010]  }
0xef: {  	v35 =	vld [tilespmem:s12+$0x7090]  }
0xf0: {  	v36 =	vld [tilespmem:s12+$0x7110]  }
0xf1: {  	v37 =	vld [tilespmem:s12+$0x7190]  }
0xf2: {  	v38 =	vld [tilespmem:s12+$0x7210]  }
0xf3: {  	v39 =	vld [tilespmem:s12+$0x7290]  }
0xf4: {  	v40 =	vld [tilespmem:s12+$0x7310]  }
0xf5: {  	v41 =	vld [tilespmem:s12+$0x7390];
	_ =	sdelay $0x1  }
0xf6: {  	v8 =	vmul.f32 v8, v0;
	v9 =	vmul.f32 v35, v1  }
0xf7: {  	v10 =	vmul.f32 v36, v2;
	v11 =	vmul.f32 v37, v3  }
0xf8: {  	v12 =	vmul.f32 v38, v4;
	v13 =	vmul.f32 v39, v5  }
0xf9: {  	v14 =	vmul.f32 v40, v6;
	v15 =	vmul.f32 v41, v7  }
0xfa: {  	v8 =	vadd.f32 v9, v8;
	v42 =	vadd.f32 v11, v10  }
0xfb: {  	v43 =	vadd.f32 v13, v12;
	v44 =	vadd.f32 v15, v14;
	_ =	sdelay $0x1  }
0xfc: {  	v8 =	vadd.f32 v42, v8;
	v45 =	vadd.f32 v44, v43;
	_ =	sdelay $0x1  }
0xfd: {  	v8 =	vadd.f32 v45, v8;
	_ =	sdelay $0x1  }
0xfe: {  	[tilespmem:s10+$0xFFFFFFA0] =	vst v8  }
0xff: {  	v8 =	vld [tilespmem:s12+$0x7020]  }
0x100: {  	v46 =	vld [tilespmem:s12+$0x70A0]  }
0x101: {  	v47 =	vld [tilespmem:s12+$0x7120]  }
0x102: {  	v48 =	vld [tilespmem:s12+$0x71A0]  }
0x103: {  	v49 =	vld [tilespmem:s12+$0x7220]  }
0x104: {  	v50 =	vld [tilespmem:s12+$0x72A0]  }
0x105: {  	v51 =	vld [tilespmem:s12+$0x7320]  }
0x106: {  	v52 =	vld [tilespmem:s12+$0x73A0];
	_ =	sdelay $0x1  }
0x107: {  	v8 =	vmul.f32 v8, v0;
	v9 =	vmul.f32 v46, v1  }
0x108: {  	v10 =	vmul.f32 v47, v2;
	v11 =	vmul.f32 v48, v3  }
0x109: {  	v12 =	vmul.f32 v49, v4;
	v13 =	vmul.f32 v50, v5  }
0x10a: {  	v14 =	vmul.f32 v51, v6;
	v15 =	vmul.f32 v52, v7  }
0x10b: {  	v8 =	vadd.f32 v9, v8;
	v53 =	vadd.f32 v11, v10  }
0x10c: {  	v54 =	vadd.f32 v13, v12;
	v55 =	vadd.f32 v15, v14;
	_ =	sdelay $0x1  }
0x10d: {  	v8 =	vadd.f32 v53, v8;
	v56 =	vadd.f32 v55, v54;
	_ =	sdelay $0x1  }
0x10e: {  	v8 =	vadd.f32 v56, v8;
	_ =	sdelay $0x1  }
0x10f: {  	[tilespmem:s10+$0xFFFFFFB0] =	vst v8  }
0x110: {  	v8 =	vld [tilespmem:s12+$0x7030]  }
0x111: {  	v57 =	vld [tilespmem:s12+$0x70B0]  }
0x112: {  	v58 =	vld [tilespmem:s12+$0x7130]  }
0x113: {  	v59 =	vld [tilespmem:s12+$0x71B0]  }
0x114: {  	v60 =	vld [tilespmem:s12+$0x7230]  }
0x115: {  	v61 =	vld [tilespmem:s12+$0x72B0]  }
0x116: {  	v62 =	vld [tilespmem:s12+$0x7330]  }
0x117: {  	v63 =	vld [tilespmem:s12+$0x73B0];
	_ =	sdelay $0x1  }
0x118: {  	v8 =	vmul.f32 v8, v0;
	v9 =	vmul.f32 v57, v1  }
0x119: {  	v10 =	vmul.f32 v58, v2;
	v11 =	vmul.f32 v59, v3  }
0x11a: {  	v12 =	vmul.f32 v60, v4;
	v13 =	vmul.f32 v61, v5  }
0x11b: {  	v14 =	vmul.f32 v62, v6;
	v15 =	vmul.f32 v63, v7  }
0x11c: {  	v8 =	vadd.f32 v9, v8;
	v16 =	vadd.f32 v11, v10  }
0x11d: {  	v17 =	vadd.f32 v13, v12;
	v18 =	vadd.f32 v15, v14;
	_ =	sdelay $0x1  }
0x11e: {  	v8 =	vadd.f32 v16, v8;
	v19 =	vadd.f32 v18, v17;
	_ =	sdelay $0x1  }
0x11f: {  	v8 =	vadd.f32 v19, v8;
	_ =	sdelay $0x1  }
0x120: {  	[tilespmem:s10+$0xFFFFFFC0] =	vst v8  }
0x121: {  	v8 =	vld [tilespmem:s12+$0x7040]  }
0x122: {  	v20 =	vld [tilespmem:s12+$0x70C0]  }
0x123: {  	v21 =	vld [tilespmem:s12+$0x7140]  }
0x124: {  	v22 =	vld [tilespmem:s12+$0x71C0]  }
0x125: {  	v23 =	vld [tilespmem:s12+$0x7240]  }
0x126: {  	v24 =	vld [tilespmem:s12+$0x72C0]  }
0x127: {  	v25 =	vld [tilespmem:s12+$0x7340]  }
0x128: {  	v26 =	vld [tilespmem:s12+$0x73C0];
	_ =	sdelay $0x1  }
0x129: {  	v8 =	vmul.f32 v8, v0;
	v9 =	vmul.f32 v20, v1  }
0x12a: {  	v10 =	vmul.f32 v21, v2;
	v11 =	vmul.f32 v22, v3  }
0x12b: {  	v12 =	vmul.f32 v23, v4;
	v13 =	vmul.f32 v24, v5  }
0x12c: {  	v14 =	vmul.f32 v25, v6;
	v15 =	vmul.f32 v26, v7  }
0x12d: {  	v8 =	vadd.f32 v9, v8;
	v27 =	vadd.f32 v11, v10  }
0x12e: {  	v28 =	vadd.f32 v13, v12;
	v29 =	vadd.f32 v15, v14;
	_ =	sdelay $0x1  }
0x12f: {  	v8 =	vadd.f32 v27, v8;
	v30 =	vadd.f32 v29, v28;
	_ =	sdelay $0x1  }
0x130: {  	v8 =	vadd.f32 v30, v8;
	_ =	sdelay $0x1  }
0x131: {  	[tilespmem:s10+$0xFFFFFFD0] =	vst v8  }
0x132: {  	v8 =	vld [tilespmem:s12+$0x7050]  }
0x133: {  	v31 =	vld [tilespmem:s12+$0x70D0]  }
0x134: {  	v32 =	vld [tilespmem:s12+$0x7150]  }
0x135: {  	v33 =	vld [tilespmem:s12+$0x71D0]  }
0x136: {  	v34 =	vld [tilespmem:s12+$0x7250]  }
0x137: {  	v35 =	vld [tilespmem:s12+$0x72D0]  }
0x138: {  	v36 =	vld [tilespmem:s12+$0x7350]  }
0x139: {  	v37 =	vld [tilespmem:s12+$0x73D0];
	_ =	sdelay $0x1  }
0x13a: {  	v8 =	vmul.f32 v8, v0;
	v9 =	vmul.f32 v31, v1  }
0x13b: {  	v10 =	vmul.f32 v32, v2;
	v11 =	vmul.f32 v33, v3  }
0x13c: {  	v12 =	vmul.f32 v34, v4;
	v13 =	vmul.f32 v35, v5  }
0x13d: {  	v14 =	vmul.f32 v36, v6;
	v15 =	vmul.f32 v37, v7  }
0x13e: {  	v8 =	vadd.f32 v9, v8;
	v38 =	vadd.f32 v11, v10  }
0x13f: {  	v39 =	vadd.f32 v13, v12;
	v40 =	vadd.f32 v15, v14;
	_ =	sdelay $0x1  }
0x140: {  	v8 =	vadd.f32 v38, v8;
	v41 =	vadd.f32 v40, v39;
	_ =	sdelay $0x1  }
0x141: {  	v8 =	vadd.f32 v41, v8;
	_ =	sdelay $0x1  }
0x142: {  	[tilespmem:s10+$0xFFFFFFE0] =	vst v8  }
0x143: {  	v8 =	vld [tilespmem:s12+$0x7060]  }
0x144: {  	v42 =	vld [tilespmem:s12+$0x70E0]  }
0x145: {  	v43 =	vld [tilespmem:s12+$0x7160]  }
0x146: {  	v44 =	vld [tilespmem:s12+$0x71E0]  }
0x147: {  	v45 =	vld [tilespmem:s12+$0x7260]  }
0x148: {  	v46 =	vld [tilespmem:s12+$0x72E0]  }
0x149: {  	v47 =	vld [tilespmem:s12+$0x7360]  }
0x14a: {  	v48 =	vld [tilespmem:s12+$0x73E0];
	_ =	sdelay $0x1  }
0x14b: {  	v8 =	vmul.f32 v8, v0;
	v9 =	vmul.f32 v42, v1  }
0x14c: {  	v10 =	vmul.f32 v43, v2;
	v11 =	vmul.f32 v44, v3  }
0x14d: {  	v12 =	vmul.f32 v45, v4;
	v13 =	vmul.f32 v46, v5  }
0x14e: {  	v14 =	vmul.f32 v47, v6;
	v15 =	vmul.f32 v48, v7  }
0x14f: {  	v8 =	vadd.f32 v9, v8;
	v49 =	vadd.f32 v11, v10  }
0x150: {  	v50 =	vadd.f32 v13, v12;
	v51 =	vadd.f32 v15, v14;
	_ =	sdelay $0x1  }
0x151: {  	v8 =	vadd.f32 v49, v8;
	v52 =	vadd.f32 v51, v50;
	_ =	sdelay $0x1  }
0x152: {  	v8 =	vadd.f32 v52, v8;
	_ =	sdelay $0x1  }
0x153: {  	[tilespmem:s10+$0xFFFFFFF0] =	vst v8  }
0x154: {  	v8 =	vld [tilespmem:s12+$0x7070]  }
0x155: {  	v53 =	vld [tilespmem:s12+$0x70F0]  }
0x156: {  	v54 =	vld [tilespmem:s12+$0x7170]  }
0x157: {  	v55 =	vld [tilespmem:s12+$0x71F0]  }
0x158: {  	v56 =	vld [tilespmem:s12+$0x7270]  }
0x159: {  	v57 =	vld [tilespmem:s12+$0x72F0]  }
0x15a: {  	v58 =	vld [tilespmem:s12+$0x7370]  }
0x15b: {  	v59 =	vld [tilespmem:s12+$0x73F0];
	_ =	sdelay $0x1  }
0x15c: {  	v0 =	vmul.f32 v8, v0;
	v1 =	vmul.f32 v53, v1  }
0x15d: {  	v2 =	vmul.f32 v54, v2;
	v3 =	vmul.f32 v55, v3  }
0x15e: {  	v4 =	vmul.f32 v56, v4;
	v5 =	vmul.f32 v57, v5  }
0x15f: {  	v6 =	vmul.f32 v58, v6;
	v7 =	vmul.f32 v59, v7  }
0x160: {  	v0 =	vadd.f32 v1, v0;
	v60 =	vadd.f32 v3, v2  }
0x161: {  	v61 =	vadd.f32 v5, v4;
	v62 =	vadd.f32 v7, v6  }
0x162: {  	p2 =	sne.s32 s8, $0xF000  }
.Ltmp1:
0x163: {  	v0 =	vadd.f32 v60, v0;
	v63 =	vadd.f32 v62, v61;
	(pc) =	sbr.rel @p2 .LBB2_5-.Ltmp1, $3  }
0x164: {  	_ = 	snop  }
0x165: {  	v0 =	vadd.f32 v63, v0;
	_ =	sdelay $0x1  }
0x166: {  	s9 =	sadd.s32 $0x80, s9;
	s8 =	sadd.s32 $0x1000, s8;
	[tilespmem:s10+$0x0] =	vst v0;
	s10 =	sadd.s32 $0x80, s10  }
0x167: {  	s8 =	sadd.s32 @!p0 $0x5, s6  }
0x168: {  	s10 =	simm.s32 @!p0 $0x80;
	s9 =	sshll.u32 @!p0 s8, $0x7;
	s8 =	sshll.u32 @!p0 s8, $0x8  }
0x169: {  	s12 =	simm.s32 @!p0 $0x7000;
	s9 =	sand.u32 @!p0 $0x3FFFFF80, s9;
	s8 =	sadd.s32 @!p0 s8, s7  }
0x16a: {  	[tilespmem:s12], [sflag:$0x2] =	stream.indirect.gather @!p0 [hbm4b:s1+s10], $0x80, s9, s10, $0xb8;
	[tilespmem:$0x15000] =	vst v63  }
0x16b: {  	s9 =	simm.s32 @!p0 $0x0;
	s10 =	simm.s32 @!p0 $0x1800;
	s12 =	sshll.u32 s24, $0x6  }
0x16c: {  	[tilespmem:s10], [sflag:$0x6] =	stream.linear.gather @!p0 [hbm4b:s8+s9], $0x800, $0x38;
	[tilespmem:$0x15000] =	vst v63  }
0x16d: {  	s8 =	sadd.s32 s12, s5  }
0x16e: {  	s8 =	sshll.u32 s8, $0x4  }
0x16f: {  	s8 =	sadd.s32 s3, s8  }
0x170: {  	s13 =	sadd.s32 $0x100, s8  }
0x171: {  	[hbm4b:s13+s4] =	stream.linear.scatter [tilespmem:s31], [sflag:$0xA], $0x800, $0x38;
	[tilespmem:$0x15000] =	vst v63  }
0x172: {  	_ =	swait.ge [sflag:s0], $0x4000  }
0x173: {  	[sflag:s0] =	ssyncset.done $0x0  }
0x174: {  	[sflag:s0] =	ssyncadd.s32 $0xFFFFC000  }
0x175: {  	_ =	swait.ge [sflag:s2], $0x800  }
0x176: {  	[sflag:s2] =	ssyncset.done $0x0  }
0x177: {  	s9 =	simm.s32 @!p1 $0xB;
	[sflag:s2] =	ssyncadd.s32 $0xFFFFF800  }
0x178: {  	_ =	swait.ge @!p1 [sflag:s9], $0x800  }
0x179: {  	s10 =	simm.s32 $0x2070;
	[sflag:s9] =	ssyncset.done @!p1 $0x0  }
0x17a: {  	s12 =	simm.s32 $0x14070;
	[sflag:s9] =	ssyncadd.s32 @!p1 $0xFFFFF800;
	s9 =	simm.s32 $0x0  }
.LBB2_7:
0x17b: {  	v0 =	vld [tilespmem:s10+$0xFFFFFF90]  }
0x17c: {  	v1 =	vld [tilespmem:s10+$0xFFFFFFA0]  }
0x17d: {  	v2 =	vld [tilespmem:s10+$0xFFFFFFB0]  }
0x17e: {  	v3 =	vld [tilespmem:s10+$0xFFFFFFC0]  }
0x17f: {  	v4 =	vld [tilespmem:s10+$0xFFFFFFD0]  }
0x180: {  	v5 =	vld [tilespmem:s10+$0xFFFFFFE0]  }
0x181: {  	v6 =	vld [tilespmem:s10+$0xFFFFFFF0]  }
0x182: {  	v7 =	vld [tilespmem:s10+$0x0];
	s13 =	sshra.s32 s9, $0x2  }
0x183: {  	v8 =	vld [tilespmem:s13+$0xB000]  }
0x184: {  	v9 =	vld [tilespmem:s13+$0xB080]  }
0x185: {  	v10 =	vld [tilespmem:s13+$0xB100]  }
0x186: {  	v11 =	vld [tilespmem:s13+$0xB180]  }
0x187: {  	v12 =	vld [tilespmem:s13+$0xB200]  }
0x188: {  	v13 =	vld [tilespmem:s13+$0xB280]  }
0x189: {  	v14 =	vld [tilespmem:s13+$0xB300]  }
0x18a: {  	v15 =	vld [tilespmem:s13+$0xB380];
	_ =	sdelay $0x1  }
0x18b: {  	v8 =	vmul.f32 v8, v0;
	v9 =	vmul.f32 v9, v1  }
0x18c: {  	v10 =	vmul.f32 v10, v2;
	v11 =	vmul.f32 v11, v3  }
0x18d: {  	v12 =	vmul.f32 v12, v4;
	v13 =	vmul.f32 v13, v5  }
0x18e: {  	v14 =	vmul.f32 v14, v6;
	v15 =	vmul.f32 v15, v7  }
0x18f: {  	v8 =	vadd.f32 v9, v8;
	v31 =	vadd.f32 v11, v10  }
0x190: {  	v32 =	vadd.f32 v13, v12;
	v33 =	vadd.f32 v15, v14;
	_ =	sdelay $0x1  }
0x191: {  	v8 =	vadd.f32 v31, v8;
	v34 =	vadd.f32 v33, v32;
	_ =	sdelay $0x1  }
0x192: {  	v8 =	vadd.f32 v34, v8;
	_ =	sdelay $0x1  }
0x193: {  	[tilespmem:s12+$0xFFFFFF90] =	vst v8  }
0x194: {  	v8 =	vld [tilespmem:s13+$0xB010]  }
0x195: {  	v35 =	vld [tilespmem:s13+$0xB090]  }
0x196: {  	v36 =	vld [tilespmem:s13+$0xB110]  }
0x197: {  	v37 =	vld [tilespmem:s13+$0xB190]  }
0x198: {  	v38 =	vld [tilespmem:s13+$0xB210]  }
0x199: {  	v39 =	vld [tilespmem:s13+$0xB290]  }
0x19a: {  	v40 =	vld [tilespmem:s13+$0xB310]  }
0x19b: {  	v41 =	vld [tilespmem:s13+$0xB390];
	_ =	sdelay $0x1  }
0x19c: {  	v8 =	vmul.f32 v8, v0;
	v9 =	vmul.f32 v35, v1  }
0x19d: {  	v10 =	vmul.f32 v36, v2;
	v11 =	vmul.f32 v37, v3  }
0x19e: {  	v12 =	vmul.f32 v38, v4;
	v13 =	vmul.f32 v39, v5  }
0x19f: {  	v14 =	vmul.f32 v40, v6;
	v15 =	vmul.f32 v41, v7  }
0x1a0: {  	v8 =	vadd.f32 v9, v8;
	v42 =	vadd.f32 v11, v10  }
0x1a1: {  	v43 =	vadd.f32 v13, v12;
	v44 =	vadd.f32 v15, v14;
	_ =	sdelay $0x1  }
0x1a2: {  	v8 =	vadd.f32 v42, v8;
	v45 =	vadd.f32 v44, v43;
	_ =	sdelay $0x1  }
0x1a3: {  	v8 =	vadd.f32 v45, v8;
	_ =	sdelay $0x1  }
0x1a4: {  	[tilespmem:s12+$0xFFFFFFA0] =	vst v8  }
0x1a5: {  	v8 =	vld [tilespmem:s13+$0xB020]  }
0x1a6: {  	v46 =	vld [tilespmem:s13+$0xB0A0]  }
0x1a7: {  	v47 =	vld [tilespmem:s13+$0xB120]  }
0x1a8: {  	v48 =	vld [tilespmem:s13+$0xB1A0]  }
0x1a9: {  	v49 =	vld [tilespmem:s13+$0xB220]  }
0x1aa: {  	v50 =	vld [tilespmem:s13+$0xB2A0]  }
0x1ab: {  	v51 =	vld [tilespmem:s13+$0xB320]  }
0x1ac: {  	v52 =	vld [tilespmem:s13+$0xB3A0];
	_ =	sdelay $0x1  }
0x1ad: {  	v8 =	vmul.f32 v8, v0;
	v9 =	vmul.f32 v46, v1  }
0x1ae: {  	v10 =	vmul.f32 v47, v2;
	v11 =	vmul.f32 v48, v3  }
0x1af: {  	v12 =	vmul.f32 v49, v4;
	v13 =	vmul.f32 v50, v5  }
0x1b0: {  	v14 =	vmul.f32 v51, v6;
	v15 =	vmul.f32 v52, v7  }
0x1b1: {  	v8 =	vadd.f32 v9, v8;
	v53 =	vadd.f32 v11, v10  }
0x1b2: {  	v54 =	vadd.f32 v13, v12;
	v55 =	vadd.f32 v15, v14;
	_ =	sdelay $0x1  }
0x1b3: {  	v8 =	vadd.f32 v53, v8;
	v56 =	vadd.f32 v55, v54;
	_ =	sdelay $0x1  }
0x1b4: {  	v8 =	vadd.f32 v56, v8;
	_ =	sdelay $0x1  }
0x1b5: {  	[tilespmem:s12+$0xFFFFFFB0] =	vst v8  }
0x1b6: {  	v8 =	vld [tilespmem:s13+$0xB030]  }
0x1b7: {  	v57 =	vld [tilespmem:s13+$0xB0B0]  }
0x1b8: {  	v58 =	vld [tilespmem:s13+$0xB130]  }
0x1b9: {  	v59 =	vld [tilespmem:s13+$0xB1B0]  }
0x1ba: {  	v60 =	vld [tilespmem:s13+$0xB230]  }
0x1bb: {  	v61 =	vld [tilespmem:s13+$0xB2B0]  }
0x1bc: {  	v62 =	vld [tilespmem:s13+$0xB330]  }
0x1bd: {  	v63 =	vld [tilespmem:s13+$0xB3B0];
	_ =	sdelay $0x1  }
0x1be: {  	v8 =	vmul.f32 v8, v0;
	v9 =	vmul.f32 v57, v1  }
0x1bf: {  	v10 =	vmul.f32 v58, v2;
	v11 =	vmul.f32 v59, v3  }
0x1c0: {  	v12 =	vmul.f32 v60, v4;
	v13 =	vmul.f32 v61, v5  }
0x1c1: {  	v14 =	vmul.f32 v62, v6;
	v15 =	vmul.f32 v63, v7  }
0x1c2: {  	v8 =	vadd.f32 v9, v8;
	v16 =	vadd.f32 v11, v10  }
0x1c3: {  	v17 =	vadd.f32 v13, v12;
	v18 =	vadd.f32 v15, v14;
	_ =	sdelay $0x1  }
0x1c4: {  	v8 =	vadd.f32 v16, v8;
	v19 =	vadd.f32 v18, v17;
	_ =	sdelay $0x1  }
0x1c5: {  	v8 =	vadd.f32 v19, v8;
	_ =	sdelay $0x1  }
0x1c6: {  	[tilespmem:s12+$0xFFFFFFC0] =	vst v8  }
0x1c7: {  	v8 =	vld [tilespmem:s13+$0xB040]  }
0x1c8: {  	v20 =	vld [tilespmem:s13+$0xB0C0]  }
0x1c9: {  	v21 =	vld [tilespmem:s13+$0xB140]  }
0x1ca: {  	v22 =	vld [tilespmem:s13+$0xB1C0]  }
0x1cb: {  	v23 =	vld [tilespmem:s13+$0xB240]  }
0x1cc: {  	v24 =	vld [tilespmem:s13+$0xB2C0]  }
0x1cd: {  	v25 =	vld [tilespmem:s13+$0xB340]  }
0x1ce: {  	v26 =	vld [tilespmem:s13+$0xB3C0];
	_ =	sdelay $0x1  }
0x1cf: {  	v8 =	vmul.f32 v8, v0;
	v9 =	vmul.f32 v20, v1  }
0x1d0: {  	v10 =	vmul.f32 v21, v2;
	v11 =	vmul.f32 v22, v3  }
0x1d1: {  	v12 =	vmul.f32 v23, v4;
	v13 =	vmul.f32 v24, v5  }
0x1d2: {  	v14 =	vmul.f32 v25, v6;
	v15 =	vmul.f32 v26, v7  }
0x1d3: {  	v8 =	vadd.f32 v9, v8;
	v27 =	vadd.f32 v11, v10  }
0x1d4: {  	v28 =	vadd.f32 v13, v12;
	v29 =	vadd.f32 v15, v14;
	_ =	sdelay $0x1  }
0x1d5: {  	v8 =	vadd.f32 v27, v8;
	v30 =	vadd.f32 v29, v28;
	_ =	sdelay $0x1  }
0x1d6: {  	v8 =	vadd.f32 v30, v8;
	_ =	sdelay $0x1  }
0x1d7: {  	[tilespmem:s12+$0xFFFFFFD0] =	vst v8  }
0x1d8: {  	v8 =	vld [tilespmem:s13+$0xB050]  }
0x1d9: {  	v31 =	vld [tilespmem:s13+$0xB0D0]  }
0x1da: {  	v32 =	vld [tilespmem:s13+$0xB150]  }
0x1db: {  	v33 =	vld [tilespmem:s13+$0xB1D0]  }
0x1dc: {  	v34 =	vld [tilespmem:s13+$0xB250]  }
0x1dd: {  	v35 =	vld [tilespmem:s13+$0xB2D0]  }
0x1de: {  	v36 =	vld [tilespmem:s13+$0xB350]  }
0x1df: {  	v37 =	vld [tilespmem:s13+$0xB3D0];
	_ =	sdelay $0x1  }
0x1e0: {  	v8 =	vmul.f32 v8, v0;
	v9 =	vmul.f32 v31, v1  }
0x1e1: {  	v10 =	vmul.f32 v32, v2;
	v11 =	vmul.f32 v33, v3  }
0x1e2: {  	v12 =	vmul.f32 v34, v4;
	v13 =	vmul.f32 v35, v5  }
0x1e3: {  	v14 =	vmul.f32 v36, v6;
	v15 =	vmul.f32 v37, v7  }
0x1e4: {  	v8 =	vadd.f32 v9, v8;
	v38 =	vadd.f32 v11, v10  }
0x1e5: {  	v39 =	vadd.f32 v13, v12;
	v40 =	vadd.f32 v15, v14;
	_ =	sdelay $0x1  }
0x1e6: {  	v8 =	vadd.f32 v38, v8;
	v41 =	vadd.f32 v40, v39;
	_ =	sdelay $0x1  }
0x1e7: {  	v8 =	vadd.f32 v41, v8;
	_ =	sdelay $0x1  }
0x1e8: {  	[tilespmem:s12+$0xFFFFFFE0] =	vst v8  }
0x1e9: {  	v8 =	vld [tilespmem:s13+$0xB060]  }
0x1ea: {  	v42 =	vld [tilespmem:s13+$0xB0E0]  }
0x1eb: {  	v43 =	vld [tilespmem:s13+$0xB160]  }
0x1ec: {  	v44 =	vld [tilespmem:s13+$0xB1E0]  }
0x1ed: {  	v45 =	vld [tilespmem:s13+$0xB260]  }
0x1ee: {  	v46 =	vld [tilespmem:s13+$0xB2E0]  }
0x1ef: {  	v47 =	vld [tilespmem:s13+$0xB360]  }
0x1f0: {  	v48 =	vld [tilespmem:s13+$0xB3E0];
	_ =	sdelay $0x1  }
0x1f1: {  	v8 =	vmul.f32 v8, v0;
	v9 =	vmul.f32 v42, v1  }
0x1f2: {  	v10 =	vmul.f32 v43, v2;
	v11 =	vmul.f32 v44, v3  }
0x1f3: {  	v12 =	vmul.f32 v45, v4;
	v13 =	vmul.f32 v46, v5  }
0x1f4: {  	v14 =	vmul.f32 v47, v6;
	v15 =	vmul.f32 v48, v7  }
0x1f5: {  	v8 =	vadd.f32 v9, v8;
	v49 =	vadd.f32 v11, v10  }
0x1f6: {  	v50 =	vadd.f32 v13, v12;
	v51 =	vadd.f32 v15, v14;
	_ =	sdelay $0x1  }
0x1f7: {  	v8 =	vadd.f32 v49, v8;
	v52 =	vadd.f32 v51, v50;
	_ =	sdelay $0x1  }
0x1f8: {  	v8 =	vadd.f32 v52, v8;
	_ =	sdelay $0x1  }
0x1f9: {  	[tilespmem:s12+$0xFFFFFFF0] =	vst v8  }
0x1fa: {  	v8 =	vld [tilespmem:s13+$0xB070]  }
0x1fb: {  	v53 =	vld [tilespmem:s13+$0xB0F0]  }
0x1fc: {  	v54 =	vld [tilespmem:s13+$0xB170]  }
0x1fd: {  	v55 =	vld [tilespmem:s13+$0xB1F0]  }
0x1fe: {  	v56 =	vld [tilespmem:s13+$0xB270]  }
0x1ff: {  	v57 =	vld [tilespmem:s13+$0xB2F0]  }
0x200: {  	v58 =	vld [tilespmem:s13+$0xB370]  }
0x201: {  	v59 =	vld [tilespmem:s13+$0xB3F0];
	_ =	sdelay $0x1  }
0x202: {  	v0 =	vmul.f32 v8, v0;
	v1 =	vmul.f32 v53, v1  }
0x203: {  	v2 =	vmul.f32 v54, v2;
	v3 =	vmul.f32 v55, v3  }
0x204: {  	v4 =	vmul.f32 v56, v4;
	v5 =	vmul.f32 v57, v5  }
0x205: {  	v6 =	vmul.f32 v58, v6;
	v7 =	vmul.f32 v59, v7  }
0x206: {  	v0 =	vadd.f32 v1, v0;
	v60 =	vadd.f32 v3, v2  }
0x207: {  	v61 =	vadd.f32 v5, v4;
	v62 =	vadd.f32 v7, v6  }
0x208: {  	p2 =	sne.s32 s9, $0xF000  }
.Ltmp2:
0x209: {  	v0 =	vadd.f32 v60, v0;
	v63 =	vadd.f32 v62, v61;
	(pc) =	sbr.rel @p2 .LBB2_7-.Ltmp2, $3  }
0x20a: {  	_ = 	snop  }
0x20b: {  	v0 =	vadd.f32 v63, v0;
	_ =	sdelay $0x1  }
0x20c: {  	s10 =	sadd.s32 $0x80, s10;
	s9 =	sadd.s32 $0x1000, s9;
	[tilespmem:s12+$0x0] =	vst v0;
	s12 =	sadd.s32 $0x80, s12  }
0x20d: {  	s9 =	sadd.s32 @!p0 $0x6, s6  }
0x20e: {  	s12 =	simm.s32 @!p0 $0x80;
	s10 =	sshll.u32 @!p0 s9, $0x7  }
0x20f: {  	s13 =	simm.s32 @!p0 $0xB000;
	s9 =	sshll.u32 @!p0 s9, $0x8;
	s10 =	sand.u32 @!p0 $0x3FFFFF80, s10  }
0x210: {  	[tilespmem:s13], [sflag:$0x3] =	stream.indirect.gather @!p0 [hbm4b:s1+s12], $0x80, s10, s12, $0xb8;
	[tilespmem:$0x15000] =	vst v63  }
0x211: {  	s9 =	sadd.s32 @!p0 s9, s7;
	s10 =	simm.s32 @!p0 $0x0;
	s12 =	simm.s32 @!p0 $0x2000  }
0x212: {  	[tilespmem:s12], [sflag:$0x7] =	stream.linear.gather @!p0 [hbm4b:s9+s10], $0x800, $0x38;
	[tilespmem:$0x15000] =	vst v63  }
0x213: {  	s13 =	sadd.s32 $0x200, s8  }
0x214: {  	[hbm4b:s13+s4] =	stream.linear.scatter [tilespmem:s15], [sflag:$0xB], $0x800, $0x38;
	[tilespmem:$0x15000] =	vst v63  }
0x215: {  	_ =	swait.ge [sflag:s16], $0x4000  }
0x216: {  	[sflag:s16] =	ssyncset.done $0x0  }
0x217: {  	[sflag:s16] =	ssyncadd.s32 $0xFFFFC000  }
0x218: {  	_ =	swait.ge [sflag:s17], $0x800  }
0x219: {  	[sflag:s17] =	ssyncset.done $0x0  }
0x21a: {  	s9 =	simm.s32 @!p1 $0xC;
	[sflag:s17] =	ssyncadd.s32 $0xFFFFF800  }
0x21b: {  	_ =	swait.ge @!p1 [sflag:s9], $0x800  }
0x21c: {  	s10 =	simm.s32 $0x2870;
	[sflag:s9] =	ssyncset.done @!p1 $0x0  }
0x21d: {  	s12 =	simm.s32 $0x14870;
	[sflag:s9] =	ssyncadd.s32 @!p1 $0xFFFFF800;
	s9 =	simm.s32 $0x0  }
.LBB2_9:
0x21e: {  	v0 =	vld [tilespmem:s10+$0xFFFFFF90]  }
0x21f: {  	v1 =	vld [tilespmem:s10+$0xFFFFFFA0]  }
0x220: {  	v2 =	vld [tilespmem:s10+$0xFFFFFFB0]  }
0x221: {  	v3 =	vld [tilespmem:s10+$0xFFFFFFC0]  }
0x222: {  	v4 =	vld [tilespmem:s10+$0xFFFFFFD0]  }
0x223: {  	v5 =	vld [tilespmem:s10+$0xFFFFFFE0]  }
0x224: {  	v6 =	vld [tilespmem:s10+$0xFFFFFFF0]  }
0x225: {  	v7 =	vld [tilespmem:s10+$0x0];
	s13 =	sshra.s32 s9, $0x2  }
0x226: {  	v8 =	vld [tilespmem:s13+$0xF000]  }
0x227: {  	v9 =	vld [tilespmem:s13+$0xF080]  }
0x228: {  	v10 =	vld [tilespmem:s13+$0xF100]  }
0x229: {  	v11 =	vld [tilespmem:s13+$0xF180]  }
0x22a: {  	v12 =	vld [tilespmem:s13+$0xF200]  }
0x22b: {  	v13 =	vld [tilespmem:s13+$0xF280]  }
0x22c: {  	v14 =	vld [tilespmem:s13+$0xF300]  }
0x22d: {  	v15 =	vld [tilespmem:s13+$0xF380];
	_ =	sdelay $0x1  }
0x22e: {  	v8 =	vmul.f32 v8, v0;
	v9 =	vmul.f32 v9, v1  }
0x22f: {  	v10 =	vmul.f32 v10, v2;
	v11 =	vmul.f32 v11, v3  }
0x230: {  	v12 =	vmul.f32 v12, v4;
	v13 =	vmul.f32 v13, v5  }
0x231: {  	v14 =	vmul.f32 v14, v6;
	v15 =	vmul.f32 v15, v7  }
0x232: {  	v8 =	vadd.f32 v9, v8;
	v31 =	vadd.f32 v11, v10  }
0x233: {  	v32 =	vadd.f32 v13, v12;
	v33 =	vadd.f32 v15, v14;
	_ =	sdelay $0x1  }
0x234: {  	v8 =	vadd.f32 v31, v8;
	v34 =	vadd.f32 v33, v32;
	_ =	sdelay $0x1  }
0x235: {  	v8 =	vadd.f32 v34, v8;
	_ =	sdelay $0x1  }
0x236: {  	[tilespmem:s12+$0xFFFFFF90] =	vst v8  }
0x237: {  	v8 =	vld [tilespmem:s13+$0xF010]  }
0x238: {  	v35 =	vld [tilespmem:s13+$0xF090]  }
0x239: {  	v36 =	vld [tilespmem:s13+$0xF110]  }
0x23a: {  	v37 =	vld [tilespmem:s13+$0xF190]  }
0x23b: {  	v38 =	vld [tilespmem:s13+$0xF210]  }
0x23c: {  	v39 =	vld [tilespmem:s13+$0xF290]  }
0x23d: {  	v40 =	vld [tilespmem:s13+$0xF310]  }
0x23e: {  	v41 =	vld [tilespmem:s13+$0xF390];
	_ =	sdelay $0x1  }
0x23f: {  	v8 =	vmul.f32 v8, v0;
	v9 =	vmul.f32 v35, v1  }
0x240: {  	v10 =	vmul.f32 v36, v2;
	v11 =	vmul.f32 v37, v3  }
0x241: {  	v12 =	vmul.f32 v38, v4;
	v13 =	vmul.f32 v39, v5  }
0x242: {  	v14 =	vmul.f32 v40, v6;
	v15 =	vmul.f32 v41, v7  }
0x243: {  	v8 =	vadd.f32 v9, v8;
	v42 =	vadd.f32 v11, v10  }
0x244: {  	v43 =	vadd.f32 v13, v12;
	v44 =	vadd.f32 v15, v14;
	_ =	sdelay $0x1  }
0x245: {  	v8 =	vadd.f32 v42, v8;
	v45 =	vadd.f32 v44, v43;
	_ =	sdelay $0x1  }
0x246: {  	v8 =	vadd.f32 v45, v8;
	_ =	sdelay $0x1  }
0x247: {  	[tilespmem:s12+$0xFFFFFFA0] =	vst v8  }
0x248: {  	v8 =	vld [tilespmem:s13+$0xF020]  }
0x249: {  	v46 =	vld [tilespmem:s13+$0xF0A0]  }
0x24a: {  	v47 =	vld [tilespmem:s13+$0xF120]  }
0x24b: {  	v48 =	vld [tilespmem:s13+$0xF1A0]  }
0x24c: {  	v49 =	vld [tilespmem:s13+$0xF220]  }
0x24d: {  	v50 =	vld [tilespmem:s13+$0xF2A0]  }
0x24e: {  	v51 =	vld [tilespmem:s13+$0xF320]  }
0x24f: {  	v52 =	vld [tilespmem:s13+$0xF3A0];
	_ =	sdelay $0x1  }
0x250: {  	v8 =	vmul.f32 v8, v0;
	v9 =	vmul.f32 v46, v1  }
0x251: {  	v10 =	vmul.f32 v47, v2;
	v11 =	vmul.f32 v48, v3  }
0x252: {  	v12 =	vmul.f32 v49, v4;
	v13 =	vmul.f32 v50, v5  }
0x253: {  	v14 =	vmul.f32 v51, v6;
	v15 =	vmul.f32 v52, v7  }
0x254: {  	v8 =	vadd.f32 v9, v8;
	v53 =	vadd.f32 v11, v10  }
0x255: {  	v54 =	vadd.f32 v13, v12;
	v55 =	vadd.f32 v15, v14;
	_ =	sdelay $0x1  }
0x256: {  	v8 =	vadd.f32 v53, v8;
	v56 =	vadd.f32 v55, v54;
	_ =	sdelay $0x1  }
0x257: {  	v8 =	vadd.f32 v56, v8;
	_ =	sdelay $0x1  }
0x258: {  	[tilespmem:s12+$0xFFFFFFB0] =	vst v8  }
0x259: {  	v8 =	vld [tilespmem:s13+$0xF030]  }
0x25a: {  	v57 =	vld [tilespmem:s13+$0xF0B0]  }
0x25b: {  	v58 =	vld [tilespmem:s13+$0xF130]  }
0x25c: {  	v59 =	vld [tilespmem:s13+$0xF1B0]  }
0x25d: {  	v60 =	vld [tilespmem:s13+$0xF230]  }
0x25e: {  	v61 =	vld [tilespmem:s13+$0xF2B0]  }
0x25f: {  	v62 =	vld [tilespmem:s13+$0xF330]  }
0x260: {  	v63 =	vld [tilespmem:s13+$0xF3B0];
	_ =	sdelay $0x1  }
0x261: {  	v8 =	vmul.f32 v8, v0;
	v9 =	vmul.f32 v57, v1  }
0x262: {  	v10 =	vmul.f32 v58, v2;
	v11 =	vmul.f32 v59, v3  }
0x263: {  	v12 =	vmul.f32 v60, v4;
	v13 =	vmul.f32 v61, v5  }
0x264: {  	v14 =	vmul.f32 v62, v6;
	v15 =	vmul.f32 v63, v7  }
0x265: {  	v8 =	vadd.f32 v9, v8;
	v16 =	vadd.f32 v11, v10  }
0x266: {  	v17 =	vadd.f32 v13, v12;
	v18 =	vadd.f32 v15, v14;
	_ =	sdelay $0x1  }
0x267: {  	v8 =	vadd.f32 v16, v8;
	v19 =	vadd.f32 v18, v17;
	_ =	sdelay $0x1  }
0x268: {  	v8 =	vadd.f32 v19, v8;
	_ =	sdelay $0x1  }
0x269: {  	[tilespmem:s12+$0xFFFFFFC0] =	vst v8  }
0x26a: {  	v8 =	vld [tilespmem:s13+$0xF040]  }
0x26b: {  	v20 =	vld [tilespmem:s13+$0xF0C0]  }
0x26c: {  	v21 =	vld [tilespmem:s13+$0xF140]  }
0x26d: {  	v22 =	vld [tilespmem:s13+$0xF1C0]  }
0x26e: {  	v23 =	vld [tilespmem:s13+$0xF240]  }
0x26f: {  	v24 =	vld [tilespmem:s13+$0xF2C0]  }
0x270: {  	v25 =	vld [tilespmem:s13+$0xF340]  }
0x271: {  	v26 =	vld [tilespmem:s13+$0xF3C0];
	_ =	sdelay $0x1  }
0x272: {  	v8 =	vmul.f32 v8, v0;
	v9 =	vmul.f32 v20, v1  }
0x273: {  	v10 =	vmul.f32 v21, v2;
	v11 =	vmul.f32 v22, v3  }
0x274: {  	v12 =	vmul.f32 v23, v4;
	v13 =	vmul.f32 v24, v5  }
0x275: {  	v14 =	vmul.f32 v25, v6;
	v15 =	vmul.f32 v26, v7  }
0x276: {  	v8 =	vadd.f32 v9, v8;
	v27 =	vadd.f32 v11, v10  }
0x277: {  	v28 =	vadd.f32 v13, v12;
	v29 =	vadd.f32 v15, v14;
	_ =	sdelay $0x1  }
0x278: {  	v8 =	vadd.f32 v27, v8;
	v30 =	vadd.f32 v29, v28;
	_ =	sdelay $0x1  }
0x279: {  	v8 =	vadd.f32 v30, v8;
	_ =	sdelay $0x1  }
0x27a: {  	[tilespmem:s12+$0xFFFFFFD0] =	vst v8  }
0x27b: {  	v8 =	vld [tilespmem:s13+$0xF050]  }
0x27c: {  	v31 =	vld [tilespmem:s13+$0xF0D0]  }
0x27d: {  	v32 =	vld [tilespmem:s13+$0xF150]  }
0x27e: {  	v33 =	vld [tilespmem:s13+$0xF1D0]  }
0x27f: {  	v34 =	vld [tilespmem:s13+$0xF250]  }
0x280: {  	v35 =	vld [tilespmem:s13+$0xF2D0]  }
0x281: {  	v36 =	vld [tilespmem:s13+$0xF350]  }
0x282: {  	v37 =	vld [tilespmem:s13+$0xF3D0];
	_ =	sdelay $0x1  }
0x283: {  	v8 =	vmul.f32 v8, v0;
	v9 =	vmul.f32 v31, v1  }
0x284: {  	v10 =	vmul.f32 v32, v2;
	v11 =	vmul.f32 v33, v3  }
0x285: {  	v12 =	vmul.f32 v34, v4;
	v13 =	vmul.f32 v35, v5  }
0x286: {  	v14 =	vmul.f32 v36, v6;
	v15 =	vmul.f32 v37, v7  }
0x287: {  	v8 =	vadd.f32 v9, v8;
	v38 =	vadd.f32 v11, v10  }
0x288: {  	v39 =	vadd.f32 v13, v12;
	v40 =	vadd.f32 v15, v14;
	_ =	sdelay $0x1  }
0x289: {  	v8 =	vadd.f32 v38, v8;
	v41 =	vadd.f32 v40, v39;
	_ =	sdelay $0x1  }
0x28a: {  	v8 =	vadd.f32 v41, v8;
	_ =	sdelay $0x1  }
0x28b: {  	[tilespmem:s12+$0xFFFFFFE0] =	vst v8  }
0x28c: {  	v8 =	vld [tilespmem:s13+$0xF060]  }
0x28d: {  	v42 =	vld [tilespmem:s13+$0xF0E0]  }
0x28e: {  	v43 =	vld [tilespmem:s13+$0xF160]  }
0x28f: {  	v44 =	vld [tilespmem:s13+$0xF1E0]  }
0x290: {  	v45 =	vld [tilespmem:s13+$0xF260]  }
0x291: {  	v46 =	vld [tilespmem:s13+$0xF2E0]  }
0x292: {  	v47 =	vld [tilespmem:s13+$0xF360]  }
0x293: {  	v48 =	vld [tilespmem:s13+$0xF3E0];
	_ =	sdelay $0x1  }
0x294: {  	v8 =	vmul.f32 v8, v0;
	v9 =	vmul.f32 v42, v1  }
0x295: {  	v10 =	vmul.f32 v43, v2;
	v11 =	vmul.f32 v44, v3  }
0x296: {  	v12 =	vmul.f32 v45, v4;
	v13 =	vmul.f32 v46, v5  }
0x297: {  	v14 =	vmul.f32 v47, v6;
	v15 =	vmul.f32 v48, v7  }
0x298: {  	v8 =	vadd.f32 v9, v8;
	v49 =	vadd.f32 v11, v10  }
0x299: {  	v50 =	vadd.f32 v13, v12;
	v51 =	vadd.f32 v15, v14;
	_ =	sdelay $0x1  }
0x29a: {  	v8 =	vadd.f32 v49, v8;
	v52 =	vadd.f32 v51, v50;
	_ =	sdelay $0x1  }
0x29b: {  	v8 =	vadd.f32 v52, v8;
	_ =	sdelay $0x1  }
0x29c: {  	[tilespmem:s12+$0xFFFFFFF0] =	vst v8  }
0x29d: {  	v8 =	vld [tilespmem:s13+$0xF070]  }
0x29e: {  	v53 =	vld [tilespmem:s13+$0xF0F0]  }
0x29f: {  	v54 =	vld [tilespmem:s13+$0xF170]  }
0x2a0: {  	v55 =	vld [tilespmem:s13+$0xF1F0]  }
0x2a1: {  	v56 =	vld [tilespmem:s13+$0xF270]  }
0x2a2: {  	v57 =	vld [tilespmem:s13+$0xF2F0]  }
0x2a3: {  	v58 =	vld [tilespmem:s13+$0xF370]  }
0x2a4: {  	v59 =	vld [tilespmem:s13+$0xF3F0];
	_ =	sdelay $0x1  }
0x2a5: {  	v0 =	vmul.f32 v8, v0;
	v1 =	vmul.f32 v53, v1  }
0x2a6: {  	v2 =	vmul.f32 v54, v2;
	v3 =	vmul.f32 v55, v3  }
0x2a7: {  	v4 =	vmul.f32 v56, v4;
	v5 =	vmul.f32 v57, v5  }
0x2a8: {  	v6 =	vmul.f32 v58, v6;
	v7 =	vmul.f32 v59, v7  }
0x2a9: {  	v0 =	vadd.f32 v1, v0;
	v60 =	vadd.f32 v3, v2  }
0x2aa: {  	v61 =	vadd.f32 v5, v4;
	v62 =	vadd.f32 v7, v6  }
0x2ab: {  	p1 =	sne.s32 s9, $0xF000  }
.Ltmp3:
0x2ac: {  	v0 =	vadd.f32 v60, v0;
	v63 =	vadd.f32 v62, v61;
	(pc) =	sbr.rel @p1 .LBB2_9-.Ltmp3, $3  }
0x2ad: {  	_ = 	snop  }
0x2ae: {  	v0 =	vadd.f32 v63, v0;
	_ =	sdelay $0x1  }
0x2af: {  	s10 =	sadd.s32 $0x80, s10;
	s9 =	sadd.s32 $0x1000, s9;
	[tilespmem:s12+$0x0] =	vst v0;
	s12 =	sadd.s32 $0x80, s12  }
0x2b0: {  	s6 =	sadd.s32 @!p0 $0x7, s6  }
0x2b1: {  	s10 =	simm.s32 @!p0 $0x80;
	s12 =	simm.s32 @!p0 $0xF000;
	s9 =	sshll.u32 @!p0 s6, $0x7  }
0x2b2: {  	s24 =	sadd.s32 $0x1, s24;
	s6 =	sshll.u32 @!p0 s6, $0x8;
	s9 =	sand.u32 @!p0 $0x3FFFFF80, s9  }
0x2b3: {  	[tilespmem:s12], [sflag:$0x4] =	stream.indirect.gather @!p0 [hbm4b:s1+s10], $0x80, s9, s10, $0xb8;
	[tilespmem:$0x15000] =	vst v63  }
0x2b4: {  	s6 =	sadd.s32 @!p0 s6, s7;
	s9 =	simm.s32 @!p0 $0x0;
	s10 =	simm.s32 @!p0 $0x2800  }
0x2b5: {  	[tilespmem:s10], [sflag:$0x8] =	stream.linear.gather @!p0 [hbm4b:s6+s9], $0x800, $0x38;
	[tilespmem:$0x15000] =	vst v63  }
0x2b6: {  	p0 =	sne.s32 s24, $0x8  }
.Ltmp4:
0x2b7: {  	_ = 	snop;
	(pc) =	sbr.rel @p0 .LBB2_2-.Ltmp4, $3  }
0x2b8: {  	_ =	sdelay $0x1  }
0x2b9: {  	s13 =	sadd.s32 $0x300, s8  }
0x2ba: {  	[hbm4b:s13+s4] =	stream.linear.scatter [tilespmem:s18], [sflag:$0xC], $0x800, $0x38;
	[tilespmem:$0x15000] =	vst v63  }
0x2bb: {  	_ =	swait.ge [sflag:s19], $0x800  }
0x2bc: {  	[sflag:s19] =	ssyncset.done $0x0  }
0x2bd: {  	[sflag:s19] =	ssyncadd.s32 $0xFFFFF800  }
0x2be: {  	_ =	swait.ge [sflag:s20], $0x800  }
0x2bf: {  	[sflag:s20] =	ssyncset.done $0x0  }
0x2c0: {  	[sflag:s20] =	ssyncadd.s32 $0xFFFFF800  }
0x2c1: {  	_ =	swait.ge [sflag:s21], $0x800  }
0x2c2: {  	[sflag:s21] =	ssyncset.done $0x0  }
0x2c3: {  	[sflag:s21] =	ssyncadd.s32 $0xFFFFF800  }
0x2c4: {  	_ =	swait.ge [sflag:s22], $0x800  }
0x2c5: {  	s23 =	sadd.s32 $0x1, s23;
	s6 =	rddreg [dreg:$0x8]  }
0x2c6: {  	p0 =	sne.s32 s23, s6  }
.Ltmp5:
0x2c7: {  	_ = 	snop;
	(pc) =	sbr.rel @p0 .LBB2_1-.Ltmp5, $3  }
0x2c8: {  	_ =	sdelay $0x1  }
0x2c9: {  	[sflag:s22] =	ssyncset.done $0x0  }
0x2ca: {  	[sflag:s22] =	ssyncadd.s32 $0xFFFFF800  }
0x2cb: {  	_ =	sfence.sel $0x180000  }
0x2cc: {  	[bflag:$0x0] =	sbarrier.arrive $0xFFFF  }
0x2cd: {  	_ =	strace $0x90000047  }
0x2ce: {  	s0 =	stileid.u32;
	[bflag:$0x2] =	sbarrier.arrive $0xFFFF  }
0x2cf: {  	p0 =	sne.s32 s0, $0x0;
	s0 =	rddreg [dreg:$0x3]  }
0x2d0: {  	s0 =	sadd.s32 @!p0 $0x100000, s0  }
0x2d1: {  	[sflag:s0] =	ssyncadd.tile.s32 @!p0 $0x1;
	_ =	shalt  }
.Lfunc_end2:
_tile_overlayer_lowered:
.L_overlay_start_2:
0x2d2: {  	(tag) =	ssettag $0x2  }
0x2d3: {  	s0 =	rddreg [dreg:$0x0];
	s2 =	stileid.u32  }
0x2d4: {  	s1 =	rddreg [dreg:$0x1];
	p0 =	sne.s32 s2, $0x0  }
0x2d5: {  	s3 =	rddreg [dreg:$0x2];
	[bflag:$0x3] =	sbarrier.arrive $0xFFFF;
	s2 =	simm.s32 @!p0 $0x1C0D  }
0x2d6: {  	[timem:s3], [sflag:s2] =	dma.local @!p0 [hbm:s0], s1  }
0x2d7: {  	s0 =	simm.s32 @!p0 $0xD  }
0x2d8: {  	_ =	swait.ge @!p0 [sflag:s0], s1  }
0x2d9: {  	s1 =	ssub.s32 @!p0 $0x0, s1;
	[sflag:s0] =	ssyncset.done @!p0 $0x0  }
0x2da: {  	[sflag:s0] =	ssyncadd.s32 @!p0 s1  }
0x2db: {  	[bflag:$0x3] =	sbarrier.arrive $0xFFFF  }
0x2dc: {  	_ =	shalt  }

</sc_bundles>
